<compile_context>
chip_gen: v7x
topology: tpu7x:2x2x1
jax: 0.10.2.dev20260603
libtpu: 0.0.44.dev20260713+nightly
codegen_flags: <defaults>
</compile_context>

<pallas_src>
import functools

import jax
import jax.numpy as jnp
from jax import lax
from jax.experimental import pallas as pl
from jax.experimental.pallas import tpu as pltpu
from jax.experimental.pallas import tpu_sc as plsc

B = 4096
D = 16
L = 16
NC = 2
NS = 16
NW = NC * NS
NCHUNK = B // L
R = 2

SC_ROWS = 128
TC_ROWS = B - SC_ROWS
SC_ROW0 = TC_ROWS
CW = B // NW
CCH = CW // L
TC_BM = 384
TC_BLOCKS = [(lo, min(lo + TC_BM, TC_ROWS)) for lo in range(0, TC_ROWS, TC_BM)]
assert all((hi - lo) % 128 == 0 for lo, hi in TC_BLOCKS)


RPG = 8
NKW = NW // 2
SCCH = SC_ROWS // L
assert NKW * RPG == SC_ROWS


def _koleo_sc(xts_hbm, x_hbm, pmin_hbm, xt_v, xrows_v, pmin_v):
    cid = lax.axis_index("c")
    sid = lax.axis_index("s")
    wid = sid * NC + cid
    k = wid // 2
    par = wid % 2

    pltpu.sync_copy(xts_hbm, xt_v)
    pltpu.sync_copy(x_hbm.at[pl.ds(SC_ROW0 + k * RPG, RPG), :], xrows_v)

    NCH = SCCH // 2
    cb0 = par * (NCH * L)
    sjs = []
    for c in range(NCH):
        base = cb0 + c * L
        ps = []
        for p0 in range(0, D, 4):
            s = None
            for d in range(p0, p0 + 4):
                v = xt_v[d, pl.ds(base, L)]
                s = v * v if s is None else s + v * v
            ps.append(s)
        sjs.append((ps[0] + ps[1]) + (ps[2] + ps[3]))

    inf = jnp.full((L,), jnp.inf, jnp.float32)
    iota = lax.iota(jnp.int32, L)
    dsplat = [jnp.full((L,), d, jnp.int32) for d in range(D)]

    for g in range(RPG // R):
        row0 = g * R
        i0 = SC_ROW0 + k * RPG + row0
        bs = []
        for r in range(R):
            xi = xrows_v[row0 + r, :] * -2.0
            for d in range(D):
                bs.append(xi.at[dsplat[d]].get(mode="promise_in_bounds"))
        accs = [inf] * R
        for c in range(NCH):
            base = cb0 + c * L
            xj = [xt_v[d, pl.ds(base, L)] for d in range(D)]
            jidx = iota + (SC_ROW0 + base)
            for r in range(R):
                ps = []
                for p0 in range(0, D, 4):
                    m = bs[r * D + p0] * xj[p0]
                    for d in range(p0 + 1, p0 + 4):
                        m = m + bs[r * D + d] * xj[d]
                    ps.append(m)
                m = ((ps[0] + ps[1]) + (ps[2] + ps[3])) + sjs[c]
                diag = jidx == jnp.full((L,), i0 + r, jnp.int32)
                m = jnp.where(diag, inf, m)
                accs[r] = jnp.minimum(accs[r], m)
        for r in range(R):
            pmin_v[row0 + r, :] = accs[r]

    pltpu.sync_copy(pmin_v, pmin_hbm.at[par, pl.ds(k * RPG, RPG), :])


def _sc_partial_min(xts, x):
    mesh = plsc.VectorSubcoreMesh(core_axis_name="c", subcore_axis_name="s")
    kern = pl.kernel(
        _koleo_sc,
        mesh=mesh,
        out_type=jax.ShapeDtypeStruct((2, SC_ROWS, L), jnp.float32),
        scratch_types=[
            pltpu.VMEM((D, SC_ROWS), jnp.float32),
            pltpu.VMEM((RPG, D), jnp.float32),
            pltpu.VMEM((RPG, L), jnp.float32),
        ],
    )
    return kern(xts, x)


def _koleo_tc(x_ref, out_ref, scmin_ref, a_ref, b_ref):
    x = x_ref[...]
    sq = jnp.sum(x * x, axis=1, keepdims=True)
    ones = jnp.ones((B, 1), jnp.float32)
    a_ref[...] = jnp.concatenate([x, ones, sq], axis=1)
    b_ref[...] = jnp.concatenate([-2.0 * x, sq, ones], axis=1)
    eyes = {}
    for lo, hi in TC_BLOCKS:
        sz = hi - lo
        if sz not in eyes:
            eyes[sz] = (lax.broadcasted_iota(jnp.int32, (sz, sz), 0)
                        == lax.broadcasted_iota(jnp.int32, (sz, sz), 1))
    inf = jnp.float32(jnp.inf)

    colacc = jnp.full((TC_ROWS,), jnp.inf, jnp.float32)
    scacc = jnp.full((SC_ROWS,), jnp.inf, jnp.float32)
    total = None
    for lo, hi in TC_BLOCKS:
        sz = hi - lo
        eye = eyes[sz]
        ai = a_ref[lo:hi, :]
        bj = b_ref[lo:, :]
        part = lax.dot_general(ai, bj,
                               (((1,), (1,)), ((), ())),
                               preferred_element_type=jnp.float32)
        strip = jnp.where(eye, inf, part[:, :sz])
        m = jnp.min(strip, axis=1)
        if hi < B:
            m = jnp.minimum(m, jnp.min(part[:, sz:], axis=1))
        m = jnp.minimum(m, colacc[lo:hi])
        if hi < TC_ROWS:
            cmin = jnp.min(part[:, sz:TC_ROWS - lo], axis=0)
            colacc = jnp.concatenate(
                [colacc[:hi], jnp.minimum(colacc[hi:], cmin)])
        scacc = jnp.minimum(scacc, jnp.min(part[:, TC_ROWS - lo:], axis=0))
        d2 = jnp.maximum(m, 0.0)
        lg = jnp.sum(jnp.log(jnp.sqrt(d2) + 1e-8))
        total = lg if total is None else total + lg
    out_ref[0, 0] = total
    scmin_ref[...] = scacc


def _tc_partial(x):
    return pl.pallas_call(
        _koleo_tc,
        out_shape=[
            jax.ShapeDtypeStruct((1, 1), jnp.float32),
            jax.ShapeDtypeStruct((SC_ROWS,), jnp.float32),
        ],
        out_specs=[
            pl.BlockSpec(memory_space=pltpu.SMEM),
            pl.BlockSpec(memory_space=pltpu.VMEM),
        ],
        scratch_shapes=[
            pltpu.VMEM((B, D + 2), jnp.float32),
            pltpu.VMEM((B, D + 2), jnp.float32),
        ],
    )(x)


def _epilogue_tc(x_ref, tcsum_ref, scmin_ref, pmin_ref, out_ref):
    xs = x_ref[SC_ROW0:, :]
    sq = jnp.sum(xs * xs, axis=1)
    pm = pmin_ref[...]
    own = sq + jnp.min(jnp.min(pm, axis=0), axis=1)
    d2 = jnp.minimum(own, scmin_ref[...])
    d2 = jnp.maximum(d2, 0.0)
    sc_sum = jnp.sum(jnp.log(jnp.sqrt(d2) + 1e-8))
    out_ref[0, 0] = -(tcsum_ref[0, 0] + sc_sum) / B


def kernel(student_output):
    x = student_output
    xts = x[SC_ROW0:].T
    pmin = _sc_partial_min(xts, x)
    tcsum, scmin = _tc_partial(x)
    loss = pl.pallas_call(
        _epilogue_tc,
        out_shape=jax.ShapeDtypeStruct((1, 1), jnp.float32),
        out_specs=pl.BlockSpec(memory_space=pltpu.SMEM),
    )(x, tcsum, scmin, pmin)
    return loss[0, 0]

# --- scband reference (transcript-rebuilt; emitter-appended) ---
"""Pipeline reference for scband-ko-leo-loss-79233556677155 (READ-ONLY COPY).

The authoritative reference and input builder live on the scoring server;
editing this copy changes nothing except your own understanding.
"""

import jax, jax.numpy as jnp
import numpy as np


def setup_inputs(seed: int = 0) -> dict:
    key = jax.random.key(seed)
    student_output = jax.random.normal(key, (4096, 16), dtype=jnp.float32)
    return {"student_output": student_output}


def reference(student_output):
    eps = 1e-08
    x = student_output
    B = x.shape[0]
    # torch.cdist(x, x) with p=2: pairwise euclidean distances
    sq = jnp.sum(x * x, axis=1)
    d2 = sq[:, None] + sq[None, :] - 2.0 * (x @ x.T)
    d2 = jnp.maximum(d2, 0.0)
    # mask diagonal with +inf BEFORE sqrt (equivalent to masked_fill on dists,
    # since sqrt is monotone and sqrt(inf)=inf)
    eye = jnp.eye(B, dtype=bool)
    d2 = jnp.where(eye, jnp.inf, d2)
    dists = jnp.sqrt(d2)
    nn_dist = jnp.min(dists, axis=1)
    loss = -jnp.mean(jnp.log(nn_dist + eps))
    return loss

if __name__ == "__main__":
    import jax
    _d = setup_inputs()
    print(jax.jit(kernel)(*tuple(_d.values())))

</pallas_src>

<mosaic_0001>
#map = affine_map<(d0, d1) -> (0, 0)>
#map1 = affine_map<(d0, d1) -> (0, 0, 0)>
module attributes {stable_mosaic.version = 14 : i64} {
  func.func @_koleo_sc(%arg0: i32, %arg1: i32, %arg2: memref<16x128xf32, #tpu.memory_space<hbm>>, %arg3: memref<4096x16xf32, #tpu.memory_space<hbm>>, %arg4: memref<2x128x16xf32, #tpu.memory_space<hbm>>, %arg5: memref<16x128xf32, #tpu.memory_space<vmem>>, %arg6: memref<8x16xf32, #tpu.memory_space<vmem>>, %arg7: memref<8x16xf32, #tpu.memory_space<vmem>>) attributes {dimension_semantics = [#tpu.dimension_semantics<core_parallel>, #tpu.dimension_semantics<subcore_parallel>], iteration_bounds = array<i64: 2, 16>, scalar_prefetch = 0 : i64, scratch_operands = 3 : i64, tpu.core_type = #tpu.core_type<sc_vector_subcore>, window_params = [{transform_indices = #map}, {transform_indices = #map}, {transform_indices = #map1}]} {
    %mul3A = arith.constant 2 : i32
    %mul3A_0 = arith.muli %arg1, %mul3A : i32
    %add3A = arith.addi %mul3A_0, %arg0 : i32
    %jit3A = arith.constant 2 : i32
    %div3A = arith.divsi %add3A, %jit3A : i32
    %sign3A = arith.constant 0 : i32
    %sign3A_1 = arith.cmpi sgt, %add3A, %sign3A : i32
    %sign3A_2 = arith.extui %sign3A_1 : i1 to i32
    %sign3A_3 = arith.constant 0 : i32
    %sign3A_4 = arith.cmpi slt, %add3A, %sign3A_3 : i32
    %sign3A_5 = arith.extui %sign3A_4 : i1 to i32
    %sign3A_6 = arith.subi %sign3A_2, %sign3A_5 : i32
    %sign3A_7 = arith.constant 0 : i32
    %sign3A_8 = arith.cmpi sgt, %jit3A, %sign3A_7 : i32
    %sign3A_9 = arith.extui %sign3A_8 : i1 to i32
    %sign3A_10 = arith.constant 0 : i32
    %sign3A_11 = arith.cmpi slt, %jit3A, %sign3A_10 : i32
    %sign3A_12 = arith.extui %sign3A_11 : i1 to i32
    %sign3A_13 = arith.subi %sign3A_9, %sign3A_12 : i32
    %ne3A = arith.cmpi ne, %sign3A_6, %sign3A_13 : i32
    %rem3A = arith.remsi %add3A, %jit3A : i32
    %ne3A_14 = arith.constant 0 : i32
    %ne3A_15 = arith.cmpi ne, %rem3A, %ne3A_14 : i32
    %and3A = arith.andi %ne3A, %ne3A_15 : i1
    %sub3A = arith.constant 1 : i32
    %sub3A_16 = arith.subi %div3A, %sub3A : i32
    %select_n3A = arith.select %and3A, %sub3A_16, %div3A : i32
    %jit3A_17 = arith.constant 2 : i32
    %eq3A = arith.constant 0 : i32
    %eq3A_18 = arith.cmpi eq, %jit3A_17, %eq3A : i32
    %jit3A_19 = arith.constant 1 : i32
    %select_n3A_20 = arith.select %eq3A_18, %jit3A_19, %jit3A_17 : i32
    %rem3A_21 = arith.remsi %add3A, %select_n3A_20 : i32
    %ne3A_22 = arith.constant 0 : i32
    %ne3A_23 = arith.cmpi ne, %rem3A_21, %ne3A_22 : i32
    %lt3A = arith.constant 0 : i32
    %lt3A_24 = arith.cmpi slt, %rem3A_21, %lt3A : i32
    %lt3A_25 = arith.constant 0 : i32
    %lt3A_26 = arith.cmpi slt, %select_n3A_20, %lt3A_25 : i32
    %ne3A_27 = arith.xori %lt3A_24, %lt3A_26 : i1
    %and3A_28 = arith.andi %ne3A_27, %ne3A_23 : i1
    %add3A_29 = arith.addi %rem3A_21, %select_n3A_20 : i32
    %select_n3A_30 = arith.select %and3A_28, %add3A_29, %rem3A_21 : i32
    "tpu.region"() ({
      %run_scoped3A = tpu.sem_alloc : memref<!tpu.dma_semaphore, #tpu.memory_space<semaphore_mem>>
      tpu.enqueue_dma source(%arg2 : memref<16x128xf32, #tpu.memory_space<hbm>>) target(%arg5 : memref<16x128xf32, #tpu.memory_space<vmem>>) target_semaphore(%run_scoped3A : memref<!tpu.dma_semaphore, #tpu.memory_space<semaphore_mem>>)
      tpu.wait_dma2 semaphore(%run_scoped3A : memref<!tpu.dma_semaphore, #tpu.memory_space<semaphore_mem>>) src(%arg2 : memref<16x128xf32, #tpu.memory_space<hbm>>) dst(%arg5 : memref<16x128xf32, #tpu.memory_space<vmem>>)
      tpu.yield
    }) : () -> ()
    %mul3A_31 = arith.constant 8 : i32
    %mul3A_32 = arith.muli %select_n3A, %mul3A_31 : i32
    %add3A_33 = arith.constant 3968 : i32
    %add3A_34 = arith.addi %add3A_33, %mul3A_32 : i32
    "tpu.region"() ({
      %run_scoped3A = tpu.sem_alloc : memref<!tpu.dma_semaphore, #tpu.memory_space<semaphore_mem>>
      %dma_start3A = arith.constant 0 : i32
      %dma_start3A_4528 = tpu.memref_slice %arg3[%add3A_34, %dma_start3A] : memref<4096x16xf32, #tpu.memory_space<hbm>> -> memref<8x16xf32, #tpu.memory_space<hbm>>
      %dma_start3A_4529 = arith.constant 0 : i32
      %dma_start3A_4530 = tpu.memref_slice %arg3[%add3A_34, %dma_start3A_4529] : memref<4096x16xf32, #tpu.memory_space<hbm>> -> memref<8x16xf32, #tpu.memory_space<hbm>>
      tpu.enqueue_dma source(%dma_start3A_4530 : memref<8x16xf32, #tpu.memory_space<hbm>>) target(%arg6 : memref<8x16xf32, #tpu.memory_space<vmem>>) target_semaphore(%run_scoped3A : memref<!tpu.dma_semaphore, #tpu.memory_space<semaphore_mem>>)
      %dma_wait3A = arith.constant 0 : i32
      %dma_wait3A_4531 = tpu.memref_slice %arg3[%add3A_34, %dma_wait3A] : memref<4096x16xf32, #tpu.memory_space<hbm>> -> memref<8x16xf32, #tpu.memory_space<hbm>>
      %dma_wait3A_4532 = arith.constant 0 : i32
      %dma_wait3A_4533 = tpu.memref_slice %arg3[%add3A_34, %dma_wait3A_4532] : memref<4096x16xf32, #tpu.memory_space<hbm>> -> memref<8x16xf32, #tpu.memory_space<hbm>>
      tpu.wait_dma2 semaphore(%run_scoped3A : memref<!tpu.dma_semaphore, #tpu.memory_space<semaphore_mem>>) src(%dma_wait3A_4533 : memref<8x16xf32, #tpu.memory_space<hbm>>) dst(%arg6 : memref<8x16xf32, #tpu.memory_space<vmem>>)
      tpu.yield
    }) : () -> ()
    %mul3A_35 = arith.constant 64 : i32
    %mul3A_36 = arith.muli %select_n3A_30, %mul3A_35 : i32
    %add3A_37 = arith.constant 0 : i32
    %add3A_38 = arith.addi %mul3A_36, %add3A_37 : i32
    %get3A = arith.constant 0 : i32
    %get3A_39 = arith.index_cast %get3A : i32 to index
    %get3A_40 = arith.index_cast %add3A_38 : i32 to index
    %get3A_41 = tpu.vector_load %arg5[%get3A_39, %get3A_40] {strides = array<i32>} : memref<16x128xf32, #tpu.memory_space<vmem>>, vector<1x16xf32>,
    %get3A_42 = vector.shape_cast %get3A_41 : vector<1x16xf32> to vector<16xf32>
    %mul3A_43 = arith.mulf %get3A_42, %get3A_42 : vector<16xf32>
    %get3A_44 = arith.constant 1 : i32
    %get3A_45 = arith.index_cast %get3A_44 : i32 to index
    %get3A_46 = arith.index_cast %add3A_38 : i32 to index
    %get3A_47 = tpu.vector_load %arg5[%get3A_45, %get3A_46] {strides = array<i32>} : memref<16x128xf32, #tpu.memory_space<vmem>>, vector<1x16xf32>,
    %get3A_48 = vector.shape_cast %get3A_47 : vector<1x16xf32> to vector<16xf32>
    %mul3A_49 = arith.mulf %get3A_48, %get3A_48 : vector<16xf32>
    %add3A_50 = arith.addf %mul3A_43, %mul3A_49 : vector<16xf32>
    %get3A_51 = arith.constant 2 : i32
    %get3A_52 = arith.index_cast %get3A_51 : i32 to index
    %get3A_53 = arith.index_cast %add3A_38 : i32 to index
    %get3A_54 = tpu.vector_load %arg5[%get3A_52, %get3A_53] {strides = array<i32>} : memref<16x128xf32, #tpu.memory_space<vmem>>, vector<1x16xf32>,
    %get3A_55 = vector.shape_cast %get3A_54 : vector<1x16xf32> to vector<16xf32>
    %mul3A_56 = arith.mulf %get3A_55, %get3A_55 : vector<16xf32>
    %add3A_57 = arith.addf %add3A_50, %mul3A_56 : vector<16xf32>
    %get3A_58 = arith.constant 3 : i32
    %get3A_59 = arith.index_cast %get3A_58 : i32 to index
    %get3A_60 = arith.index_cast %add3A_38 : i32 to index
    %get3A_61 = tpu.vector_load %arg5[%get3A_59, %get3A_60] {strides = array<i32>} : memref<16x128xf32, #tpu.memory_space<vmem>>, vector<1x16xf32>,
    %get3A_62 = vector.shape_cast %get3A_61 : vector<1x16xf32> to vector<16xf32>
    %mul3A_63 = arith.mulf %get3A_62, %get3A_62 : vector<16xf32>
    %add3A_64 = arith.addf %add3A_57, %mul3A_63 : vector<16xf32>
    %get3A_65 = arith.constant 4 : i32
    %get3A_66 = arith.index_cast %get3A_65 : i32 to index
    %get3A_67 = arith.index_cast %add3A_38 : i32 to index
    %get3A_68 = tpu.vector_load %arg5[%get3A_66, %get3A_67] {strides = array<i32>} : memref<16x128xf32, #tpu.memory_space<vmem>>, vector<1x16xf32>,
    %get3A_69 = vector.shape_cast %get3A_68 : vector<1x16xf32> to vector<16xf32>
    %mul3A_70 = arith.mulf %get3A_69, %get3A_69 : vector<16xf32>
    %get3A_71 = arith.constant 5 : i32
    %get3A_72 = arith.index_cast %get3A_71 : i32 to index
    %get3A_73 = arith.index_cast %add3A_38 : i32 to index
    %get3A_74 = tpu.vector_load %arg5[%get3A_72, %get3A_73] {strides = array<i32>} : memref<16x128xf32, #tpu.memory_space<vmem>>, vector<1x16xf32>,
    %get3A_75 = vector.shape_cast %get3A_74 : vector<1x16xf32> to vector<16xf32>
    %mul3A_76 = arith.mulf %get3A_75, %get3A_75 : vector<16xf32>
    %add3A_77 = arith.addf %mul3A_70, %mul3A_76 : vector<16xf32>
    %get3A_78 = arith.constant 6 : i32
    %get3A_79 = arith.index_cast %get3A_78 : i32 to index
    %get3A_80 = arith.index_cast %add3A_38 : i32 to index
    %get3A_81 = tpu.vector_load %arg5[%get3A_79, %get3A_80] {strides = array<i32>} : memref<16x128xf32, #tpu.memory_space<vmem>>, vector<1x16xf32>,
    %get3A_82 = vector.shape_cast %get3A_81 : vector<1x16xf32> to vector<16xf32>
    %mul3A_83 = arith.mulf %get3A_82, %get3A_82 : vector<16xf32>
    %add3A_84 = arith.addf %add3A_77, %mul3A_83 : vector<16xf32>
    %get3A_85 = arith.constant 7 : i32
    %get3A_86 = arith.index_cast %get3A_85 : i32 to index
    %get3A_87 = arith.index_cast %add3A_38 : i32 to index
    %get3A_88 = tpu.vector_load %arg5[%get3A_86, %get3A_87] {strides = array<i32>} : memref<16x128xf32, #tpu.memory_space<vmem>>, vector<1x16xf32>,
    %get3A_89 = vector.shape_cast %get3A_88 : vector<1x16xf32> to vector<16xf32>
    %mul3A_90 = arith.mulf %get3A_89, %get3A_89 : vector<16xf32>
    %add3A_91 = arith.addf %add3A_84, %mul3A_90 : vector<16xf32>
    %get3A_92 = arith.constant 8 : i32
    %get3A_93 = arith.index_cast %get3A_92 : i32 to index
    %get3A_94 = arith.index_cast %add3A_38 : i32 to index
    %get3A_95 = tpu.vector_load %arg5[%get3A_93, %get3A_94] {strides = array<i32>} : memref<16x128xf32, #tpu.memory_space<vmem>>, vector<1x16xf32>,
    %get3A_96 = vector.shape_cast %get3A_95 : vector<1x16xf32> to vector<16xf32>
    %mul3A_97 = arith.mulf %get3A_96, %get3A_96 : vector<16xf32>
    %get3A_98 = arith.constant 9 : i32
    %get3A_99 = arith.index_cast %get3A_98 : i32 to index
    %get3A_100 = arith.index_cast %add3A_38 : i32 to index
    %get3A_101 = tpu.vector_load %arg5[%get3A_99, %get3A_100] {strides = array<i32>} : memref<16x128xf32, #tpu.memory_space<vmem>>, vector<1x16xf32>,
    %get3A_102 = vector.shape_cast %get3A_101 : vector<1x16xf32> to vector<16xf32>
    %mul3A_103 = arith.mulf %get3A_102, %get3A_102 : vector<16xf32>
    %add3A_104 = arith.addf %mul3A_97, %mul3A_103 : vector<16xf32>
    %get3A_105 = arith.constant 10 : i32
    %get3A_106 = arith.index_cast %get3A_105 : i32 to index
    %get3A_107 = arith.index_cast %add3A_38 : i32 to index
    %get3A_108 = tpu.vector_load %arg5[%get3A_106, %get3A_107] {strides = array<i32>} : memref<16x128xf32, #tpu.memory_space<vmem>>, vector<1x16xf32>,
    %get3A_109 = vector.shape_cast %get3A_108 : vector<1x16xf32> to vector<16xf32>
    %mul3A_110 = arith.mulf %get3A_109, %get3A_109 : vector<16xf32>
    %add3A_111 = arith.addf %add3A_104, %mul3A_110 : vector<16xf32>
    %get3A_112 = arith.constant 11 : i32
    %get3A_113 = arith.index_cast %get3A_112 : i32 to index
    %get3A_114 = arith.index_cast %add3A_38 : i32 to index
    %get3A_115 = tpu.vector_load %arg5[%get3A_113, %get3A_114] {strides = array<i32>} : memref<16x128xf32, #tpu.memory_space<vmem>>, vector<1x16xf32>,
    %get3A_116 = vector.shape_cast %get3A_115 : vector<1x16xf32> to vector<16xf32>
    %mul3A_117 = arith.mulf %get3A_116, %get3A_116 : vector<16xf32>
    %add3A_118 = arith.addf %add3A_111, %mul3A_117 : vector<16xf32>
    %get3A_119 = arith.constant 12 : i32
    %get3A_120 = arith.index_cast %get3A_119 : i32 to index
    %get3A_121 = arith.index_cast %add3A_38 : i32 to index
    %get3A_122 = tpu.vector_load %arg5[%get3A_120, %get3A_121] {strides = array<i32>} : memref<16x128xf32, #tpu.memory_space<vmem>>, vector<1x16xf32>,
    %get3A_123 = vector.shape_cast %get3A_122 : vector<1x16xf32> to vector<16xf32>
    %mul3A_124 = arith.mulf %get3A_123, %get3A_123 : vector<16xf32>
    %get3A_125 = arith.constant 13 : i32
    %get3A_126 = arith.index_cast %get3A_125 : i32 to index
    %get3A_127 = arith.index_cast %add3A_38 : i32 to index
    %get3A_128 = tpu.vector_load %arg5[%get3A_126, %get3A_127] {strides = array<i32>} : memref<16x128xf32, #tpu.memory_space<vmem>>, vector<1x16xf32>,
    %get3A_129 = vector.shape_cast %get3A_128 : vector<1x16xf32> to vector<16xf32>
    %mul3A_130 = arith.mulf %get3A_129, %get3A_129 : vector<16xf32>
    %add3A_131 = arith.addf %mul3A_124, %mul3A_130 : vector<16xf32>
    %get3A_132 = arith.constant 14 : i32
    %get3A_133 = arith.index_cast %get3A_132 : i32 to index
    %get3A_134 = arith.index_cast %add3A_38 : i32 to index
    %get3A_135 = tpu.vector_load %arg5[%get3A_133, %get3A_134] {strides = array<i32>} : memref<16x128xf32, #tpu.memory_space<vmem>>, vector<1x16xf32>,
    %get3A_136 = vector.shape_cast %get3A_135 : vector<1x16xf32> to vector<16xf32>
    %mul3A_137 = arith.mulf %get3A_136, %get3A_136 : vector<16xf32>
    %add3A_138 = arith.addf %add3A_131, %mul3A_137 : vector<16xf32>
    %get3A_139 = arith.constant 15 : i32
    %get3A_140 = arith.index_cast %get3A_139 : i32 to index
    %get3A_141 = arith.index_cast %add3A_38 : i32 to index
    %get3A_142 = tpu.vector_load %arg5[%get3A_140, %get3A_141] {strides = array<i32>} : memref<16x128xf32, #tpu.memory_space<vmem>>, vector<1x16xf32>,
    %get3A_143 = vector.shape_cast %get3A_142 : vector<1x16xf32> to vector<16xf32>
    %mul3A_144 = arith.mulf %get3A_143, %get3A_143 : vector<16xf32>
    %add3A_145 = arith.addf %add3A_138, %mul3A_144 : vector<16xf32>
    %add3A_146 = arith.addf %add3A_64, %add3A_91 : vector<16xf32>
    %add3A_147 = arith.addf %add3A_118, %add3A_145 : vector<16xf32>
    %add3A_148 = arith.addf %add3A_146, %add3A_147 : vector<16xf32>
    %add3A_149 = arith.constant 16 : i32
    %add3A_150 = arith.addi %mul3A_36, %add3A_149 : i32
    %get3A_151 = arith.constant 0 : i32
    %get3A_152 = arith.index_cast %get3A_151 : i32 to index
    %get3A_153 = arith.index_cast %add3A_150 : i32 to index
    %get3A_154 = tpu.vector_load %arg5[%get3A_152, %get3A_153] {strides = array<i32>} : memref<16x128xf32, #tpu.memory_space<vmem>>, vector<1x16xf32>,
    %get3A_155 = vector.shape_cast %get3A_154 : vector<1x16xf32> to vector<16xf32>
    %mul3A_156 = arith.mulf %get3A_155, %get3A_155 : vector<16xf32>
    %get3A_157 = arith.constant 1 : i32
    %get3A_158 = arith.index_cast %get3A_157 : i32 to index
    %get3A_159 = arith.index_cast %add3A_150 : i32 to index
    %get3A_160 = tpu.vector_load %arg5[%get3A_158, %get3A_159] {strides = array<i32>} : memref<16x128xf32, #tpu.memory_space<vmem>>, vector<1x16xf32>,
    %get3A_161 = vector.shape_cast %get3A_160 : vector<1x16xf32> to vector<16xf32>
    %mul3A_162 = arith.mulf %get3A_161, %get3A_161 : vector<16xf32>
    %add3A_163 = arith.addf %mul3A_156, %mul3A_162 : vector<16xf32>
    %get3A_164 = arith.constant 2 : i32
    %get3A_165 = arith.index_cast %get3A_164 : i32 to index
    %get3A_166 = arith.index_cast %add3A_150 : i32 to index
    %get3A_167 = tpu.vector_load %arg5[%get3A_165, %get3A_166] {strides = array<i32>} : memref<16x128xf32, #tpu.memory_space<vmem>>, vector<1x16xf32>,
    %get3A_168 = vector.shape_cast %get3A_167 : vector<1x16xf32> to vector<16xf32>
    %mul3A_169 = arith.mulf %get3A_168, %get3A_168 : vector<16xf32>
    %add3A_170 = arith.addf %add3A_163, %mul3A_169 : vector<16xf32>
    %get3A_171 = arith.constant 3 : i32
    %get3A_172 = arith.index_cast %get3A_171 : i32 to index
    %get3A_173 = arith.index_cast %add3A_150 : i32 to index
    %get3A_174 = tpu.vector_load %arg5[%get3A_172, %get3A_173] {strides = array<i32>} : memref<16x128xf32, #tpu.memory_space<vmem>>, vector<1x16xf32>,
    %get3A_175 = vector.shape_cast %get3A_174 : vector<1x16xf32> to vector<16xf32>
    %mul3A_176 = arith.mulf %get3A_175, %get3A_175 : vector<16xf32>
    %add3A_177 = arith.addf %add3A_170, %mul3A_176 : vector<16xf32>
    %get3A_178 = arith.constant 4 : i32
    %get3A_179 = arith.index_cast %get3A_178 : i32 to index
    %get3A_180 = arith.index_cast %add3A_150 : i32 to index
    %get3A_181 = tpu.vector_load %arg5[%get3A_179, %get3A_180] {strides = array<i32>} : memref<16x128xf32, #tpu.memory_space<vmem>>, vector<1x16xf32>,
    %get3A_182 = vector.shape_cast %get3A_181 : vector<1x16xf32> to vector<16xf32>
    %mul3A_183 = arith.mulf %get3A_182, %get3A_182 : vector<16xf32>
    %get3A_184 = arith.constant 5 : i32
    %get3A_185 = arith.index_cast %get3A_184 : i32 to index
    %get3A_186 = arith.index_cast %add3A_150 : i32 to index
    %get3A_187 = tpu.vector_load %arg5[%get3A_185, %get3A_186] {strides = array<i32>} : memref<16x128xf32, #tpu.memory_space<vmem>>, vector<1x16xf32>,
    %get3A_188 = vector.shape_cast %get3A_187 : vector<1x16xf32> to vector<16xf32>
    %mul3A_189 = arith.mulf %get3A_188, %get3A_188 : vector<16xf32>
    %add3A_190 = arith.addf %mul3A_183, %mul3A_189 : vector<16xf32>
    %get3A_191 = arith.constant 6 : i32
    %get3A_192 = arith.index_cast %get3A_191 : i32 to index
    %get3A_193 = arith.index_cast %add3A_150 : i32 to index
    %get3A_194 = tpu.vector_load %arg5[%get3A_192, %get3A_193] {strides = array<i32>} : memref<16x128xf32, #tpu.memory_space<vmem>>, vector<1x16xf32>,
    %get3A_195 = vector.shape_cast %get3A_194 : vector<1x16xf32> to vector<16xf32>
    %mul3A_196 = arith.mulf %get3A_195, %get3A_195 : vector<16xf32>
    %add3A_197 = arith.addf %add3A_190, %mul3A_196 : vector<16xf32>
    %get3A_198 = arith.constant 7 : i32
    %get3A_199 = arith.index_cast %get3A_198 : i32 to index
    %get3A_200 = arith.index_cast %add3A_150 : i32 to index
    %get3A_201 = tpu.vector_load %arg5[%get3A_199, %get3A_200] {strides = array<i32>} : memref<16x128xf32, #tpu.memory_space<vmem>>, vector<1x16xf32>,
    %get3A_202 = vector.shape_cast %get3A_201 : vector<1x16xf32> to vector<16xf32>
    %mul3A_203 = arith.mulf %get3A_202, %get3A_202 : vector<16xf32>
    %add3A_204 = arith.addf %add3A_197, %mul3A_203 : vector<16xf32>
    %get3A_205 = arith.constant 8 : i32
    %get3A_206 = arith.index_cast %get3A_205 : i32 to index
    %get3A_207 = arith.index_cast %add3A_150 : i32 to index
    %get3A_208 = tpu.vector_load %arg5[%get3A_206, %get3A_207] {strides = array<i32>} : memref<16x128xf32, #tpu.memory_space<vmem>>, vector<1x16xf32>,
    %get3A_209 = vector.shape_cast %get3A_208 : vector<1x16xf32> to vector<16xf32>
    %mul3A_210 = arith.mulf %get3A_209, %get3A_209 : vector<16xf32>
    %get3A_211 = arith.constant 9 : i32
    %get3A_212 = arith.index_cast %get3A_211 : i32 to index
    %get3A_213 = arith.index_cast %add3A_150 : i32 to index
    %get3A_214 = tpu.vector_load %arg5[%get3A_212, %get3A_213] {strides = array<i32>} : memref<16x128xf32, #tpu.memory_space<vmem>>, vector<1x16xf32>,
    %get3A_215 = vector.shape_cast %get3A_214 : vector<1x16xf32> to vector<16xf32>
    %mul3A_216 = arith.mulf %get3A_215, %get3A_215 : vector<16xf32>
    %add3A_217 = arith.addf %mul3A_210, %mul3A_216 : vector<16xf32>
    %get3A_218 = arith.constant 10 : i32
    %get3A_219 = arith.index_cast %get3A_218 : i32 to index
    %get3A_220 = arith.index_cast %add3A_150 : i32 to index
    %get3A_221 = tpu.vector_load %arg5[%get3A_219, %get3A_220] {strides = array<i32>} : memref<16x128xf32, #tpu.memory_space<vmem>>, vector<1x16xf32>,
    %get3A_222 = vector.shape_cast %get3A_221 : vector<1x16xf32> to vector<16xf32>
    %mul3A_223 = arith.mulf %get3A_222, %get3A_222 : vector<16xf32>
    %add3A_224 = arith.addf %add3A_217, %mul3A_223 : vector<16xf32>
    %get3A_225 = arith.constant 11 : i32
    %get3A_226 = arith.index_cast %get3A_225 : i32 to index
    %get3A_227 = arith.index_cast %add3A_150 : i32 to index
    %get3A_228 = tpu.vector_load %arg5[%get3A_226, %get3A_227] {strides = array<i32>} : memref<16x128xf32, #tpu.memory_space<vmem>>, vector<1x16xf32>,
    %get3A_229 = vector.shape_cast %get3A_228 : vector<1x16xf32> to vector<16xf32>
    %mul3A_230 = arith.mulf %get3A_229, %get3A_229 : vector<16xf32>
    %add3A_231 = arith.addf %add3A_224, %mul3A_230 : vector<16xf32>
    %get3A_232 = arith.constant 12 : i32
    %get3A_233 = arith.index_cast %get3A_232 : i32 to index
    %get3A_234 = arith.index_cast %add3A_150 : i32 to index
    %get3A_235 = tpu.vector_load %arg5[%get3A_233, %get3A_234] {strides = array<i32>} : memref<16x128xf32, #tpu.memory_space<vmem>>, vector<1x16xf32>,
    %get3A_236 = vector.shape_cast %get3A_235 : vector<1x16xf32> to vector<16xf32>
    %mul3A_237 = arith.mulf %get3A_236, %get3A_236 : vector<16xf32>
    %get3A_238 = arith.constant 13 : i32
    %get3A_239 = arith.index_cast %get3A_238 : i32 to index
    %get3A_240 = arith.index_cast %add3A_150 : i32 to index
    %get3A_241 = tpu.vector_load %arg5[%get3A_239, %get3A_240] {strides = array<i32>} : memref<16x128xf32, #tpu.memory_space<vmem>>, vector<1x16xf32>,
    %get3A_242 = vector.shape_cast %get3A_241 : vector<1x16xf32> to vector<16xf32>
    %mul3A_243 = arith.mulf %get3A_242, %get3A_242 : vector<16xf32>
    %add3A_244 = arith.addf %mul3A_237, %mul3A_243 : vector<16xf32>
    %get3A_245 = arith.constant 14 : i32
    %get3A_246 = arith.index_cast %get3A_245 : i32 to index
    %get3A_247 = arith.index_cast %add3A_150 : i32 to index
    %get3A_248 = tpu.vector_load %arg5[%get3A_246, %get3A_247] {strides = array<i32>} : memref<16x128xf32, #tpu.memory_space<vmem>>, vector<1x16xf32>,
    %get3A_249 = vector.shape_cast %get3A_248 : vector<1x16xf32> to vector<16xf32>
    %mul3A_250 = arith.mulf %get3A_249, %get3A_249 : vector<16xf32>
    %add3A_251 = arith.addf %add3A_244, %mul3A_250 : vector<16xf32>
    %get3A_252 = arith.constant 15 : i32
    %get3A_253 = arith.index_cast %get3A_252 : i32 to index
    %get3A_254 = arith.index_cast %add3A_150 : i32 to index
    %get3A_255 = tpu.vector_load %arg5[%get3A_253, %get3A_254] {strides = array<i32>} : memref<16x128xf32, #tpu.memory_space<vmem>>, vector<1x16xf32>,
    %get3A_256 = vector.shape_cast %get3A_255 : vector<1x16xf32> to vector<16xf32>
    %mul3A_257 = arith.mulf %get3A_256, %get3A_256 : vector<16xf32>
    %add3A_258 = arith.addf %add3A_251, %mul3A_257 : vector<16xf32>
    %add3A_259 = arith.addf %add3A_177, %add3A_204 : vector<16xf32>
    %add3A_260 = arith.addf %add3A_231, %add3A_258 : vector<16xf32>
    %add3A_261 = arith.addf %add3A_259, %add3A_260 : vector<16xf32>
    %add3A_262 = arith.constant 32 : i32
    %add3A_263 = arith.addi %mul3A_36, %add3A_262 : i32
    %get3A_264 = arith.constant 0 : i32
    %get3A_265 = arith.index_cast %get3A_264 : i32 to index
    %get3A_266 = arith.index_cast %add3A_263 : i32 to index
    %get3A_267 = tpu.vector_load %arg5[%get3A_265, %get3A_266] {strides = array<i32>} : memref<16x128xf32, #tpu.memory_space<vmem>>, vector<1x16xf32>,
    %get3A_268 = vector.shape_cast %get3A_267 : vector<1x16xf32> to vector<16xf32>
    %mul3A_269 = arith.mulf %get3A_268, %get3A_268 : vector<16xf32>
    %get3A_270 = arith.constant 1 : i32
    %get3A_271 = arith.index_cast %get3A_270 : i32 to index
    %get3A_272 = arith.index_cast %add3A_263 : i32 to index
    %get3A_273 = tpu.vector_load %arg5[%get3A_271, %get3A_272] {strides = array<i32>} : memref<16x128xf32, #tpu.memory_space<vmem>>, vector<1x16xf32>,
    %get3A_274 = vector.shape_cast %get3A_273 : vector<1x16xf32> to vector<16xf32>
    %mul3A_275 = arith.mulf %get3A_274, %get3A_274 : vector<16xf32>
    %add3A_276 = arith.addf %mul3A_269, %mul3A_275 : vector<16xf32>
    %get3A_277 = arith.constant 2 : i32
    %get3A_278 = arith.index_cast %get3A_277 : i32 to index
    %get3A_279 = arith.index_cast %add3A_263 : i32 to index
    %get3A_280 = tpu.vector_load %arg5[%get3A_278, %get3A_279] {strides = array<i32>} : memref<16x128xf32, #tpu.memory_space<vmem>>, vector<1x16xf32>,
    %get3A_281 = vector.shape_cast %get3A_280 : vector<1x16xf32> to vector<16xf32>
    %mul3A_282 = arith.mulf %get3A_281, %get3A_281 : vector<16xf32>
    %add3A_283 = arith.addf %add3A_276, %mul3A_282 : vector<16xf32>
    %get3A_284 = arith.constant 3 : i32
    %get3A_285 = arith.index_cast %get3A_284 : i32 to index
    %get3A_286 = arith.index_cast %add3A_263 : i32 to index
    %get3A_287 = tpu.vector_load %arg5[%get3A_285, %get3A_286] {strides = array<i32>} : memref<16x128xf32, #tpu.memory_space<vmem>>, vector<1x16xf32>,
    %get3A_288 = vector.shape_cast %get3A_287 : vector<1x16xf32> to vector<16xf32>
    %mul3A_289 = arith.mulf %get3A_288, %get3A_288 : vector<16xf32>
    %add3A_290 = arith.addf %add3A_283, %mul3A_289 : vector<16xf32>
    %get3A_291 = arith.constant 4 : i32
    %get3A_292 = arith.index_cast %get3A_291 : i32 to index
    %get3A_293 = arith.index_cast %add3A_263 : i32 to index
    %get3A_294 = tpu.vector_load %arg5[%get3A_292, %get3A_293] {strides = array<i32>} : memref<16x128xf32, #tpu.memory_space<vmem>>, vector<1x16xf32>,
    %get3A_295 = vector.shape_cast %get3A_294 : vector<1x16xf32> to vector<16xf32>
    %mul3A_296 = arith.mulf %get3A_295, %get3A_295 : vector<16xf32>
    %get3A_297 = arith.constant 5 : i32
    %get3A_298 = arith.index_cast %get3A_297 : i32 to index
    %get3A_299 = arith.index_cast %add3A_263 : i32 to index
    %get3A_300 = tpu.vector_load %arg5[%get3A_298, %get3A_299] {strides = array<i32>} : memref<16x128xf32, #tpu.memory_space<vmem>>, vector<1x16xf32>,
    %get3A_301 = vector.shape_cast %get3A_300 : vector<1x16xf32> to vector<16xf32>
    %mul3A_302 = arith.mulf %get3A_301, %get3A_301 : vector<16xf32>
    %add3A_303 = arith.addf %mul3A_296, %mul3A_302 : vector<16xf32>
    %get3A_304 = arith.constant 6 : i32
    %get3A_305 = arith.index_cast %get3A_304 : i32 to index
    %get3A_306 = arith.index_cast %add3A_263 : i32 to index
    %get3A_307 = tpu.vector_load %arg5[%get3A_305, %get3A_306] {strides = array<i32>} : memref<16x128xf32, #tpu.memory_space<vmem>>, vector<1x16xf32>,
    %get3A_308 = vector.shape_cast %get3A_307 : vector<1x16xf32> to vector<16xf32>
    %mul3A_309 = arith.mulf %get3A_308, %get3A_308 : vector<16xf32>
    %add3A_310 = arith.addf %add3A_303, %mul3A_309 : vector<16xf32>
    %get3A_311 = arith.constant 7 : i32
    %get3A_312 = arith.index_cast %get3A_311 : i32 to index
    %get3A_313 = arith.index_cast %add3A_263 : i32 to index
    %get3A_314 = tpu.vector_load %arg5[%get3A_312, %get3A_313] {strides = array<i32>} : memref<16x128xf32, #tpu.memory_space<vmem>>, vector<1x16xf32>,
    %get3A_315 = vector.shape_cast %get3A_314 : vector<1x16xf32> to vector<16xf32>
    %mul3A_316 = arith.mulf %get3A_315, %get3A_315 : vector<16xf32>
    %add3A_317 = arith.addf %add3A_310, %mul3A_316 : vector<16xf32>
    %get3A_318 = arith.constant 8 : i32
    %get3A_319 = arith.index_cast %get3A_318 : i32 to index
    %get3A_320 = arith.index_cast %add3A_263 : i32 to index
    %get3A_321 = tpu.vector_load %arg5[%get3A_319, %get3A_320] {strides = array<i32>} : memref<16x128xf32, #tpu.memory_space<vmem>>, vector<1x16xf32>,
    %get3A_322 = vector.shape_cast %get3A_321 : vector<1x16xf32> to vector<16xf32>
    %mul3A_323 = arith.mulf %get3A_322, %get3A_322 : vector<16xf32>
    %get3A_324 = arith.constant 9 : i32
    %get3A_325 = arith.index_cast %get3A_324 : i32 to index
    %get3A_326 = arith.index_cast %add3A_263 : i32 to index
    %get3A_327 = tpu.vector_load %arg5[%get3A_325, %get3A_326] {strides = array<i32>} : memref<16x128xf32, #tpu.memory_space<vmem>>, vector<1x16xf32>,
    %get3A_328 = vector.shape_cast %get3A_327 : vector<1x16xf32> to vector<16xf32>
    %mul3A_329 = arith.mulf %get3A_328, %get3A_328 : vector<16xf32>
    %add3A_330 = arith.addf %mul3A_323, %mul3A_329 : vector<16xf32>
    %get3A_331 = arith.constant 10 : i32
    %get3A_332 = arith.index_cast %get3A_331 : i32 to index
    %get3A_333 = arith.index_cast %add3A_263 : i32 to index
    %get3A_334 = tpu.vector_load %arg5[%get3A_332, %get3A_333] {strides = array<i32>} : memref<16x128xf32, #tpu.memory_space<vmem>>, vector<1x16xf32>,
    %get3A_335 = vector.shape_cast %get3A_334 : vector<1x16xf32> to vector<16xf32>
    %mul3A_336 = arith.mulf %get3A_335, %get3A_335 : vector<16xf32>
    %add3A_337 = arith.addf %add3A_330, %mul3A_336 : vector<16xf32>
    %get3A_338 = arith.constant 11 : i32
    %get3A_339 = arith.index_cast %get3A_338 : i32 to index
    %get3A_340 = arith.index_cast %add3A_263 : i32 to index
    %get3A_341 = tpu.vector_load %arg5[%get3A_339, %get3A_340] {strides = array<i32>} : memref<16x128xf32, #tpu.memory_space<vmem>>, vector<1x16xf32>,
    %get3A_342 = vector.shape_cast %get3A_341 : vector<1x16xf32> to vector<16xf32>
    %mul3A_343 = arith.mulf %get3A_342, %get3A_342 : vector<16xf32>
    %add3A_344 = arith.addf %add3A_337, %mul3A_343 : vector<16xf32>
    %get3A_345 = arith.constant 12 : i32
    %get3A_346 = arith.index_cast %get3A_345 : i32 to index
    %get3A_347 = arith.index_cast %add3A_263 : i32 to index
    %get3A_348 = tpu.vector_load %arg5[%get3A_346, %get3A_347] {strides = array<i32>} : memref<16x128xf32, #tpu.memory_space<vmem>>, vector<1x16xf32>,
    %get3A_349 = vector.shape_cast %get3A_348 : vector<1x16xf32> to vector<16xf32>
    %mul3A_350 = arith.mulf %get3A_349, %get3A_349 : vector<16xf32>
    %get3A_351 = arith.constant 13 : i32
    %get3A_352 = arith.index_cast %get3A_351 : i32 to index
    %get3A_353 = arith.index_cast %add3A_263 : i32 to index
    %get3A_354 = tpu.vector_load %arg5[%get3A_352, %get3A_353] {strides = array<i32>} : memref<16x128xf32, #tpu.memory_space<vmem>>, vector<1x16xf32>,
    %get3A_355 = vector.shape_cast %get3A_354 : vector<1x16xf32> to vector<16xf32>
    %mul3A_356 = arith.mulf %get3A_355, %get3A_355 : vector<16xf32>
    %add3A_357 = arith.addf %mul3A_350, %mul3A_356 : vector<16xf32>
    %get3A_358 = arith.constant 14 : i32
    %get3A_359 = arith.index_cast %get3A_358 : i32 to index
    %get3A_360 = arith.index_cast %add3A_263 : i32 to index
    %get3A_361 = tpu.vector_load %arg5[%get3A_359, %get3A_360] {strides = array<i32>} : memref<16x128xf32, #tpu.memory_space<vmem>>, vector<1x16xf32>,
    %get3A_362 = vector.shape_cast %get3A_361 : vector<1x16xf32> to vector<16xf32>
    %mul3A_363 = arith.mulf %get3A_362, %get3A_362 : vector<16xf32>
    %add3A_364 = arith.addf %add3A_357, %mul3A_363 : vector<16xf32>
    %get3A_365 = arith.constant 15 : i32
    %get3A_366 = arith.index_cast %get3A_365 : i32 to index
    %get3A_367 = arith.index_cast %add3A_263 : i32 to index
    %get3A_368 = tpu.vector_load %arg5[%get3A_366, %get3A_367] {strides = array<i32>} : memref<16x128xf32, #tpu.memory_space<vmem>>, vector<1x16xf32>,
    %get3A_369 = vector.shape_cast %get3A_368 : vector<1x16xf32> to vector<16xf32>
    %mul3A_370 = arith.mulf %get3A_369, %get3A_369 : vector<16xf32>
    %add3A_371 = arith.addf %add3A_364, %mul3A_370 : vector<16xf32>
    %add3A_372 = arith.addf %add3A_290, %add3A_317 : vector<16xf32>
    %add3A_373 = arith.addf %add3A_344, %add3A_371 : vector<16xf32>
    %add3A_374 = arith.addf %add3A_372, %add3A_373 : vector<16xf32>
    %add3A_375 = arith.constant 48 : i32
    %add3A_376 = arith.addi %mul3A_36, %add3A_375 : i32
    %get3A_377 = arith.constant 0 : i32
    %get3A_378 = arith.index_cast %get3A_377 : i32 to index
    %get3A_379 = arith.index_cast %add3A_376 : i32 to index
    %get3A_380 = tpu.vector_load %arg5[%get3A_378, %get3A_379] {strides = array<i32>} : memref<16x128xf32, #tpu.memory_space<vmem>>, vector<1x16xf32>,
    %get3A_381 = vector.shape_cast %get3A_380 : vector<1x16xf32> to vector<16xf32>
    %mul3A_382 = arith.mulf %get3A_381, %get3A_381 : vector<16xf32>
    %get3A_383 = arith.constant 1 : i32
    %get3A_384 = arith.index_cast %get3A_383 : i32 to index
    %get3A_385 = arith.index_cast %add3A_376 : i32 to index
    %get3A_386 = tpu.vector_load %arg5[%get3A_384, %get3A_385] {strides = array<i32>} : memref<16x128xf32, #tpu.memory_space<vmem>>, vector<1x16xf32>,
    %get3A_387 = vector.shape_cast %get3A_386 : vector<1x16xf32> to vector<16xf32>
    %mul3A_388 = arith.mulf %get3A_387, %get3A_387 : vector<16xf32>
    %add3A_389 = arith.addf %mul3A_382, %mul3A_388 : vector<16xf32>
    %get3A_390 = arith.constant 2 : i32
    %get3A_391 = arith.index_cast %get3A_390 : i32 to index
    %get3A_392 = arith.index_cast %add3A_376 : i32 to index
    %get3A_393 = tpu.vector_load %arg5[%get3A_391, %get3A_392] {strides = array<i32>} : memref<16x128xf32, #tpu.memory_space<vmem>>, vector<1x16xf32>,
    %get3A_394 = vector.shape_cast %get3A_393 : vector<1x16xf32> to vector<16xf32>
    %mul3A_395 = arith.mulf %get3A_394, %get3A_394 : vector<16xf32>
    %add3A_396 = arith.addf %add3A_389, %mul3A_395 : vector<16xf32>
    %get3A_397 = arith.constant 3 : i32
    %get3A_398 = arith.index_cast %get3A_397 : i32 to index
    %get3A_399 = arith.index_cast %add3A_376 : i32 to index
    %get3A_400 = tpu.vector_load %arg5[%get3A_398, %get3A_399] {strides = array<i32>} : memref<16x128xf32, #tpu.memory_space<vmem>>, vector<1x16xf32>,
    %get3A_401 = vector.shape_cast %get3A_400 : vector<1x16xf32> to vector<16xf32>
    %mul3A_402 = arith.mulf %get3A_401, %get3A_401 : vector<16xf32>
    %add3A_403 = arith.addf %add3A_396, %mul3A_402 : vector<16xf32>
    %get3A_404 = arith.constant 4 : i32
    %get3A_405 = arith.index_cast %get3A_404 : i32 to index
    %get3A_406 = arith.index_cast %add3A_376 : i32 to index
    %get3A_407 = tpu.vector_load %arg5[%get3A_405, %get3A_406] {strides = array<i32>} : memref<16x128xf32, #tpu.memory_space<vmem>>, vector<1x16xf32>,
    %get3A_408 = vector.shape_cast %get3A_407 : vector<1x16xf32> to vector<16xf32>
    %mul3A_409 = arith.mulf %get3A_408, %get3A_408 : vector<16xf32>
    %get3A_410 = arith.constant 5 : i32
    %get3A_411 = arith.index_cast %get3A_410 : i32 to index
    %get3A_412 = arith.index_cast %add3A_376 : i32 to index
    %get3A_413 = tpu.vector_load %arg5[%get3A_411, %get3A_412] {strides = array<i32>} : memref<16x128xf32, #tpu.memory_space<vmem>>, vector<1x16xf32>,
    %get3A_414 = vector.shape_cast %get3A_413 : vector<1x16xf32> to vector<16xf32>
    %mul3A_415 = arith.mulf %get3A_414, %get3A_414 : vector<16xf32>
    %add3A_416 = arith.addf %mul3A_409, %mul3A_415 : vector<16xf32>
    %get3A_417 = arith.constant 6 : i32
    %get3A_418 = arith.index_cast %get3A_417 : i32 to index
    %get3A_419 = arith.index_cast %add3A_376 : i32 to index
    %get3A_420 = tpu.vector_load %arg5[%get3A_418, %get3A_419] {strides = array<i32>} : memref<16x128xf32, #tpu.memory_space<vmem>>, vector<1x16xf32>,
    %get3A_421 = vector.shape_cast %get3A_420 : vector<1x16xf32> to vector<16xf32>
    %mul3A_422 = arith.mulf %get3A_421, %get3A_421 : vector<16xf32>
    %add3A_423 = arith.addf %add3A_416, %mul3A_422 : vector<16xf32>
    %get3A_424 = arith.constant 7 : i32
    %get3A_425 = arith.index_cast %get3A_424 : i32 to index
    %get3A_426 = arith.index_cast %add3A_376 : i32 to index
    %get3A_427 = tpu.vector_load %arg5[%get3A_425, %get3A_426] {strides = array<i32>} : memref<16x128xf32, #tpu.memory_space<vmem>>, vector<1x16xf32>,
    %get3A_428 = vector.shape_cast %get3A_427 : vector<1x16xf32> to vector<16xf32>
    %mul3A_429 = arith.mulf %get3A_428, %get3A_428 : vector<16xf32>
    %add3A_430 = arith.addf %add3A_423, %mul3A_429 : vector<16xf32>
    %get3A_431 = arith.constant 8 : i32
    %get3A_432 = arith.index_cast %get3A_431 : i32 to index
    %get3A_433 = arith.index_cast %add3A_376 : i32 to index
    %get3A_434 = tpu.vector_load %arg5[%get3A_432, %get3A_433] {strides = array<i32>} : memref<16x128xf32, #tpu.memory_space<vmem>>, vector<1x16xf32>,
    %get3A_435 = vector.shape_cast %get3A_434 : vector<1x16xf32> to vector<16xf32>
    %mul3A_436 = arith.mulf %get3A_435, %get3A_435 : vector<16xf32>
    %get3A_437 = arith.constant 9 : i32
    %get3A_438 = arith.index_cast %get3A_437 : i32 to index
    %get3A_439 = arith.index_cast %add3A_376 : i32 to index
    %get3A_440 = tpu.vector_load %arg5[%get3A_438, %get3A_439] {strides = array<i32>} : memref<16x128xf32, #tpu.memory_space<vmem>>, vector<1x16xf32>,
    %get3A_441 = vector.shape_cast %get3A_440 : vector<1x16xf32> to vector<16xf32>
    %mul3A_442 = arith.mulf %get3A_441, %get3A_441 : vector<16xf32>
    %add3A_443 = arith.addf %mul3A_436, %mul3A_442 : vector<16xf32>
    %get3A_444 = arith.constant 10 : i32
    %get3A_445 = arith.index_cast %get3A_444 : i32 to index
    %get3A_446 = arith.index_cast %add3A_376 : i32 to index
    %get3A_447 = tpu.vector_load %arg5[%get3A_445, %get3A_446] {strides = array<i32>} : memref<16x128xf32, #tpu.memory_space<vmem>>, vector<1x16xf32>,
    %get3A_448 = vector.shape_cast %get3A_447 : vector<1x16xf32> to vector<16xf32>
    %mul3A_449 = arith.mulf %get3A_448, %get3A_448 : vector<16xf32>
    %add3A_450 = arith.addf %add3A_443, %mul3A_449 : vector<16xf32>
    %get3A_451 = arith.constant 11 : i32
    %get3A_452 = arith.index_cast %get3A_451 : i32 to index
    %get3A_453 = arith.index_cast %add3A_376 : i32 to index
    %get3A_454 = tpu.vector_load %arg5[%get3A_452, %get3A_453] {strides = array<i32>} : memref<16x128xf32, #tpu.memory_space<vmem>>, vector<1x16xf32>,
    %get3A_455 = vector.shape_cast %get3A_454 : vector<1x16xf32> to vector<16xf32>
    %mul3A_456 = arith.mulf %get3A_455, %get3A_455 : vector<16xf32>
    %add3A_457 = arith.addf %add3A_450, %mul3A_456 : vector<16xf32>
    %get3A_458 = arith.constant 12 : i32
    %get3A_459 = arith.index_cast %get3A_458 : i32 to index
    %get3A_460 = arith.index_cast %add3A_376 : i32 to index
    %get3A_461 = tpu.vector_load %arg5[%get3A_459, %get3A_460] {strides = array<i32>} : memref<16x128xf32, #tpu.memory_space<vmem>>, vector<1x16xf32>,
    %get3A_462 = vector.shape_cast %get3A_461 : vector<1x16xf32> to vector<16xf32>
    %mul3A_463 = arith.mulf %get3A_462, %get3A_462 : vector<16xf32>
    %get3A_464 = arith.constant 13 : i32
    %get3A_465 = arith.index_cast %get3A_464 : i32 to index
    %get3A_466 = arith.index_cast %add3A_376 : i32 to index
    %get3A_467 = tpu.vector_load %arg5[%get3A_465, %get3A_466] {strides = array<i32>} : memref<16x128xf32, #tpu.memory_space<vmem>>, vector<1x16xf32>,
    %get3A_468 = vector.shape_cast %get3A_467 : vector<1x16xf32> to vector<16xf32>
    %mul3A_469 = arith.mulf %get3A_468, %get3A_468 : vector<16xf32>
    %add3A_470 = arith.addf %mul3A_463, %mul3A_469 : vector<16xf32>
    %get3A_471 = arith.constant 14 : i32
    %get3A_472 = arith.index_cast %get3A_471 : i32 to index
    %get3A_473 = arith.index_cast %add3A_376 : i32 to index
    %get3A_474 = tpu.vector_load %arg5[%get3A_472, %get3A_473] {strides = array<i32>} : memref<16x128xf32, #tpu.memory_space<vmem>>, vector<1x16xf32>,
    %get3A_475 = vector.shape_cast %get3A_474 : vector<1x16xf32> to vector<16xf32>
    %mul3A_476 = arith.mulf %get3A_475, %get3A_475 : vector<16xf32>
    %add3A_477 = arith.addf %add3A_470, %mul3A_476 : vector<16xf32>
    %get3A_478 = arith.constant 15 : i32
    %get3A_479 = arith.index_cast %get3A_478 : i32 to index
    %get3A_480 = arith.index_cast %add3A_376 : i32 to index
    %get3A_481 = tpu.vector_load %arg5[%get3A_479, %get3A_480] {strides = array<i32>} : memref<16x128xf32, #tpu.memory_space<vmem>>, vector<1x16xf32>,
    %get3A_482 = vector.shape_cast %get3A_481 : vector<1x16xf32> to vector<16xf32>
    %mul3A_483 = arith.mulf %get3A_482, %get3A_482 : vector<16xf32>
    %add3A_484 = arith.addf %add3A_477, %mul3A_483 : vector<16xf32>
    %add3A_485 = arith.addf %add3A_403, %add3A_430 : vector<16xf32>
    %add3A_486 = arith.addf %add3A_457, %add3A_484 : vector<16xf32>
    %add3A_487 = arith.addf %add3A_485, %add3A_486 : vector<16xf32>
    %broadcast_in_dim3A = arith.constant 0x7F800000 : f32
    %broadcast_in_dim3A_488 = vector.broadcast %broadcast_in_dim3A : f32 to vector<16xf32>
    %iota3A = tpu.iota {dimensions = array<i32: 0>} : vector<16xi32>
    %broadcast_in_dim3A_489 = arith.constant 0 : i32
    %broadcast_in_dim3A_490 = vector.broadcast %broadcast_in_dim3A_489 : i32 to vector<16xi32>
    %broadcast_in_dim3A_491 = arith.constant 1 : i32
    %broadcast_in_dim3A_492 = vector.broadcast %broadcast_in_dim3A_491 : i32 to vector<16xi32>
    %broadcast_in_dim3A_493 = arith.constant 2 : i32
    %broadcast_in_dim3A_494 = vector.broadcast %broadcast_in_dim3A_493 : i32 to vector<16xi32>
    %broadcast_in_dim3A_495 = arith.constant 3 : i32
    %broadcast_in_dim3A_496 = vector.broadcast %broadcast_in_dim3A_495 : i32 to vector<16xi32>
    %broadcast_in_dim3A_497 = arith.constant 4 : i32
    %broadcast_in_dim3A_498 = vector.broadcast %broadcast_in_dim3A_497 : i32 to vector<16xi32>
    %broadcast_in_dim3A_499 = arith.constant 5 : i32
    %broadcast_in_dim3A_500 = vector.broadcast %broadcast_in_dim3A_499 : i32 to vector<16xi32>
    %broadcast_in_dim3A_501 = arith.constant 6 : i32
    %broadcast_in_dim3A_502 = vector.broadcast %broadcast_in_dim3A_501 : i32 to vector<16xi32>
    %broadcast_in_dim3A_503 = arith.constant 7 : i32
    %broadcast_in_dim3A_504 = vector.broadcast %broadcast_in_dim3A_503 : i32 to vector<16xi32>
    %broadcast_in_dim3A_505 = arith.constant 8 : i32
    %broadcast_in_dim3A_506 = vector.broadcast %broadcast_in_dim3A_505 : i32 to vector<16xi32>
    %broadcast_in_dim3A_507 = arith.constant 9 : i32
    %broadcast_in_dim3A_508 = vector.broadcast %broadcast_in_dim3A_507 : i32 to vector<16xi32>
    %broadcast_in_dim3A_509 = arith.constant 10 : i32
    %broadcast_in_dim3A_510 = vector.broadcast %broadcast_in_dim3A_509 : i32 to vector<16xi32>
    %broadcast_in_dim3A_511 = arith.constant 11 : i32
    %broadcast_in_dim3A_512 = vector.broadcast %broadcast_in_dim3A_511 : i32 to vector<16xi32>
    %broadcast_in_dim3A_513 = arith.constant 12 : i32
    %broadcast_in_dim3A_514 = vector.broadcast %broadcast_in_dim3A_513 : i32 to vector<16xi32>
    %broadcast_in_dim3A_515 = arith.constant 13 : i32
    %broadcast_in_dim3A_516 = vector.broadcast %broadcast_in_dim3A_515 : i32 to vector<16xi32>
    %broadcast_in_dim3A_517 = arith.constant 14 : i32
    %broadcast_in_dim3A_518 = vector.broadcast %broadcast_in_dim3A_517 : i32 to vector<16xi32>
    %broadcast_in_dim3A_519 = arith.constant 15 : i32
    %broadcast_in_dim3A_520 = vector.broadcast %broadcast_in_dim3A_519 : i32 to vector<16xi32>
    %mul3A_521 = arith.constant 8 : i32
    %mul3A_522 = arith.muli %select_n3A, %mul3A_521 : i32
    %add3A_523 = arith.constant 3968 : i32
    %add3A_524 = arith.addi %add3A_523, %mul3A_522 : i32
    %add3A_525 = arith.constant 0 : i32
    %add3A_526 = arith.addi %add3A_524, %add3A_525 : i32
    %get3A_527 = arith.constant 0 : i32
    %get3A_528 = arith.index_cast %get3A_527 : i32 to index
    %get3A_529 = arith.constant 0 : index
    %get3A_530 = tpu.vector_load %arg6[%get3A_528, %get3A_529] {strides = array<i32>} : memref<8x16xf32, #tpu.memory_space<vmem>>, vector<1x16xf32>,
    %get3A_531 = vector.shape_cast %get3A_530 : vector<1x16xf32> to vector<16xf32>
    %mul3A_532 = arith.constant -2.000000e+00 : f32
    %mul3A_533 = vector.broadcast %mul3A_532 : f32 to vector<16xf32>
    %mul3A_534 = arith.mulf %get3A_531, %mul3A_533 : vector<16xf32>
    %lt3A_535 = arith.constant 0 : i32
    %lt3A_536 = vector.broadcast %lt3A_535 : i32 to vector<16xi32>
    %lt3A_537 = arith.cmpi slt, %broadcast_in_dim3A_490, %lt3A_536 : vector<16xi32>
    %add3A_538 = arith.constant 16 : i32
    %add3A_539 = vector.broadcast %add3A_538 : i32 to vector<16xi32>
    %add3A_540 = arith.addi %broadcast_in_dim3A_490, %add3A_539 : vector<16xi32>
    %select_n3A_541 = arith.select %lt3A_537, %add3A_540, %broadcast_in_dim3A_490 : vector<16xi1>, vector<16xi32>
    %broadcast_in_dim3A_542 = vector.shape_cast %select_n3A_541 : vector<16xi32> to vector<16x1xi32>
    %gather3A = vector.shape_cast %broadcast_in_dim3A_542 : vector<16x1xi32> to vector<16xi32>
    %gather3A_543 = tpu.dynamic_gather %mul3A_534[%gather3A] in [0] : vector<16xf32>, vector<16xi32> -> vector<16xf32>
    %lt3A_544 = arith.constant 0 : i32
    %lt3A_545 = vector.broadcast %lt3A_544 : i32 to vector<16xi32>
    %lt3A_546 = arith.cmpi slt, %broadcast_in_dim3A_492, %lt3A_545 : vector<16xi32>
    %add3A_547 = arith.constant 16 : i32
    %add3A_548 = vector.broadcast %add3A_547 : i32 to vector<16xi32>
    %add3A_549 = arith.addi %broadcast_in_dim3A_492, %add3A_548 : vector<16xi32>
    %select_n3A_550 = arith.select %lt3A_546, %add3A_549, %broadcast_in_dim3A_492 : vector<16xi1>, vector<16xi32>
    %broadcast_in_dim3A_551 = vector.shape_cast %select_n3A_550 : vector<16xi32> to vector<16x1xi32>
    %gather3A_552 = vector.shape_cast %broadcast_in_dim3A_551 : vector<16x1xi32> to vector<16xi32>
    %gather3A_553 = tpu.dynamic_gather %mul3A_534[%gather3A_552] in [0] : vector<16xf32>, vector<16xi32> -> vector<16xf32>
    %lt3A_554 = arith.constant 0 : i32
    %lt3A_555 = vector.broadcast %lt3A_554 : i32 to vector<16xi32>
    %lt3A_556 = arith.cmpi slt, %broadcast_in_dim3A_494, %lt3A_555 : vector<16xi32>
    %add3A_557 = arith.constant 16 : i32
    %add3A_558 = vector.broadcast %add3A_557 : i32 to vector<16xi32>
    %add3A_559 = arith.addi %broadcast_in_dim3A_494, %add3A_558 : vector<16xi32>
    %select_n3A_560 = arith.select %lt3A_556, %add3A_559, %broadcast_in_dim3A_494 : vector<16xi1>, vector<16xi32>
    %broadcast_in_dim3A_561 = vector.shape_cast %select_n3A_560 : vector<16xi32> to vector<16x1xi32>
    %gather3A_562 = vector.shape_cast %broadcast_in_dim3A_561 : vector<16x1xi32> to vector<16xi32>
    %gather3A_563 = tpu.dynamic_gather %mul3A_534[%gather3A_562] in [0] : vector<16xf32>, vector<16xi32> -> vector<16xf32>
    %lt3A_564 = arith.constant 0 : i32
    %lt3A_565 = vector.broadcast %lt3A_564 : i32 to vector<16xi32>
    %lt3A_566 = arith.cmpi slt, %broadcast_in_dim3A_496, %lt3A_565 : vector<16xi32>
    %add3A_567 = arith.constant 16 : i32
    %add3A_568 = vector.broadcast %add3A_567 : i32 to vector<16xi32>
    %add3A_569 = arith.addi %broadcast_in_dim3A_496, %add3A_568 : vector<16xi32>
    %select_n3A_570 = arith.select %lt3A_566, %add3A_569, %broadcast_in_dim3A_496 : vector<16xi1>, vector<16xi32>
    %broadcast_in_dim3A_571 = vector.shape_cast %select_n3A_570 : vector<16xi32> to vector<16x1xi32>
    %gather3A_572 = vector.shape_cast %broadcast_in_dim3A_571 : vector<16x1xi32> to vector<16xi32>
    %gather3A_573 = tpu.dynamic_gather %mul3A_534[%gather3A_572] in [0] : vector<16xf32>, vector<16xi32> -> vector<16xf32>
    %lt3A_574 = arith.constant 0 : i32
    %lt3A_575 = vector.broadcast %lt3A_574 : i32 to vector<16xi32>
    %lt3A_576 = arith.cmpi slt, %broadcast_in_dim3A_498, %lt3A_575 : vector<16xi32>
    %add3A_577 = arith.constant 16 : i32
    %add3A_578 = vector.broadcast %add3A_577 : i32 to vector<16xi32>
    %add3A_579 = arith.addi %broadcast_in_dim3A_498, %add3A_578 : vector<16xi32>
    %select_n3A_580 = arith.select %lt3A_576, %add3A_579, %broadcast_in_dim3A_498 : vector<16xi1>, vector<16xi32>
    %broadcast_in_dim3A_581 = vector.shape_cast %select_n3A_580 : vector<16xi32> to vector<16x1xi32>
    %gather3A_582 = vector.shape_cast %broadcast_in_dim3A_581 : vector<16x1xi32> to vector<16xi32>
    %gather3A_583 = tpu.dynamic_gather %mul3A_534[%gather3A_582] in [0] : vector<16xf32>, vector<16xi32> -> vector<16xf32>
    %lt3A_584 = arith.constant 0 : i32
    %lt3A_585 = vector.broadcast %lt3A_584 : i32 to vector<16xi32>
    %lt3A_586 = arith.cmpi slt, %broadcast_in_dim3A_500, %lt3A_585 : vector<16xi32>
    %add3A_587 = arith.constant 16 : i32
    %add3A_588 = vector.broadcast %add3A_587 : i32 to vector<16xi32>
    %add3A_589 = arith.addi %broadcast_in_dim3A_500, %add3A_588 : vector<16xi32>
    %select_n3A_590 = arith.select %lt3A_586, %add3A_589, %broadcast_in_dim3A_500 : vector<16xi1>, vector<16xi32>
    %broadcast_in_dim3A_591 = vector.shape_cast %select_n3A_590 : vector<16xi32> to vector<16x1xi32>
    %gather3A_592 = vector.shape_cast %broadcast_in_dim3A_591 : vector<16x1xi32> to vector<16xi32>
    %gather3A_593 = tpu.dynamic_gather %mul3A_534[%gather3A_592] in [0] : vector<16xf32>, vector<16xi32> -> vector<16xf32>
    %lt3A_594 = arith.constant 0 : i32
    %lt3A_595 = vector.broadcast %lt3A_594 : i32 to vector<16xi32>
    %lt3A_596 = arith.cmpi slt, %broadcast_in_dim3A_502, %lt3A_595 : vector<16xi32>
    %add3A_597 = arith.constant 16 : i32
    %add3A_598 = vector.broadcast %add3A_597 : i32 to vector<16xi32>
    %add3A_599 = arith.addi %broadcast_in_dim3A_502, %add3A_598 : vector<16xi32>
    %select_n3A_600 = arith.select %lt3A_596, %add3A_599, %broadcast_in_dim3A_502 : vector<16xi1>, vector<16xi32>
    %broadcast_in_dim3A_601 = vector.shape_cast %select_n3A_600 : vector<16xi32> to vector<16x1xi32>
    %gather3A_602 = vector.shape_cast %broadcast_in_dim3A_601 : vector<16x1xi32> to vector<16xi32>
    %gather3A_603 = tpu.dynamic_gather %mul3A_534[%gather3A_602] in [0] : vector<16xf32>, vector<16xi32> -> vector<16xf32>
    %lt3A_604 = arith.constant 0 : i32
    %lt3A_605 = vector.broadcast %lt3A_604 : i32 to vector<16xi32>
    %lt3A_606 = arith.cmpi slt, %broadcast_in_dim3A_504, %lt3A_605 : vector<16xi32>
    %add3A_607 = arith.constant 16 : i32
    %add3A_608 = vector.broadcast %add3A_607 : i32 to vector<16xi32>
    %add3A_609 = arith.addi %broadcast_in_dim3A_504, %add3A_608 : vector<16xi32>
    %select_n3A_610 = arith.select %lt3A_606, %add3A_609, %broadcast_in_dim3A_504 : vector<16xi1>, vector<16xi32>
    %broadcast_in_dim3A_611 = vector.shape_cast %select_n3A_610 : vector<16xi32> to vector<16x1xi32>
    %gather3A_612 = vector.shape_cast %broadcast_in_dim3A_611 : vector<16x1xi32> to vector<16xi32>
    %gather3A_613 = tpu.dynamic_gather %mul3A_534[%gather3A_612] in [0] : vector<16xf32>, vector<16xi32> -> vector<16xf32>
    %lt3A_614 = arith.constant 0 : i32
    %lt3A_615 = vector.broadcast %lt3A_614 : i32 to vector<16xi32>
    %lt3A_616 = arith.cmpi slt, %broadcast_in_dim3A_506, %lt3A_615 : vector<16xi32>
    %add3A_617 = arith.constant 16 : i32
    %add3A_618 = vector.broadcast %add3A_617 : i32 to vector<16xi32>
    %add3A_619 = arith.addi %broadcast_in_dim3A_506, %add3A_618 : vector<16xi32>
    %select_n3A_620 = arith.select %lt3A_616, %add3A_619, %broadcast_in_dim3A_506 : vector<16xi1>, vector<16xi32>
    %broadcast_in_dim3A_621 = vector.shape_cast %select_n3A_620 : vector<16xi32> to vector<16x1xi32>
    %gather3A_622 = vector.shape_cast %broadcast_in_dim3A_621 : vector<16x1xi32> to vector<16xi32>
    %gather3A_623 = tpu.dynamic_gather %mul3A_534[%gather3A_622] in [0] : vector<16xf32>, vector<16xi32> -> vector<16xf32>
    %lt3A_624 = arith.constant 0 : i32
    %lt3A_625 = vector.broadcast %lt3A_624 : i32 to vector<16xi32>
    %lt3A_626 = arith.cmpi slt, %broadcast_in_dim3A_508, %lt3A_625 : vector<16xi32>
    %add3A_627 = arith.constant 16 : i32
    %add3A_628 = vector.broadcast %add3A_627 : i32 to vector<16xi32>
    %add3A_629 = arith.addi %broadcast_in_dim3A_508, %add3A_628 : vector<16xi32>
    %select_n3A_630 = arith.select %lt3A_626, %add3A_629, %broadcast_in_dim3A_508 : vector<16xi1>, vector<16xi32>
    %broadcast_in_dim3A_631 = vector.shape_cast %select_n3A_630 : vector<16xi32> to vector<16x1xi32>
    %gather3A_632 = vector.shape_cast %broadcast_in_dim3A_631 : vector<16x1xi32> to vector<16xi32>
    %gather3A_633 = tpu.dynamic_gather %mul3A_534[%gather3A_632] in [0] : vector<16xf32>, vector<16xi32> -> vector<16xf32>
    %lt3A_634 = arith.constant 0 : i32
    %lt3A_635 = vector.broadcast %lt3A_634 : i32 to vector<16xi32>
    %lt3A_636 = arith.cmpi slt, %broadcast_in_dim3A_510, %lt3A_635 : vector<16xi32>
    %add3A_637 = arith.constant 16 : i32
    %add3A_638 = vector.broadcast %add3A_637 : i32 to vector<16xi32>
    %add3A_639 = arith.addi %broadcast_in_dim3A_510, %add3A_638 : vector<16xi32>
    %select_n3A_640 = arith.select %lt3A_636, %add3A_639, %broadcast_in_dim3A_510 : vector<16xi1>, vector<16xi32>
    %broadcast_in_dim3A_641 = vector.shape_cast %select_n3A_640 : vector<16xi32> to vector<16x1xi32>
    %gather3A_642 = vector.shape_cast %broadcast_in_dim3A_641 : vector<16x1xi32> to vector<16xi32>
    %gather3A_643 = tpu.dynamic_gather %mul3A_534[%gather3A_642] in [0] : vector<16xf32>, vector<16xi32> -> vector<16xf32>
    %lt3A_644 = arith.constant 0 : i32
    %lt3A_645 = vector.broadcast %lt3A_644 : i32 to vector<16xi32>
    %lt3A_646 = arith.cmpi slt, %broadcast_in_dim3A_512, %lt3A_645 : vector<16xi32>
    %add3A_647 = arith.constant 16 : i32
    %add3A_648 = vector.broadcast %add3A_647 : i32 to vector<16xi32>
    %add3A_649 = arith.addi %broadcast_in_dim3A_512, %add3A_648 : vector<16xi32>
    %select_n3A_650 = arith.select %lt3A_646, %add3A_649, %broadcast_in_dim3A_512 : vector<16xi1>, vector<16xi32>
    %broadcast_in_dim3A_651 = vector.shape_cast %select_n3A_650 : vector<16xi32> to vector<16x1xi32>
    %gather3A_652 = vector.shape_cast %broadcast_in_dim3A_651 : vector<16x1xi32> to vector<16xi32>
    %gather3A_653 = tpu.dynamic_gather %mul3A_534[%gather3A_652] in [0] : vector<16xf32>, vector<16xi32> -> vector<16xf32>
    %lt3A_654 = arith.constant 0 : i32
    %lt3A_655 = vector.broadcast %lt3A_654 : i32 to vector<16xi32>
    %lt3A_656 = arith.cmpi slt, %broadcast_in_dim3A_514, %lt3A_655 : vector<16xi32>
    %add3A_657 = arith.constant 16 : i32
    %add3A_658 = vector.broadcast %add3A_657 : i32 to vector<16xi32>
    %add3A_659 = arith.addi %broadcast_in_dim3A_514, %add3A_658 : vector<16xi32>
    %select_n3A_660 = arith.select %lt3A_656, %add3A_659, %broadcast_in_dim3A_514 : vector<16xi1>, vector<16xi32>
    %broadcast_in_dim3A_661 = vector.shape_cast %select_n3A_660 : vector<16xi32> to vector<16x1xi32>
    %gather3A_662 = vector.shape_cast %broadcast_in_dim3A_661 : vector<16x1xi32> to vector<16xi32>
    %gather3A_663 = tpu.dynamic_gather %mul3A_534[%gather3A_662] in [0] : vector<16xf32>, vector<16xi32> -> vector<16xf32>
    %lt3A_664 = arith.constant 0 : i32
    %lt3A_665 = vector.broadcast %lt3A_664 : i32 to vector<16xi32>
    %lt3A_666 = arith.cmpi slt, %broadcast_in_dim3A_516, %lt3A_665 : vector<16xi32>
    %add3A_667 = arith.constant 16 : i32
    %add3A_668 = vector.broadcast %add3A_667 : i32 to vector<16xi32>
    %add3A_669 = arith.addi %broadcast_in_dim3A_516, %add3A_668 : vector<16xi32>
    %select_n3A_670 = arith.select %lt3A_666, %add3A_669, %broadcast_in_dim3A_516 : vector<16xi1>, vector<16xi32>
    %broadcast_in_dim3A_671 = vector.shape_cast %select_n3A_670 : vector<16xi32> to vector<16x1xi32>
    %gather3A_672 = vector.shape_cast %broadcast_in_dim3A_671 : vector<16x1xi32> to vector<16xi32>
    %gather3A_673 = tpu.dynamic_gather %mul3A_534[%gather3A_672] in [0] : vector<16xf32>, vector<16xi32> -> vector<16xf32>
    %lt3A_674 = arith.constant 0 : i32
    %lt3A_675 = vector.broadcast %lt3A_674 : i32 to vector<16xi32>
    %lt3A_676 = arith.cmpi slt, %broadcast_in_dim3A_518, %lt3A_675 : vector<16xi32>
    %add3A_677 = arith.constant 16 : i32
    %add3A_678 = vector.broadcast %add3A_677 : i32 to vector<16xi32>
    %add3A_679 = arith.addi %broadcast_in_dim3A_518, %add3A_678 : vector<16xi32>
    %select_n3A_680 = arith.select %lt3A_676, %add3A_679, %broadcast_in_dim3A_518 : vector<16xi1>, vector<16xi32>
    %broadcast_in_dim3A_681 = vector.shape_cast %select_n3A_680 : vector<16xi32> to vector<16x1xi32>
    %gather3A_682 = vector.shape_cast %broadcast_in_dim3A_681 : vector<16x1xi32> to vector<16xi32>
    %gather3A_683 = tpu.dynamic_gather %mul3A_534[%gather3A_682] in [0] : vector<16xf32>, vector<16xi32> -> vector<16xf32>
    %lt3A_684 = arith.constant 0 : i32
    %lt3A_685 = vector.broadcast %lt3A_684 : i32 to vector<16xi32>
    %lt3A_686 = arith.cmpi slt, %broadcast_in_dim3A_520, %lt3A_685 : vector<16xi32>
    %add3A_687 = arith.constant 16 : i32
    %add3A_688 = vector.broadcast %add3A_687 : i32 to vector<16xi32>
    %add3A_689 = arith.addi %broadcast_in_dim3A_520, %add3A_688 : vector<16xi32>
    %select_n3A_690 = arith.select %lt3A_686, %add3A_689, %broadcast_in_dim3A_520 : vector<16xi1>, vector<16xi32>
    %broadcast_in_dim3A_691 = vector.shape_cast %select_n3A_690 : vector<16xi32> to vector<16x1xi32>
    %gather3A_692 = vector.shape_cast %broadcast_in_dim3A_691 : vector<16x1xi32> to vector<16xi32>
    %gather3A_693 = tpu.dynamic_gather %mul3A_534[%gather3A_692] in [0] : vector<16xf32>, vector<16xi32> -> vector<16xf32>
    %get3A_694 = arith.constant 1 : i32
    %get3A_695 = arith.index_cast %get3A_694 : i32 to index
    %get3A_696 = arith.constant 0 : index
    %get3A_697 = tpu.vector_load %arg6[%get3A_695, %get3A_696] {strides = array<i32>} : memref<8x16xf32, #tpu.memory_space<vmem>>, vector<1x16xf32>,
    %get3A_698 = vector.shape_cast %get3A_697 : vector<1x16xf32> to vector<16xf32>
    %mul3A_699 = arith.constant -2.000000e+00 : f32
    %mul3A_700 = vector.broadcast %mul3A_699 : f32 to vector<16xf32>
    %mul3A_701 = arith.mulf %get3A_698, %mul3A_700 : vector<16xf32>
    %lt3A_702 = arith.constant 0 : i32
    %lt3A_703 = vector.broadcast %lt3A_702 : i32 to vector<16xi32>
    %lt3A_704 = arith.cmpi slt, %broadcast_in_dim3A_490, %lt3A_703 : vector<16xi32>
    %add3A_705 = arith.constant 16 : i32
    %add3A_706 = vector.broadcast %add3A_705 : i32 to vector<16xi32>
    %add3A_707 = arith.addi %broadcast_in_dim3A_490, %add3A_706 : vector<16xi32>
    %select_n3A_708 = arith.select %lt3A_704, %add3A_707, %broadcast_in_dim3A_490 : vector<16xi1>, vector<16xi32>
    %broadcast_in_dim3A_709 = vector.shape_cast %select_n3A_708 : vector<16xi32> to vector<16x1xi32>
    %gather3A_710 = vector.shape_cast %broadcast_in_dim3A_709 : vector<16x1xi32> to vector<16xi32>
    %gather3A_711 = tpu.dynamic_gather %mul3A_701[%gather3A_710] in [0] : vector<16xf32>, vector<16xi32> -> vector<16xf32>
    %lt3A_712 = arith.constant 0 : i32
    %lt3A_713 = vector.broadcast %lt3A_712 : i32 to vector<16xi32>
    %lt3A_714 = arith.cmpi slt, %broadcast_in_dim3A_492, %lt3A_713 : vector<16xi32>
    %add3A_715 = arith.constant 16 : i32
    %add3A_716 = vector.broadcast %add3A_715 : i32 to vector<16xi32>
    %add3A_717 = arith.addi %broadcast_in_dim3A_492, %add3A_716 : vector<16xi32>
    %select_n3A_718 = arith.select %lt3A_714, %add3A_717, %broadcast_in_dim3A_492 : vector<16xi1>, vector<16xi32>
    %broadcast_in_dim3A_719 = vector.shape_cast %select_n3A_718 : vector<16xi32> to vector<16x1xi32>
    %gather3A_720 = vector.shape_cast %broadcast_in_dim3A_719 : vector<16x1xi32> to vector<16xi32>
    %gather3A_721 = tpu.dynamic_gather %mul3A_701[%gather3A_720] in [0] : vector<16xf32>, vector<16xi32> -> vector<16xf32>
    %lt3A_722 = arith.constant 0 : i32
    %lt3A_723 = vector.broadcast %lt3A_722 : i32 to vector<16xi32>
    %lt3A_724 = arith.cmpi slt, %broadcast_in_dim3A_494, %lt3A_723 : vector<16xi32>
    %add3A_725 = arith.constant 16 : i32
    %add3A_726 = vector.broadcast %add3A_725 : i32 to vector<16xi32>
    %add3A_727 = arith.addi %broadcast_in_dim3A_494, %add3A_726 : vector<16xi32>
    %select_n3A_728 = arith.select %lt3A_724, %add3A_727, %broadcast_in_dim3A_494 : vector<16xi1>, vector<16xi32>
    %broadcast_in_dim3A_729 = vector.shape_cast %select_n3A_728 : vector<16xi32> to vector<16x1xi32>
    %gather3A_730 = vector.shape_cast %broadcast_in_dim3A_729 : vector<16x1xi32> to vector<16xi32>
    %gather3A_731 = tpu.dynamic_gather %mul3A_701[%gather3A_730] in [0] : vector<16xf32>, vector<16xi32> -> vector<16xf32>
    %lt3A_732 = arith.constant 0 : i32
    %lt3A_733 = vector.broadcast %lt3A_732 : i32 to vector<16xi32>
    %lt3A_734 = arith.cmpi slt, %broadcast_in_dim3A_496, %lt3A_733 : vector<16xi32>
    %add3A_735 = arith.constant 16 : i32
    %add3A_736 = vector.broadcast %add3A_735 : i32 to vector<16xi32>
    %add3A_737 = arith.addi %broadcast_in_dim3A_496, %add3A_736 : vector<16xi32>
    %select_n3A_738 = arith.select %lt3A_734, %add3A_737, %broadcast_in_dim3A_496 : vector<16xi1>, vector<16xi32>
    %broadcast_in_dim3A_739 = vector.shape_cast %select_n3A_738 : vector<16xi32> to vector<16x1xi32>
    %gather3A_740 = vector.shape_cast %broadcast_in_dim3A_739 : vector<16x1xi32> to vector<16xi32>
    %gather3A_741 = tpu.dynamic_gather %mul3A_701[%gather3A_740] in [0] : vector<16xf32>, vector<16xi32> -> vector<16xf32>
    %lt3A_742 = arith.constant 0 : i32
    %lt3A_743 = vector.broadcast %lt3A_742 : i32 to vector<16xi32>
    %lt3A_744 = arith.cmpi slt, %broadcast_in_dim3A_498, %lt3A_743 : vector<16xi32>
    %add3A_745 = arith.constant 16 : i32
    %add3A_746 = vector.broadcast %add3A_745 : i32 to vector<16xi32>
    %add3A_747 = arith.addi %broadcast_in_dim3A_498, %add3A_746 : vector<16xi32>
    %select_n3A_748 = arith.select %lt3A_744, %add3A_747, %broadcast_in_dim3A_498 : vector<16xi1>, vector<16xi32>
    %broadcast_in_dim3A_749 = vector.shape_cast %select_n3A_748 : vector<16xi32> to vector<16x1xi32>
    %gather3A_750 = vector.shape_cast %broadcast_in_dim3A_749 : vector<16x1xi32> to vector<16xi32>
    %gather3A_751 = tpu.dynamic_gather %mul3A_701[%gather3A_750] in [0] : vector<16xf32>, vector<16xi32> -> vector<16xf32>
    %lt3A_752 = arith.constant 0 : i32
    %lt3A_753 = vector.broadcast %lt3A_752 : i32 to vector<16xi32>
    %lt3A_754 = arith.cmpi slt, %broadcast_in_dim3A_500, %lt3A_753 : vector<16xi32>
    %add3A_755 = arith.constant 16 : i32
    %add3A_756 = vector.broadcast %add3A_755 : i32 to vector<16xi32>
    %add3A_757 = arith.addi %broadcast_in_dim3A_500, %add3A_756 : vector<16xi32>
    %select_n3A_758 = arith.select %lt3A_754, %add3A_757, %broadcast_in_dim3A_500 : vector<16xi1>, vector<16xi32>
    %broadcast_in_dim3A_759 = vector.shape_cast %select_n3A_758 : vector<16xi32> to vector<16x1xi32>
    %gather3A_760 = vector.shape_cast %broadcast_in_dim3A_759 : vector<16x1xi32> to vector<16xi32>
    %gather3A_761 = tpu.dynamic_gather %mul3A_701[%gather3A_760] in [0] : vector<16xf32>, vector<16xi32> -> vector<16xf32>
    %lt3A_762 = arith.constant 0 : i32
    %lt3A_763 = vector.broadcast %lt3A_762 : i32 to vector<16xi32>
    %lt3A_764 = arith.cmpi slt, %broadcast_in_dim3A_502, %lt3A_763 : vector<16xi32>
    %add3A_765 = arith.constant 16 : i32
    %add3A_766 = vector.broadcast %add3A_765 : i32 to vector<16xi32>
    %add3A_767 = arith.addi %broadcast_in_dim3A_502, %add3A_766 : vector<16xi32>
    %select_n3A_768 = arith.select %lt3A_764, %add3A_767, %broadcast_in_dim3A_502 : vector<16xi1>, vector<16xi32>
    %broadcast_in_dim3A_769 = vector.shape_cast %select_n3A_768 : vector<16xi32> to vector<16x1xi32>
    %gather3A_770 = vector.shape_cast %broadcast_in_dim3A_769 : vector<16x1xi32> to vector<16xi32>
    %gather3A_771 = tpu.dynamic_gather %mul3A_701[%gather3A_770] in [0] : vector<16xf32>, vector<16xi32> -> vector<16xf32>
    %lt3A_772 = arith.constant 0 : i32
    %lt3A_773 = vector.broadcast %lt3A_772 : i32 to vector<16xi32>
    %lt3A_774 = arith.cmpi slt, %broadcast_in_dim3A_504, %lt3A_773 : vector<16xi32>
    %add3A_775 = arith.constant 16 : i32
    %add3A_776 = vector.broadcast %add3A_775 : i32 to vector<16xi32>
    %add3A_777 = arith.addi %broadcast_in_dim3A_504, %add3A_776 : vector<16xi32>
    %select_n3A_778 = arith.select %lt3A_774, %add3A_777, %broadcast_in_dim3A_504 : vector<16xi1>, vector<16xi32>
    %broadcast_in_dim3A_779 = vector.shape_cast %select_n3A_778 : vector<16xi32> to vector<16x1xi32>
    %gather3A_780 = vector.shape_cast %broadcast_in_dim3A_779 : vector<16x1xi32> to vector<16xi32>
    %gather3A_781 = tpu.dynamic_gather %mul3A_701[%gather3A_780] in [0] : vector<16xf32>, vector<16xi32> -> vector<16xf32>
    %lt3A_782 = arith.constant 0 : i32
    %lt3A_783 = vector.broadcast %lt3A_782 : i32 to vector<16xi32>
    %lt3A_784 = arith.cmpi slt, %broadcast_in_dim3A_506, %lt3A_783 : vector<16xi32>
    %add3A_785 = arith.constant 16 : i32
    %add3A_786 = vector.broadcast %add3A_785 : i32 to vector<16xi32>
    %add3A_787 = arith.addi %broadcast_in_dim3A_506, %add3A_786 : vector<16xi32>
    %select_n3A_788 = arith.select %lt3A_784, %add3A_787, %broadcast_in_dim3A_506 : vector<16xi1>, vector<16xi32>
    %broadcast_in_dim3A_789 = vector.shape_cast %select_n3A_788 : vector<16xi32> to vector<16x1xi32>
    %gather3A_790 = vector.shape_cast %broadcast_in_dim3A_789 : vector<16x1xi32> to vector<16xi32>
    %gather3A_791 = tpu.dynamic_gather %mul3A_701[%gather3A_790] in [0] : vector<16xf32>, vector<16xi32> -> vector<16xf32>
    %lt3A_792 = arith.constant 0 : i32
    %lt3A_793 = vector.broadcast %lt3A_792 : i32 to vector<16xi32>
    %lt3A_794 = arith.cmpi slt, %broadcast_in_dim3A_508, %lt3A_793 : vector<16xi32>
    %add3A_795 = arith.constant 16 : i32
    %add3A_796 = vector.broadcast %add3A_795 : i32 to vector<16xi32>
    %add3A_797 = arith.addi %broadcast_in_dim3A_508, %add3A_796 : vector<16xi32>
    %select_n3A_798 = arith.select %lt3A_794, %add3A_797, %broadcast_in_dim3A_508 : vector<16xi1>, vector<16xi32>
    %broadcast_in_dim3A_799 = vector.shape_cast %select_n3A_798 : vector<16xi32> to vector<16x1xi32>
    %gather3A_800 = vector.shape_cast %broadcast_in_dim3A_799 : vector<16x1xi32> to vector<16xi32>
    %gather3A_801 = tpu.dynamic_gather %mul3A_701[%gather3A_800] in [0] : vector<16xf32>, vector<16xi32> -> vector<16xf32>
    %lt3A_802 = arith.constant 0 : i32
    %lt3A_803 = vector.broadcast %lt3A_802 : i32 to vector<16xi32>
    %lt3A_804 = arith.cmpi slt, %broadcast_in_dim3A_510, %lt3A_803 : vector<16xi32>
    %add3A_805 = arith.constant 16 : i32
    %add3A_806 = vector.broadcast %add3A_805 : i32 to vector<16xi32>
    %add3A_807 = arith.addi %broadcast_in_dim3A_510, %add3A_806 : vector<16xi32>
    %select_n3A_808 = arith.select %lt3A_804, %add3A_807, %broadcast_in_dim3A_510 : vector<16xi1>, vector<16xi32>
    %broadcast_in_dim3A_809 = vector.shape_cast %select_n3A_808 : vector<16xi32> to vector<16x1xi32>
    %gather3A_810 = vector.shape_cast %broadcast_in_dim3A_809 : vector<16x1xi32> to vector<16xi32>
    %gather3A_811 = tpu.dynamic_gather %mul3A_701[%gather3A_810] in [0] : vector<16xf32>, vector<16xi32> -> vector<16xf32>
    %lt3A_812 = arith.constant 0 : i32
    %lt3A_813 = vector.broadcast %lt3A_812 : i32 to vector<16xi32>
    %lt3A_814 = arith.cmpi slt, %broadcast_in_dim3A_512, %lt3A_813 : vector<16xi32>
    %add3A_815 = arith.constant 16 : i32
    %add3A_816 = vector.broadcast %add3A_815 : i32 to vector<16xi32>
    %add3A_817 = arith.addi %broadcast_in_dim3A_512, %add3A_816 : vector<16xi32>
    %select_n3A_818 = arith.select %lt3A_814, %add3A_817, %broadcast_in_dim3A_512 : vector<16xi1>, vector<16xi32>
    %broadcast_in_dim3A_819 = vector.shape_cast %select_n3A_818 : vector<16xi32> to vector<16x1xi32>
    %gather3A_820 = vector.shape_cast %broadcast_in_dim3A_819 : vector<16x1xi32> to vector<16xi32>
    %gather3A_821 = tpu.dynamic_gather %mul3A_701[%gather3A_820] in [0] : vector<16xf32>, vector<16xi32> -> vector<16xf32>
    %lt3A_822 = arith.constant 0 : i32
    %lt3A_823 = vector.broadcast %lt3A_822 : i32 to vector<16xi32>
    %lt3A_824 = arith.cmpi slt, %broadcast_in_dim3A_514, %lt3A_823 : vector<16xi32>
    %add3A_825 = arith.constant 16 : i32
    %add3A_826 = vector.broadcast %add3A_825 : i32 to vector<16xi32>
    %add3A_827 = arith.addi %broadcast_in_dim3A_514, %add3A_826 : vector<16xi32>
    %select_n3A_828 = arith.select %lt3A_824, %add3A_827, %broadcast_in_dim3A_514 : vector<16xi1>, vector<16xi32>
    %broadcast_in_dim3A_829 = vector.shape_cast %select_n3A_828 : vector<16xi32> to vector<16x1xi32>
    %gather3A_830 = vector.shape_cast %broadcast_in_dim3A_829 : vector<16x1xi32> to vector<16xi32>
    %gather3A_831 = tpu.dynamic_gather %mul3A_701[%gather3A_830] in [0] : vector<16xf32>, vector<16xi32> -> vector<16xf32>
    %lt3A_832 = arith.constant 0 : i32
    %lt3A_833 = vector.broadcast %lt3A_832 : i32 to vector<16xi32>
    %lt3A_834 = arith.cmpi slt, %broadcast_in_dim3A_516, %lt3A_833 : vector<16xi32>
    %add3A_835 = arith.constant 16 : i32
    %add3A_836 = vector.broadcast %add3A_835 : i32 to vector<16xi32>
    %add3A_837 = arith.addi %broadcast_in_dim3A_516, %add3A_836 : vector<16xi32>
    %select_n3A_838 = arith.select %lt3A_834, %add3A_837, %broadcast_in_dim3A_516 : vector<16xi1>, vector<16xi32>
    %broadcast_in_dim3A_839 = vector.shape_cast %select_n3A_838 : vector<16xi32> to vector<16x1xi32>
    %gather3A_840 = vector.shape_cast %broadcast_in_dim3A_839 : vector<16x1xi32> to vector<16xi32>
    %gather3A_841 = tpu.dynamic_gather %mul3A_701[%gather3A_840] in [0] : vector<16xf32>, vector<16xi32> -> vector<16xf32>
    %lt3A_842 = arith.constant 0 : i32
    %lt3A_843 = vector.broadcast %lt3A_842 : i32 to vector<16xi32>
    %lt3A_844 = arith.cmpi slt, %broadcast_in_dim3A_518, %lt3A_843 : vector<16xi32>
    %add3A_845 = arith.constant 16 : i32
    %add3A_846 = vector.broadcast %add3A_845 : i32 to vector<16xi32>
    %add3A_847 = arith.addi %broadcast_in_dim3A_518, %add3A_846 : vector<16xi32>
    %select_n3A_848 = arith.select %lt3A_844, %add3A_847, %broadcast_in_dim3A_518 : vector<16xi1>, vector<16xi32>
    %broadcast_in_dim3A_849 = vector.shape_cast %select_n3A_848 : vector<16xi32> to vector<16x1xi32>
    %gather3A_850 = vector.shape_cast %broadcast_in_dim3A_849 : vector<16x1xi32> to vector<16xi32>
    %gather3A_851 = tpu.dynamic_gather %mul3A_701[%gather3A_850] in [0] : vector<16xf32>, vector<16xi32> -> vector<16xf32>
    %lt3A_852 = arith.constant 0 : i32
    %lt3A_853 = vector.broadcast %lt3A_852 : i32 to vector<16xi32>
    %lt3A_854 = arith.cmpi slt, %broadcast_in_dim3A_520, %lt3A_853 : vector<16xi32>
    %add3A_855 = arith.constant 16 : i32
    %add3A_856 = vector.broadcast %add3A_855 : i32 to vector<16xi32>
    %add3A_857 = arith.addi %broadcast_in_dim3A_520, %add3A_856 : vector<16xi32>
    %select_n3A_858 = arith.select %lt3A_854, %add3A_857, %broadcast_in_dim3A_520 : vector<16xi1>, vector<16xi32>
    %broadcast_in_dim3A_859 = vector.shape_cast %select_n3A_858 : vector<16xi32> to vector<16x1xi32>
    %gather3A_860 = vector.shape_cast %broadcast_in_dim3A_859 : vector<16x1xi32> to vector<16xi32>
    %gather3A_861 = tpu.dynamic_gather %mul3A_701[%gather3A_860] in [0] : vector<16xf32>, vector<16xi32> -> vector<16xf32>
    %add3A_862 = arith.constant 0 : i32
    %add3A_863 = arith.addi %mul3A_36, %add3A_862 : i32
    %get3A_864 = arith.constant 0 : i32
    %get3A_865 = arith.index_cast %get3A_864 : i32 to index
    %get3A_866 = arith.index_cast %add3A_863 : i32 to index
    %get3A_867 = tpu.vector_load %arg5[%get3A_865, %get3A_866] {strides = array<i32>} : memref<16x128xf32, #tpu.memory_space<vmem>>, vector<1x16xf32>,
    %get3A_868 = vector.shape_cast %get3A_867 : vector<1x16xf32> to vector<16xf32>
    %get3A_869 = arith.constant 1 : i32
    %get3A_870 = arith.index_cast %get3A_869 : i32 to index
    %get3A_871 = arith.index_cast %add3A_863 : i32 to index
    %get3A_872 = tpu.vector_load %arg5[%get3A_870, %get3A_871] {strides = array<i32>} : memref<16x128xf32, #tpu.memory_space<vmem>>, vector<1x16xf32>,
    %get3A_873 = vector.shape_cast %get3A_872 : vector<1x16xf32> to vector<16xf32>
    %get3A_874 = arith.constant 2 : i32
    %get3A_875 = arith.index_cast %get3A_874 : i32 to index
    %get3A_876 = arith.index_cast %add3A_863 : i32 to index
    %get3A_877 = tpu.vector_load %arg5[%get3A_875, %get3A_876] {strides = array<i32>} : memref<16x128xf32, #tpu.memory_space<vmem>>, vector<1x16xf32>,
    %get3A_878 = vector.shape_cast %get3A_877 : vector<1x16xf32> to vector<16xf32>
    %get3A_879 = arith.constant 3 : i32
    %get3A_880 = arith.index_cast %get3A_879 : i32 to index
    %get3A_881 = arith.index_cast %add3A_863 : i32 to index
    %get3A_882 = tpu.vector_load %arg5[%get3A_880, %get3A_881] {strides = array<i32>} : memref<16x128xf32, #tpu.memory_space<vmem>>, vector<1x16xf32>,
    %get3A_883 = vector.shape_cast %get3A_882 : vector<1x16xf32> to vector<16xf32>
    %get3A_884 = arith.constant 4 : i32
    %get3A_885 = arith.index_cast %get3A_884 : i32 to index
    %get3A_886 = arith.index_cast %add3A_863 : i32 to index
    %get3A_887 = tpu.vector_load %arg5[%get3A_885, %get3A_886] {strides = array<i32>} : memref<16x128xf32, #tpu.memory_space<vmem>>, vector<1x16xf32>,
    %get3A_888 = vector.shape_cast %get3A_887 : vector<1x16xf32> to vector<16xf32>
    %get3A_889 = arith.constant 5 : i32
    %get3A_890 = arith.index_cast %get3A_889 : i32 to index
    %get3A_891 = arith.index_cast %add3A_863 : i32 to index
    %get3A_892 = tpu.vector_load %arg5[%get3A_890, %get3A_891] {strides = array<i32>} : memref<16x128xf32, #tpu.memory_space<vmem>>, vector<1x16xf32>,
    %get3A_893 = vector.shape_cast %get3A_892 : vector<1x16xf32> to vector<16xf32>
    %get3A_894 = arith.constant 6 : i32
    %get3A_895 = arith.index_cast %get3A_894 : i32 to index
    %get3A_896 = arith.index_cast %add3A_863 : i32 to index
    %get3A_897 = tpu.vector_load %arg5[%get3A_895, %get3A_896] {strides = array<i32>} : memref<16x128xf32, #tpu.memory_space<vmem>>, vector<1x16xf32>,
    %get3A_898 = vector.shape_cast %get3A_897 : vector<1x16xf32> to vector<16xf32>
    %get3A_899 = arith.constant 7 : i32
    %get3A_900 = arith.index_cast %get3A_899 : i32 to index
    %get3A_901 = arith.index_cast %add3A_863 : i32 to index
    %get3A_902 = tpu.vector_load %arg5[%get3A_900, %get3A_901] {strides = array<i32>} : memref<16x128xf32, #tpu.memory_space<vmem>>, vector<1x16xf32>,
    %get3A_903 = vector.shape_cast %get3A_902 : vector<1x16xf32> to vector<16xf32>
    %get3A_904 = arith.constant 8 : i32
    %get3A_905 = arith.index_cast %get3A_904 : i32 to index
    %get3A_906 = arith.index_cast %add3A_863 : i32 to index
    %get3A_907 = tpu.vector_load %arg5[%get3A_905, %get3A_906] {strides = array<i32>} : memref<16x128xf32, #tpu.memory_space<vmem>>, vector<1x16xf32>,
    %get3A_908 = vector.shape_cast %get3A_907 : vector<1x16xf32> to vector<16xf32>
    %get3A_909 = arith.constant 9 : i32
    %get3A_910 = arith.index_cast %get3A_909 : i32 to index
    %get3A_911 = arith.index_cast %add3A_863 : i32 to index
    %get3A_912 = tpu.vector_load %arg5[%get3A_910, %get3A_911] {strides = array<i32>} : memref<16x128xf32, #tpu.memory_space<vmem>>, vector<1x16xf32>,
    %get3A_913 = vector.shape_cast %get3A_912 : vector<1x16xf32> to vector<16xf32>
    %get3A_914 = arith.constant 10 : i32
    %get3A_915 = arith.index_cast %get3A_914 : i32 to index
    %get3A_916 = arith.index_cast %add3A_863 : i32 to index
    %get3A_917 = tpu.vector_load %arg5[%get3A_915, %get3A_916] {strides = array<i32>} : memref<16x128xf32, #tpu.memory_space<vmem>>, vector<1x16xf32>,
    %get3A_918 = vector.shape_cast %get3A_917 : vector<1x16xf32> to vector<16xf32>
    %get3A_919 = arith.constant 11 : i32
    %get3A_920 = arith.index_cast %get3A_919 : i32 to index
    %get3A_921 = arith.index_cast %add3A_863 : i32 to index
    %get3A_922 = tpu.vector_load %arg5[%get3A_920, %get3A_921] {strides = array<i32>} : memref<16x128xf32, #tpu.memory_space<vmem>>, vector<1x16xf32>,
    %get3A_923 = vector.shape_cast %get3A_922 : vector<1x16xf32> to vector<16xf32>
    %get3A_924 = arith.constant 12 : i32
    %get3A_925 = arith.index_cast %get3A_924 : i32 to index
    %get3A_926 = arith.index_cast %add3A_863 : i32 to index
    %get3A_927 = tpu.vector_load %arg5[%get3A_925, %get3A_926] {strides = array<i32>} : memref<16x128xf32, #tpu.memory_space<vmem>>, vector<1x16xf32>,
    %get3A_928 = vector.shape_cast %get3A_927 : vector<1x16xf32> to vector<16xf32>
    %get3A_929 = arith.constant 13 : i32
    %get3A_930 = arith.index_cast %get3A_929 : i32 to index
    %get3A_931 = arith.index_cast %add3A_863 : i32 to index
    %get3A_932 = tpu.vector_load %arg5[%get3A_930, %get3A_931] {strides = array<i32>} : memref<16x128xf32, #tpu.memory_space<vmem>>, vector<1x16xf32>,
    %get3A_933 = vector.shape_cast %get3A_932 : vector<1x16xf32> to vector<16xf32>
    %get3A_934 = arith.constant 14 : i32
    %get3A_935 = arith.index_cast %get3A_934 : i32 to index
    %get3A_936 = arith.index_cast %add3A_863 : i32 to index
    %get3A_937 = tpu.vector_load %arg5[%get3A_935, %get3A_936] {strides = array<i32>} : memref<16x128xf32, #tpu.memory_space<vmem>>, vector<1x16xf32>,
    %get3A_938 = vector.shape_cast %get3A_937 : vector<1x16xf32> to vector<16xf32>
    %get3A_939 = arith.constant 15 : i32
    %get3A_940 = arith.index_cast %get3A_939 : i32 to index
    %get3A_941 = arith.index_cast %add3A_863 : i32 to index
    %get3A_942 = tpu.vector_load %arg5[%get3A_940, %get3A_941] {strides = array<i32>} : memref<16x128xf32, #tpu.memory_space<vmem>>, vector<1x16xf32>,
    %get3A_943 = vector.shape_cast %get3A_942 : vector<1x16xf32> to vector<16xf32>
    %add3A_944 = arith.constant 3968 : i32
    %add3A_945 = arith.addi %add3A_944, %add3A_863 : i32
    %add3A_946 = vector.broadcast %add3A_945 : i32 to vector<16xi32>
    %add3A_947 = arith.addi %iota3A, %add3A_946 : vector<16xi32>
    %mul3A_948 = arith.mulf %gather3A_543, %get3A_868 : vector<16xf32>
    %mul3A_949 = arith.mulf %gather3A_553, %get3A_873 : vector<16xf32>
    %add3A_950 = arith.addf %mul3A_948, %mul3A_949 : vector<16xf32>
    %mul3A_951 = arith.mulf %gather3A_563, %get3A_878 : vector<16xf32>
    %add3A_952 = arith.addf %add3A_950, %mul3A_951 : vector<16xf32>
    %mul3A_953 = arith.mulf %gather3A_573, %get3A_883 : vector<16xf32>
    %add3A_954 = arith.addf %add3A_952, %mul3A_953 : vector<16xf32>
    %mul3A_955 = arith.mulf %gather3A_583, %get3A_888 : vector<16xf32>
    %mul3A_956 = arith.mulf %gather3A_593, %get3A_893 : vector<16xf32>
    %add3A_957 = arith.addf %mul3A_955, %mul3A_956 : vector<16xf32>
    %mul3A_958 = arith.mulf %gather3A_603, %get3A_898 : vector<16xf32>
    %add3A_959 = arith.addf %add3A_957, %mul3A_958 : vector<16xf32>
    %mul3A_960 = arith.mulf %gather3A_613, %get3A_903 : vector<16xf32>
    %add3A_961 = arith.addf %add3A_959, %mul3A_960 : vector<16xf32>
    %mul3A_962 = arith.mulf %gather3A_623, %get3A_908 : vector<16xf32>
    %mul3A_963 = arith.mulf %gather3A_633, %get3A_913 : vector<16xf32>
    %add3A_964 = arith.addf %mul3A_962, %mul3A_963 : vector<16xf32>
    %mul3A_965 = arith.mulf %gather3A_643, %get3A_918 : vector<16xf32>
    %add3A_966 = arith.addf %add3A_964, %mul3A_965 : vector<16xf32>
    %mul3A_967 = arith.mulf %gather3A_653, %get3A_923 : vector<16xf32>
    %add3A_968 = arith.addf %add3A_966, %mul3A_967 : vector<16xf32>
    %mul3A_969 = arith.mulf %gather3A_663, %get3A_928 : vector<16xf32>
    %mul3A_970 = arith.mulf %gather3A_673, %get3A_933 : vector<16xf32>
    %add3A_971 = arith.addf %mul3A_969, %mul3A_970 : vector<16xf32>
    %mul3A_972 = arith.mulf %gather3A_683, %get3A_938 : vector<16xf32>
    %add3A_973 = arith.addf %add3A_971, %mul3A_972 : vector<16xf32>
    %mul3A_974 = arith.mulf %gather3A_693, %get3A_943 : vector<16xf32>
    %add3A_975 = arith.addf %add3A_973, %mul3A_974 : vector<16xf32>
    %add3A_976 = arith.addf %add3A_954, %add3A_961 : vector<16xf32>
    %add3A_977 = arith.addf %add3A_968, %add3A_975 : vector<16xf32>
    %add3A_978 = arith.addf %add3A_976, %add3A_977 : vector<16xf32>
    %add3A_979 = arith.addf %add3A_978, %add3A_148 : vector<16xf32>
    %add3A_980 = arith.constant 0 : i32
    %add3A_981 = arith.addi %add3A_526, %add3A_980 : i32
    %broadcast_in_dim3A_982 = vector.broadcast %add3A_981 : i32 to vector<16xi32>
    %eq3A_983 = arith.cmpi eq, %add3A_947, %broadcast_in_dim3A_982 : vector<16xi32>
    %select_n3A_984 = arith.select %eq3A_983, %broadcast_in_dim3A_488, %add3A_979 : vector<16xi1>, vector<16xf32>
    %min3A = arith.minimumf %broadcast_in_dim3A_488, %select_n3A_984 : vector<16xf32>
    %mul3A_985 = arith.mulf %gather3A_711, %get3A_868 : vector<16xf32>
    %mul3A_986 = arith.mulf %gather3A_721, %get3A_873 : vector<16xf32>
    %add3A_987 = arith.addf %mul3A_985, %mul3A_986 : vector<16xf32>
    %mul3A_988 = arith.mulf %gather3A_731, %get3A_878 : vector<16xf32>
    %add3A_989 = arith.addf %add3A_987, %mul3A_988 : vector<16xf32>
    %mul3A_990 = arith.mulf %gather3A_741, %get3A_883 : vector<16xf32>
    %add3A_991 = arith.addf %add3A_989, %mul3A_990 : vector<16xf32>
    %mul3A_992 = arith.mulf %gather3A_751, %get3A_888 : vector<16xf32>
    %mul3A_993 = arith.mulf %gather3A_761, %get3A_893 : vector<16xf32>
    %add3A_994 = arith.addf %mul3A_992, %mul3A_993 : vector<16xf32>
    %mul3A_995 = arith.mulf %gather3A_771, %get3A_898 : vector<16xf32>
    %add3A_996 = arith.addf %add3A_994, %mul3A_995 : vector<16xf32>
    %mul3A_997 = arith.mulf %gather3A_781, %get3A_903 : vector<16xf32>
    %add3A_998 = arith.addf %add3A_996, %mul3A_997 : vector<16xf32>
    %mul3A_999 = arith.mulf %gather3A_791, %get3A_908 : vector<16xf32>
    %mul3A_1000 = arith.mulf %gather3A_801, %get3A_913 : vector<16xf32>
    %add3A_1001 = arith.addf %mul3A_999, %mul3A_1000 : vector<16xf32>
    %mul3A_1002 = arith.mulf %gather3A_811, %get3A_918 : vector<16xf32>
    %add3A_1003 = arith.addf %add3A_1001, %mul3A_1002 : vector<16xf32>
    %mul3A_1004 = arith.mulf %gather3A_821, %get3A_923 : vector<16xf32>
    %add3A_1005 = arith.addf %add3A_1003, %mul3A_1004 : vector<16xf32>
    %mul3A_1006 = arith.mulf %gather3A_831, %get3A_928 : vector<16xf32>
    %mul3A_1007 = arith.mulf %gather3A_841, %get3A_933 : vector<16xf32>
    %add3A_1008 = arith.addf %mul3A_1006, %mul3A_1007 : vector<16xf32>
    %mul3A_1009 = arith.mulf %gather3A_851, %get3A_938 : vector<16xf32>
    %add3A_1010 = arith.addf %add3A_1008, %mul3A_1009 : vector<16xf32>
    %mul3A_1011 = arith.mulf %gather3A_861, %get3A_943 : vector<16xf32>
    %add3A_1012 = arith.addf %add3A_1010, %mul3A_1011 : vector<16xf32>
    %add3A_1013 = arith.addf %add3A_991, %add3A_998 : vector<16xf32>
    %add3A_1014 = arith.addf %add3A_1005, %add3A_1012 : vector<16xf32>
    %add3A_1015 = arith.addf %add3A_1013, %add3A_1014 : vector<16xf32>
    %add3A_1016 = arith.addf %add3A_1015, %add3A_148 : vector<16xf32>
    %add3A_1017 = arith.constant 1 : i32
    %add3A_1018 = arith.addi %add3A_526, %add3A_1017 : i32
    %broadcast_in_dim3A_1019 = vector.broadcast %add3A_1018 : i32 to vector<16xi32>
    %eq3A_1020 = arith.cmpi eq, %add3A_947, %broadcast_in_dim3A_1019 : vector<16xi32>
    %select_n3A_1021 = arith.select %eq3A_1020, %broadcast_in_dim3A_488, %add3A_1016 : vector<16xi1>, vector<16xf32>
    %min3A_1022 = arith.minimumf %broadcast_in_dim3A_488, %select_n3A_1021 : vector<16xf32>
    %add3A_1023 = arith.constant 16 : i32
    %add3A_1024 = arith.addi %mul3A_36, %add3A_1023 : i32
    %get3A_1025 = arith.constant 0 : i32
    %get3A_1026 = arith.index_cast %get3A_1025 : i32 to index
    %get3A_1027 = arith.index_cast %add3A_1024 : i32 to index
    %get3A_1028 = tpu.vector_load %arg5[%get3A_1026, %get3A_1027] {strides = array<i32>} : memref<16x128xf32, #tpu.memory_space<vmem>>, vector<1x16xf32>,
    %get3A_1029 = vector.shape_cast %get3A_1028 : vector<1x16xf32> to vector<16xf32>
    %get3A_1030 = arith.constant 1 : i32
    %get3A_1031 = arith.index_cast %get3A_1030 : i32 to index
    %get3A_1032 = arith.index_cast %add3A_1024 : i32 to index
    %get3A_1033 = tpu.vector_load %arg5[%get3A_1031, %get3A_1032] {strides = array<i32>} : memref<16x128xf32, #tpu.memory_space<vmem>>, vector<1x16xf32>,
    %get3A_1034 = vector.shape_cast %get3A_1033 : vector<1x16xf32> to vector<16xf32>
    %get3A_1035 = arith.constant 2 : i32
    %get3A_1036 = arith.index_cast %get3A_1035 : i32 to index
    %get3A_1037 = arith.index_cast %add3A_1024 : i32 to index
    %get3A_1038 = tpu.vector_load %arg5[%get3A_1036, %get3A_1037] {strides = array<i32>} : memref<16x128xf32, #tpu.memory_space<vmem>>, vector<1x16xf32>,
    %get3A_1039 = vector.shape_cast %get3A_1038 : vector<1x16xf32> to vector<16xf32>
    %get3A_1040 = arith.constant 3 : i32
    %get3A_1041 = arith.index_cast %get3A_1040 : i32 to index
    %get3A_1042 = arith.index_cast %add3A_1024 : i32 to index
    %get3A_1043 = tpu.vector_load %arg5[%get3A_1041, %get3A_1042] {strides = array<i32>} : memref<16x128xf32, #tpu.memory_space<vmem>>, vector<1x16xf32>,
    %get3A_1044 = vector.shape_cast %get3A_1043 : vector<1x16xf32> to vector<16xf32>
    %get3A_1045 = arith.constant 4 : i32
    %get3A_1046 = arith.index_cast %get3A_1045 : i32 to index
    %get3A_1047 = arith.index_cast %add3A_1024 : i32 to index
    %get3A_1048 = tpu.vector_load %arg5[%get3A_1046, %get3A_1047] {strides = array<i32>} : memref<16x128xf32, #tpu.memory_space<vmem>>, vector<1x16xf32>,
    %get3A_1049 = vector.shape_cast %get3A_1048 : vector<1x16xf32> to vector<16xf32>
    %get3A_1050 = arith.constant 5 : i32
    %get3A_1051 = arith.index_cast %get3A_1050 : i32 to index
    %get3A_1052 = arith.index_cast %add3A_1024 : i32 to index
    %get3A_1053 = tpu.vector_load %arg5[%get3A_1051, %get3A_1052] {strides = array<i32>} : memref<16x128xf32, #tpu.memory_space<vmem>>, vector<1x16xf32>,
    %get3A_1054 = vector.shape_cast %get3A_1053 : vector<1x16xf32> to vector<16xf32>
    %get3A_1055 = arith.constant 6 : i32
    %get3A_1056 = arith.index_cast %get3A_1055 : i32 to index
    %get3A_1057 = arith.index_cast %add3A_1024 : i32 to index
    %get3A_1058 = tpu.vector_load %arg5[%get3A_1056, %get3A_1057] {strides = array<i32>} : memref<16x128xf32, #tpu.memory_space<vmem>>, vector<1x16xf32>,
    %get3A_1059 = vector.shape_cast %get3A_1058 : vector<1x16xf32> to vector<16xf32>
    %get3A_1060 = arith.constant 7 : i32
    %get3A_1061 = arith.index_cast %get3A_1060 : i32 to index
    %get3A_1062 = arith.index_cast %add3A_1024 : i32 to index
    %get3A_1063 = tpu.vector_load %arg5[%get3A_1061, %get3A_1062] {strides = array<i32>} : memref<16x128xf32, #tpu.memory_space<vmem>>, vector<1x16xf32>,
    %get3A_1064 = vector.shape_cast %get3A_1063 : vector<1x16xf32> to vector<16xf32>
    %get3A_1065 = arith.constant 8 : i32
    %get3A_1066 = arith.index_cast %get3A_1065 : i32 to index
    %get3A_1067 = arith.index_cast %add3A_1024 : i32 to index
    %get3A_1068 = tpu.vector_load %arg5[%get3A_1066, %get3A_1067] {strides = array<i32>} : memref<16x128xf32, #tpu.memory_space<vmem>>, vector<1x16xf32>,
    %get3A_1069 = vector.shape_cast %get3A_1068 : vector<1x16xf32> to vector<16xf32>
    %get3A_1070 = arith.constant 9 : i32
    %get3A_1071 = arith.index_cast %get3A_1070 : i32 to index
    %get3A_1072 = arith.index_cast %add3A_1024 : i32 to index
    %get3A_1073 = tpu.vector_load %arg5[%get3A_1071, %get3A_1072] {strides = array<i32>} : memref<16x128xf32, #tpu.memory_space<vmem>>, vector<1x16xf32>,
    %get3A_1074 = vector.shape_cast %get3A_1073 : vector<1x16xf32> to vector<16xf32>
    %get3A_1075 = arith.constant 10 : i32
    %get3A_1076 = arith.index_cast %get3A_1075 : i32 to index
    %get3A_1077 = arith.index_cast %add3A_1024 : i32 to index
    %get3A_1078 = tpu.vector_load %arg5[%get3A_1076, %get3A_1077] {strides = array<i32>} : memref<16x128xf32, #tpu.memory_space<vmem>>, vector<1x16xf32>,
    %get3A_1079 = vector.shape_cast %get3A_1078 : vector<1x16xf32> to vector<16xf32>
    %get3A_1080 = arith.constant 11 : i32
    %get3A_1081 = arith.index_cast %get3A_1080 : i32 to index
    %get3A_1082 = arith.index_cast %add3A_1024 : i32 to index
    %get3A_1083 = tpu.vector_load %arg5[%get3A_1081, %get3A_1082] {strides = array<i32>} : memref<16x128xf32, #tpu.memory_space<vmem>>, vector<1x16xf32>,
    %get3A_1084 = vector.shape_cast %get3A_1083 : vector<1x16xf32> to vector<16xf32>
    %get3A_1085 = arith.constant 12 : i32
    %get3A_1086 = arith.index_cast %get3A_1085 : i32 to index
    %get3A_1087 = arith.index_cast %add3A_1024 : i32 to index
    %get3A_1088 = tpu.vector_load %arg5[%get3A_1086, %get3A_1087] {strides = array<i32>} : memref<16x128xf32, #tpu.memory_space<vmem>>, vector<1x16xf32>,
    %get3A_1089 = vector.shape_cast %get3A_1088 : vector<1x16xf32> to vector<16xf32>
    %get3A_1090 = arith.constant 13 : i32
    %get3A_1091 = arith.index_cast %get3A_1090 : i32 to index
    %get3A_1092 = arith.index_cast %add3A_1024 : i32 to index
    %get3A_1093 = tpu.vector_load %arg5[%get3A_1091, %get3A_1092] {strides = array<i32>} : memref<16x128xf32, #tpu.memory_space<vmem>>, vector<1x16xf32>,
    %get3A_1094 = vector.shape_cast %get3A_1093 : vector<1x16xf32> to vector<16xf32>
    %get3A_1095 = arith.constant 14 : i32
    %get3A_1096 = arith.index_cast %get3A_1095 : i32 to index
    %get3A_1097 = arith.index_cast %add3A_1024 : i32 to index
    %get3A_1098 = tpu.vector_load %arg5[%get3A_1096, %get3A_1097] {strides = array<i32>} : memref<16x128xf32, #tpu.memory_space<vmem>>, vector<1x16xf32>,
    %get3A_1099 = vector.shape_cast %get3A_1098 : vector<1x16xf32> to vector<16xf32>
    %get3A_1100 = arith.constant 15 : i32
    %get3A_1101 = arith.index_cast %get3A_1100 : i32 to index
    %get3A_1102 = arith.index_cast %add3A_1024 : i32 to index
    %get3A_1103 = tpu.vector_load %arg5[%get3A_1101, %get3A_1102] {strides = array<i32>} : memref<16x128xf32, #tpu.memory_space<vmem>>, vector<1x16xf32>,
    %get3A_1104 = vector.shape_cast %get3A_1103 : vector<1x16xf32> to vector<16xf32>
    %add3A_1105 = arith.constant 3968 : i32
    %add3A_1106 = arith.addi %add3A_1105, %add3A_1024 : i32
    %add3A_1107 = vector.broadcast %add3A_1106 : i32 to vector<16xi32>
    %add3A_1108 = arith.addi %iota3A, %add3A_1107 : vector<16xi32>
    %mul3A_1109 = arith.mulf %gather3A_543, %get3A_1029 : vector<16xf32>
    %mul3A_1110 = arith.mulf %gather3A_553, %get3A_1034 : vector<16xf32>
    %add3A_1111 = arith.addf %mul3A_1109, %mul3A_1110 : vector<16xf32>
    %mul3A_1112 = arith.mulf %gather3A_563, %get3A_1039 : vector<16xf32>
    %add3A_1113 = arith.addf %add3A_1111, %mul3A_1112 : vector<16xf32>
    %mul3A_1114 = arith.mulf %gather3A_573, %get3A_1044 : vector<16xf32>
    %add3A_1115 = arith.addf %add3A_1113, %mul3A_1114 : vector<16xf32>
    %mul3A_1116 = arith.mulf %gather3A_583, %get3A_1049 : vector<16xf32>
    %mul3A_1117 = arith.mulf %gather3A_593, %get3A_1054 : vector<16xf32>
    %add3A_1118 = arith.addf %mul3A_1116, %mul3A_1117 : vector<16xf32>
    %mul3A_1119 = arith.mulf %gather3A_603, %get3A_1059 : vector<16xf32>
    %add3A_1120 = arith.addf %add3A_1118, %mul3A_1119 : vector<16xf32>
    %mul3A_1121 = arith.mulf %gather3A_613, %get3A_1064 : vector<16xf32>
    %add3A_1122 = arith.addf %add3A_1120, %mul3A_1121 : vector<16xf32>
    %mul3A_1123 = arith.mulf %gather3A_623, %get3A_1069 : vector<16xf32>
    %mul3A_1124 = arith.mulf %gather3A_633, %get3A_1074 : vector<16xf32>
    %add3A_1125 = arith.addf %mul3A_1123, %mul3A_1124 : vector<16xf32>
    %mul3A_1126 = arith.mulf %gather3A_643, %get3A_1079 : vector<16xf32>
    %add3A_1127 = arith.addf %add3A_1125, %mul3A_1126 : vector<16xf32>
    %mul3A_1128 = arith.mulf %gather3A_653, %get3A_1084 : vector<16xf32>
    %add3A_1129 = arith.addf %add3A_1127, %mul3A_1128 : vector<16xf32>
    %mul3A_1130 = arith.mulf %gather3A_663, %get3A_1089 : vector<16xf32>
    %mul3A_1131 = arith.mulf %gather3A_673, %get3A_1094 : vector<16xf32>
    %add3A_1132 = arith.addf %mul3A_1130, %mul3A_1131 : vector<16xf32>
    %mul3A_1133 = arith.mulf %gather3A_683, %get3A_1099 : vector<16xf32>
    %add3A_1134 = arith.addf %add3A_1132, %mul3A_1133 : vector<16xf32>
    %mul3A_1135 = arith.mulf %gather3A_693, %get3A_1104 : vector<16xf32>
    %add3A_1136 = arith.addf %add3A_1134, %mul3A_1135 : vector<16xf32>
    %add3A_1137 = arith.addf %add3A_1115, %add3A_1122 : vector<16xf32>
    %add3A_1138 = arith.addf %add3A_1129, %add3A_1136 : vector<16xf32>
    %add3A_1139 = arith.addf %add3A_1137, %add3A_1138 : vector<16xf32>
    %add3A_1140 = arith.addf %add3A_1139, %add3A_261 : vector<16xf32>
    %add3A_1141 = arith.constant 0 : i32
    %add3A_1142 = arith.addi %add3A_526, %add3A_1141 : i32
    %broadcast_in_dim3A_1143 = vector.broadcast %add3A_1142 : i32 to vector<16xi32>
    %eq3A_1144 = arith.cmpi eq, %add3A_1108, %broadcast_in_dim3A_1143 : vector<16xi32>
    %select_n3A_1145 = arith.select %eq3A_1144, %broadcast_in_dim3A_488, %add3A_1140 : vector<16xi1>, vector<16xf32>
    %min3A_1146 = arith.minimumf %min3A, %select_n3A_1145 : vector<16xf32>
    %mul3A_1147 = arith.mulf %gather3A_711, %get3A_1029 : vector<16xf32>
    %mul3A_1148 = arith.mulf %gather3A_721, %get3A_1034 : vector<16xf32>
    %add3A_1149 = arith.addf %mul3A_1147, %mul3A_1148 : vector<16xf32>
    %mul3A_1150 = arith.mulf %gather3A_731, %get3A_1039 : vector<16xf32>
    %add3A_1151 = arith.addf %add3A_1149, %mul3A_1150 : vector<16xf32>
    %mul3A_1152 = arith.mulf %gather3A_741, %get3A_1044 : vector<16xf32>
    %add3A_1153 = arith.addf %add3A_1151, %mul3A_1152 : vector<16xf32>
    %mul3A_1154 = arith.mulf %gather3A_751, %get3A_1049 : vector<16xf32>
    %mul3A_1155 = arith.mulf %gather3A_761, %get3A_1054 : vector<16xf32>
    %add3A_1156 = arith.addf %mul3A_1154, %mul3A_1155 : vector<16xf32>
    %mul3A_1157 = arith.mulf %gather3A_771, %get3A_1059 : vector<16xf32>
    %add3A_1158 = arith.addf %add3A_1156, %mul3A_1157 : vector<16xf32>
    %mul3A_1159 = arith.mulf %gather3A_781, %get3A_1064 : vector<16xf32>
    %add3A_1160 = arith.addf %add3A_1158, %mul3A_1159 : vector<16xf32>
    %mul3A_1161 = arith.mulf %gather3A_791, %get3A_1069 : vector<16xf32>
    %mul3A_1162 = arith.mulf %gather3A_801, %get3A_1074 : vector<16xf32>
    %add3A_1163 = arith.addf %mul3A_1161, %mul3A_1162 : vector<16xf32>
    %mul3A_1164 = arith.mulf %gather3A_811, %get3A_1079 : vector<16xf32>
    %add3A_1165 = arith.addf %add3A_1163, %mul3A_1164 : vector<16xf32>
    %mul3A_1166 = arith.mulf %gather3A_821, %get3A_1084 : vector<16xf32>
    %add3A_1167 = arith.addf %add3A_1165, %mul3A_1166 : vector<16xf32>
    %mul3A_1168 = arith.mulf %gather3A_831, %get3A_1089 : vector<16xf32>
    %mul3A_1169 = arith.mulf %gather3A_841, %get3A_1094 : vector<16xf32>
    %add3A_1170 = arith.addf %mul3A_1168, %mul3A_1169 : vector<16xf32>
    %mul3A_1171 = arith.mulf %gather3A_851, %get3A_1099 : vector<16xf32>
    %add3A_1172 = arith.addf %add3A_1170, %mul3A_1171 : vector<16xf32>
    %mul3A_1173 = arith.mulf %gather3A_861, %get3A_1104 : vector<16xf32>
    %add3A_1174 = arith.addf %add3A_1172, %mul3A_1173 : vector<16xf32>
    %add3A_1175 = arith.addf %add3A_1153, %add3A_1160 : vector<16xf32>
    %add3A_1176 = arith.addf %add3A_1167, %add3A_1174 : vector<16xf32>
    %add3A_1177 = arith.addf %add3A_1175, %add3A_1176 : vector<16xf32>
    %add3A_1178 = arith.addf %add3A_1177, %add3A_261 : vector<16xf32>
    %add3A_1179 = arith.constant 1 : i32
    %add3A_1180 = arith.addi %add3A_526, %add3A_1179 : i32
    %broadcast_in_dim3A_1181 = vector.broadcast %add3A_1180 : i32 to vector<16xi32>
    %eq3A_1182 = arith.cmpi eq, %add3A_1108, %broadcast_in_dim3A_1181 : vector<16xi32>
    %select_n3A_1183 = arith.select %eq3A_1182, %broadcast_in_dim3A_488, %add3A_1178 : vector<16xi1>, vector<16xf32>
    %min3A_1184 = arith.minimumf %min3A_1022, %select_n3A_1183 : vector<16xf32>
    %add3A_1185 = arith.constant 32 : i32
    %add3A_1186 = arith.addi %mul3A_36, %add3A_1185 : i32
    %get3A_1187 = arith.constant 0 : i32
    %get3A_1188 = arith.index_cast %get3A_1187 : i32 to index
    %get3A_1189 = arith.index_cast %add3A_1186 : i32 to index
    %get3A_1190 = tpu.vector_load %arg5[%get3A_1188, %get3A_1189] {strides = array<i32>} : memref<16x128xf32, #tpu.memory_space<vmem>>, vector<1x16xf32>,
    %get3A_1191 = vector.shape_cast %get3A_1190 : vector<1x16xf32> to vector<16xf32>
    %get3A_1192 = arith.constant 1 : i32
    %get3A_1193 = arith.index_cast %get3A_1192 : i32 to index
    %get3A_1194 = arith.index_cast %add3A_1186 : i32 to index
    %get3A_1195 = tpu.vector_load %arg5[%get3A_1193, %get3A_1194] {strides = array<i32>} : memref<16x128xf32, #tpu.memory_space<vmem>>, vector<1x16xf32>,
    %get3A_1196 = vector.shape_cast %get3A_1195 : vector<1x16xf32> to vector<16xf32>
    %get3A_1197 = arith.constant 2 : i32
    %get3A_1198 = arith.index_cast %get3A_1197 : i32 to index
    %get3A_1199 = arith.index_cast %add3A_1186 : i32 to index
    %get3A_1200 = tpu.vector_load %arg5[%get3A_1198, %get3A_1199] {strides = array<i32>} : memref<16x128xf32, #tpu.memory_space<vmem>>, vector<1x16xf32>,
    %get3A_1201 = vector.shape_cast %get3A_1200 : vector<1x16xf32> to vector<16xf32>
    %get3A_1202 = arith.constant 3 : i32
    %get3A_1203 = arith.index_cast %get3A_1202 : i32 to index
    %get3A_1204 = arith.index_cast %add3A_1186 : i32 to index
    %get3A_1205 = tpu.vector_load %arg5[%get3A_1203, %get3A_1204] {strides = array<i32>} : memref<16x128xf32, #tpu.memory_space<vmem>>, vector<1x16xf32>,
    %get3A_1206 = vector.shape_cast %get3A_1205 : vector<1x16xf32> to vector<16xf32>
    %get3A_1207 = arith.constant 4 : i32
    %get3A_1208 = arith.index_cast %get3A_1207 : i32 to index
    %get3A_1209 = arith.index_cast %add3A_1186 : i32 to index
    %get3A_1210 = tpu.vector_load %arg5[%get3A_1208, %get3A_1209] {strides = array<i32>} : memref<16x128xf32, #tpu.memory_space<vmem>>, vector<1x16xf32>,
    %get3A_1211 = vector.shape_cast %get3A_1210 : vector<1x16xf32> to vector<16xf32>
    %get3A_1212 = arith.constant 5 : i32
    %get3A_1213 = arith.index_cast %get3A_1212 : i32 to index
    %get3A_1214 = arith.index_cast %add3A_1186 : i32 to index
    %get3A_1215 = tpu.vector_load %arg5[%get3A_1213, %get3A_1214] {strides = array<i32>} : memref<16x128xf32, #tpu.memory_space<vmem>>, vector<1x16xf32>,
    %get3A_1216 = vector.shape_cast %get3A_1215 : vector<1x16xf32> to vector<16xf32>
    %get3A_1217 = arith.constant 6 : i32
    %get3A_1218 = arith.index_cast %get3A_1217 : i32 to index
    %get3A_1219 = arith.index_cast %add3A_1186 : i32 to index
    %get3A_1220 = tpu.vector_load %arg5[%get3A_1218, %get3A_1219] {strides = array<i32>} : memref<16x128xf32, #tpu.memory_space<vmem>>, vector<1x16xf32>,
    %get3A_1221 = vector.shape_cast %get3A_1220 : vector<1x16xf32> to vector<16xf32>
    %get3A_1222 = arith.constant 7 : i32
    %get3A_1223 = arith.index_cast %get3A_1222 : i32 to index
    %get3A_1224 = arith.index_cast %add3A_1186 : i32 to index
    %get3A_1225 = tpu.vector_load %arg5[%get3A_1223, %get3A_1224] {strides = array<i32>} : memref<16x128xf32, #tpu.memory_space<vmem>>, vector<1x16xf32>,
    %get3A_1226 = vector.shape_cast %get3A_1225 : vector<1x16xf32> to vector<16xf32>
    %get3A_1227 = arith.constant 8 : i32
    %get3A_1228 = arith.index_cast %get3A_1227 : i32 to index
    %get3A_1229 = arith.index_cast %add3A_1186 : i32 to index
    %get3A_1230 = tpu.vector_load %arg5[%get3A_1228, %get3A_1229] {strides = array<i32>} : memref<16x128xf32, #tpu.memory_space<vmem>>, vector<1x16xf32>,
    %get3A_1231 = vector.shape_cast %get3A_1230 : vector<1x16xf32> to vector<16xf32>
    %get3A_1232 = arith.constant 9 : i32
    %get3A_1233 = arith.index_cast %get3A_1232 : i32 to index
    %get3A_1234 = arith.index_cast %add3A_1186 : i32 to index
    %get3A_1235 = tpu.vector_load %arg5[%get3A_1233, %get3A_1234] {strides = array<i32>} : memref<16x128xf32, #tpu.memory_space<vmem>>, vector<1x16xf32>,
    %get3A_1236 = vector.shape_cast %get3A_1235 : vector<1x16xf32> to vector<16xf32>
    %get3A_1237 = arith.constant 10 : i32
    %get3A_1238 = arith.index_cast %get3A_1237 : i32 to index
    %get3A_1239 = arith.index_cast %add3A_1186 : i32 to index
    %get3A_1240 = tpu.vector_load %arg5[%get3A_1238, %get3A_1239] {strides = array<i32>} : memref<16x128xf32, #tpu.memory_space<vmem>>, vector<1x16xf32>,
    %get3A_1241 = vector.shape_cast %get3A_1240 : vector<1x16xf32> to vector<16xf32>
    %get3A_1242 = arith.constant 11 : i32
    %get3A_1243 = arith.index_cast %get3A_1242 : i32 to index
    %get3A_1244 = arith.index_cast %add3A_1186 : i32 to index
    %get3A_1245 = tpu.vector_load %arg5[%get3A_1243, %get3A_1244] {strides = array<i32>} : memref<16x128xf32, #tpu.memory_space<vmem>>, vector<1x16xf32>,
    %get3A_1246 = vector.shape_cast %get3A_1245 : vector<1x16xf32> to vector<16xf32>
    %get3A_1247 = arith.constant 12 : i32
    %get3A_1248 = arith.index_cast %get3A_1247 : i32 to index
    %get3A_1249 = arith.index_cast %add3A_1186 : i32 to index
    %get3A_1250 = tpu.vector_load %arg5[%get3A_1248, %get3A_1249] {strides = array<i32>} : memref<16x128xf32, #tpu.memory_space<vmem>>, vector<1x16xf32>,
    %get3A_1251 = vector.shape_cast %get3A_1250 : vector<1x16xf32> to vector<16xf32>
    %get3A_1252 = arith.constant 13 : i32
    %get3A_1253 = arith.index_cast %get3A_1252 : i32 to index
    %get3A_1254 = arith.index_cast %add3A_1186 : i32 to index
    %get3A_1255 = tpu.vector_load %arg5[%get3A_1253, %get3A_1254] {strides = array<i32>} : memref<16x128xf32, #tpu.memory_space<vmem>>, vector<1x16xf32>,
    %get3A_1256 = vector.shape_cast %get3A_1255 : vector<1x16xf32> to vector<16xf32>
    %get3A_1257 = arith.constant 14 : i32
    %get3A_1258 = arith.index_cast %get3A_1257 : i32 to index
    %get3A_1259 = arith.index_cast %add3A_1186 : i32 to index
    %get3A_1260 = tpu.vector_load %arg5[%get3A_1258, %get3A_1259] {strides = array<i32>} : memref<16x128xf32, #tpu.memory_space<vmem>>, vector<1x16xf32>,
    %get3A_1261 = vector.shape_cast %get3A_1260 : vector<1x16xf32> to vector<16xf32>
    %get3A_1262 = arith.constant 15 : i32
    %get3A_1263 = arith.index_cast %get3A_1262 : i32 to index
    %get3A_1264 = arith.index_cast %add3A_1186 : i32 to index
    %get3A_1265 = tpu.vector_load %arg5[%get3A_1263, %get3A_1264] {strides = array<i32>} : memref<16x128xf32, #tpu.memory_space<vmem>>, vector<1x16xf32>,
    %get3A_1266 = vector.shape_cast %get3A_1265 : vector<1x16xf32> to vector<16xf32>
    %add3A_1267 = arith.constant 3968 : i32
    %add3A_1268 = arith.addi %add3A_1267, %add3A_1186 : i32
    %add3A_1269 = vector.broadcast %add3A_1268 : i32 to vector<16xi32>
    %add3A_1270 = arith.addi %iota3A, %add3A_1269 : vector<16xi32>
    %mul3A_1271 = arith.mulf %gather3A_543, %get3A_1191 : vector<16xf32>
    %mul3A_1272 = arith.mulf %gather3A_553, %get3A_1196 : vector<16xf32>
    %add3A_1273 = arith.addf %mul3A_1271, %mul3A_1272 : vector<16xf32>
    %mul3A_1274 = arith.mulf %gather3A_563, %get3A_1201 : vector<16xf32>
    %add3A_1275 = arith.addf %add3A_1273, %mul3A_1274 : vector<16xf32>
    %mul3A_1276 = arith.mulf %gather3A_573, %get3A_1206 : vector<16xf32>
    %add3A_1277 = arith.addf %add3A_1275, %mul3A_1276 : vector<16xf32>
    %mul3A_1278 = arith.mulf %gather3A_583, %get3A_1211 : vector<16xf32>
    %mul3A_1279 = arith.mulf %gather3A_593, %get3A_1216 : vector<16xf32>
    %add3A_1280 = arith.addf %mul3A_1278, %mul3A_1279 : vector<16xf32>
    %mul3A_1281 = arith.mulf %gather3A_603, %get3A_1221 : vector<16xf32>
    %add3A_1282 = arith.addf %add3A_1280, %mul3A_1281 : vector<16xf32>
    %mul3A_1283 = arith.mulf %gather3A_613, %get3A_1226 : vector<16xf32>
    %add3A_1284 = arith.addf %add3A_1282, %mul3A_1283 : vector<16xf32>
    %mul3A_1285 = arith.mulf %gather3A_623, %get3A_1231 : vector<16xf32>
    %mul3A_1286 = arith.mulf %gather3A_633, %get3A_1236 : vector<16xf32>
    %add3A_1287 = arith.addf %mul3A_1285, %mul3A_1286 : vector<16xf32>
    %mul3A_1288 = arith.mulf %gather3A_643, %get3A_1241 : vector<16xf32>
    %add3A_1289 = arith.addf %add3A_1287, %mul3A_1288 : vector<16xf32>
    %mul3A_1290 = arith.mulf %gather3A_653, %get3A_1246 : vector<16xf32>
    %add3A_1291 = arith.addf %add3A_1289, %mul3A_1290 : vector<16xf32>
    %mul3A_1292 = arith.mulf %gather3A_663, %get3A_1251 : vector<16xf32>
    %mul3A_1293 = arith.mulf %gather3A_673, %get3A_1256 : vector<16xf32>
    %add3A_1294 = arith.addf %mul3A_1292, %mul3A_1293 : vector<16xf32>
    %mul3A_1295 = arith.mulf %gather3A_683, %get3A_1261 : vector<16xf32>
    %add3A_1296 = arith.addf %add3A_1294, %mul3A_1295 : vector<16xf32>
    %mul3A_1297 = arith.mulf %gather3A_693, %get3A_1266 : vector<16xf32>
    %add3A_1298 = arith.addf %add3A_1296, %mul3A_1297 : vector<16xf32>
    %add3A_1299 = arith.addf %add3A_1277, %add3A_1284 : vector<16xf32>
    %add3A_1300 = arith.addf %add3A_1291, %add3A_1298 : vector<16xf32>
    %add3A_1301 = arith.addf %add3A_1299, %add3A_1300 : vector<16xf32>
    %add3A_1302 = arith.addf %add3A_1301, %add3A_374 : vector<16xf32>
    %add3A_1303 = arith.constant 0 : i32
    %add3A_1304 = arith.addi %add3A_526, %add3A_1303 : i32
    %broadcast_in_dim3A_1305 = vector.broadcast %add3A_1304 : i32 to vector<16xi32>
    %eq3A_1306 = arith.cmpi eq, %add3A_1270, %broadcast_in_dim3A_1305 : vector<16xi32>
    %select_n3A_1307 = arith.select %eq3A_1306, %broadcast_in_dim3A_488, %add3A_1302 : vector<16xi1>, vector<16xf32>
    %min3A_1308 = arith.minimumf %min3A_1146, %select_n3A_1307 : vector<16xf32>
    %mul3A_1309 = arith.mulf %gather3A_711, %get3A_1191 : vector<16xf32>
    %mul3A_1310 = arith.mulf %gather3A_721, %get3A_1196 : vector<16xf32>
    %add3A_1311 = arith.addf %mul3A_1309, %mul3A_1310 : vector<16xf32>
    %mul3A_1312 = arith.mulf %gather3A_731, %get3A_1201 : vector<16xf32>
    %add3A_1313 = arith.addf %add3A_1311, %mul3A_1312 : vector<16xf32>
    %mul3A_1314 = arith.mulf %gather3A_741, %get3A_1206 : vector<16xf32>
    %add3A_1315 = arith.addf %add3A_1313, %mul3A_1314 : vector<16xf32>
    %mul3A_1316 = arith.mulf %gather3A_751, %get3A_1211 : vector<16xf32>
    %mul3A_1317 = arith.mulf %gather3A_761, %get3A_1216 : vector<16xf32>
    %add3A_1318 = arith.addf %mul3A_1316, %mul3A_1317 : vector<16xf32>
    %mul3A_1319 = arith.mulf %gather3A_771, %get3A_1221 : vector<16xf32>
    %add3A_1320 = arith.addf %add3A_1318, %mul3A_1319 : vector<16xf32>
    %mul3A_1321 = arith.mulf %gather3A_781, %get3A_1226 : vector<16xf32>
    %add3A_1322 = arith.addf %add3A_1320, %mul3A_1321 : vector<16xf32>
    %mul3A_1323 = arith.mulf %gather3A_791, %get3A_1231 : vector<16xf32>
    %mul3A_1324 = arith.mulf %gather3A_801, %get3A_1236 : vector<16xf32>
    %add3A_1325 = arith.addf %mul3A_1323, %mul3A_1324 : vector<16xf32>
    %mul3A_1326 = arith.mulf %gather3A_811, %get3A_1241 : vector<16xf32>
    %add3A_1327 = arith.addf %add3A_1325, %mul3A_1326 : vector<16xf32>
    %mul3A_1328 = arith.mulf %gather3A_821, %get3A_1246 : vector<16xf32>
    %add3A_1329 = arith.addf %add3A_1327, %mul3A_1328 : vector<16xf32>
    %mul3A_1330 = arith.mulf %gather3A_831, %get3A_1251 : vector<16xf32>
    %mul3A_1331 = arith.mulf %gather3A_841, %get3A_1256 : vector<16xf32>
    %add3A_1332 = arith.addf %mul3A_1330, %mul3A_1331 : vector<16xf32>
    %mul3A_1333 = arith.mulf %gather3A_851, %get3A_1261 : vector<16xf32>
    %add3A_1334 = arith.addf %add3A_1332, %mul3A_1333 : vector<16xf32>
    %mul3A_1335 = arith.mulf %gather3A_861, %get3A_1266 : vector<16xf32>
    %add3A_1336 = arith.addf %add3A_1334, %mul3A_1335 : vector<16xf32>
    %add3A_1337 = arith.addf %add3A_1315, %add3A_1322 : vector<16xf32>
    %add3A_1338 = arith.addf %add3A_1329, %add3A_1336 : vector<16xf32>
    %add3A_1339 = arith.addf %add3A_1337, %add3A_1338 : vector<16xf32>
    %add3A_1340 = arith.addf %add3A_1339, %add3A_374 : vector<16xf32>
    %add3A_1341 = arith.constant 1 : i32
    %add3A_1342 = arith.addi %add3A_526, %add3A_1341 : i32
    %broadcast_in_dim3A_1343 = vector.broadcast %add3A_1342 : i32 to vector<16xi32>
    %eq3A_1344 = arith.cmpi eq, %add3A_1270, %broadcast_in_dim3A_1343 : vector<16xi32>
    %select_n3A_1345 = arith.select %eq3A_1344, %broadcast_in_dim3A_488, %add3A_1340 : vector<16xi1>, vector<16xf32>
    %min3A_1346 = arith.minimumf %min3A_1184, %select_n3A_1345 : vector<16xf32>
    %add3A_1347 = arith.constant 48 : i32
    %add3A_1348 = arith.addi %mul3A_36, %add3A_1347 : i32
    %get3A_1349 = arith.constant 0 : i32
    %get3A_1350 = arith.index_cast %get3A_1349 : i32 to index
    %get3A_1351 = arith.index_cast %add3A_1348 : i32 to index
    %get3A_1352 = tpu.vector_load %arg5[%get3A_1350, %get3A_1351] {strides = array<i32>} : memref<16x128xf32, #tpu.memory_space<vmem>>, vector<1x16xf32>,
    %get3A_1353 = vector.shape_cast %get3A_1352 : vector<1x16xf32> to vector<16xf32>
    %get3A_1354 = arith.constant 1 : i32
    %get3A_1355 = arith.index_cast %get3A_1354 : i32 to index
    %get3A_1356 = arith.index_cast %add3A_1348 : i32 to index
    %get3A_1357 = tpu.vector_load %arg5[%get3A_1355, %get3A_1356] {strides = array<i32>} : memref<16x128xf32, #tpu.memory_space<vmem>>, vector<1x16xf32>,
    %get3A_1358 = vector.shape_cast %get3A_1357 : vector<1x16xf32> to vector<16xf32>
    %get3A_1359 = arith.constant 2 : i32
    %get3A_1360 = arith.index_cast %get3A_1359 : i32 to index
    %get3A_1361 = arith.index_cast %add3A_1348 : i32 to index
    %get3A_1362 = tpu.vector_load %arg5[%get3A_1360, %get3A_1361] {strides = array<i32>} : memref<16x128xf32, #tpu.memory_space<vmem>>, vector<1x16xf32>,
    %get3A_1363 = vector.shape_cast %get3A_1362 : vector<1x16xf32> to vector<16xf32>
    %get3A_1364 = arith.constant 3 : i32
    %get3A_1365 = arith.index_cast %get3A_1364 : i32 to index
    %get3A_1366 = arith.index_cast %add3A_1348 : i32 to index
    %get3A_1367 = tpu.vector_load %arg5[%get3A_1365, %get3A_1366] {strides = array<i32>} : memref<16x128xf32, #tpu.memory_space<vmem>>, vector<1x16xf32>,
    %get3A_1368 = vector.shape_cast %get3A_1367 : vector<1x16xf32> to vector<16xf32>
    %get3A_1369 = arith.constant 4 : i32
    %get3A_1370 = arith.index_cast %get3A_1369 : i32 to index
    %get3A_1371 = arith.index_cast %add3A_1348 : i32 to index
    %get3A_1372 = tpu.vector_load %arg5[%get3A_1370, %get3A_1371] {strides = array<i32>} : memref<16x128xf32, #tpu.memory_space<vmem>>, vector<1x16xf32>,
    %get3A_1373 = vector.shape_cast %get3A_1372 : vector<1x16xf32> to vector<16xf32>
    %get3A_1374 = arith.constant 5 : i32
    %get3A_1375 = arith.index_cast %get3A_1374 : i32 to index
    %get3A_1376 = arith.index_cast %add3A_1348 : i32 to index
    %get3A_1377 = tpu.vector_load %arg5[%get3A_1375, %get3A_1376] {strides = array<i32>} : memref<16x128xf32, #tpu.memory_space<vmem>>, vector<1x16xf32>,
    %get3A_1378 = vector.shape_cast %get3A_1377 : vector<1x16xf32> to vector<16xf32>
    %get3A_1379 = arith.constant 6 : i32
    %get3A_1380 = arith.index_cast %get3A_1379 : i32 to index
    %get3A_1381 = arith.index_cast %add3A_1348 : i32 to index
    %get3A_1382 = tpu.vector_load %arg5[%get3A_1380, %get3A_1381] {strides = array<i32>} : memref<16x128xf32, #tpu.memory_space<vmem>>, vector<1x16xf32>,
    %get3A_1383 = vector.shape_cast %get3A_1382 : vector<1x16xf32> to vector<16xf32>
    %get3A_1384 = arith.constant 7 : i32
    %get3A_1385 = arith.index_cast %get3A_1384 : i32 to index
    %get3A_1386 = arith.index_cast %add3A_1348 : i32 to index
    %get3A_1387 = tpu.vector_load %arg5[%get3A_1385, %get3A_1386] {strides = array<i32>} : memref<16x128xf32, #tpu.memory_space<vmem>>, vector<1x16xf32>,
    %get3A_1388 = vector.shape_cast %get3A_1387 : vector<1x16xf32> to vector<16xf32>
    %get3A_1389 = arith.constant 8 : i32
    %get3A_1390 = arith.index_cast %get3A_1389 : i32 to index
    %get3A_1391 = arith.index_cast %add3A_1348 : i32 to index
    %get3A_1392 = tpu.vector_load %arg5[%get3A_1390, %get3A_1391] {strides = array<i32>} : memref<16x128xf32, #tpu.memory_space<vmem>>, vector<1x16xf32>,
    %get3A_1393 = vector.shape_cast %get3A_1392 : vector<1x16xf32> to vector<16xf32>
    %get3A_1394 = arith.constant 9 : i32
    %get3A_1395 = arith.index_cast %get3A_1394 : i32 to index
    %get3A_1396 = arith.index_cast %add3A_1348 : i32 to index
    %get3A_1397 = tpu.vector_load %arg5[%get3A_1395, %get3A_1396] {strides = array<i32>} : memref<16x128xf32, #tpu.memory_space<vmem>>, vector<1x16xf32>,
    %get3A_1398 = vector.shape_cast %get3A_1397 : vector<1x16xf32> to vector<16xf32>
    %get3A_1399 = arith.constant 10 : i32
    %get3A_1400 = arith.index_cast %get3A_1399 : i32 to index
    %get3A_1401 = arith.index_cast %add3A_1348 : i32 to index
    %get3A_1402 = tpu.vector_load %arg5[%get3A_1400, %get3A_1401] {strides = array<i32>} : memref<16x128xf32, #tpu.memory_space<vmem>>, vector<1x16xf32>,
    %get3A_1403 = vector.shape_cast %get3A_1402 : vector<1x16xf32> to vector<16xf32>
    %get3A_1404 = arith.constant 11 : i32
    %get3A_1405 = arith.index_cast %get3A_1404 : i32 to index
    %get3A_1406 = arith.index_cast %add3A_1348 : i32 to index
    %get3A_1407 = tpu.vector_load %arg5[%get3A_1405, %get3A_1406] {strides = array<i32>} : memref<16x128xf32, #tpu.memory_space<vmem>>, vector<1x16xf32>,
    %get3A_1408 = vector.shape_cast %get3A_1407 : vector<1x16xf32> to vector<16xf32>
    %get3A_1409 = arith.constant 12 : i32
    %get3A_1410 = arith.index_cast %get3A_1409 : i32 to index
    %get3A_1411 = arith.index_cast %add3A_1348 : i32 to index
    %get3A_1412 = tpu.vector_load %arg5[%get3A_1410, %get3A_1411] {strides = array<i32>} : memref<16x128xf32, #tpu.memory_space<vmem>>, vector<1x16xf32>,
    %get3A_1413 = vector.shape_cast %get3A_1412 : vector<1x16xf32> to vector<16xf32>
    %get3A_1414 = arith.constant 13 : i32
    %get3A_1415 = arith.index_cast %get3A_1414 : i32 to index
    %get3A_1416 = arith.index_cast %add3A_1348 : i32 to index
    %get3A_1417 = tpu.vector_load %arg5[%get3A_1415, %get3A_1416] {strides = array<i32>} : memref<16x128xf32, #tpu.memory_space<vmem>>, vector<1x16xf32>,
    %get3A_1418 = vector.shape_cast %get3A_1417 : vector<1x16xf32> to vector<16xf32>
    %get3A_1419 = arith.constant 14 : i32
    %get3A_1420 = arith.index_cast %get3A_1419 : i32 to index
    %get3A_1421 = arith.index_cast %add3A_1348 : i32 to index
    %get3A_1422 = tpu.vector_load %arg5[%get3A_1420, %get3A_1421] {strides = array<i32>} : memref<16x128xf32, #tpu.memory_space<vmem>>, vector<1x16xf32>,
    %get3A_1423 = vector.shape_cast %get3A_1422 : vector<1x16xf32> to vector<16xf32>
    %get3A_1424 = arith.constant 15 : i32
    %get3A_1425 = arith.index_cast %get3A_1424 : i32 to index
    %get3A_1426 = arith.index_cast %add3A_1348 : i32 to index
    %get3A_1427 = tpu.vector_load %arg5[%get3A_1425, %get3A_1426] {strides = array<i32>} : memref<16x128xf32, #tpu.memory_space<vmem>>, vector<1x16xf32>,
    %get3A_1428 = vector.shape_cast %get3A_1427 : vector<1x16xf32> to vector<16xf32>
    %add3A_1429 = arith.constant 3968 : i32
    %add3A_1430 = arith.addi %add3A_1429, %add3A_1348 : i32
    %add3A_1431 = vector.broadcast %add3A_1430 : i32 to vector<16xi32>
    %add3A_1432 = arith.addi %iota3A, %add3A_1431 : vector<16xi32>
    %mul3A_1433 = arith.mulf %gather3A_543, %get3A_1353 : vector<16xf32>
    %mul3A_1434 = arith.mulf %gather3A_553, %get3A_1358 : vector<16xf32>
    %add3A_1435 = arith.addf %mul3A_1433, %mul3A_1434 : vector<16xf32>
    %mul3A_1436 = arith.mulf %gather3A_563, %get3A_1363 : vector<16xf32>
    %add3A_1437 = arith.addf %add3A_1435, %mul3A_1436 : vector<16xf32>
    %mul3A_1438 = arith.mulf %gather3A_573, %get3A_1368 : vector<16xf32>
    %add3A_1439 = arith.addf %add3A_1437, %mul3A_1438 : vector<16xf32>
    %mul3A_1440 = arith.mulf %gather3A_583, %get3A_1373 : vector<16xf32>
    %mul3A_1441 = arith.mulf %gather3A_593, %get3A_1378 : vector<16xf32>
    %add3A_1442 = arith.addf %mul3A_1440, %mul3A_1441 : vector<16xf32>
    %mul3A_1443 = arith.mulf %gather3A_603, %get3A_1383 : vector<16xf32>
    %add3A_1444 = arith.addf %add3A_1442, %mul3A_1443 : vector<16xf32>
    %mul3A_1445 = arith.mulf %gather3A_613, %get3A_1388 : vector<16xf32>
    %add3A_1446 = arith.addf %add3A_1444, %mul3A_1445 : vector<16xf32>
    %mul3A_1447 = arith.mulf %gather3A_623, %get3A_1393 : vector<16xf32>
    %mul3A_1448 = arith.mulf %gather3A_633, %get3A_1398 : vector<16xf32>
    %add3A_1449 = arith.addf %mul3A_1447, %mul3A_1448 : vector<16xf32>
    %mul3A_1450 = arith.mulf %gather3A_643, %get3A_1403 : vector<16xf32>
    %add3A_1451 = arith.addf %add3A_1449, %mul3A_1450 : vector<16xf32>
    %mul3A_1452 = arith.mulf %gather3A_653, %get3A_1408 : vector<16xf32>
    %add3A_1453 = arith.addf %add3A_1451, %mul3A_1452 : vector<16xf32>
    %mul3A_1454 = arith.mulf %gather3A_663, %get3A_1413 : vector<16xf32>
    %mul3A_1455 = arith.mulf %gather3A_673, %get3A_1418 : vector<16xf32>
    %add3A_1456 = arith.addf %mul3A_1454, %mul3A_1455 : vector<16xf32>
    %mul3A_1457 = arith.mulf %gather3A_683, %get3A_1423 : vector<16xf32>
    %add3A_1458 = arith.addf %add3A_1456, %mul3A_1457 : vector<16xf32>
    %mul3A_1459 = arith.mulf %gather3A_693, %get3A_1428 : vector<16xf32>
    %add3A_1460 = arith.addf %add3A_1458, %mul3A_1459 : vector<16xf32>
    %add3A_1461 = arith.addf %add3A_1439, %add3A_1446 : vector<16xf32>
    %add3A_1462 = arith.addf %add3A_1453, %add3A_1460 : vector<16xf32>
    %add3A_1463 = arith.addf %add3A_1461, %add3A_1462 : vector<16xf32>
    %add3A_1464 = arith.addf %add3A_1463, %add3A_487 : vector<16xf32>
    %add3A_1465 = arith.constant 0 : i32
    %add3A_1466 = arith.addi %add3A_526, %add3A_1465 : i32
    %broadcast_in_dim3A_1467 = vector.broadcast %add3A_1466 : i32 to vector<16xi32>
    %eq3A_1468 = arith.cmpi eq, %add3A_1432, %broadcast_in_dim3A_1467 : vector<16xi32>
    %select_n3A_1469 = arith.select %eq3A_1468, %broadcast_in_dim3A_488, %add3A_1464 : vector<16xi1>, vector<16xf32>
    %min3A_1470 = arith.minimumf %min3A_1308, %select_n3A_1469 : vector<16xf32>
    %mul3A_1471 = arith.mulf %gather3A_711, %get3A_1353 : vector<16xf32>
    %mul3A_1472 = arith.mulf %gather3A_721, %get3A_1358 : vector<16xf32>
    %add3A_1473 = arith.addf %mul3A_1471, %mul3A_1472 : vector<16xf32>
    %mul3A_1474 = arith.mulf %gather3A_731, %get3A_1363 : vector<16xf32>
    %add3A_1475 = arith.addf %add3A_1473, %mul3A_1474 : vector<16xf32>
    %mul3A_1476 = arith.mulf %gather3A_741, %get3A_1368 : vector<16xf32>
    %add3A_1477 = arith.addf %add3A_1475, %mul3A_1476 : vector<16xf32>
    %mul3A_1478 = arith.mulf %gather3A_751, %get3A_1373 : vector<16xf32>
    %mul3A_1479 = arith.mulf %gather3A_761, %get3A_1378 : vector<16xf32>
    %add3A_1480 = arith.addf %mul3A_1478, %mul3A_1479 : vector<16xf32>
    %mul3A_1481 = arith.mulf %gather3A_771, %get3A_1383 : vector<16xf32>
    %add3A_1482 = arith.addf %add3A_1480, %mul3A_1481 : vector<16xf32>
    %mul3A_1483 = arith.mulf %gather3A_781, %get3A_1388 : vector<16xf32>
    %add3A_1484 = arith.addf %add3A_1482, %mul3A_1483 : vector<16xf32>
    %mul3A_1485 = arith.mulf %gather3A_791, %get3A_1393 : vector<16xf32>
    %mul3A_1486 = arith.mulf %gather3A_801, %get3A_1398 : vector<16xf32>
    %add3A_1487 = arith.addf %mul3A_1485, %mul3A_1486 : vector<16xf32>
    %mul3A_1488 = arith.mulf %gather3A_811, %get3A_1403 : vector<16xf32>
    %add3A_1489 = arith.addf %add3A_1487, %mul3A_1488 : vector<16xf32>
    %mul3A_1490 = arith.mulf %gather3A_821, %get3A_1408 : vector<16xf32>
    %add3A_1491 = arith.addf %add3A_1489, %mul3A_1490 : vector<16xf32>
    %mul3A_1492 = arith.mulf %gather3A_831, %get3A_1413 : vector<16xf32>
    %mul3A_1493 = arith.mulf %gather3A_841, %get3A_1418 : vector<16xf32>
    %add3A_1494 = arith.addf %mul3A_1492, %mul3A_1493 : vector<16xf32>
    %mul3A_1495 = arith.mulf %gather3A_851, %get3A_1423 : vector<16xf32>
    %add3A_1496 = arith.addf %add3A_1494, %mul3A_1495 : vector<16xf32>
    %mul3A_1497 = arith.mulf %gather3A_861, %get3A_1428 : vector<16xf32>
    %add3A_1498 = arith.addf %add3A_1496, %mul3A_1497 : vector<16xf32>
    %add3A_1499 = arith.addf %add3A_1477, %add3A_1484 : vector<16xf32>
    %add3A_1500 = arith.addf %add3A_1491, %add3A_1498 : vector<16xf32>
    %add3A_1501 = arith.addf %add3A_1499, %add3A_1500 : vector<16xf32>
    %add3A_1502 = arith.addf %add3A_1501, %add3A_487 : vector<16xf32>
    %add3A_1503 = arith.constant 1 : i32
    %add3A_1504 = arith.addi %add3A_526, %add3A_1503 : i32
    %broadcast_in_dim3A_1505 = vector.broadcast %add3A_1504 : i32 to vector<16xi32>
    %eq3A_1506 = arith.cmpi eq, %add3A_1432, %broadcast_in_dim3A_1505 : vector<16xi32>
    %select_n3A_1507 = arith.select %eq3A_1506, %broadcast_in_dim3A_488, %add3A_1502 : vector<16xi1>, vector<16xf32>
    %min3A_1508 = arith.minimumf %min3A_1346, %select_n3A_1507 : vector<16xf32>
    %swap3A = arith.constant 0 : i32
    %swap3A_1509 = arith.index_cast %swap3A : i32 to index
    %swap3A_1510 = arith.constant 0 : index
    %swap3A_1511 = tpu.vector_load %arg7[%swap3A_1509, %swap3A_1510] {strides = array<i32>} : memref<8x16xf32, #tpu.memory_space<vmem>>, vector<1x16xf32>,
    %swap3A_1512 = vector.shape_cast %swap3A_1511 : vector<1x16xf32> to vector<16xf32>
    %swap3A_1513 = vector.shape_cast %min3A_1470 : vector<16xf32> to vector<1x16xf32>
    tpu.vector_store %arg7[%swap3A_1509, %swap3A_1510], %swap3A_1513 {strides = array<i32>} : memref<8x16xf32, #tpu.memory_space<vmem>>, vector<1x16xf32>,
    %swap3A_1514 = arith.constant 1 : i32
    %swap3A_1515 = arith.index_cast %swap3A_1514 : i32 to index
    %swap3A_1516 = arith.constant 0 : index
    %swap3A_1517 = tpu.vector_load %arg7[%swap3A_1515, %swap3A_1516] {strides = array<i32>} : memref<8x16xf32, #tpu.memory_space<vmem>>, vector<1x16xf32>,
    %swap3A_1518 = vector.shape_cast %swap3A_1517 : vector<1x16xf32> to vector<16xf32>
    %swap3A_1519 = vector.shape_cast %min3A_1508 : vector<16xf32> to vector<1x16xf32>
    tpu.vector_store %arg7[%swap3A_1515, %swap3A_1516], %swap3A_1519 {strides = array<i32>} : memref<8x16xf32, #tpu.memory_space<vmem>>, vector<1x16xf32>,
    %mul3A_1520 = arith.constant 8 : i32
    %mul3A_1521 = arith.muli %select_n3A, %mul3A_1520 : i32
    %add3A_1522 = arith.constant 3968 : i32
    %add3A_1523 = arith.addi %add3A_1522, %mul3A_1521 : i32
    %add3A_1524 = arith.constant 2 : i32
    %add3A_1525 = arith.addi %add3A_1523, %add3A_1524 : i32
    %get3A_1526 = arith.constant 2 : i32
    %get3A_1527 = arith.index_cast %get3A_1526 : i32 to index
    %get3A_1528 = arith.constant 0 : index
    %get3A_1529 = tpu.vector_load %arg6[%get3A_1527, %get3A_1528] {strides = array<i32>} : memref<8x16xf32, #tpu.memory_space<vmem>>, vector<1x16xf32>,
    %get3A_1530 = vector.shape_cast %get3A_1529 : vector<1x16xf32> to vector<16xf32>
    %mul3A_1531 = arith.constant -2.000000e+00 : f32
    %mul3A_1532 = vector.broadcast %mul3A_1531 : f32 to vector<16xf32>
    %mul3A_1533 = arith.mulf %get3A_1530, %mul3A_1532 : vector<16xf32>
    %lt3A_1534 = arith.constant 0 : i32
    %lt3A_1535 = vector.broadcast %lt3A_1534 : i32 to vector<16xi32>
    %lt3A_1536 = arith.cmpi slt, %broadcast_in_dim3A_490, %lt3A_1535 : vector<16xi32>
    %add3A_1537 = arith.constant 16 : i32
    %add3A_1538 = vector.broadcast %add3A_1537 : i32 to vector<16xi32>
    %add3A_1539 = arith.addi %broadcast_in_dim3A_490, %add3A_1538 : vector<16xi32>
    %select_n3A_1540 = arith.select %lt3A_1536, %add3A_1539, %broadcast_in_dim3A_490 : vector<16xi1>, vector<16xi32>
    %broadcast_in_dim3A_1541 = vector.shape_cast %select_n3A_1540 : vector<16xi32> to vector<16x1xi32>
    %gather3A_1542 = vector.shape_cast %broadcast_in_dim3A_1541 : vector<16x1xi32> to vector<16xi32>
    %gather3A_1543 = tpu.dynamic_gather %mul3A_1533[%gather3A_1542] in [0] : vector<16xf32>, vector<16xi32> -> vector<16xf32>
    %lt3A_1544 = arith.constant 0 : i32
    %lt3A_1545 = vector.broadcast %lt3A_1544 : i32 to vector<16xi32>
    %lt3A_1546 = arith.cmpi slt, %broadcast_in_dim3A_492, %lt3A_1545 : vector<16xi32>
    %add3A_1547 = arith.constant 16 : i32
    %add3A_1548 = vector.broadcast %add3A_1547 : i32 to vector<16xi32>
    %add3A_1549 = arith.addi %broadcast_in_dim3A_492, %add3A_1548 : vector<16xi32>
    %select_n3A_1550 = arith.select %lt3A_1546, %add3A_1549, %broadcast_in_dim3A_492 : vector<16xi1>, vector<16xi32>
    %broadcast_in_dim3A_1551 = vector.shape_cast %select_n3A_1550 : vector<16xi32> to vector<16x1xi32>
    %gather3A_1552 = vector.shape_cast %broadcast_in_dim3A_1551 : vector<16x1xi32> to vector<16xi32>
    %gather3A_1553 = tpu.dynamic_gather %mul3A_1533[%gather3A_1552] in [0] : vector<16xf32>, vector<16xi32> -> vector<16xf32>
    %lt3A_1554 = arith.constant 0 : i32
    %lt3A_1555 = vector.broadcast %lt3A_1554 : i32 to vector<16xi32>
    %lt3A_1556 = arith.cmpi slt, %broadcast_in_dim3A_494, %lt3A_1555 : vector<16xi32>
    %add3A_1557 = arith.constant 16 : i32
    %add3A_1558 = vector.broadcast %add3A_1557 : i32 to vector<16xi32>
    %add3A_1559 = arith.addi %broadcast_in_dim3A_494, %add3A_1558 : vector<16xi32>
    %select_n3A_1560 = arith.select %lt3A_1556, %add3A_1559, %broadcast_in_dim3A_494 : vector<16xi1>, vector<16xi32>
    %broadcast_in_dim3A_1561 = vector.shape_cast %select_n3A_1560 : vector<16xi32> to vector<16x1xi32>
    %gather3A_1562 = vector.shape_cast %broadcast_in_dim3A_1561 : vector<16x1xi32> to vector<16xi32>
    %gather3A_1563 = tpu.dynamic_gather %mul3A_1533[%gather3A_1562] in [0] : vector<16xf32>, vector<16xi32> -> vector<16xf32>
    %lt3A_1564 = arith.constant 0 : i32
    %lt3A_1565 = vector.broadcast %lt3A_1564 : i32 to vector<16xi32>
    %lt3A_1566 = arith.cmpi slt, %broadcast_in_dim3A_496, %lt3A_1565 : vector<16xi32>
    %add3A_1567 = arith.constant 16 : i32
    %add3A_1568 = vector.broadcast %add3A_1567 : i32 to vector<16xi32>
    %add3A_1569 = arith.addi %broadcast_in_dim3A_496, %add3A_1568 : vector<16xi32>
    %select_n3A_1570 = arith.select %lt3A_1566, %add3A_1569, %broadcast_in_dim3A_496 : vector<16xi1>, vector<16xi32>
    %broadcast_in_dim3A_1571 = vector.shape_cast %select_n3A_1570 : vector<16xi32> to vector<16x1xi32>
    %gather3A_1572 = vector.shape_cast %broadcast_in_dim3A_1571 : vector<16x1xi32> to vector<16xi32>
    %gather3A_1573 = tpu.dynamic_gather %mul3A_1533[%gather3A_1572] in [0] : vector<16xf32>, vector<16xi32> -> vector<16xf32>
    %lt3A_1574 = arith.constant 0 : i32
    %lt3A_1575 = vector.broadcast %lt3A_1574 : i32 to vector<16xi32>
    %lt3A_1576 = arith.cmpi slt, %broadcast_in_dim3A_498, %lt3A_1575 : vector<16xi32>
    %add3A_1577 = arith.constant 16 : i32
    %add3A_1578 = vector.broadcast %add3A_1577 : i32 to vector<16xi32>
    %add3A_1579 = arith.addi %broadcast_in_dim3A_498, %add3A_1578 : vector<16xi32>
    %select_n3A_1580 = arith.select %lt3A_1576, %add3A_1579, %broadcast_in_dim3A_498 : vector<16xi1>, vector<16xi32>
    %broadcast_in_dim3A_1581 = vector.shape_cast %select_n3A_1580 : vector<16xi32> to vector<16x1xi32>
    %gather3A_1582 = vector.shape_cast %broadcast_in_dim3A_1581 : vector<16x1xi32> to vector<16xi32>
    %gather3A_1583 = tpu.dynamic_gather %mul3A_1533[%gather3A_1582] in [0] : vector<16xf32>, vector<16xi32> -> vector<16xf32>
    %lt3A_1584 = arith.constant 0 : i32
    %lt3A_1585 = vector.broadcast %lt3A_1584 : i32 to vector<16xi32>
    %lt3A_1586 = arith.cmpi slt, %broadcast_in_dim3A_500, %lt3A_1585 : vector<16xi32>
    %add3A_1587 = arith.constant 16 : i32
    %add3A_1588 = vector.broadcast %add3A_1587 : i32 to vector<16xi32>
    %add3A_1589 = arith.addi %broadcast_in_dim3A_500, %add3A_1588 : vector<16xi32>
    %select_n3A_1590 = arith.select %lt3A_1586, %add3A_1589, %broadcast_in_dim3A_500 : vector<16xi1>, vector<16xi32>
    %broadcast_in_dim3A_1591 = vector.shape_cast %select_n3A_1590 : vector<16xi32> to vector<16x1xi32>
    %gather3A_1592 = vector.shape_cast %broadcast_in_dim3A_1591 : vector<16x1xi32> to vector<16xi32>
    %gather3A_1593 = tpu.dynamic_gather %mul3A_1533[%gather3A_1592] in [0] : vector<16xf32>, vector<16xi32> -> vector<16xf32>
    %lt3A_1594 = arith.constant 0 : i32
    %lt3A_1595 = vector.broadcast %lt3A_1594 : i32 to vector<16xi32>
    %lt3A_1596 = arith.cmpi slt, %broadcast_in_dim3A_502, %lt3A_1595 : vector<16xi32>
    %add3A_1597 = arith.constant 16 : i32
    %add3A_1598 = vector.broadcast %add3A_1597 : i32 to vector<16xi32>
    %add3A_1599 = arith.addi %broadcast_in_dim3A_502, %add3A_1598 : vector<16xi32>
    %select_n3A_1600 = arith.select %lt3A_1596, %add3A_1599, %broadcast_in_dim3A_502 : vector<16xi1>, vector<16xi32>
    %broadcast_in_dim3A_1601 = vector.shape_cast %select_n3A_1600 : vector<16xi32> to vector<16x1xi32>
    %gather3A_1602 = vector.shape_cast %broadcast_in_dim3A_1601 : vector<16x1xi32> to vector<16xi32>
    %gather3A_1603 = tpu.dynamic_gather %mul3A_1533[%gather3A_1602] in [0] : vector<16xf32>, vector<16xi32> -> vector<16xf32>
    %lt3A_1604 = arith.constant 0 : i32
    %lt3A_1605 = vector.broadcast %lt3A_1604 : i32 to vector<16xi32>
    %lt3A_1606 = arith.cmpi slt, %broadcast_in_dim3A_504, %lt3A_1605 : vector<16xi32>
    %add3A_1607 = arith.constant 16 : i32
    %add3A_1608 = vector.broadcast %add3A_1607 : i32 to vector<16xi32>
    %add3A_1609 = arith.addi %broadcast_in_dim3A_504, %add3A_1608 : vector<16xi32>
    %select_n3A_1610 = arith.select %lt3A_1606, %add3A_1609, %broadcast_in_dim3A_504 : vector<16xi1>, vector<16xi32>
    %broadcast_in_dim3A_1611 = vector.shape_cast %select_n3A_1610 : vector<16xi32> to vector<16x1xi32>
    %gather3A_1612 = vector.shape_cast %broadcast_in_dim3A_1611 : vector<16x1xi32> to vector<16xi32>
    %gather3A_1613 = tpu.dynamic_gather %mul3A_1533[%gather3A_1612] in [0] : vector<16xf32>, vector<16xi32> -> vector<16xf32>
    %lt3A_1614 = arith.constant 0 : i32
    %lt3A_1615 = vector.broadcast %lt3A_1614 : i32 to vector<16xi32>
    %lt3A_1616 = arith.cmpi slt, %broadcast_in_dim3A_506, %lt3A_1615 : vector<16xi32>
    %add3A_1617 = arith.constant 16 : i32
    %add3A_1618 = vector.broadcast %add3A_1617 : i32 to vector<16xi32>
    %add3A_1619 = arith.addi %broadcast_in_dim3A_506, %add3A_1618 : vector<16xi32>
    %select_n3A_1620 = arith.select %lt3A_1616, %add3A_1619, %broadcast_in_dim3A_506 : vector<16xi1>, vector<16xi32>
    %broadcast_in_dim3A_1621 = vector.shape_cast %select_n3A_1620 : vector<16xi32> to vector<16x1xi32>
    %gather3A_1622 = vector.shape_cast %broadcast_in_dim3A_1621 : vector<16x1xi32> to vector<16xi32>
    %gather3A_1623 = tpu.dynamic_gather %mul3A_1533[%gather3A_1622] in [0] : vector<16xf32>, vector<16xi32> -> vector<16xf32>
    %lt3A_1624 = arith.constant 0 : i32
    %lt3A_1625 = vector.broadcast %lt3A_1624 : i32 to vector<16xi32>
    %lt3A_1626 = arith.cmpi slt, %broadcast_in_dim3A_508, %lt3A_1625 : vector<16xi32>
    %add3A_1627 = arith.constant 16 : i32
    %add3A_1628 = vector.broadcast %add3A_1627 : i32 to vector<16xi32>
    %add3A_1629 = arith.addi %broadcast_in_dim3A_508, %add3A_1628 : vector<16xi32>
    %select_n3A_1630 = arith.select %lt3A_1626, %add3A_1629, %broadcast_in_dim3A_508 : vector<16xi1>, vector<16xi32>
    %broadcast_in_dim3A_1631 = vector.shape_cast %select_n3A_1630 : vector<16xi32> to vector<16x1xi32>
    %gather3A_1632 = vector.shape_cast %broadcast_in_dim3A_1631 : vector<16x1xi32> to vector<16xi32>
    %gather3A_1633 = tpu.dynamic_gather %mul3A_1533[%gather3A_1632] in [0] : vector<16xf32>, vector<16xi32> -> vector<16xf32>
    %lt3A_1634 = arith.constant 0 : i32
    %lt3A_1635 = vector.broadcast %lt3A_1634 : i32 to vector<16xi32>
    %lt3A_1636 = arith.cmpi slt, %broadcast_in_dim3A_510, %lt3A_1635 : vector<16xi32>
    %add3A_1637 = arith.constant 16 : i32
    %add3A_1638 = vector.broadcast %add3A_1637 : i32 to vector<16xi32>
    %add3A_1639 = arith.addi %broadcast_in_dim3A_510, %add3A_1638 : vector<16xi32>
    %select_n3A_1640 = arith.select %lt3A_1636, %add3A_1639, %broadcast_in_dim3A_510 : vector<16xi1>, vector<16xi32>
    %broadcast_in_dim3A_1641 = vector.shape_cast %select_n3A_1640 : vector<16xi32> to vector<16x1xi32>
    %gather3A_1642 = vector.shape_cast %broadcast_in_dim3A_1641 : vector<16x1xi32> to vector<16xi32>
    %gather3A_1643 = tpu.dynamic_gather %mul3A_1533[%gather3A_1642] in [0] : vector<16xf32>, vector<16xi32> -> vector<16xf32>
    %lt3A_1644 = arith.constant 0 : i32
    %lt3A_1645 = vector.broadcast %lt3A_1644 : i32 to vector<16xi32>
    %lt3A_1646 = arith.cmpi slt, %broadcast_in_dim3A_512, %lt3A_1645 : vector<16xi32>
    %add3A_1647 = arith.constant 16 : i32
    %add3A_1648 = vector.broadcast %add3A_1647 : i32 to vector<16xi32>
    %add3A_1649 = arith.addi %broadcast_in_dim3A_512, %add3A_1648 : vector<16xi32>
    %select_n3A_1650 = arith.select %lt3A_1646, %add3A_1649, %broadcast_in_dim3A_512 : vector<16xi1>, vector<16xi32>
    %broadcast_in_dim3A_1651 = vector.shape_cast %select_n3A_1650 : vector<16xi32> to vector<16x1xi32>
    %gather3A_1652 = vector.shape_cast %broadcast_in_dim3A_1651 : vector<16x1xi32> to vector<16xi32>
    %gather3A_1653 = tpu.dynamic_gather %mul3A_1533[%gather3A_1652] in [0] : vector<16xf32>, vector<16xi32> -> vector<16xf32>
    %lt3A_1654 = arith.constant 0 : i32
    %lt3A_1655 = vector.broadcast %lt3A_1654 : i32 to vector<16xi32>
    %lt3A_1656 = arith.cmpi slt, %broadcast_in_dim3A_514, %lt3A_1655 : vector<16xi32>
    %add3A_1657 = arith.constant 16 : i32
    %add3A_1658 = vector.broadcast %add3A_1657 : i32 to vector<16xi32>
    %add3A_1659 = arith.addi %broadcast_in_dim3A_514, %add3A_1658 : vector<16xi32>
    %select_n3A_1660 = arith.select %lt3A_1656, %add3A_1659, %broadcast_in_dim3A_514 : vector<16xi1>, vector<16xi32>
    %broadcast_in_dim3A_1661 = vector.shape_cast %select_n3A_1660 : vector<16xi32> to vector<16x1xi32>
    %gather3A_1662 = vector.shape_cast %broadcast_in_dim3A_1661 : vector<16x1xi32> to vector<16xi32>
    %gather3A_1663 = tpu.dynamic_gather %mul3A_1533[%gather3A_1662] in [0] : vector<16xf32>, vector<16xi32> -> vector<16xf32>
    %lt3A_1664 = arith.constant 0 : i32
    %lt3A_1665 = vector.broadcast %lt3A_1664 : i32 to vector<16xi32>
    %lt3A_1666 = arith.cmpi slt, %broadcast_in_dim3A_516, %lt3A_1665 : vector<16xi32>
    %add3A_1667 = arith.constant 16 : i32
    %add3A_1668 = vector.broadcast %add3A_1667 : i32 to vector<16xi32>
    %add3A_1669 = arith.addi %broadcast_in_dim3A_516, %add3A_1668 : vector<16xi32>
    %select_n3A_1670 = arith.select %lt3A_1666, %add3A_1669, %broadcast_in_dim3A_516 : vector<16xi1>, vector<16xi32>
    %broadcast_in_dim3A_1671 = vector.shape_cast %select_n3A_1670 : vector<16xi32> to vector<16x1xi32>
    %gather3A_1672 = vector.shape_cast %broadcast_in_dim3A_1671 : vector<16x1xi32> to vector<16xi32>
    %gather3A_1673 = tpu.dynamic_gather %mul3A_1533[%gather3A_1672] in [0] : vector<16xf32>, vector<16xi32> -> vector<16xf32>
    %lt3A_1674 = arith.constant 0 : i32
    %lt3A_1675 = vector.broadcast %lt3A_1674 : i32 to vector<16xi32>
    %lt3A_1676 = arith.cmpi slt, %broadcast_in_dim3A_518, %lt3A_1675 : vector<16xi32>
    %add3A_1677 = arith.constant 16 : i32
    %add3A_1678 = vector.broadcast %add3A_1677 : i32 to vector<16xi32>
    %add3A_1679 = arith.addi %broadcast_in_dim3A_518, %add3A_1678 : vector<16xi32>
    %select_n3A_1680 = arith.select %lt3A_1676, %add3A_1679, %broadcast_in_dim3A_518 : vector<16xi1>, vector<16xi32>
    %broadcast_in_dim3A_1681 = vector.shape_cast %select_n3A_1680 : vector<16xi32> to vector<16x1xi32>
    %gather3A_1682 = vector.shape_cast %broadcast_in_dim3A_1681 : vector<16x1xi32> to vector<16xi32>
    %gather3A_1683 = tpu.dynamic_gather %mul3A_1533[%gather3A_1682] in [0] : vector<16xf32>, vector<16xi32> -> vector<16xf32>
    %lt3A_1684 = arith.constant 0 : i32
    %lt3A_1685 = vector.broadcast %lt3A_1684 : i32 to vector<16xi32>
    %lt3A_1686 = arith.cmpi slt, %broadcast_in_dim3A_520, %lt3A_1685 : vector<16xi32>
    %add3A_1687 = arith.constant 16 : i32
    %add3A_1688 = vector.broadcast %add3A_1687 : i32 to vector<16xi32>
    %add3A_1689 = arith.addi %broadcast_in_dim3A_520, %add3A_1688 : vector<16xi32>
    %select_n3A_1690 = arith.select %lt3A_1686, %add3A_1689, %broadcast_in_dim3A_520 : vector<16xi1>, vector<16xi32>
    %broadcast_in_dim3A_1691 = vector.shape_cast %select_n3A_1690 : vector<16xi32> to vector<16x1xi32>
    %gather3A_1692 = vector.shape_cast %broadcast_in_dim3A_1691 : vector<16x1xi32> to vector<16xi32>
    %gather3A_1693 = tpu.dynamic_gather %mul3A_1533[%gather3A_1692] in [0] : vector<16xf32>, vector<16xi32> -> vector<16xf32>
    %get3A_1694 = arith.constant 3 : i32
    %get3A_1695 = arith.index_cast %get3A_1694 : i32 to index
    %get3A_1696 = arith.constant 0 : index
    %get3A_1697 = tpu.vector_load %arg6[%get3A_1695, %get3A_1696] {strides = array<i32>} : memref<8x16xf32, #tpu.memory_space<vmem>>, vector<1x16xf32>,
    %get3A_1698 = vector.shape_cast %get3A_1697 : vector<1x16xf32> to vector<16xf32>
    %mul3A_1699 = arith.constant -2.000000e+00 : f32
    %mul3A_1700 = vector.broadcast %mul3A_1699 : f32 to vector<16xf32>
    %mul3A_1701 = arith.mulf %get3A_1698, %mul3A_1700 : vector<16xf32>
    %lt3A_1702 = arith.constant 0 : i32
    %lt3A_1703 = vector.broadcast %lt3A_1702 : i32 to vector<16xi32>
    %lt3A_1704 = arith.cmpi slt, %broadcast_in_dim3A_490, %lt3A_1703 : vector<16xi32>
    %add3A_1705 = arith.constant 16 : i32
    %add3A_1706 = vector.broadcast %add3A_1705 : i32 to vector<16xi32>
    %add3A_1707 = arith.addi %broadcast_in_dim3A_490, %add3A_1706 : vector<16xi32>
    %select_n3A_1708 = arith.select %lt3A_1704, %add3A_1707, %broadcast_in_dim3A_490 : vector<16xi1>, vector<16xi32>
    %broadcast_in_dim3A_1709 = vector.shape_cast %select_n3A_1708 : vector<16xi32> to vector<16x1xi32>
    %gather3A_1710 = vector.shape_cast %broadcast_in_dim3A_1709 : vector<16x1xi32> to vector<16xi32>
    %gather3A_1711 = tpu.dynamic_gather %mul3A_1701[%gather3A_1710] in [0] : vector<16xf32>, vector<16xi32> -> vector<16xf32>
    %lt3A_1712 = arith.constant 0 : i32
    %lt3A_1713 = vector.broadcast %lt3A_1712 : i32 to vector<16xi32>
    %lt3A_1714 = arith.cmpi slt, %broadcast_in_dim3A_492, %lt3A_1713 : vector<16xi32>
    %add3A_1715 = arith.constant 16 : i32
    %add3A_1716 = vector.broadcast %add3A_1715 : i32 to vector<16xi32>
    %add3A_1717 = arith.addi %broadcast_in_dim3A_492, %add3A_1716 : vector<16xi32>
    %select_n3A_1718 = arith.select %lt3A_1714, %add3A_1717, %broadcast_in_dim3A_492 : vector<16xi1>, vector<16xi32>
    %broadcast_in_dim3A_1719 = vector.shape_cast %select_n3A_1718 : vector<16xi32> to vector<16x1xi32>
    %gather3A_1720 = vector.shape_cast %broadcast_in_dim3A_1719 : vector<16x1xi32> to vector<16xi32>
    %gather3A_1721 = tpu.dynamic_gather %mul3A_1701[%gather3A_1720] in [0] : vector<16xf32>, vector<16xi32> -> vector<16xf32>
    %lt3A_1722 = arith.constant 0 : i32
    %lt3A_1723 = vector.broadcast %lt3A_1722 : i32 to vector<16xi32>
    %lt3A_1724 = arith.cmpi slt, %broadcast_in_dim3A_494, %lt3A_1723 : vector<16xi32>
    %add3A_1725 = arith.constant 16 : i32
    %add3A_1726 = vector.broadcast %add3A_1725 : i32 to vector<16xi32>
    %add3A_1727 = arith.addi %broadcast_in_dim3A_494, %add3A_1726 : vector<16xi32>
    %select_n3A_1728 = arith.select %lt3A_1724, %add3A_1727, %broadcast_in_dim3A_494 : vector<16xi1>, vector<16xi32>
    %broadcast_in_dim3A_1729 = vector.shape_cast %select_n3A_1728 : vector<16xi32> to vector<16x1xi32>
    %gather3A_1730 = vector.shape_cast %broadcast_in_dim3A_1729 : vector<16x1xi32> to vector<16xi32>
    %gather3A_1731 = tpu.dynamic_gather %mul3A_1701[%gather3A_1730] in [0] : vector<16xf32>, vector<16xi32> -> vector<16xf32>
    %lt3A_1732 = arith.constant 0 : i32
    %lt3A_1733 = vector.broadcast %lt3A_1732 : i32 to vector<16xi32>
    %lt3A_1734 = arith.cmpi slt, %broadcast_in_dim3A_496, %lt3A_1733 : vector<16xi32>
    %add3A_1735 = arith.constant 16 : i32
    %add3A_1736 = vector.broadcast %add3A_1735 : i32 to vector<16xi32>
    %add3A_1737 = arith.addi %broadcast_in_dim3A_496, %add3A_1736 : vector<16xi32>
    %select_n3A_1738 = arith.select %lt3A_1734, %add3A_1737, %broadcast_in_dim3A_496 : vector<16xi1>, vector<16xi32>
    %broadcast_in_dim3A_1739 = vector.shape_cast %select_n3A_1738 : vector<16xi32> to vector<16x1xi32>
    %gather3A_1740 = vector.shape_cast %broadcast_in_dim3A_1739 : vector<16x1xi32> to vector<16xi32>
    %gather3A_1741 = tpu.dynamic_gather %mul3A_1701[%gather3A_1740] in [0] : vector<16xf32>, vector<16xi32> -> vector<16xf32>
    %lt3A_1742 = arith.constant 0 : i32
    %lt3A_1743 = vector.broadcast %lt3A_1742 : i32 to vector<16xi32>
    %lt3A_1744 = arith.cmpi slt, %broadcast_in_dim3A_498, %lt3A_1743 : vector<16xi32>
    %add3A_1745 = arith.constant 16 : i32
    %add3A_1746 = vector.broadcast %add3A_1745 : i32 to vector<16xi32>
    %add3A_1747 = arith.addi %broadcast_in_dim3A_498, %add3A_1746 : vector<16xi32>
    %select_n3A_1748 = arith.select %lt3A_1744, %add3A_1747, %broadcast_in_dim3A_498 : vector<16xi1>, vector<16xi32>
    %broadcast_in_dim3A_1749 = vector.shape_cast %select_n3A_1748 : vector<16xi32> to vector<16x1xi32>
    %gather3A_1750 = vector.shape_cast %broadcast_in_dim3A_1749 : vector<16x1xi32> to vector<16xi32>
    %gather3A_1751 = tpu.dynamic_gather %mul3A_1701[%gather3A_1750] in [0] : vector<16xf32>, vector<16xi32> -> vector<16xf32>
    %lt3A_1752 = arith.constant 0 : i32
    %lt3A_1753 = vector.broadcast %lt3A_1752 : i32 to vector<16xi32>
    %lt3A_1754 = arith.cmpi slt, %broadcast_in_dim3A_500, %lt3A_1753 : vector<16xi32>
    %add3A_1755 = arith.constant 16 : i32
    %add3A_1756 = vector.broadcast %add3A_1755 : i32 to vector<16xi32>
    %add3A_1757 = arith.addi %broadcast_in_dim3A_500, %add3A_1756 : vector<16xi32>
    %select_n3A_1758 = arith.select %lt3A_1754, %add3A_1757, %broadcast_in_dim3A_500 : vector<16xi1>, vector<16xi32>
    %broadcast_in_dim3A_1759 = vector.shape_cast %select_n3A_1758 : vector<16xi32> to vector<16x1xi32>
    %gather3A_1760 = vector.shape_cast %broadcast_in_dim3A_1759 : vector<16x1xi32> to vector<16xi32>
    %gather3A_1761 = tpu.dynamic_gather %mul3A_1701[%gather3A_1760] in [0] : vector<16xf32>, vector<16xi32> -> vector<16xf32>
    %lt3A_1762 = arith.constant 0 : i32
    %lt3A_1763 = vector.broadcast %lt3A_1762 : i32 to vector<16xi32>
    %lt3A_1764 = arith.cmpi slt, %broadcast_in_dim3A_502, %lt3A_1763 : vector<16xi32>
    %add3A_1765 = arith.constant 16 : i32
    %add3A_1766 = vector.broadcast %add3A_1765 : i32 to vector<16xi32>
    %add3A_1767 = arith.addi %broadcast_in_dim3A_502, %add3A_1766 : vector<16xi32>
    %select_n3A_1768 = arith.select %lt3A_1764, %add3A_1767, %broadcast_in_dim3A_502 : vector<16xi1>, vector<16xi32>
    %broadcast_in_dim3A_1769 = vector.shape_cast %select_n3A_1768 : vector<16xi32> to vector<16x1xi32>
    %gather3A_1770 = vector.shape_cast %broadcast_in_dim3A_1769 : vector<16x1xi32> to vector<16xi32>
    %gather3A_1771 = tpu.dynamic_gather %mul3A_1701[%gather3A_1770] in [0] : vector<16xf32>, vector<16xi32> -> vector<16xf32>
    %lt3A_1772 = arith.constant 0 : i32
    %lt3A_1773 = vector.broadcast %lt3A_1772 : i32 to vector<16xi32>
    %lt3A_1774 = arith.cmpi slt, %broadcast_in_dim3A_504, %lt3A_1773 : vector<16xi32>
    %add3A_1775 = arith.constant 16 : i32
    %add3A_1776 = vector.broadcast %add3A_1775 : i32 to vector<16xi32>
    %add3A_1777 = arith.addi %broadcast_in_dim3A_504, %add3A_1776 : vector<16xi32>
    %select_n3A_1778 = arith.select %lt3A_1774, %add3A_1777, %broadcast_in_dim3A_504 : vector<16xi1>, vector<16xi32>
    %broadcast_in_dim3A_1779 = vector.shape_cast %select_n3A_1778 : vector<16xi32> to vector<16x1xi32>
    %gather3A_1780 = vector.shape_cast %broadcast_in_dim3A_1779 : vector<16x1xi32> to vector<16xi32>
    %gather3A_1781 = tpu.dynamic_gather %mul3A_1701[%gather3A_1780] in [0] : vector<16xf32>, vector<16xi32> -> vector<16xf32>
    %lt3A_1782 = arith.constant 0 : i32
    %lt3A_1783 = vector.broadcast %lt3A_1782 : i32 to vector<16xi32>
    %lt3A_1784 = arith.cmpi slt, %broadcast_in_dim3A_506, %lt3A_1783 : vector<16xi32>
    %add3A_1785 = arith.constant 16 : i32
    %add3A_1786 = vector.broadcast %add3A_1785 : i32 to vector<16xi32>
    %add3A_1787 = arith.addi %broadcast_in_dim3A_506, %add3A_1786 : vector<16xi32>
    %select_n3A_1788 = arith.select %lt3A_1784, %add3A_1787, %broadcast_in_dim3A_506 : vector<16xi1>, vector<16xi32>
    %broadcast_in_dim3A_1789 = vector.shape_cast %select_n3A_1788 : vector<16xi32> to vector<16x1xi32>
    %gather3A_1790 = vector.shape_cast %broadcast_in_dim3A_1789 : vector<16x1xi32> to vector<16xi32>
    %gather3A_1791 = tpu.dynamic_gather %mul3A_1701[%gather3A_1790] in [0] : vector<16xf32>, vector<16xi32> -> vector<16xf32>
    %lt3A_1792 = arith.constant 0 : i32
    %lt3A_1793 = vector.broadcast %lt3A_1792 : i32 to vector<16xi32>
    %lt3A_1794 = arith.cmpi slt, %broadcast_in_dim3A_508, %lt3A_1793 : vector<16xi32>
    %add3A_1795 = arith.constant 16 : i32
    %add3A_1796 = vector.broadcast %add3A_1795 : i32 to vector<16xi32>
    %add3A_1797 = arith.addi %broadcast_in_dim3A_508, %add3A_1796 : vector<16xi32>
    %select_n3A_1798 = arith.select %lt3A_1794, %add3A_1797, %broadcast_in_dim3A_508 : vector<16xi1>, vector<16xi32>
    %broadcast_in_dim3A_1799 = vector.shape_cast %select_n3A_1798 : vector<16xi32> to vector<16x1xi32>
    %gather3A_1800 = vector.shape_cast %broadcast_in_dim3A_1799 : vector<16x1xi32> to vector<16xi32>
    %gather3A_1801 = tpu.dynamic_gather %mul3A_1701[%gather3A_1800] in [0] : vector<16xf32>, vector<16xi32> -> vector<16xf32>
    %lt3A_1802 = arith.constant 0 : i32
    %lt3A_1803 = vector.broadcast %lt3A_1802 : i32 to vector<16xi32>
    %lt3A_1804 = arith.cmpi slt, %broadcast_in_dim3A_510, %lt3A_1803 : vector<16xi32>
    %add3A_1805 = arith.constant 16 : i32
    %add3A_1806 = vector.broadcast %add3A_1805 : i32 to vector<16xi32>
    %add3A_1807 = arith.addi %broadcast_in_dim3A_510, %add3A_1806 : vector<16xi32>
    %select_n3A_1808 = arith.select %lt3A_1804, %add3A_1807, %broadcast_in_dim3A_510 : vector<16xi1>, vector<16xi32>
    %broadcast_in_dim3A_1809 = vector.shape_cast %select_n3A_1808 : vector<16xi32> to vector<16x1xi32>
    %gather3A_1810 = vector.shape_cast %broadcast_in_dim3A_1809 : vector<16x1xi32> to vector<16xi32>
    %gather3A_1811 = tpu.dynamic_gather %mul3A_1701[%gather3A_1810] in [0] : vector<16xf32>, vector<16xi32> -> vector<16xf32>
    %lt3A_1812 = arith.constant 0 : i32
    %lt3A_1813 = vector.broadcast %lt3A_1812 : i32 to vector<16xi32>
    %lt3A_1814 = arith.cmpi slt, %broadcast_in_dim3A_512, %lt3A_1813 : vector<16xi32>
    %add3A_1815 = arith.constant 16 : i32
    %add3A_1816 = vector.broadcast %add3A_1815 : i32 to vector<16xi32>
    %add3A_1817 = arith.addi %broadcast_in_dim3A_512, %add3A_1816 : vector<16xi32>
    %select_n3A_1818 = arith.select %lt3A_1814, %add3A_1817, %broadcast_in_dim3A_512 : vector<16xi1>, vector<16xi32>
    %broadcast_in_dim3A_1819 = vector.shape_cast %select_n3A_1818 : vector<16xi32> to vector<16x1xi32>
    %gather3A_1820 = vector.shape_cast %broadcast_in_dim3A_1819 : vector<16x1xi32> to vector<16xi32>
    %gather3A_1821 = tpu.dynamic_gather %mul3A_1701[%gather3A_1820] in [0] : vector<16xf32>, vector<16xi32> -> vector<16xf32>
    %lt3A_1822 = arith.constant 0 : i32
    %lt3A_1823 = vector.broadcast %lt3A_1822 : i32 to vector<16xi32>
    %lt3A_1824 = arith.cmpi slt, %broadcast_in_dim3A_514, %lt3A_1823 : vector<16xi32>
    %add3A_1825 = arith.constant 16 : i32
    %add3A_1826 = vector.broadcast %add3A_1825 : i32 to vector<16xi32>
    %add3A_1827 = arith.addi %broadcast_in_dim3A_514, %add3A_1826 : vector<16xi32>
    %select_n3A_1828 = arith.select %lt3A_1824, %add3A_1827, %broadcast_in_dim3A_514 : vector<16xi1>, vector<16xi32>
    %broadcast_in_dim3A_1829 = vector.shape_cast %select_n3A_1828 : vector<16xi32> to vector<16x1xi32>
    %gather3A_1830 = vector.shape_cast %broadcast_in_dim3A_1829 : vector<16x1xi32> to vector<16xi32>
    %gather3A_1831 = tpu.dynamic_gather %mul3A_1701[%gather3A_1830] in [0] : vector<16xf32>, vector<16xi32> -> vector<16xf32>
    %lt3A_1832 = arith.constant 0 : i32
    %lt3A_1833 = vector.broadcast %lt3A_1832 : i32 to vector<16xi32>
    %lt3A_1834 = arith.cmpi slt, %broadcast_in_dim3A_516, %lt3A_1833 : vector<16xi32>
    %add3A_1835 = arith.constant 16 : i32
    %add3A_1836 = vector.broadcast %add3A_1835 : i32 to vector<16xi32>
    %add3A_1837 = arith.addi %broadcast_in_dim3A_516, %add3A_1836 : vector<16xi32>
    %select_n3A_1838 = arith.select %lt3A_1834, %add3A_1837, %broadcast_in_dim3A_516 : vector<16xi1>, vector<16xi32>
    %broadcast_in_dim3A_1839 = vector.shape_cast %select_n3A_1838 : vector<16xi32> to vector<16x1xi32>
    %gather3A_1840 = vector.shape_cast %broadcast_in_dim3A_1839 : vector<16x1xi32> to vector<16xi32>
    %gather3A_1841 = tpu.dynamic_gather %mul3A_1701[%gather3A_1840] in [0] : vector<16xf32>, vector<16xi32> -> vector<16xf32>
    %lt3A_1842 = arith.constant 0 : i32
    %lt3A_1843 = vector.broadcast %lt3A_1842 : i32 to vector<16xi32>
    %lt3A_1844 = arith.cmpi slt, %broadcast_in_dim3A_518, %lt3A_1843 : vector<16xi32>
    %add3A_1845 = arith.constant 16 : i32
    %add3A_1846 = vector.broadcast %add3A_1845 : i32 to vector<16xi32>
    %add3A_1847 = arith.addi %broadcast_in_dim3A_518, %add3A_1846 : vector<16xi32>
    %select_n3A_1848 = arith.select %lt3A_1844, %add3A_1847, %broadcast_in_dim3A_518 : vector<16xi1>, vector<16xi32>
    %broadcast_in_dim3A_1849 = vector.shape_cast %select_n3A_1848 : vector<16xi32> to vector<16x1xi32>
    %gather3A_1850 = vector.shape_cast %broadcast_in_dim3A_1849 : vector<16x1xi32> to vector<16xi32>
    %gather3A_1851 = tpu.dynamic_gather %mul3A_1701[%gather3A_1850] in [0] : vector<16xf32>, vector<16xi32> -> vector<16xf32>
    %lt3A_1852 = arith.constant 0 : i32
    %lt3A_1853 = vector.broadcast %lt3A_1852 : i32 to vector<16xi32>
    %lt3A_1854 = arith.cmpi slt, %broadcast_in_dim3A_520, %lt3A_1853 : vector<16xi32>
    %add3A_1855 = arith.constant 16 : i32
    %add3A_1856 = vector.broadcast %add3A_1855 : i32 to vector<16xi32>
    %add3A_1857 = arith.addi %broadcast_in_dim3A_520, %add3A_1856 : vector<16xi32>
    %select_n3A_1858 = arith.select %lt3A_1854, %add3A_1857, %broadcast_in_dim3A_520 : vector<16xi1>, vector<16xi32>
    %broadcast_in_dim3A_1859 = vector.shape_cast %select_n3A_1858 : vector<16xi32> to vector<16x1xi32>
    %gather3A_1860 = vector.shape_cast %broadcast_in_dim3A_1859 : vector<16x1xi32> to vector<16xi32>
    %gather3A_1861 = tpu.dynamic_gather %mul3A_1701[%gather3A_1860] in [0] : vector<16xf32>, vector<16xi32> -> vector<16xf32>
    %add3A_1862 = arith.constant 0 : i32
    %add3A_1863 = arith.addi %mul3A_36, %add3A_1862 : i32
    %get3A_1864 = arith.constant 0 : i32
    %get3A_1865 = arith.index_cast %get3A_1864 : i32 to index
    %get3A_1866 = arith.index_cast %add3A_1863 : i32 to index
    %get3A_1867 = tpu.vector_load %arg5[%get3A_1865, %get3A_1866] {strides = array<i32>} : memref<16x128xf32, #tpu.memory_space<vmem>>, vector<1x16xf32>,
    %get3A_1868 = vector.shape_cast %get3A_1867 : vector<1x16xf32> to vector<16xf32>
    %get3A_1869 = arith.constant 1 : i32
    %get3A_1870 = arith.index_cast %get3A_1869 : i32 to index
    %get3A_1871 = arith.index_cast %add3A_1863 : i32 to index
    %get3A_1872 = tpu.vector_load %arg5[%get3A_1870, %get3A_1871] {strides = array<i32>} : memref<16x128xf32, #tpu.memory_space<vmem>>, vector<1x16xf32>,
    %get3A_1873 = vector.shape_cast %get3A_1872 : vector<1x16xf32> to vector<16xf32>
    %get3A_1874 = arith.constant 2 : i32
    %get3A_1875 = arith.index_cast %get3A_1874 : i32 to index
    %get3A_1876 = arith.index_cast %add3A_1863 : i32 to index
    %get3A_1877 = tpu.vector_load %arg5[%get3A_1875, %get3A_1876] {strides = array<i32>} : memref<16x128xf32, #tpu.memory_space<vmem>>, vector<1x16xf32>,
    %get3A_1878 = vector.shape_cast %get3A_1877 : vector<1x16xf32> to vector<16xf32>
    %get3A_1879 = arith.constant 3 : i32
    %get3A_1880 = arith.index_cast %get3A_1879 : i32 to index
    %get3A_1881 = arith.index_cast %add3A_1863 : i32 to index
    %get3A_1882 = tpu.vector_load %arg5[%get3A_1880, %get3A_1881] {strides = array<i32>} : memref<16x128xf32, #tpu.memory_space<vmem>>, vector<1x16xf32>,
    %get3A_1883 = vector.shape_cast %get3A_1882 : vector<1x16xf32> to vector<16xf32>
    %get3A_1884 = arith.constant 4 : i32
    %get3A_1885 = arith.index_cast %get3A_1884 : i32 to index
    %get3A_1886 = arith.index_cast %add3A_1863 : i32 to index
    %get3A_1887 = tpu.vector_load %arg5[%get3A_1885, %get3A_1886] {strides = array<i32>} : memref<16x128xf32, #tpu.memory_space<vmem>>, vector<1x16xf32>,
    %get3A_1888 = vector.shape_cast %get3A_1887 : vector<1x16xf32> to vector<16xf32>
    %get3A_1889 = arith.constant 5 : i32
    %get3A_1890 = arith.index_cast %get3A_1889 : i32 to index
    %get3A_1891 = arith.index_cast %add3A_1863 : i32 to index
    %get3A_1892 = tpu.vector_load %arg5[%get3A_1890, %get3A_1891] {strides = array<i32>} : memref<16x128xf32, #tpu.memory_space<vmem>>, vector<1x16xf32>,
    %get3A_1893 = vector.shape_cast %get3A_1892 : vector<1x16xf32> to vector<16xf32>
    %get3A_1894 = arith.constant 6 : i32
    %get3A_1895 = arith.index_cast %get3A_1894 : i32 to index
    %get3A_1896 = arith.index_cast %add3A_1863 : i32 to index
    %get3A_1897 = tpu.vector_load %arg5[%get3A_1895, %get3A_1896] {strides = array<i32>} : memref<16x128xf32, #tpu.memory_space<vmem>>, vector<1x16xf32>,
    %get3A_1898 = vector.shape_cast %get3A_1897 : vector<1x16xf32> to vector<16xf32>
    %get3A_1899 = arith.constant 7 : i32
    %get3A_1900 = arith.index_cast %get3A_1899 : i32 to index
    %get3A_1901 = arith.index_cast %add3A_1863 : i32 to index
    %get3A_1902 = tpu.vector_load %arg5[%get3A_1900, %get3A_1901] {strides = array<i32>} : memref<16x128xf32, #tpu.memory_space<vmem>>, vector<1x16xf32>,
    %get3A_1903 = vector.shape_cast %get3A_1902 : vector<1x16xf32> to vector<16xf32>
    %get3A_1904 = arith.constant 8 : i32
    %get3A_1905 = arith.index_cast %get3A_1904 : i32 to index
    %get3A_1906 = arith.index_cast %add3A_1863 : i32 to index
    %get3A_1907 = tpu.vector_load %arg5[%get3A_1905, %get3A_1906] {strides = array<i32>} : memref<16x128xf32, #tpu.memory_space<vmem>>, vector<1x16xf32>,
    %get3A_1908 = vector.shape_cast %get3A_1907 : vector<1x16xf32> to vector<16xf32>
    %get3A_1909 = arith.constant 9 : i32
    %get3A_1910 = arith.index_cast %get3A_1909 : i32 to index
    %get3A_1911 = arith.index_cast %add3A_1863 : i32 to index
    %get3A_1912 = tpu.vector_load %arg5[%get3A_1910, %get3A_1911] {strides = array<i32>} : memref<16x128xf32, #tpu.memory_space<vmem>>, vector<1x16xf32>,
    %get3A_1913 = vector.shape_cast %get3A_1912 : vector<1x16xf32> to vector<16xf32>
    %get3A_1914 = arith.constant 10 : i32
    %get3A_1915 = arith.index_cast %get3A_1914 : i32 to index
    %get3A_1916 = arith.index_cast %add3A_1863 : i32 to index
    %get3A_1917 = tpu.vector_load %arg5[%get3A_1915, %get3A_1916] {strides = array<i32>} : memref<16x128xf32, #tpu.memory_space<vmem>>, vector<1x16xf32>,
    %get3A_1918 = vector.shape_cast %get3A_1917 : vector<1x16xf32> to vector<16xf32>
    %get3A_1919 = arith.constant 11 : i32
    %get3A_1920 = arith.index_cast %get3A_1919 : i32 to index
    %get3A_1921 = arith.index_cast %add3A_1863 : i32 to index
    %get3A_1922 = tpu.vector_load %arg5[%get3A_1920, %get3A_1921] {strides = array<i32>} : memref<16x128xf32, #tpu.memory_space<vmem>>, vector<1x16xf32>,
    %get3A_1923 = vector.shape_cast %get3A_1922 : vector<1x16xf32> to vector<16xf32>
    %get3A_1924 = arith.constant 12 : i32
    %get3A_1925 = arith.index_cast %get3A_1924 : i32 to index
    %get3A_1926 = arith.index_cast %add3A_1863 : i32 to index
    %get3A_1927 = tpu.vector_load %arg5[%get3A_1925, %get3A_1926] {strides = array<i32>} : memref<16x128xf32, #tpu.memory_space<vmem>>, vector<1x16xf32>,
    %get3A_1928 = vector.shape_cast %get3A_1927 : vector<1x16xf32> to vector<16xf32>
    %get3A_1929 = arith.constant 13 : i32
    %get3A_1930 = arith.index_cast %get3A_1929 : i32 to index
    %get3A_1931 = arith.index_cast %add3A_1863 : i32 to index
    %get3A_1932 = tpu.vector_load %arg5[%get3A_1930, %get3A_1931] {strides = array<i32>} : memref<16x128xf32, #tpu.memory_space<vmem>>, vector<1x16xf32>,
    %get3A_1933 = vector.shape_cast %get3A_1932 : vector<1x16xf32> to vector<16xf32>
    %get3A_1934 = arith.constant 14 : i32
    %get3A_1935 = arith.index_cast %get3A_1934 : i32 to index
    %get3A_1936 = arith.index_cast %add3A_1863 : i32 to index
    %get3A_1937 = tpu.vector_load %arg5[%get3A_1935, %get3A_1936] {strides = array<i32>} : memref<16x128xf32, #tpu.memory_space<vmem>>, vector<1x16xf32>,
    %get3A_1938 = vector.shape_cast %get3A_1937 : vector<1x16xf32> to vector<16xf32>
    %get3A_1939 = arith.constant 15 : i32
    %get3A_1940 = arith.index_cast %get3A_1939 : i32 to index
    %get3A_1941 = arith.index_cast %add3A_1863 : i32 to index
    %get3A_1942 = tpu.vector_load %arg5[%get3A_1940, %get3A_1941] {strides = array<i32>} : memref<16x128xf32, #tpu.memory_space<vmem>>, vector<1x16xf32>,
    %get3A_1943 = vector.shape_cast %get3A_1942 : vector<1x16xf32> to vector<16xf32>
    %add3A_1944 = arith.constant 3968 : i32
    %add3A_1945 = arith.addi %add3A_1944, %add3A_1863 : i32
    %add3A_1946 = vector.broadcast %add3A_1945 : i32 to vector<16xi32>
    %add3A_1947 = arith.addi %iota3A, %add3A_1946 : vector<16xi32>
    %mul3A_1948 = arith.mulf %gather3A_1543, %get3A_1868 : vector<16xf32>
    %mul3A_1949 = arith.mulf %gather3A_1553, %get3A_1873 : vector<16xf32>
    %add3A_1950 = arith.addf %mul3A_1948, %mul3A_1949 : vector<16xf32>
    %mul3A_1951 = arith.mulf %gather3A_1563, %get3A_1878 : vector<16xf32>
    %add3A_1952 = arith.addf %add3A_1950, %mul3A_1951 : vector<16xf32>
    %mul3A_1953 = arith.mulf %gather3A_1573, %get3A_1883 : vector<16xf32>
    %add3A_1954 = arith.addf %add3A_1952, %mul3A_1953 : vector<16xf32>
    %mul3A_1955 = arith.mulf %gather3A_1583, %get3A_1888 : vector<16xf32>
    %mul3A_1956 = arith.mulf %gather3A_1593, %get3A_1893 : vector<16xf32>
    %add3A_1957 = arith.addf %mul3A_1955, %mul3A_1956 : vector<16xf32>
    %mul3A_1958 = arith.mulf %gather3A_1603, %get3A_1898 : vector<16xf32>
    %add3A_1959 = arith.addf %add3A_1957, %mul3A_1958 : vector<16xf32>
    %mul3A_1960 = arith.mulf %gather3A_1613, %get3A_1903 : vector<16xf32>
    %add3A_1961 = arith.addf %add3A_1959, %mul3A_1960 : vector<16xf32>
    %mul3A_1962 = arith.mulf %gather3A_1623, %get3A_1908 : vector<16xf32>
    %mul3A_1963 = arith.mulf %gather3A_1633, %get3A_1913 : vector<16xf32>
    %add3A_1964 = arith.addf %mul3A_1962, %mul3A_1963 : vector<16xf32>
    %mul3A_1965 = arith.mulf %gather3A_1643, %get3A_1918 : vector<16xf32>
    %add3A_1966 = arith.addf %add3A_1964, %mul3A_1965 : vector<16xf32>
    %mul3A_1967 = arith.mulf %gather3A_1653, %get3A_1923 : vector<16xf32>
    %add3A_1968 = arith.addf %add3A_1966, %mul3A_1967 : vector<16xf32>
    %mul3A_1969 = arith.mulf %gather3A_1663, %get3A_1928 : vector<16xf32>
    %mul3A_1970 = arith.mulf %gather3A_1673, %get3A_1933 : vector<16xf32>
    %add3A_1971 = arith.addf %mul3A_1969, %mul3A_1970 : vector<16xf32>
    %mul3A_1972 = arith.mulf %gather3A_1683, %get3A_1938 : vector<16xf32>
    %add3A_1973 = arith.addf %add3A_1971, %mul3A_1972 : vector<16xf32>
    %mul3A_1974 = arith.mulf %gather3A_1693, %get3A_1943 : vector<16xf32>
    %add3A_1975 = arith.addf %add3A_1973, %mul3A_1974 : vector<16xf32>
    %add3A_1976 = arith.addf %add3A_1954, %add3A_1961 : vector<16xf32>
    %add3A_1977 = arith.addf %add3A_1968, %add3A_1975 : vector<16xf32>
    %add3A_1978 = arith.addf %add3A_1976, %add3A_1977 : vector<16xf32>
    %add3A_1979 = arith.addf %add3A_1978, %add3A_148 : vector<16xf32>
    %add3A_1980 = arith.constant 0 : i32
    %add3A_1981 = arith.addi %add3A_1525, %add3A_1980 : i32
    %broadcast_in_dim3A_1982 = vector.broadcast %add3A_1981 : i32 to vector<16xi32>
    %eq3A_1983 = arith.cmpi eq, %add3A_1947, %broadcast_in_dim3A_1982 : vector<16xi32>
    %select_n3A_1984 = arith.select %eq3A_1983, %broadcast_in_dim3A_488, %add3A_1979 : vector<16xi1>, vector<16xf32>
    %min3A_1985 = arith.minimumf %broadcast_in_dim3A_488, %select_n3A_1984 : vector<16xf32>
    %mul3A_1986 = arith.mulf %gather3A_1711, %get3A_1868 : vector<16xf32>
    %mul3A_1987 = arith.mulf %gather3A_1721, %get3A_1873 : vector<16xf32>
    %add3A_1988 = arith.addf %mul3A_1986, %mul3A_1987 : vector<16xf32>
    %mul3A_1989 = arith.mulf %gather3A_1731, %get3A_1878 : vector<16xf32>
    %add3A_1990 = arith.addf %add3A_1988, %mul3A_1989 : vector<16xf32>
    %mul3A_1991 = arith.mulf %gather3A_1741, %get3A_1883 : vector<16xf32>
    %add3A_1992 = arith.addf %add3A_1990, %mul3A_1991 : vector<16xf32>
    %mul3A_1993 = arith.mulf %gather3A_1751, %get3A_1888 : vector<16xf32>
    %mul3A_1994 = arith.mulf %gather3A_1761, %get3A_1893 : vector<16xf32>
    %add3A_1995 = arith.addf %mul3A_1993, %mul3A_1994 : vector<16xf32>
    %mul3A_1996 = arith.mulf %gather3A_1771, %get3A_1898 : vector<16xf32>
    %add3A_1997 = arith.addf %add3A_1995, %mul3A_1996 : vector<16xf32>
    %mul3A_1998 = arith.mulf %gather3A_1781, %get3A_1903 : vector<16xf32>
    %add3A_1999 = arith.addf %add3A_1997, %mul3A_1998 : vector<16xf32>
    %mul3A_2000 = arith.mulf %gather3A_1791, %get3A_1908 : vector<16xf32>
    %mul3A_2001 = arith.mulf %gather3A_1801, %get3A_1913 : vector<16xf32>
    %add3A_2002 = arith.addf %mul3A_2000, %mul3A_2001 : vector<16xf32>
    %mul3A_2003 = arith.mulf %gather3A_1811, %get3A_1918 : vector<16xf32>
    %add3A_2004 = arith.addf %add3A_2002, %mul3A_2003 : vector<16xf32>
    %mul3A_2005 = arith.mulf %gather3A_1821, %get3A_1923 : vector<16xf32>
    %add3A_2006 = arith.addf %add3A_2004, %mul3A_2005 : vector<16xf32>
    %mul3A_2007 = arith.mulf %gather3A_1831, %get3A_1928 : vector<16xf32>
    %mul3A_2008 = arith.mulf %gather3A_1841, %get3A_1933 : vector<16xf32>
    %add3A_2009 = arith.addf %mul3A_2007, %mul3A_2008 : vector<16xf32>
    %mul3A_2010 = arith.mulf %gather3A_1851, %get3A_1938 : vector<16xf32>
    %add3A_2011 = arith.addf %add3A_2009, %mul3A_2010 : vector<16xf32>
    %mul3A_2012 = arith.mulf %gather3A_1861, %get3A_1943 : vector<16xf32>
    %add3A_2013 = arith.addf %add3A_2011, %mul3A_2012 : vector<16xf32>
    %add3A_2014 = arith.addf %add3A_1992, %add3A_1999 : vector<16xf32>
    %add3A_2015 = arith.addf %add3A_2006, %add3A_2013 : vector<16xf32>
    %add3A_2016 = arith.addf %add3A_2014, %add3A_2015 : vector<16xf32>
    %add3A_2017 = arith.addf %add3A_2016, %add3A_148 : vector<16xf32>
    %add3A_2018 = arith.constant 1 : i32
    %add3A_2019 = arith.addi %add3A_1525, %add3A_2018 : i32
    %broadcast_in_dim3A_2020 = vector.broadcast %add3A_2019 : i32 to vector<16xi32>
    %eq3A_2021 = arith.cmpi eq, %add3A_1947, %broadcast_in_dim3A_2020 : vector<16xi32>
    %select_n3A_2022 = arith.select %eq3A_2021, %broadcast_in_dim3A_488, %add3A_2017 : vector<16xi1>, vector<16xf32>
    %min3A_2023 = arith.minimumf %broadcast_in_dim3A_488, %select_n3A_2022 : vector<16xf32>
    %add3A_2024 = arith.constant 16 : i32
    %add3A_2025 = arith.addi %mul3A_36, %add3A_2024 : i32
    %get3A_2026 = arith.constant 0 : i32
    %get3A_2027 = arith.index_cast %get3A_2026 : i32 to index
    %get3A_2028 = arith.index_cast %add3A_2025 : i32 to index
    %get3A_2029 = tpu.vector_load %arg5[%get3A_2027, %get3A_2028] {strides = array<i32>} : memref<16x128xf32, #tpu.memory_space<vmem>>, vector<1x16xf32>,
    %get3A_2030 = vector.shape_cast %get3A_2029 : vector<1x16xf32> to vector<16xf32>
    %get3A_2031 = arith.constant 1 : i32
    %get3A_2032 = arith.index_cast %get3A_2031 : i32 to index
    %get3A_2033 = arith.index_cast %add3A_2025 : i32 to index
    %get3A_2034 = tpu.vector_load %arg5[%get3A_2032, %get3A_2033] {strides = array<i32>} : memref<16x128xf32, #tpu.memory_space<vmem>>, vector<1x16xf32>,
    %get3A_2035 = vector.shape_cast %get3A_2034 : vector<1x16xf32> to vector<16xf32>
    %get3A_2036 = arith.constant 2 : i32
    %get3A_2037 = arith.index_cast %get3A_2036 : i32 to index
    %get3A_2038 = arith.index_cast %add3A_2025 : i32 to index
    %get3A_2039 = tpu.vector_load %arg5[%get3A_2037, %get3A_2038] {strides = array<i32>} : memref<16x128xf32, #tpu.memory_space<vmem>>, vector<1x16xf32>,
    %get3A_2040 = vector.shape_cast %get3A_2039 : vector<1x16xf32> to vector<16xf32>
    %get3A_2041 = arith.constant 3 : i32
    %get3A_2042 = arith.index_cast %get3A_2041 : i32 to index
    %get3A_2043 = arith.index_cast %add3A_2025 : i32 to index
    %get3A_2044 = tpu.vector_load %arg5[%get3A_2042, %get3A_2043] {strides = array<i32>} : memref<16x128xf32, #tpu.memory_space<vmem>>, vector<1x16xf32>,
    %get3A_2045 = vector.shape_cast %get3A_2044 : vector<1x16xf32> to vector<16xf32>
    %get3A_2046 = arith.constant 4 : i32
    %get3A_2047 = arith.index_cast %get3A_2046 : i32 to index
    %get3A_2048 = arith.index_cast %add3A_2025 : i32 to index
    %get3A_2049 = tpu.vector_load %arg5[%get3A_2047, %get3A_2048] {strides = array<i32>} : memref<16x128xf32, #tpu.memory_space<vmem>>, vector<1x16xf32>,
    %get3A_2050 = vector.shape_cast %get3A_2049 : vector<1x16xf32> to vector<16xf32>
    %get3A_2051 = arith.constant 5 : i32
    %get3A_2052 = arith.index_cast %get3A_2051 : i32 to index
    %get3A_2053 = arith.index_cast %add3A_2025 : i32 to index
    %get3A_2054 = tpu.vector_load %arg5[%get3A_2052, %get3A_2053] {strides = array<i32>} : memref<16x128xf32, #tpu.memory_space<vmem>>, vector<1x16xf32>,
    %get3A_2055 = vector.shape_cast %get3A_2054 : vector<1x16xf32> to vector<16xf32>
    %get3A_2056 = arith.constant 6 : i32
    %get3A_2057 = arith.index_cast %get3A_2056 : i32 to index
    %get3A_2058 = arith.index_cast %add3A_2025 : i32 to index
    %get3A_2059 = tpu.vector_load %arg5[%get3A_2057, %get3A_2058] {strides = array<i32>} : memref<16x128xf32, #tpu.memory_space<vmem>>, vector<1x16xf32>,
    %get3A_2060 = vector.shape_cast %get3A_2059 : vector<1x16xf32> to vector<16xf32>
    %get3A_2061 = arith.constant 7 : i32
    %get3A_2062 = arith.index_cast %get3A_2061 : i32 to index
    %get3A_2063 = arith.index_cast %add3A_2025 : i32 to index
    %get3A_2064 = tpu.vector_load %arg5[%get3A_2062, %get3A_2063] {strides = array<i32>} : memref<16x128xf32, #tpu.memory_space<vmem>>, vector<1x16xf32>,
    %get3A_2065 = vector.shape_cast %get3A_2064 : vector<1x16xf32> to vector<16xf32>
    %get3A_2066 = arith.constant 8 : i32
    %get3A_2067 = arith.index_cast %get3A_2066 : i32 to index
    %get3A_2068 = arith.index_cast %add3A_2025 : i32 to index
    %get3A_2069 = tpu.vector_load %arg5[%get3A_2067, %get3A_2068] {strides = array<i32>} : memref<16x128xf32, #tpu.memory_space<vmem>>, vector<1x16xf32>,
    %get3A_2070 = vector.shape_cast %get3A_2069 : vector<1x16xf32> to vector<16xf32>
    %get3A_2071 = arith.constant 9 : i32
    %get3A_2072 = arith.index_cast %get3A_2071 : i32 to index
    %get3A_2073 = arith.index_cast %add3A_2025 : i32 to index
    %get3A_2074 = tpu.vector_load %arg5[%get3A_2072, %get3A_2073] {strides = array<i32>} : memref<16x128xf32, #tpu.memory_space<vmem>>, vector<1x16xf32>,
    %get3A_2075 = vector.shape_cast %get3A_2074 : vector<1x16xf32> to vector<16xf32>
    %get3A_2076 = arith.constant 10 : i32
    %get3A_2077 = arith.index_cast %get3A_2076 : i32 to index
    %get3A_2078 = arith.index_cast %add3A_2025 : i32 to index
    %get3A_2079 = tpu.vector_load %arg5[%get3A_2077, %get3A_2078] {strides = array<i32>} : memref<16x128xf32, #tpu.memory_space<vmem>>, vector<1x16xf32>,
    %get3A_2080 = vector.shape_cast %get3A_2079 : vector<1x16xf32> to vector<16xf32>
    %get3A_2081 = arith.constant 11 : i32
    %get3A_2082 = arith.index_cast %get3A_2081 : i32 to index
    %get3A_2083 = arith.index_cast %add3A_2025 : i32 to index
    %get3A_2084 = tpu.vector_load %arg5[%get3A_2082, %get3A_2083] {strides = array<i32>} : memref<16x128xf32, #tpu.memory_space<vmem>>, vector<1x16xf32>,
    %get3A_2085 = vector.shape_cast %get3A_2084 : vector<1x16xf32> to vector<16xf32>
    %get3A_2086 = arith.constant 12 : i32
    %get3A_2087 = arith.index_cast %get3A_2086 : i32 to index
    %get3A_2088 = arith.index_cast %add3A_2025 : i32 to index
    %get3A_2089 = tpu.vector_load %arg5[%get3A_2087, %get3A_2088] {strides = array<i32>} : memref<16x128xf32, #tpu.memory_space<vmem>>, vector<1x16xf32>,
    %get3A_2090 = vector.shape_cast %get3A_2089 : vector<1x16xf32> to vector<16xf32>
    %get3A_2091 = arith.constant 13 : i32
    %get3A_2092 = arith.index_cast %get3A_2091 : i32 to index
    %get3A_2093 = arith.index_cast %add3A_2025 : i32 to index
    %get3A_2094 = tpu.vector_load %arg5[%get3A_2092, %get3A_2093] {strides = array<i32>} : memref<16x128xf32, #tpu.memory_space<vmem>>, vector<1x16xf32>,
    %get3A_2095 = vector.shape_cast %get3A_2094 : vector<1x16xf32> to vector<16xf32>
    %get3A_2096 = arith.constant 14 : i32
    %get3A_2097 = arith.index_cast %get3A_2096 : i32 to index
    %get3A_2098 = arith.index_cast %add3A_2025 : i32 to index
    %get3A_2099 = tpu.vector_load %arg5[%get3A_2097, %get3A_2098] {strides = array<i32>} : memref<16x128xf32, #tpu.memory_space<vmem>>, vector<1x16xf32>,
    %get3A_2100 = vector.shape_cast %get3A_2099 : vector<1x16xf32> to vector<16xf32>
    %get3A_2101 = arith.constant 15 : i32
    %get3A_2102 = arith.index_cast %get3A_2101 : i32 to index
    %get3A_2103 = arith.index_cast %add3A_2025 : i32 to index
    %get3A_2104 = tpu.vector_load %arg5[%get3A_2102, %get3A_2103] {strides = array<i32>} : memref<16x128xf32, #tpu.memory_space<vmem>>, vector<1x16xf32>,
    %get3A_2105 = vector.shape_cast %get3A_2104 : vector<1x16xf32> to vector<16xf32>
    %add3A_2106 = arith.constant 3968 : i32
    %add3A_2107 = arith.addi %add3A_2106, %add3A_2025 : i32
    %add3A_2108 = vector.broadcast %add3A_2107 : i32 to vector<16xi32>
    %add3A_2109 = arith.addi %iota3A, %add3A_2108 : vector<16xi32>
    %mul3A_2110 = arith.mulf %gather3A_1543, %get3A_2030 : vector<16xf32>
    %mul3A_2111 = arith.mulf %gather3A_1553, %get3A_2035 : vector<16xf32>
    %add3A_2112 = arith.addf %mul3A_2110, %mul3A_2111 : vector<16xf32>
    %mul3A_2113 = arith.mulf %gather3A_1563, %get3A_2040 : vector<16xf32>
    %add3A_2114 = arith.addf %add3A_2112, %mul3A_2113 : vector<16xf32>
    %mul3A_2115 = arith.mulf %gather3A_1573, %get3A_2045 : vector<16xf32>
    %add3A_2116 = arith.addf %add3A_2114, %mul3A_2115 : vector<16xf32>
    %mul3A_2117 = arith.mulf %gather3A_1583, %get3A_2050 : vector<16xf32>
    %mul3A_2118 = arith.mulf %gather3A_1593, %get3A_2055 : vector<16xf32>
    %add3A_2119 = arith.addf %mul3A_2117, %mul3A_2118 : vector<16xf32>
    %mul3A_2120 = arith.mulf %gather3A_1603, %get3A_2060 : vector<16xf32>
    %add3A_2121 = arith.addf %add3A_2119, %mul3A_2120 : vector<16xf32>
    %mul3A_2122 = arith.mulf %gather3A_1613, %get3A_2065 : vector<16xf32>
    %add3A_2123 = arith.addf %add3A_2121, %mul3A_2122 : vector<16xf32>
    %mul3A_2124 = arith.mulf %gather3A_1623, %get3A_2070 : vector<16xf32>
    %mul3A_2125 = arith.mulf %gather3A_1633, %get3A_2075 : vector<16xf32>
    %add3A_2126 = arith.addf %mul3A_2124, %mul3A_2125 : vector<16xf32>
    %mul3A_2127 = arith.mulf %gather3A_1643, %get3A_2080 : vector<16xf32>
    %add3A_2128 = arith.addf %add3A_2126, %mul3A_2127 : vector<16xf32>
    %mul3A_2129 = arith.mulf %gather3A_1653, %get3A_2085 : vector<16xf32>
    %add3A_2130 = arith.addf %add3A_2128, %mul3A_2129 : vector<16xf32>
    %mul3A_2131 = arith.mulf %gather3A_1663, %get3A_2090 : vector<16xf32>
    %mul3A_2132 = arith.mulf %gather3A_1673, %get3A_2095 : vector<16xf32>
    %add3A_2133 = arith.addf %mul3A_2131, %mul3A_2132 : vector<16xf32>
    %mul3A_2134 = arith.mulf %gather3A_1683, %get3A_2100 : vector<16xf32>
    %add3A_2135 = arith.addf %add3A_2133, %mul3A_2134 : vector<16xf32>
    %mul3A_2136 = arith.mulf %gather3A_1693, %get3A_2105 : vector<16xf32>
    %add3A_2137 = arith.addf %add3A_2135, %mul3A_2136 : vector<16xf32>
    %add3A_2138 = arith.addf %add3A_2116, %add3A_2123 : vector<16xf32>
    %add3A_2139 = arith.addf %add3A_2130, %add3A_2137 : vector<16xf32>
    %add3A_2140 = arith.addf %add3A_2138, %add3A_2139 : vector<16xf32>
    %add3A_2141 = arith.addf %add3A_2140, %add3A_261 : vector<16xf32>
    %add3A_2142 = arith.constant 0 : i32
    %add3A_2143 = arith.addi %add3A_1525, %add3A_2142 : i32
    %broadcast_in_dim3A_2144 = vector.broadcast %add3A_2143 : i32 to vector<16xi32>
    %eq3A_2145 = arith.cmpi eq, %add3A_2109, %broadcast_in_dim3A_2144 : vector<16xi32>
    %select_n3A_2146 = arith.select %eq3A_2145, %broadcast_in_dim3A_488, %add3A_2141 : vector<16xi1>, vector<16xf32>
    %min3A_2147 = arith.minimumf %min3A_1985, %select_n3A_2146 : vector<16xf32>
    %mul3A_2148 = arith.mulf %gather3A_1711, %get3A_2030 : vector<16xf32>
    %mul3A_2149 = arith.mulf %gather3A_1721, %get3A_2035 : vector<16xf32>
    %add3A_2150 = arith.addf %mul3A_2148, %mul3A_2149 : vector<16xf32>
    %mul3A_2151 = arith.mulf %gather3A_1731, %get3A_2040 : vector<16xf32>
    %add3A_2152 = arith.addf %add3A_2150, %mul3A_2151 : vector<16xf32>
    %mul3A_2153 = arith.mulf %gather3A_1741, %get3A_2045 : vector<16xf32>
    %add3A_2154 = arith.addf %add3A_2152, %mul3A_2153 : vector<16xf32>
    %mul3A_2155 = arith.mulf %gather3A_1751, %get3A_2050 : vector<16xf32>
    %mul3A_2156 = arith.mulf %gather3A_1761, %get3A_2055 : vector<16xf32>
    %add3A_2157 = arith.addf %mul3A_2155, %mul3A_2156 : vector<16xf32>
    %mul3A_2158 = arith.mulf %gather3A_1771, %get3A_2060 : vector<16xf32>
    %add3A_2159 = arith.addf %add3A_2157, %mul3A_2158 : vector<16xf32>
    %mul3A_2160 = arith.mulf %gather3A_1781, %get3A_2065 : vector<16xf32>
    %add3A_2161 = arith.addf %add3A_2159, %mul3A_2160 : vector<16xf32>
    %mul3A_2162 = arith.mulf %gather3A_1791, %get3A_2070 : vector<16xf32>
    %mul3A_2163 = arith.mulf %gather3A_1801, %get3A_2075 : vector<16xf32>
    %add3A_2164 = arith.addf %mul3A_2162, %mul3A_2163 : vector<16xf32>
    %mul3A_2165 = arith.mulf %gather3A_1811, %get3A_2080 : vector<16xf32>
    %add3A_2166 = arith.addf %add3A_2164, %mul3A_2165 : vector<16xf32>
    %mul3A_2167 = arith.mulf %gather3A_1821, %get3A_2085 : vector<16xf32>
    %add3A_2168 = arith.addf %add3A_2166, %mul3A_2167 : vector<16xf32>
    %mul3A_2169 = arith.mulf %gather3A_1831, %get3A_2090 : vector<16xf32>
    %mul3A_2170 = arith.mulf %gather3A_1841, %get3A_2095 : vector<16xf32>
    %add3A_2171 = arith.addf %mul3A_2169, %mul3A_2170 : vector<16xf32>
    %mul3A_2172 = arith.mulf %gather3A_1851, %get3A_2100 : vector<16xf32>
    %add3A_2173 = arith.addf %add3A_2171, %mul3A_2172 : vector<16xf32>
    %mul3A_2174 = arith.mulf %gather3A_1861, %get3A_2105 : vector<16xf32>
    %add3A_2175 = arith.addf %add3A_2173, %mul3A_2174 : vector<16xf32>
    %add3A_2176 = arith.addf %add3A_2154, %add3A_2161 : vector<16xf32>
    %add3A_2177 = arith.addf %add3A_2168, %add3A_2175 : vector<16xf32>
    %add3A_2178 = arith.addf %add3A_2176, %add3A_2177 : vector<16xf32>
    %add3A_2179 = arith.addf %add3A_2178, %add3A_261 : vector<16xf32>
    %add3A_2180 = arith.constant 1 : i32
    %add3A_2181 = arith.addi %add3A_1525, %add3A_2180 : i32
    %broadcast_in_dim3A_2182 = vector.broadcast %add3A_2181 : i32 to vector<16xi32>
    %eq3A_2183 = arith.cmpi eq, %add3A_2109, %broadcast_in_dim3A_2182 : vector<16xi32>
    %select_n3A_2184 = arith.select %eq3A_2183, %broadcast_in_dim3A_488, %add3A_2179 : vector<16xi1>, vector<16xf32>
    %min3A_2185 = arith.minimumf %min3A_2023, %select_n3A_2184 : vector<16xf32>
    %add3A_2186 = arith.constant 32 : i32
    %add3A_2187 = arith.addi %mul3A_36, %add3A_2186 : i32
    %get3A_2188 = arith.constant 0 : i32
    %get3A_2189 = arith.index_cast %get3A_2188 : i32 to index
    %get3A_2190 = arith.index_cast %add3A_2187 : i32 to index
    %get3A_2191 = tpu.vector_load %arg5[%get3A_2189, %get3A_2190] {strides = array<i32>} : memref<16x128xf32, #tpu.memory_space<vmem>>, vector<1x16xf32>,
    %get3A_2192 = vector.shape_cast %get3A_2191 : vector<1x16xf32> to vector<16xf32>
    %get3A_2193 = arith.constant 1 : i32
    %get3A_2194 = arith.index_cast %get3A_2193 : i32 to index
    %get3A_2195 = arith.index_cast %add3A_2187 : i32 to index
    %get3A_2196 = tpu.vector_load %arg5[%get3A_2194, %get3A_2195] {strides = array<i32>} : memref<16x128xf32, #tpu.memory_space<vmem>>, vector<1x16xf32>,
    %get3A_2197 = vector.shape_cast %get3A_2196 : vector<1x16xf32> to vector<16xf32>
    %get3A_2198 = arith.constant 2 : i32
    %get3A_2199 = arith.index_cast %get3A_2198 : i32 to index
    %get3A_2200 = arith.index_cast %add3A_2187 : i32 to index
    %get3A_2201 = tpu.vector_load %arg5[%get3A_2199, %get3A_2200] {strides = array<i32>} : memref<16x128xf32, #tpu.memory_space<vmem>>, vector<1x16xf32>,
    %get3A_2202 = vector.shape_cast %get3A_2201 : vector<1x16xf32> to vector<16xf32>
    %get3A_2203 = arith.constant 3 : i32
    %get3A_2204 = arith.index_cast %get3A_2203 : i32 to index
    %get3A_2205 = arith.index_cast %add3A_2187 : i32 to index
    %get3A_2206 = tpu.vector_load %arg5[%get3A_2204, %get3A_2205] {strides = array<i32>} : memref<16x128xf32, #tpu.memory_space<vmem>>, vector<1x16xf32>,
    %get3A_2207 = vector.shape_cast %get3A_2206 : vector<1x16xf32> to vector<16xf32>
    %get3A_2208 = arith.constant 4 : i32
    %get3A_2209 = arith.index_cast %get3A_2208 : i32 to index
    %get3A_2210 = arith.index_cast %add3A_2187 : i32 to index
    %get3A_2211 = tpu.vector_load %arg5[%get3A_2209, %get3A_2210] {strides = array<i32>} : memref<16x128xf32, #tpu.memory_space<vmem>>, vector<1x16xf32>,
    %get3A_2212 = vector.shape_cast %get3A_2211 : vector<1x16xf32> to vector<16xf32>
    %get3A_2213 = arith.constant 5 : i32
    %get3A_2214 = arith.index_cast %get3A_2213 : i32 to index
    %get3A_2215 = arith.index_cast %add3A_2187 : i32 to index
    %get3A_2216 = tpu.vector_load %arg5[%get3A_2214, %get3A_2215] {strides = array<i32>} : memref<16x128xf32, #tpu.memory_space<vmem>>, vector<1x16xf32>,
    %get3A_2217 = vector.shape_cast %get3A_2216 : vector<1x16xf32> to vector<16xf32>
    %get3A_2218 = arith.constant 6 : i32
    %get3A_2219 = arith.index_cast %get3A_2218 : i32 to index
    %get3A_2220 = arith.index_cast %add3A_2187 : i32 to index
    %get3A_2221 = tpu.vector_load %arg5[%get3A_2219, %get3A_2220] {strides = array<i32>} : memref<16x128xf32, #tpu.memory_space<vmem>>, vector<1x16xf32>,
    %get3A_2222 = vector.shape_cast %get3A_2221 : vector<1x16xf32> to vector<16xf32>
    %get3A_2223 = arith.constant 7 : i32
    %get3A_2224 = arith.index_cast %get3A_2223 : i32 to index
    %get3A_2225 = arith.index_cast %add3A_2187 : i32 to index
    %get3A_2226 = tpu.vector_load %arg5[%get3A_2224, %get3A_2225] {strides = array<i32>} : memref<16x128xf32, #tpu.memory_space<vmem>>, vector<1x16xf32>,
    %get3A_2227 = vector.shape_cast %get3A_2226 : vector<1x16xf32> to vector<16xf32>
    %get3A_2228 = arith.constant 8 : i32
    %get3A_2229 = arith.index_cast %get3A_2228 : i32 to index
    %get3A_2230 = arith.index_cast %add3A_2187 : i32 to index
    %get3A_2231 = tpu.vector_load %arg5[%get3A_2229, %get3A_2230] {strides = array<i32>} : memref<16x128xf32, #tpu.memory_space<vmem>>, vector<1x16xf32>,
    %get3A_2232 = vector.shape_cast %get3A_2231 : vector<1x16xf32> to vector<16xf32>
    %get3A_2233 = arith.constant 9 : i32
    %get3A_2234 = arith.index_cast %get3A_2233 : i32 to index
    %get3A_2235 = arith.index_cast %add3A_2187 : i32 to index
    %get3A_2236 = tpu.vector_load %arg5[%get3A_2234, %get3A_2235] {strides = array<i32>} : memref<16x128xf32, #tpu.memory_space<vmem>>, vector<1x16xf32>,
    %get3A_2237 = vector.shape_cast %get3A_2236 : vector<1x16xf32> to vector<16xf32>
    %get3A_2238 = arith.constant 10 : i32
    %get3A_2239 = arith.index_cast %get3A_2238 : i32 to index
    %get3A_2240 = arith.index_cast %add3A_2187 : i32 to index
    %get3A_2241 = tpu.vector_load %arg5[%get3A_2239, %get3A_2240] {strides = array<i32>} : memref<16x128xf32, #tpu.memory_space<vmem>>, vector<1x16xf32>,
    %get3A_2242 = vector.shape_cast %get3A_2241 : vector<1x16xf32> to vector<16xf32>
    %get3A_2243 = arith.constant 11 : i32
    %get3A_2244 = arith.index_cast %get3A_2243 : i32 to index
    %get3A_2245 = arith.index_cast %add3A_2187 : i32 to index
    %get3A_2246 = tpu.vector_load %arg5[%get3A_2244, %get3A_2245] {strides = array<i32>} : memref<16x128xf32, #tpu.memory_space<vmem>>, vector<1x16xf32>,
    %get3A_2247 = vector.shape_cast %get3A_2246 : vector<1x16xf32> to vector<16xf32>
    %get3A_2248 = arith.constant 12 : i32
    %get3A_2249 = arith.index_cast %get3A_2248 : i32 to index
    %get3A_2250 = arith.index_cast %add3A_2187 : i32 to index
    %get3A_2251 = tpu.vector_load %arg5[%get3A_2249, %get3A_2250] {strides = array<i32>} : memref<16x128xf32, #tpu.memory_space<vmem>>, vector<1x16xf32>,
    %get3A_2252 = vector.shape_cast %get3A_2251 : vector<1x16xf32> to vector<16xf32>
    %get3A_2253 = arith.constant 13 : i32
    %get3A_2254 = arith.index_cast %get3A_2253 : i32 to index
    %get3A_2255 = arith.index_cast %add3A_2187 : i32 to index
    %get3A_2256 = tpu.vector_load %arg5[%get3A_2254, %get3A_2255] {strides = array<i32>} : memref<16x128xf32, #tpu.memory_space<vmem>>, vector<1x16xf32>,
    %get3A_2257 = vector.shape_cast %get3A_2256 : vector<1x16xf32> to vector<16xf32>
    %get3A_2258 = arith.constant 14 : i32
    %get3A_2259 = arith.index_cast %get3A_2258 : i32 to index
    %get3A_2260 = arith.index_cast %add3A_2187 : i32 to index
    %get3A_2261 = tpu.vector_load %arg5[%get3A_2259, %get3A_2260] {strides = array<i32>} : memref<16x128xf32, #tpu.memory_space<vmem>>, vector<1x16xf32>,
    %get3A_2262 = vector.shape_cast %get3A_2261 : vector<1x16xf32> to vector<16xf32>
    %get3A_2263 = arith.constant 15 : i32
    %get3A_2264 = arith.index_cast %get3A_2263 : i32 to index
    %get3A_2265 = arith.index_cast %add3A_2187 : i32 to index
    %get3A_2266 = tpu.vector_load %arg5[%get3A_2264, %get3A_2265] {strides = array<i32>} : memref<16x128xf32, #tpu.memory_space<vmem>>, vector<1x16xf32>,
    %get3A_2267 = vector.shape_cast %get3A_2266 : vector<1x16xf32> to vector<16xf32>
    %add3A_2268 = arith.constant 3968 : i32
    %add3A_2269 = arith.addi %add3A_2268, %add3A_2187 : i32
    %add3A_2270 = vector.broadcast %add3A_2269 : i32 to vector<16xi32>
    %add3A_2271 = arith.addi %iota3A, %add3A_2270 : vector<16xi32>
    %mul3A_2272 = arith.mulf %gather3A_1543, %get3A_2192 : vector<16xf32>
    %mul3A_2273 = arith.mulf %gather3A_1553, %get3A_2197 : vector<16xf32>
    %add3A_2274 = arith.addf %mul3A_2272, %mul3A_2273 : vector<16xf32>
    %mul3A_2275 = arith.mulf %gather3A_1563, %get3A_2202 : vector<16xf32>
    %add3A_2276 = arith.addf %add3A_2274, %mul3A_2275 : vector<16xf32>
    %mul3A_2277 = arith.mulf %gather3A_1573, %get3A_2207 : vector<16xf32>
    %add3A_2278 = arith.addf %add3A_2276, %mul3A_2277 : vector<16xf32>
    %mul3A_2279 = arith.mulf %gather3A_1583, %get3A_2212 : vector<16xf32>
    %mul3A_2280 = arith.mulf %gather3A_1593, %get3A_2217 : vector<16xf32>
    %add3A_2281 = arith.addf %mul3A_2279, %mul3A_2280 : vector<16xf32>
    %mul3A_2282 = arith.mulf %gather3A_1603, %get3A_2222 : vector<16xf32>
    %add3A_2283 = arith.addf %add3A_2281, %mul3A_2282 : vector<16xf32>
    %mul3A_2284 = arith.mulf %gather3A_1613, %get3A_2227 : vector<16xf32>
    %add3A_2285 = arith.addf %add3A_2283, %mul3A_2284 : vector<16xf32>
    %mul3A_2286 = arith.mulf %gather3A_1623, %get3A_2232 : vector<16xf32>
    %mul3A_2287 = arith.mulf %gather3A_1633, %get3A_2237 : vector<16xf32>
    %add3A_2288 = arith.addf %mul3A_2286, %mul3A_2287 : vector<16xf32>
    %mul3A_2289 = arith.mulf %gather3A_1643, %get3A_2242 : vector<16xf32>
    %add3A_2290 = arith.addf %add3A_2288, %mul3A_2289 : vector<16xf32>
    %mul3A_2291 = arith.mulf %gather3A_1653, %get3A_2247 : vector<16xf32>
    %add3A_2292 = arith.addf %add3A_2290, %mul3A_2291 : vector<16xf32>
    %mul3A_2293 = arith.mulf %gather3A_1663, %get3A_2252 : vector<16xf32>
    %mul3A_2294 = arith.mulf %gather3A_1673, %get3A_2257 : vector<16xf32>
    %add3A_2295 = arith.addf %mul3A_2293, %mul3A_2294 : vector<16xf32>
    %mul3A_2296 = arith.mulf %gather3A_1683, %get3A_2262 : vector<16xf32>
    %add3A_2297 = arith.addf %add3A_2295, %mul3A_2296 : vector<16xf32>
    %mul3A_2298 = arith.mulf %gather3A_1693, %get3A_2267 : vector<16xf32>
    %add3A_2299 = arith.addf %add3A_2297, %mul3A_2298 : vector<16xf32>
    %add3A_2300 = arith.addf %add3A_2278, %add3A_2285 : vector<16xf32>
    %add3A_2301 = arith.addf %add3A_2292, %add3A_2299 : vector<16xf32>
    %add3A_2302 = arith.addf %add3A_2300, %add3A_2301 : vector<16xf32>
    %add3A_2303 = arith.addf %add3A_2302, %add3A_374 : vector<16xf32>
    %add3A_2304 = arith.constant 0 : i32
    %add3A_2305 = arith.addi %add3A_1525, %add3A_2304 : i32
    %broadcast_in_dim3A_2306 = vector.broadcast %add3A_2305 : i32 to vector<16xi32>
    %eq3A_2307 = arith.cmpi eq, %add3A_2271, %broadcast_in_dim3A_2306 : vector<16xi32>
    %select_n3A_2308 = arith.select %eq3A_2307, %broadcast_in_dim3A_488, %add3A_2303 : vector<16xi1>, vector<16xf32>
    %min3A_2309 = arith.minimumf %min3A_2147, %select_n3A_2308 : vector<16xf32>
    %mul3A_2310 = arith.mulf %gather3A_1711, %get3A_2192 : vector<16xf32>
    %mul3A_2311 = arith.mulf %gather3A_1721, %get3A_2197 : vector<16xf32>
    %add3A_2312 = arith.addf %mul3A_2310, %mul3A_2311 : vector<16xf32>
    %mul3A_2313 = arith.mulf %gather3A_1731, %get3A_2202 : vector<16xf32>
    %add3A_2314 = arith.addf %add3A_2312, %mul3A_2313 : vector<16xf32>
    %mul3A_2315 = arith.mulf %gather3A_1741, %get3A_2207 : vector<16xf32>
    %add3A_2316 = arith.addf %add3A_2314, %mul3A_2315 : vector<16xf32>
    %mul3A_2317 = arith.mulf %gather3A_1751, %get3A_2212 : vector<16xf32>
    %mul3A_2318 = arith.mulf %gather3A_1761, %get3A_2217 : vector<16xf32>
    %add3A_2319 = arith.addf %mul3A_2317, %mul3A_2318 : vector<16xf32>
    %mul3A_2320 = arith.mulf %gather3A_1771, %get3A_2222 : vector<16xf32>
    %add3A_2321 = arith.addf %add3A_2319, %mul3A_2320 : vector<16xf32>
    %mul3A_2322 = arith.mulf %gather3A_1781, %get3A_2227 : vector<16xf32>
    %add3A_2323 = arith.addf %add3A_2321, %mul3A_2322 : vector<16xf32>
    %mul3A_2324 = arith.mulf %gather3A_1791, %get3A_2232 : vector<16xf32>
    %mul3A_2325 = arith.mulf %gather3A_1801, %get3A_2237 : vector<16xf32>
    %add3A_2326 = arith.addf %mul3A_2324, %mul3A_2325 : vector<16xf32>
    %mul3A_2327 = arith.mulf %gather3A_1811, %get3A_2242 : vector<16xf32>
    %add3A_2328 = arith.addf %add3A_2326, %mul3A_2327 : vector<16xf32>
    %mul3A_2329 = arith.mulf %gather3A_1821, %get3A_2247 : vector<16xf32>
    %add3A_2330 = arith.addf %add3A_2328, %mul3A_2329 : vector<16xf32>
    %mul3A_2331 = arith.mulf %gather3A_1831, %get3A_2252 : vector<16xf32>
    %mul3A_2332 = arith.mulf %gather3A_1841, %get3A_2257 : vector<16xf32>
    %add3A_2333 = arith.addf %mul3A_2331, %mul3A_2332 : vector<16xf32>
    %mul3A_2334 = arith.mulf %gather3A_1851, %get3A_2262 : vector<16xf32>
    %add3A_2335 = arith.addf %add3A_2333, %mul3A_2334 : vector<16xf32>
    %mul3A_2336 = arith.mulf %gather3A_1861, %get3A_2267 : vector<16xf32>
    %add3A_2337 = arith.addf %add3A_2335, %mul3A_2336 : vector<16xf32>
    %add3A_2338 = arith.addf %add3A_2316, %add3A_2323 : vector<16xf32>
    %add3A_2339 = arith.addf %add3A_2330, %add3A_2337 : vector<16xf32>
    %add3A_2340 = arith.addf %add3A_2338, %add3A_2339 : vector<16xf32>
    %add3A_2341 = arith.addf %add3A_2340, %add3A_374 : vector<16xf32>
    %add3A_2342 = arith.constant 1 : i32
    %add3A_2343 = arith.addi %add3A_1525, %add3A_2342 : i32
    %broadcast_in_dim3A_2344 = vector.broadcast %add3A_2343 : i32 to vector<16xi32>
    %eq3A_2345 = arith.cmpi eq, %add3A_2271, %broadcast_in_dim3A_2344 : vector<16xi32>
    %select_n3A_2346 = arith.select %eq3A_2345, %broadcast_in_dim3A_488, %add3A_2341 : vector<16xi1>, vector<16xf32>
    %min3A_2347 = arith.minimumf %min3A_2185, %select_n3A_2346 : vector<16xf32>
    %add3A_2348 = arith.constant 48 : i32
    %add3A_2349 = arith.addi %mul3A_36, %add3A_2348 : i32
    %get3A_2350 = arith.constant 0 : i32
    %get3A_2351 = arith.index_cast %get3A_2350 : i32 to index
    %get3A_2352 = arith.index_cast %add3A_2349 : i32 to index
    %get3A_2353 = tpu.vector_load %arg5[%get3A_2351, %get3A_2352] {strides = array<i32>} : memref<16x128xf32, #tpu.memory_space<vmem>>, vector<1x16xf32>,
    %get3A_2354 = vector.shape_cast %get3A_2353 : vector<1x16xf32> to vector<16xf32>
    %get3A_2355 = arith.constant 1 : i32
    %get3A_2356 = arith.index_cast %get3A_2355 : i32 to index
    %get3A_2357 = arith.index_cast %add3A_2349 : i32 to index
    %get3A_2358 = tpu.vector_load %arg5[%get3A_2356, %get3A_2357] {strides = array<i32>} : memref<16x128xf32, #tpu.memory_space<vmem>>, vector<1x16xf32>,
    %get3A_2359 = vector.shape_cast %get3A_2358 : vector<1x16xf32> to vector<16xf32>
    %get3A_2360 = arith.constant 2 : i32
    %get3A_2361 = arith.index_cast %get3A_2360 : i32 to index
    %get3A_2362 = arith.index_cast %add3A_2349 : i32 to index
    %get3A_2363 = tpu.vector_load %arg5[%get3A_2361, %get3A_2362] {strides = array<i32>} : memref<16x128xf32, #tpu.memory_space<vmem>>, vector<1x16xf32>,
    %get3A_2364 = vector.shape_cast %get3A_2363 : vector<1x16xf32> to vector<16xf32>
    %get3A_2365 = arith.constant 3 : i32
    %get3A_2366 = arith.index_cast %get3A_2365 : i32 to index
    %get3A_2367 = arith.index_cast %add3A_2349 : i32 to index
    %get3A_2368 = tpu.vector_load %arg5[%get3A_2366, %get3A_2367] {strides = array<i32>} : memref<16x128xf32, #tpu.memory_space<vmem>>, vector<1x16xf32>,
    %get3A_2369 = vector.shape_cast %get3A_2368 : vector<1x16xf32> to vector<16xf32>
    %get3A_2370 = arith.constant 4 : i32
    %get3A_2371 = arith.index_cast %get3A_2370 : i32 to index
    %get3A_2372 = arith.index_cast %add3A_2349 : i32 to index
    %get3A_2373 = tpu.vector_load %arg5[%get3A_2371, %get3A_2372] {strides = array<i32>} : memref<16x128xf32, #tpu.memory_space<vmem>>, vector<1x16xf32>,
    %get3A_2374 = vector.shape_cast %get3A_2373 : vector<1x16xf32> to vector<16xf32>
    %get3A_2375 = arith.constant 5 : i32
    %get3A_2376 = arith.index_cast %get3A_2375 : i32 to index
    %get3A_2377 = arith.index_cast %add3A_2349 : i32 to index
    %get3A_2378 = tpu.vector_load %arg5[%get3A_2376, %get3A_2377] {strides = array<i32>} : memref<16x128xf32, #tpu.memory_space<vmem>>, vector<1x16xf32>,
    %get3A_2379 = vector.shape_cast %get3A_2378 : vector<1x16xf32> to vector<16xf32>
    %get3A_2380 = arith.constant 6 : i32
    %get3A_2381 = arith.index_cast %get3A_2380 : i32 to index
    %get3A_2382 = arith.index_cast %add3A_2349 : i32 to index
    %get3A_2383 = tpu.vector_load %arg5[%get3A_2381, %get3A_2382] {strides = array<i32>} : memref<16x128xf32, #tpu.memory_space<vmem>>, vector<1x16xf32>,
    %get3A_2384 = vector.shape_cast %get3A_2383 : vector<1x16xf32> to vector<16xf32>
    %get3A_2385 = arith.constant 7 : i32
    %get3A_2386 = arith.index_cast %get3A_2385 : i32 to index
    %get3A_2387 = arith.index_cast %add3A_2349 : i32 to index
    %get3A_2388 = tpu.vector_load %arg5[%get3A_2386, %get3A_2387] {strides = array<i32>} : memref<16x128xf32, #tpu.memory_space<vmem>>, vector<1x16xf32>,
    %get3A_2389 = vector.shape_cast %get3A_2388 : vector<1x16xf32> to vector<16xf32>
    %get3A_2390 = arith.constant 8 : i32
    %get3A_2391 = arith.index_cast %get3A_2390 : i32 to index
    %get3A_2392 = arith.index_cast %add3A_2349 : i32 to index
    %get3A_2393 = tpu.vector_load %arg5[%get3A_2391, %get3A_2392] {strides = array<i32>} : memref<16x128xf32, #tpu.memory_space<vmem>>, vector<1x16xf32>,
    %get3A_2394 = vector.shape_cast %get3A_2393 : vector<1x16xf32> to vector<16xf32>
    %get3A_2395 = arith.constant 9 : i32
    %get3A_2396 = arith.index_cast %get3A_2395 : i32 to index
    %get3A_2397 = arith.index_cast %add3A_2349 : i32 to index
    %get3A_2398 = tpu.vector_load %arg5[%get3A_2396, %get3A_2397] {strides = array<i32>} : memref<16x128xf32, #tpu.memory_space<vmem>>, vector<1x16xf32>,
    %get3A_2399 = vector.shape_cast %get3A_2398 : vector<1x16xf32> to vector<16xf32>
    %get3A_2400 = arith.constant 10 : i32
    %get3A_2401 = arith.index_cast %get3A_2400 : i32 to index
    %get3A_2402 = arith.index_cast %add3A_2349 : i32 to index
    %get3A_2403 = tpu.vector_load %arg5[%get3A_2401, %get3A_2402] {strides = array<i32>} : memref<16x128xf32, #tpu.memory_space<vmem>>, vector<1x16xf32>,
    %get3A_2404 = vector.shape_cast %get3A_2403 : vector<1x16xf32> to vector<16xf32>
    %get3A_2405 = arith.constant 11 : i32
    %get3A_2406 = arith.index_cast %get3A_2405 : i32 to index
    %get3A_2407 = arith.index_cast %add3A_2349 : i32 to index
    %get3A_2408 = tpu.vector_load %arg5[%get3A_2406, %get3A_2407] {strides = array<i32>} : memref<16x128xf32, #tpu.memory_space<vmem>>, vector<1x16xf32>,
    %get3A_2409 = vector.shape_cast %get3A_2408 : vector<1x16xf32> to vector<16xf32>
    %get3A_2410 = arith.constant 12 : i32
    %get3A_2411 = arith.index_cast %get3A_2410 : i32 to index
    %get3A_2412 = arith.index_cast %add3A_2349 : i32 to index
    %get3A_2413 = tpu.vector_load %arg5[%get3A_2411, %get3A_2412] {strides = array<i32>} : memref<16x128xf32, #tpu.memory_space<vmem>>, vector<1x16xf32>,
    %get3A_2414 = vector.shape_cast %get3A_2413 : vector<1x16xf32> to vector<16xf32>
    %get3A_2415 = arith.constant 13 : i32
    %get3A_2416 = arith.index_cast %get3A_2415 : i32 to index
    %get3A_2417 = arith.index_cast %add3A_2349 : i32 to index
    %get3A_2418 = tpu.vector_load %arg5[%get3A_2416, %get3A_2417] {strides = array<i32>} : memref<16x128xf32, #tpu.memory_space<vmem>>, vector<1x16xf32>,
    %get3A_2419 = vector.shape_cast %get3A_2418 : vector<1x16xf32> to vector<16xf32>
    %get3A_2420 = arith.constant 14 : i32
    %get3A_2421 = arith.index_cast %get3A_2420 : i32 to index
    %get3A_2422 = arith.index_cast %add3A_2349 : i32 to index
    %get3A_2423 = tpu.vector_load %arg5[%get3A_2421, %get3A_2422] {strides = array<i32>} : memref<16x128xf32, #tpu.memory_space<vmem>>, vector<1x16xf32>,
    %get3A_2424 = vector.shape_cast %get3A_2423 : vector<1x16xf32> to vector<16xf32>
    %get3A_2425 = arith.constant 15 : i32
    %get3A_2426 = arith.index_cast %get3A_2425 : i32 to index
    %get3A_2427 = arith.index_cast %add3A_2349 : i32 to index
    %get3A_2428 = tpu.vector_load %arg5[%get3A_2426, %get3A_2427] {strides = array<i32>} : memref<16x128xf32, #tpu.memory_space<vmem>>, vector<1x16xf32>,
    %get3A_2429 = vector.shape_cast %get3A_2428 : vector<1x16xf32> to vector<16xf32>
    %add3A_2430 = arith.constant 3968 : i32
    %add3A_2431 = arith.addi %add3A_2430, %add3A_2349 : i32
    %add3A_2432 = vector.broadcast %add3A_2431 : i32 to vector<16xi32>
    %add3A_2433 = arith.addi %iota3A, %add3A_2432 : vector<16xi32>
    %mul3A_2434 = arith.mulf %gather3A_1543, %get3A_2354 : vector<16xf32>
    %mul3A_2435 = arith.mulf %gather3A_1553, %get3A_2359 : vector<16xf32>
    %add3A_2436 = arith.addf %mul3A_2434, %mul3A_2435 : vector<16xf32>
    %mul3A_2437 = arith.mulf %gather3A_1563, %get3A_2364 : vector<16xf32>
    %add3A_2438 = arith.addf %add3A_2436, %mul3A_2437 : vector<16xf32>
    %mul3A_2439 = arith.mulf %gather3A_1573, %get3A_2369 : vector<16xf32>
    %add3A_2440 = arith.addf %add3A_2438, %mul3A_2439 : vector<16xf32>
    %mul3A_2441 = arith.mulf %gather3A_1583, %get3A_2374 : vector<16xf32>
    %mul3A_2442 = arith.mulf %gather3A_1593, %get3A_2379 : vector<16xf32>
    %add3A_2443 = arith.addf %mul3A_2441, %mul3A_2442 : vector<16xf32>
    %mul3A_2444 = arith.mulf %gather3A_1603, %get3A_2384 : vector<16xf32>
    %add3A_2445 = arith.addf %add3A_2443, %mul3A_2444 : vector<16xf32>
    %mul3A_2446 = arith.mulf %gather3A_1613, %get3A_2389 : vector<16xf32>
    %add3A_2447 = arith.addf %add3A_2445, %mul3A_2446 : vector<16xf32>
    %mul3A_2448 = arith.mulf %gather3A_1623, %get3A_2394 : vector<16xf32>
    %mul3A_2449 = arith.mulf %gather3A_1633, %get3A_2399 : vector<16xf32>
    %add3A_2450 = arith.addf %mul3A_2448, %mul3A_2449 : vector<16xf32>
    %mul3A_2451 = arith.mulf %gather3A_1643, %get3A_2404 : vector<16xf32>
    %add3A_2452 = arith.addf %add3A_2450, %mul3A_2451 : vector<16xf32>
    %mul3A_2453 = arith.mulf %gather3A_1653, %get3A_2409 : vector<16xf32>
    %add3A_2454 = arith.addf %add3A_2452, %mul3A_2453 : vector<16xf32>
    %mul3A_2455 = arith.mulf %gather3A_1663, %get3A_2414 : vector<16xf32>
    %mul3A_2456 = arith.mulf %gather3A_1673, %get3A_2419 : vector<16xf32>
    %add3A_2457 = arith.addf %mul3A_2455, %mul3A_2456 : vector<16xf32>
    %mul3A_2458 = arith.mulf %gather3A_1683, %get3A_2424 : vector<16xf32>
    %add3A_2459 = arith.addf %add3A_2457, %mul3A_2458 : vector<16xf32>
    %mul3A_2460 = arith.mulf %gather3A_1693, %get3A_2429 : vector<16xf32>
    %add3A_2461 = arith.addf %add3A_2459, %mul3A_2460 : vector<16xf32>
    %add3A_2462 = arith.addf %add3A_2440, %add3A_2447 : vector<16xf32>
    %add3A_2463 = arith.addf %add3A_2454, %add3A_2461 : vector<16xf32>
    %add3A_2464 = arith.addf %add3A_2462, %add3A_2463 : vector<16xf32>
    %add3A_2465 = arith.addf %add3A_2464, %add3A_487 : vector<16xf32>
    %add3A_2466 = arith.constant 0 : i32
    %add3A_2467 = arith.addi %add3A_1525, %add3A_2466 : i32
    %broadcast_in_dim3A_2468 = vector.broadcast %add3A_2467 : i32 to vector<16xi32>
    %eq3A_2469 = arith.cmpi eq, %add3A_2433, %broadcast_in_dim3A_2468 : vector<16xi32>
    %select_n3A_2470 = arith.select %eq3A_2469, %broadcast_in_dim3A_488, %add3A_2465 : vector<16xi1>, vector<16xf32>
    %min3A_2471 = arith.minimumf %min3A_2309, %select_n3A_2470 : vector<16xf32>
    %mul3A_2472 = arith.mulf %gather3A_1711, %get3A_2354 : vector<16xf32>
    %mul3A_2473 = arith.mulf %gather3A_1721, %get3A_2359 : vector<16xf32>
    %add3A_2474 = arith.addf %mul3A_2472, %mul3A_2473 : vector<16xf32>
    %mul3A_2475 = arith.mulf %gather3A_1731, %get3A_2364 : vector<16xf32>
    %add3A_2476 = arith.addf %add3A_2474, %mul3A_2475 : vector<16xf32>
    %mul3A_2477 = arith.mulf %gather3A_1741, %get3A_2369 : vector<16xf32>
    %add3A_2478 = arith.addf %add3A_2476, %mul3A_2477 : vector<16xf32>
    %mul3A_2479 = arith.mulf %gather3A_1751, %get3A_2374 : vector<16xf32>
    %mul3A_2480 = arith.mulf %gather3A_1761, %get3A_2379 : vector<16xf32>
    %add3A_2481 = arith.addf %mul3A_2479, %mul3A_2480 : vector<16xf32>
    %mul3A_2482 = arith.mulf %gather3A_1771, %get3A_2384 : vector<16xf32>
    %add3A_2483 = arith.addf %add3A_2481, %mul3A_2482 : vector<16xf32>
    %mul3A_2484 = arith.mulf %gather3A_1781, %get3A_2389 : vector<16xf32>
    %add3A_2485 = arith.addf %add3A_2483, %mul3A_2484 : vector<16xf32>
    %mul3A_2486 = arith.mulf %gather3A_1791, %get3A_2394 : vector<16xf32>
    %mul3A_2487 = arith.mulf %gather3A_1801, %get3A_2399 : vector<16xf32>
    %add3A_2488 = arith.addf %mul3A_2486, %mul3A_2487 : vector<16xf32>
    %mul3A_2489 = arith.mulf %gather3A_1811, %get3A_2404 : vector<16xf32>
    %add3A_2490 = arith.addf %add3A_2488, %mul3A_2489 : vector<16xf32>
    %mul3A_2491 = arith.mulf %gather3A_1821, %get3A_2409 : vector<16xf32>
    %add3A_2492 = arith.addf %add3A_2490, %mul3A_2491 : vector<16xf32>
    %mul3A_2493 = arith.mulf %gather3A_1831, %get3A_2414 : vector<16xf32>
    %mul3A_2494 = arith.mulf %gather3A_1841, %get3A_2419 : vector<16xf32>
    %add3A_2495 = arith.addf %mul3A_2493, %mul3A_2494 : vector<16xf32>
    %mul3A_2496 = arith.mulf %gather3A_1851, %get3A_2424 : vector<16xf32>
    %add3A_2497 = arith.addf %add3A_2495, %mul3A_2496 : vector<16xf32>
    %mul3A_2498 = arith.mulf %gather3A_1861, %get3A_2429 : vector<16xf32>
    %add3A_2499 = arith.addf %add3A_2497, %mul3A_2498 : vector<16xf32>
    %add3A_2500 = arith.addf %add3A_2478, %add3A_2485 : vector<16xf32>
    %add3A_2501 = arith.addf %add3A_2492, %add3A_2499 : vector<16xf32>
    %add3A_2502 = arith.addf %add3A_2500, %add3A_2501 : vector<16xf32>
    %add3A_2503 = arith.addf %add3A_2502, %add3A_487 : vector<16xf32>
    %add3A_2504 = arith.constant 1 : i32
    %add3A_2505 = arith.addi %add3A_1525, %add3A_2504 : i32
    %broadcast_in_dim3A_2506 = vector.broadcast %add3A_2505 : i32 to vector<16xi32>
    %eq3A_2507 = arith.cmpi eq, %add3A_2433, %broadcast_in_dim3A_2506 : vector<16xi32>
    %select_n3A_2508 = arith.select %eq3A_2507, %broadcast_in_dim3A_488, %add3A_2503 : vector<16xi1>, vector<16xf32>
    %min3A_2509 = arith.minimumf %min3A_2347, %select_n3A_2508 : vector<16xf32>
    %swap3A_2510 = arith.constant 2 : i32
    %swap3A_2511 = arith.index_cast %swap3A_2510 : i32 to index
    %swap3A_2512 = arith.constant 0 : index
    %swap3A_2513 = tpu.vector_load %arg7[%swap3A_2511, %swap3A_2512] {strides = array<i32>} : memref<8x16xf32, #tpu.memory_space<vmem>>, vector<1x16xf32>,
    %swap3A_2514 = vector.shape_cast %swap3A_2513 : vector<1x16xf32> to vector<16xf32>
    %swap3A_2515 = vector.shape_cast %min3A_2471 : vector<16xf32> to vector<1x16xf32>
    tpu.vector_store %arg7[%swap3A_2511, %swap3A_2512], %swap3A_2515 {strides = array<i32>} : memref<8x16xf32, #tpu.memory_space<vmem>>, vector<1x16xf32>,
    %swap3A_2516 = arith.constant 3 : i32
    %swap3A_2517 = arith.index_cast %swap3A_2516 : i32 to index
    %swap3A_2518 = arith.constant 0 : index
    %swap3A_2519 = tpu.vector_load %arg7[%swap3A_2517, %swap3A_2518] {strides = array<i32>} : memref<8x16xf32, #tpu.memory_space<vmem>>, vector<1x16xf32>,
    %swap3A_2520 = vector.shape_cast %swap3A_2519 : vector<1x16xf32> to vector<16xf32>
    %swap3A_2521 = vector.shape_cast %min3A_2509 : vector<16xf32> to vector<1x16xf32>
    tpu.vector_store %arg7[%swap3A_2517, %swap3A_2518], %swap3A_2521 {strides = array<i32>} : memref<8x16xf32, #tpu.memory_space<vmem>>, vector<1x16xf32>,
    %mul3A_2522 = arith.constant 8 : i32
    %mul3A_2523 = arith.muli %select_n3A, %mul3A_2522 : i32
    %add3A_2524 = arith.constant 3968 : i32
    %add3A_2525 = arith.addi %add3A_2524, %mul3A_2523 : i32
    %add3A_2526 = arith.constant 4 : i32
    %add3A_2527 = arith.addi %add3A_2525, %add3A_2526 : i32
    %get3A_2528 = arith.constant 4 : i32
    %get3A_2529 = arith.index_cast %get3A_2528 : i32 to index
    %get3A_2530 = arith.constant 0 : index
    %get3A_2531 = tpu.vector_load %arg6[%get3A_2529, %get3A_2530] {strides = array<i32>} : memref<8x16xf32, #tpu.memory_space<vmem>>, vector<1x16xf32>,
    %get3A_2532 = vector.shape_cast %get3A_2531 : vector<1x16xf32> to vector<16xf32>
    %mul3A_2533 = arith.constant -2.000000e+00 : f32
    %mul3A_2534 = vector.broadcast %mul3A_2533 : f32 to vector<16xf32>
    %mul3A_2535 = arith.mulf %get3A_2532, %mul3A_2534 : vector<16xf32>
    %lt3A_2536 = arith.constant 0 : i32
    %lt3A_2537 = vector.broadcast %lt3A_2536 : i32 to vector<16xi32>
    %lt3A_2538 = arith.cmpi slt, %broadcast_in_dim3A_490, %lt3A_2537 : vector<16xi32>
    %add3A_2539 = arith.constant 16 : i32
    %add3A_2540 = vector.broadcast %add3A_2539 : i32 to vector<16xi32>
    %add3A_2541 = arith.addi %broadcast_in_dim3A_490, %add3A_2540 : vector<16xi32>
    %select_n3A_2542 = arith.select %lt3A_2538, %add3A_2541, %broadcast_in_dim3A_490 : vector<16xi1>, vector<16xi32>
    %broadcast_in_dim3A_2543 = vector.shape_cast %select_n3A_2542 : vector<16xi32> to vector<16x1xi32>
    %gather3A_2544 = vector.shape_cast %broadcast_in_dim3A_2543 : vector<16x1xi32> to vector<16xi32>
    %gather3A_2545 = tpu.dynamic_gather %mul3A_2535[%gather3A_2544] in [0] : vector<16xf32>, vector<16xi32> -> vector<16xf32>
    %lt3A_2546 = arith.constant 0 : i32
    %lt3A_2547 = vector.broadcast %lt3A_2546 : i32 to vector<16xi32>
    %lt3A_2548 = arith.cmpi slt, %broadcast_in_dim3A_492, %lt3A_2547 : vector<16xi32>
    %add3A_2549 = arith.constant 16 : i32
    %add3A_2550 = vector.broadcast %add3A_2549 : i32 to vector<16xi32>
    %add3A_2551 = arith.addi %broadcast_in_dim3A_492, %add3A_2550 : vector<16xi32>
    %select_n3A_2552 = arith.select %lt3A_2548, %add3A_2551, %broadcast_in_dim3A_492 : vector<16xi1>, vector<16xi32>
    %broadcast_in_dim3A_2553 = vector.shape_cast %select_n3A_2552 : vector<16xi32> to vector<16x1xi32>
    %gather3A_2554 = vector.shape_cast %broadcast_in_dim3A_2553 : vector<16x1xi32> to vector<16xi32>
    %gather3A_2555 = tpu.dynamic_gather %mul3A_2535[%gather3A_2554] in [0] : vector<16xf32>, vector<16xi32> -> vector<16xf32>
    %lt3A_2556 = arith.constant 0 : i32
    %lt3A_2557 = vector.broadcast %lt3A_2556 : i32 to vector<16xi32>
    %lt3A_2558 = arith.cmpi slt, %broadcast_in_dim3A_494, %lt3A_2557 : vector<16xi32>
    %add3A_2559 = arith.constant 16 : i32
    %add3A_2560 = vector.broadcast %add3A_2559 : i32 to vector<16xi32>
    %add3A_2561 = arith.addi %broadcast_in_dim3A_494, %add3A_2560 : vector<16xi32>
    %select_n3A_2562 = arith.select %lt3A_2558, %add3A_2561, %broadcast_in_dim3A_494 : vector<16xi1>, vector<16xi32>
    %broadcast_in_dim3A_2563 = vector.shape_cast %select_n3A_2562 : vector<16xi32> to vector<16x1xi32>
    %gather3A_2564 = vector.shape_cast %broadcast_in_dim3A_2563 : vector<16x1xi32> to vector<16xi32>
    %gather3A_2565 = tpu.dynamic_gather %mul3A_2535[%gather3A_2564] in [0] : vector<16xf32>, vector<16xi32> -> vector<16xf32>
    %lt3A_2566 = arith.constant 0 : i32
    %lt3A_2567 = vector.broadcast %lt3A_2566 : i32 to vector<16xi32>
    %lt3A_2568 = arith.cmpi slt, %broadcast_in_dim3A_496, %lt3A_2567 : vector<16xi32>
    %add3A_2569 = arith.constant 16 : i32
    %add3A_2570 = vector.broadcast %add3A_2569 : i32 to vector<16xi32>
    %add3A_2571 = arith.addi %broadcast_in_dim3A_496, %add3A_2570 : vector<16xi32>
    %select_n3A_2572 = arith.select %lt3A_2568, %add3A_2571, %broadcast_in_dim3A_496 : vector<16xi1>, vector<16xi32>
    %broadcast_in_dim3A_2573 = vector.shape_cast %select_n3A_2572 : vector<16xi32> to vector<16x1xi32>
    %gather3A_2574 = vector.shape_cast %broadcast_in_dim3A_2573 : vector<16x1xi32> to vector<16xi32>
    %gather3A_2575 = tpu.dynamic_gather %mul3A_2535[%gather3A_2574] in [0] : vector<16xf32>, vector<16xi32> -> vector<16xf32>
    %lt3A_2576 = arith.constant 0 : i32
    %lt3A_2577 = vector.broadcast %lt3A_2576 : i32 to vector<16xi32>
    %lt3A_2578 = arith.cmpi slt, %broadcast_in_dim3A_498, %lt3A_2577 : vector<16xi32>
    %add3A_2579 = arith.constant 16 : i32
    %add3A_2580 = vector.broadcast %add3A_2579 : i32 to vector<16xi32>
    %add3A_2581 = arith.addi %broadcast_in_dim3A_498, %add3A_2580 : vector<16xi32>
    %select_n3A_2582 = arith.select %lt3A_2578, %add3A_2581, %broadcast_in_dim3A_498 : vector<16xi1>, vector<16xi32>
    %broadcast_in_dim3A_2583 = vector.shape_cast %select_n3A_2582 : vector<16xi32> to vector<16x1xi32>
    %gather3A_2584 = vector.shape_cast %broadcast_in_dim3A_2583 : vector<16x1xi32> to vector<16xi32>
    %gather3A_2585 = tpu.dynamic_gather %mul3A_2535[%gather3A_2584] in [0] : vector<16xf32>, vector<16xi32> -> vector<16xf32>
    %lt3A_2586 = arith.constant 0 : i32
    %lt3A_2587 = vector.broadcast %lt3A_2586 : i32 to vector<16xi32>
    %lt3A_2588 = arith.cmpi slt, %broadcast_in_dim3A_500, %lt3A_2587 : vector<16xi32>
    %add3A_2589 = arith.constant 16 : i32
    %add3A_2590 = vector.broadcast %add3A_2589 : i32 to vector<16xi32>
    %add3A_2591 = arith.addi %broadcast_in_dim3A_500, %add3A_2590 : vector<16xi32>
    %select_n3A_2592 = arith.select %lt3A_2588, %add3A_2591, %broadcast_in_dim3A_500 : vector<16xi1>, vector<16xi32>
    %broadcast_in_dim3A_2593 = vector.shape_cast %select_n3A_2592 : vector<16xi32> to vector<16x1xi32>
    %gather3A_2594 = vector.shape_cast %broadcast_in_dim3A_2593 : vector<16x1xi32> to vector<16xi32>
    %gather3A_2595 = tpu.dynamic_gather %mul3A_2535[%gather3A_2594] in [0] : vector<16xf32>, vector<16xi32> -> vector<16xf32>
    %lt3A_2596 = arith.constant 0 : i32
    %lt3A_2597 = vector.broadcast %lt3A_2596 : i32 to vector<16xi32>
    %lt3A_2598 = arith.cmpi slt, %broadcast_in_dim3A_502, %lt3A_2597 : vector<16xi32>
    %add3A_2599 = arith.constant 16 : i32
    %add3A_2600 = vector.broadcast %add3A_2599 : i32 to vector<16xi32>
    %add3A_2601 = arith.addi %broadcast_in_dim3A_502, %add3A_2600 : vector<16xi32>
    %select_n3A_2602 = arith.select %lt3A_2598, %add3A_2601, %broadcast_in_dim3A_502 : vector<16xi1>, vector<16xi32>
    %broadcast_in_dim3A_2603 = vector.shape_cast %select_n3A_2602 : vector<16xi32> to vector<16x1xi32>
    %gather3A_2604 = vector.shape_cast %broadcast_in_dim3A_2603 : vector<16x1xi32> to vector<16xi32>
    %gather3A_2605 = tpu.dynamic_gather %mul3A_2535[%gather3A_2604] in [0] : vector<16xf32>, vector<16xi32> -> vector<16xf32>
    %lt3A_2606 = arith.constant 0 : i32
    %lt3A_2607 = vector.broadcast %lt3A_2606 : i32 to vector<16xi32>
    %lt3A_2608 = arith.cmpi slt, %broadcast_in_dim3A_504, %lt3A_2607 : vector<16xi32>
    %add3A_2609 = arith.constant 16 : i32
    %add3A_2610 = vector.broadcast %add3A_2609 : i32 to vector<16xi32>
    %add3A_2611 = arith.addi %broadcast_in_dim3A_504, %add3A_2610 : vector<16xi32>
    %select_n3A_2612 = arith.select %lt3A_2608, %add3A_2611, %broadcast_in_dim3A_504 : vector<16xi1>, vector<16xi32>
    %broadcast_in_dim3A_2613 = vector.shape_cast %select_n3A_2612 : vector<16xi32> to vector<16x1xi32>
    %gather3A_2614 = vector.shape_cast %broadcast_in_dim3A_2613 : vector<16x1xi32> to vector<16xi32>
    %gather3A_2615 = tpu.dynamic_gather %mul3A_2535[%gather3A_2614] in [0] : vector<16xf32>, vector<16xi32> -> vector<16xf32>
    %lt3A_2616 = arith.constant 0 : i32
    %lt3A_2617 = vector.broadcast %lt3A_2616 : i32 to vector<16xi32>
    %lt3A_2618 = arith.cmpi slt, %broadcast_in_dim3A_506, %lt3A_2617 : vector<16xi32>
    %add3A_2619 = arith.constant 16 : i32
    %add3A_2620 = vector.broadcast %add3A_2619 : i32 to vector<16xi32>
    %add3A_2621 = arith.addi %broadcast_in_dim3A_506, %add3A_2620 : vector<16xi32>
    %select_n3A_2622 = arith.select %lt3A_2618, %add3A_2621, %broadcast_in_dim3A_506 : vector<16xi1>, vector<16xi32>
    %broadcast_in_dim3A_2623 = vector.shape_cast %select_n3A_2622 : vector<16xi32> to vector<16x1xi32>
    %gather3A_2624 = vector.shape_cast %broadcast_in_dim3A_2623 : vector<16x1xi32> to vector<16xi32>
    %gather3A_2625 = tpu.dynamic_gather %mul3A_2535[%gather3A_2624] in [0] : vector<16xf32>, vector<16xi32> -> vector<16xf32>
    %lt3A_2626 = arith.constant 0 : i32
    %lt3A_2627 = vector.broadcast %lt3A_2626 : i32 to vector<16xi32>
    %lt3A_2628 = arith.cmpi slt, %broadcast_in_dim3A_508, %lt3A_2627 : vector<16xi32>
    %add3A_2629 = arith.constant 16 : i32
    %add3A_2630 = vector.broadcast %add3A_2629 : i32 to vector<16xi32>
    %add3A_2631 = arith.addi %broadcast_in_dim3A_508, %add3A_2630 : vector<16xi32>
    %select_n3A_2632 = arith.select %lt3A_2628, %add3A_2631, %broadcast_in_dim3A_508 : vector<16xi1>, vector<16xi32>
    %broadcast_in_dim3A_2633 = vector.shape_cast %select_n3A_2632 : vector<16xi32> to vector<16x1xi32>
    %gather3A_2634 = vector.shape_cast %broadcast_in_dim3A_2633 : vector<16x1xi32> to vector<16xi32>
    %gather3A_2635 = tpu.dynamic_gather %mul3A_2535[%gather3A_2634] in [0] : vector<16xf32>, vector<16xi32> -> vector<16xf32>
    %lt3A_2636 = arith.constant 0 : i32
    %lt3A_2637 = vector.broadcast %lt3A_2636 : i32 to vector<16xi32>
    %lt3A_2638 = arith.cmpi slt, %broadcast_in_dim3A_510, %lt3A_2637 : vector<16xi32>
    %add3A_2639 = arith.constant 16 : i32
    %add3A_2640 = vector.broadcast %add3A_2639 : i32 to vector<16xi32>
    %add3A_2641 = arith.addi %broadcast_in_dim3A_510, %add3A_2640 : vector<16xi32>
    %select_n3A_2642 = arith.select %lt3A_2638, %add3A_2641, %broadcast_in_dim3A_510 : vector<16xi1>, vector<16xi32>
    %broadcast_in_dim3A_2643 = vector.shape_cast %select_n3A_2642 : vector<16xi32> to vector<16x1xi32>
    %gather3A_2644 = vector.shape_cast %broadcast_in_dim3A_2643 : vector<16x1xi32> to vector<16xi32>
    %gather3A_2645 = tpu.dynamic_gather %mul3A_2535[%gather3A_2644] in [0] : vector<16xf32>, vector<16xi32> -> vector<16xf32>
    %lt3A_2646 = arith.constant 0 : i32
    %lt3A_2647 = vector.broadcast %lt3A_2646 : i32 to vector<16xi32>
    %lt3A_2648 = arith.cmpi slt, %broadcast_in_dim3A_512, %lt3A_2647 : vector<16xi32>
    %add3A_2649 = arith.constant 16 : i32
    %add3A_2650 = vector.broadcast %add3A_2649 : i32 to vector<16xi32>
    %add3A_2651 = arith.addi %broadcast_in_dim3A_512, %add3A_2650 : vector<16xi32>
    %select_n3A_2652 = arith.select %lt3A_2648, %add3A_2651, %broadcast_in_dim3A_512 : vector<16xi1>, vector<16xi32>
    %broadcast_in_dim3A_2653 = vector.shape_cast %select_n3A_2652 : vector<16xi32> to vector<16x1xi32>
    %gather3A_2654 = vector.shape_cast %broadcast_in_dim3A_2653 : vector<16x1xi32> to vector<16xi32>
    %gather3A_2655 = tpu.dynamic_gather %mul3A_2535[%gather3A_2654] in [0] : vector<16xf32>, vector<16xi32> -> vector<16xf32>
    %lt3A_2656 = arith.constant 0 : i32
    %lt3A_2657 = vector.broadcast %lt3A_2656 : i32 to vector<16xi32>
    %lt3A_2658 = arith.cmpi slt, %broadcast_in_dim3A_514, %lt3A_2657 : vector<16xi32>
    %add3A_2659 = arith.constant 16 : i32
    %add3A_2660 = vector.broadcast %add3A_2659 : i32 to vector<16xi32>
    %add3A_2661 = arith.addi %broadcast_in_dim3A_514, %add3A_2660 : vector<16xi32>
    %select_n3A_2662 = arith.select %lt3A_2658, %add3A_2661, %broadcast_in_dim3A_514 : vector<16xi1>, vector<16xi32>
    %broadcast_in_dim3A_2663 = vector.shape_cast %select_n3A_2662 : vector<16xi32> to vector<16x1xi32>
    %gather3A_2664 = vector.shape_cast %broadcast_in_dim3A_2663 : vector<16x1xi32> to vector<16xi32>
    %gather3A_2665 = tpu.dynamic_gather %mul3A_2535[%gather3A_2664] in [0] : vector<16xf32>, vector<16xi32> -> vector<16xf32>
    %lt3A_2666 = arith.constant 0 : i32
    %lt3A_2667 = vector.broadcast %lt3A_2666 : i32 to vector<16xi32>
    %lt3A_2668 = arith.cmpi slt, %broadcast_in_dim3A_516, %lt3A_2667 : vector<16xi32>
    %add3A_2669 = arith.constant 16 : i32
    %add3A_2670 = vector.broadcast %add3A_2669 : i32 to vector<16xi32>
    %add3A_2671 = arith.addi %broadcast_in_dim3A_516, %add3A_2670 : vector<16xi32>
    %select_n3A_2672 = arith.select %lt3A_2668, %add3A_2671, %broadcast_in_dim3A_516 : vector<16xi1>, vector<16xi32>
    %broadcast_in_dim3A_2673 = vector.shape_cast %select_n3A_2672 : vector<16xi32> to vector<16x1xi32>
    %gather3A_2674 = vector.shape_cast %broadcast_in_dim3A_2673 : vector<16x1xi32> to vector<16xi32>
    %gather3A_2675 = tpu.dynamic_gather %mul3A_2535[%gather3A_2674] in [0] : vector<16xf32>, vector<16xi32> -> vector<16xf32>
    %lt3A_2676 = arith.constant 0 : i32
    %lt3A_2677 = vector.broadcast %lt3A_2676 : i32 to vector<16xi32>
    %lt3A_2678 = arith.cmpi slt, %broadcast_in_dim3A_518, %lt3A_2677 : vector<16xi32>
    %add3A_2679 = arith.constant 16 : i32
    %add3A_2680 = vector.broadcast %add3A_2679 : i32 to vector<16xi32>
    %add3A_2681 = arith.addi %broadcast_in_dim3A_518, %add3A_2680 : vector<16xi32>
    %select_n3A_2682 = arith.select %lt3A_2678, %add3A_2681, %broadcast_in_dim3A_518 : vector<16xi1>, vector<16xi32>
    %broadcast_in_dim3A_2683 = vector.shape_cast %select_n3A_2682 : vector<16xi32> to vector<16x1xi32>
    %gather3A_2684 = vector.shape_cast %broadcast_in_dim3A_2683 : vector<16x1xi32> to vector<16xi32>
    %gather3A_2685 = tpu.dynamic_gather %mul3A_2535[%gather3A_2684] in [0] : vector<16xf32>, vector<16xi32> -> vector<16xf32>
    %lt3A_2686 = arith.constant 0 : i32
    %lt3A_2687 = vector.broadcast %lt3A_2686 : i32 to vector<16xi32>
    %lt3A_2688 = arith.cmpi slt, %broadcast_in_dim3A_520, %lt3A_2687 : vector<16xi32>
    %add3A_2689 = arith.constant 16 : i32
    %add3A_2690 = vector.broadcast %add3A_2689 : i32 to vector<16xi32>
    %add3A_2691 = arith.addi %broadcast_in_dim3A_520, %add3A_2690 : vector<16xi32>
    %select_n3A_2692 = arith.select %lt3A_2688, %add3A_2691, %broadcast_in_dim3A_520 : vector<16xi1>, vector<16xi32>
    %broadcast_in_dim3A_2693 = vector.shape_cast %select_n3A_2692 : vector<16xi32> to vector<16x1xi32>
    %gather3A_2694 = vector.shape_cast %broadcast_in_dim3A_2693 : vector<16x1xi32> to vector<16xi32>
    %gather3A_2695 = tpu.dynamic_gather %mul3A_2535[%gather3A_2694] in [0] : vector<16xf32>, vector<16xi32> -> vector<16xf32>
    %get3A_2696 = arith.constant 5 : i32
    %get3A_2697 = arith.index_cast %get3A_2696 : i32 to index
    %get3A_2698 = arith.constant 0 : index
    %get3A_2699 = tpu.vector_load %arg6[%get3A_2697, %get3A_2698] {strides = array<i32>} : memref<8x16xf32, #tpu.memory_space<vmem>>, vector<1x16xf32>,
    %get3A_2700 = vector.shape_cast %get3A_2699 : vector<1x16xf32> to vector<16xf32>
    %mul3A_2701 = arith.constant -2.000000e+00 : f32
    %mul3A_2702 = vector.broadcast %mul3A_2701 : f32 to vector<16xf32>
    %mul3A_2703 = arith.mulf %get3A_2700, %mul3A_2702 : vector<16xf32>
    %lt3A_2704 = arith.constant 0 : i32
    %lt3A_2705 = vector.broadcast %lt3A_2704 : i32 to vector<16xi32>
    %lt3A_2706 = arith.cmpi slt, %broadcast_in_dim3A_490, %lt3A_2705 : vector<16xi32>
    %add3A_2707 = arith.constant 16 : i32
    %add3A_2708 = vector.broadcast %add3A_2707 : i32 to vector<16xi32>
    %add3A_2709 = arith.addi %broadcast_in_dim3A_490, %add3A_2708 : vector<16xi32>
    %select_n3A_2710 = arith.select %lt3A_2706, %add3A_2709, %broadcast_in_dim3A_490 : vector<16xi1>, vector<16xi32>
    %broadcast_in_dim3A_2711 = vector.shape_cast %select_n3A_2710 : vector<16xi32> to vector<16x1xi32>
    %gather3A_2712 = vector.shape_cast %broadcast_in_dim3A_2711 : vector<16x1xi32> to vector<16xi32>
    %gather3A_2713 = tpu.dynamic_gather %mul3A_2703[%gather3A_2712] in [0] : vector<16xf32>, vector<16xi32> -> vector<16xf32>
    %lt3A_2714 = arith.constant 0 : i32
    %lt3A_2715 = vector.broadcast %lt3A_2714 : i32 to vector<16xi32>
    %lt3A_2716 = arith.cmpi slt, %broadcast_in_dim3A_492, %lt3A_2715 : vector<16xi32>
    %add3A_2717 = arith.constant 16 : i32
    %add3A_2718 = vector.broadcast %add3A_2717 : i32 to vector<16xi32>
    %add3A_2719 = arith.addi %broadcast_in_dim3A_492, %add3A_2718 : vector<16xi32>
    %select_n3A_2720 = arith.select %lt3A_2716, %add3A_2719, %broadcast_in_dim3A_492 : vector<16xi1>, vector<16xi32>
    %broadcast_in_dim3A_2721 = vector.shape_cast %select_n3A_2720 : vector<16xi32> to vector<16x1xi32>
    %gather3A_2722 = vector.shape_cast %broadcast_in_dim3A_2721 : vector<16x1xi32> to vector<16xi32>
    %gather3A_2723 = tpu.dynamic_gather %mul3A_2703[%gather3A_2722] in [0] : vector<16xf32>, vector<16xi32> -> vector<16xf32>
    %lt3A_2724 = arith.constant 0 : i32
    %lt3A_2725 = vector.broadcast %lt3A_2724 : i32 to vector<16xi32>
    %lt3A_2726 = arith.cmpi slt, %broadcast_in_dim3A_494, %lt3A_2725 : vector<16xi32>
    %add3A_2727 = arith.constant 16 : i32
    %add3A_2728 = vector.broadcast %add3A_2727 : i32 to vector<16xi32>
    %add3A_2729 = arith.addi %broadcast_in_dim3A_494, %add3A_2728 : vector<16xi32>
    %select_n3A_2730 = arith.select %lt3A_2726, %add3A_2729, %broadcast_in_dim3A_494 : vector<16xi1>, vector<16xi32>
    %broadcast_in_dim3A_2731 = vector.shape_cast %select_n3A_2730 : vector<16xi32> to vector<16x1xi32>
    %gather3A_2732 = vector.shape_cast %broadcast_in_dim3A_2731 : vector<16x1xi32> to vector<16xi32>
    %gather3A_2733 = tpu.dynamic_gather %mul3A_2703[%gather3A_2732] in [0] : vector<16xf32>, vector<16xi32> -> vector<16xf32>
    %lt3A_2734 = arith.constant 0 : i32
    %lt3A_2735 = vector.broadcast %lt3A_2734 : i32 to vector<16xi32>
    %lt3A_2736 = arith.cmpi slt, %broadcast_in_dim3A_496, %lt3A_2735 : vector<16xi32>
    %add3A_2737 = arith.constant 16 : i32
    %add3A_2738 = vector.broadcast %add3A_2737 : i32 to vector<16xi32>
    %add3A_2739 = arith.addi %broadcast_in_dim3A_496, %add3A_2738 : vector<16xi32>
    %select_n3A_2740 = arith.select %lt3A_2736, %add3A_2739, %broadcast_in_dim3A_496 : vector<16xi1>, vector<16xi32>
    %broadcast_in_dim3A_2741 = vector.shape_cast %select_n3A_2740 : vector<16xi32> to vector<16x1xi32>
    %gather3A_2742 = vector.shape_cast %broadcast_in_dim3A_2741 : vector<16x1xi32> to vector<16xi32>
    %gather3A_2743 = tpu.dynamic_gather %mul3A_2703[%gather3A_2742] in [0] : vector<16xf32>, vector<16xi32> -> vector<16xf32>
    %lt3A_2744 = arith.constant 0 : i32
    %lt3A_2745 = vector.broadcast %lt3A_2744 : i32 to vector<16xi32>
    %lt3A_2746 = arith.cmpi slt, %broadcast_in_dim3A_498, %lt3A_2745 : vector<16xi32>
    %add3A_2747 = arith.constant 16 : i32
    %add3A_2748 = vector.broadcast %add3A_2747 : i32 to vector<16xi32>
    %add3A_2749 = arith.addi %broadcast_in_dim3A_498, %add3A_2748 : vector<16xi32>
    %select_n3A_2750 = arith.select %lt3A_2746, %add3A_2749, %broadcast_in_dim3A_498 : vector<16xi1>, vector<16xi32>
    %broadcast_in_dim3A_2751 = vector.shape_cast %select_n3A_2750 : vector<16xi32> to vector<16x1xi32>
    %gather3A_2752 = vector.shape_cast %broadcast_in_dim3A_2751 : vector<16x1xi32> to vector<16xi32>
    %gather3A_2753 = tpu.dynamic_gather %mul3A_2703[%gather3A_2752] in [0] : vector<16xf32>, vector<16xi32> -> vector<16xf32>
    %lt3A_2754 = arith.constant 0 : i32
    %lt3A_2755 = vector.broadcast %lt3A_2754 : i32 to vector<16xi32>
    %lt3A_2756 = arith.cmpi slt, %broadcast_in_dim3A_500, %lt3A_2755 : vector<16xi32>
    %add3A_2757 = arith.constant 16 : i32
    %add3A_2758 = vector.broadcast %add3A_2757 : i32 to vector<16xi32>
    %add3A_2759 = arith.addi %broadcast_in_dim3A_500, %add3A_2758 : vector<16xi32>
    %select_n3A_2760 = arith.select %lt3A_2756, %add3A_2759, %broadcast_in_dim3A_500 : vector<16xi1>, vector<16xi32>
    %broadcast_in_dim3A_2761 = vector.shape_cast %select_n3A_2760 : vector<16xi32> to vector<16x1xi32>
    %gather3A_2762 = vector.shape_cast %broadcast_in_dim3A_2761 : vector<16x1xi32> to vector<16xi32>
    %gather3A_2763 = tpu.dynamic_gather %mul3A_2703[%gather3A_2762] in [0] : vector<16xf32>, vector<16xi32> -> vector<16xf32>
    %lt3A_2764 = arith.constant 0 : i32
    %lt3A_2765 = vector.broadcast %lt3A_2764 : i32 to vector<16xi32>
    %lt3A_2766 = arith.cmpi slt, %broadcast_in_dim3A_502, %lt3A_2765 : vector<16xi32>
    %add3A_2767 = arith.constant 16 : i32
    %add3A_2768 = vector.broadcast %add3A_2767 : i32 to vector<16xi32>
    %add3A_2769 = arith.addi %broadcast_in_dim3A_502, %add3A_2768 : vector<16xi32>
    %select_n3A_2770 = arith.select %lt3A_2766, %add3A_2769, %broadcast_in_dim3A_502 : vector<16xi1>, vector<16xi32>
    %broadcast_in_dim3A_2771 = vector.shape_cast %select_n3A_2770 : vector<16xi32> to vector<16x1xi32>
    %gather3A_2772 = vector.shape_cast %broadcast_in_dim3A_2771 : vector<16x1xi32> to vector<16xi32>
    %gather3A_2773 = tpu.dynamic_gather %mul3A_2703[%gather3A_2772] in [0] : vector<16xf32>, vector<16xi32> -> vector<16xf32>
    %lt3A_2774 = arith.constant 0 : i32
    %lt3A_2775 = vector.broadcast %lt3A_2774 : i32 to vector<16xi32>
    %lt3A_2776 = arith.cmpi slt, %broadcast_in_dim3A_504, %lt3A_2775 : vector<16xi32>
    %add3A_2777 = arith.constant 16 : i32
    %add3A_2778 = vector.broadcast %add3A_2777 : i32 to vector<16xi32>
    %add3A_2779 = arith.addi %broadcast_in_dim3A_504, %add3A_2778 : vector<16xi32>
    %select_n3A_2780 = arith.select %lt3A_2776, %add3A_2779, %broadcast_in_dim3A_504 : vector<16xi1>, vector<16xi32>
    %broadcast_in_dim3A_2781 = vector.shape_cast %select_n3A_2780 : vector<16xi32> to vector<16x1xi32>
    %gather3A_2782 = vector.shape_cast %broadcast_in_dim3A_2781 : vector<16x1xi32> to vector<16xi32>
    %gather3A_2783 = tpu.dynamic_gather %mul3A_2703[%gather3A_2782] in [0] : vector<16xf32>, vector<16xi32> -> vector<16xf32>
    %lt3A_2784 = arith.constant 0 : i32
    %lt3A_2785 = vector.broadcast %lt3A_2784 : i32 to vector<16xi32>
    %lt3A_2786 = arith.cmpi slt, %broadcast_in_dim3A_506, %lt3A_2785 : vector<16xi32>
    %add3A_2787 = arith.constant 16 : i32
    %add3A_2788 = vector.broadcast %add3A_2787 : i32 to vector<16xi32>
    %add3A_2789 = arith.addi %broadcast_in_dim3A_506, %add3A_2788 : vector<16xi32>
    %select_n3A_2790 = arith.select %lt3A_2786, %add3A_2789, %broadcast_in_dim3A_506 : vector<16xi1>, vector<16xi32>
    %broadcast_in_dim3A_2791 = vector.shape_cast %select_n3A_2790 : vector<16xi32> to vector<16x1xi32>
    %gather3A_2792 = vector.shape_cast %broadcast_in_dim3A_2791 : vector<16x1xi32> to vector<16xi32>
    %gather3A_2793 = tpu.dynamic_gather %mul3A_2703[%gather3A_2792] in [0] : vector<16xf32>, vector<16xi32> -> vector<16xf32>
    %lt3A_2794 = arith.constant 0 : i32
    %lt3A_2795 = vector.broadcast %lt3A_2794 : i32 to vector<16xi32>
    %lt3A_2796 = arith.cmpi slt, %broadcast_in_dim3A_508, %lt3A_2795 : vector<16xi32>
    %add3A_2797 = arith.constant 16 : i32
    %add3A_2798 = vector.broadcast %add3A_2797 : i32 to vector<16xi32>
    %add3A_2799 = arith.addi %broadcast_in_dim3A_508, %add3A_2798 : vector<16xi32>
    %select_n3A_2800 = arith.select %lt3A_2796, %add3A_2799, %broadcast_in_dim3A_508 : vector<16xi1>, vector<16xi32>
    %broadcast_in_dim3A_2801 = vector.shape_cast %select_n3A_2800 : vector<16xi32> to vector<16x1xi32>
    %gather3A_2802 = vector.shape_cast %broadcast_in_dim3A_2801 : vector<16x1xi32> to vector<16xi32>
    %gather3A_2803 = tpu.dynamic_gather %mul3A_2703[%gather3A_2802] in [0] : vector<16xf32>, vector<16xi32> -> vector<16xf32>
    %lt3A_2804 = arith.constant 0 : i32
    %lt3A_2805 = vector.broadcast %lt3A_2804 : i32 to vector<16xi32>
    %lt3A_2806 = arith.cmpi slt, %broadcast_in_dim3A_510, %lt3A_2805 : vector<16xi32>
    %add3A_2807 = arith.constant 16 : i32
    %add3A_2808 = vector.broadcast %add3A_2807 : i32 to vector<16xi32>
    %add3A_2809 = arith.addi %broadcast_in_dim3A_510, %add3A_2808 : vector<16xi32>
    %select_n3A_2810 = arith.select %lt3A_2806, %add3A_2809, %broadcast_in_dim3A_510 : vector<16xi1>, vector<16xi32>
    %broadcast_in_dim3A_2811 = vector.shape_cast %select_n3A_2810 : vector<16xi32> to vector<16x1xi32>
    %gather3A_2812 = vector.shape_cast %broadcast_in_dim3A_2811 : vector<16x1xi32> to vector<16xi32>
    %gather3A_2813 = tpu.dynamic_gather %mul3A_2703[%gather3A_2812] in [0] : vector<16xf32>, vector<16xi32> -> vector<16xf32>
    %lt3A_2814 = arith.constant 0 : i32
    %lt3A_2815 = vector.broadcast %lt3A_2814 : i32 to vector<16xi32>
    %lt3A_2816 = arith.cmpi slt, %broadcast_in_dim3A_512, %lt3A_2815 : vector<16xi32>
    %add3A_2817 = arith.constant 16 : i32
    %add3A_2818 = vector.broadcast %add3A_2817 : i32 to vector<16xi32>
    %add3A_2819 = arith.addi %broadcast_in_dim3A_512, %add3A_2818 : vector<16xi32>
    %select_n3A_2820 = arith.select %lt3A_2816, %add3A_2819, %broadcast_in_dim3A_512 : vector<16xi1>, vector<16xi32>
    %broadcast_in_dim3A_2821 = vector.shape_cast %select_n3A_2820 : vector<16xi32> to vector<16x1xi32>
    %gather3A_2822 = vector.shape_cast %broadcast_in_dim3A_2821 : vector<16x1xi32> to vector<16xi32>
    %gather3A_2823 = tpu.dynamic_gather %mul3A_2703[%gather3A_2822] in [0] : vector<16xf32>, vector<16xi32> -> vector<16xf32>
    %lt3A_2824 = arith.constant 0 : i32
    %lt3A_2825 = vector.broadcast %lt3A_2824 : i32 to vector<16xi32>
    %lt3A_2826 = arith.cmpi slt, %broadcast_in_dim3A_514, %lt3A_2825 : vector<16xi32>
    %add3A_2827 = arith.constant 16 : i32
    %add3A_2828 = vector.broadcast %add3A_2827 : i32 to vector<16xi32>
    %add3A_2829 = arith.addi %broadcast_in_dim3A_514, %add3A_2828 : vector<16xi32>
    %select_n3A_2830 = arith.select %lt3A_2826, %add3A_2829, %broadcast_in_dim3A_514 : vector<16xi1>, vector<16xi32>
    %broadcast_in_dim3A_2831 = vector.shape_cast %select_n3A_2830 : vector<16xi32> to vector<16x1xi32>
    %gather3A_2832 = vector.shape_cast %broadcast_in_dim3A_2831 : vector<16x1xi32> to vector<16xi32>
    %gather3A_2833 = tpu.dynamic_gather %mul3A_2703[%gather3A_2832] in [0] : vector<16xf32>, vector<16xi32> -> vector<16xf32>
    %lt3A_2834 = arith.constant 0 : i32
    %lt3A_2835 = vector.broadcast %lt3A_2834 : i32 to vector<16xi32>
    %lt3A_2836 = arith.cmpi slt, %broadcast_in_dim3A_516, %lt3A_2835 : vector<16xi32>
    %add3A_2837 = arith.constant 16 : i32
    %add3A_2838 = vector.broadcast %add3A_2837 : i32 to vector<16xi32>
    %add3A_2839 = arith.addi %broadcast_in_dim3A_516, %add3A_2838 : vector<16xi32>
    %select_n3A_2840 = arith.select %lt3A_2836, %add3A_2839, %broadcast_in_dim3A_516 : vector<16xi1>, vector<16xi32>
    %broadcast_in_dim3A_2841 = vector.shape_cast %select_n3A_2840 : vector<16xi32> to vector<16x1xi32>
    %gather3A_2842 = vector.shape_cast %broadcast_in_dim3A_2841 : vector<16x1xi32> to vector<16xi32>
    %gather3A_2843 = tpu.dynamic_gather %mul3A_2703[%gather3A_2842] in [0] : vector<16xf32>, vector<16xi32> -> vector<16xf32>
    %lt3A_2844 = arith.constant 0 : i32
    %lt3A_2845 = vector.broadcast %lt3A_2844 : i32 to vector<16xi32>
    %lt3A_2846 = arith.cmpi slt, %broadcast_in_dim3A_518, %lt3A_2845 : vector<16xi32>
    %add3A_2847 = arith.constant 16 : i32
    %add3A_2848 = vector.broadcast %add3A_2847 : i32 to vector<16xi32>
    %add3A_2849 = arith.addi %broadcast_in_dim3A_518, %add3A_2848 : vector<16xi32>
    %select_n3A_2850 = arith.select %lt3A_2846, %add3A_2849, %broadcast_in_dim3A_518 : vector<16xi1>, vector<16xi32>
    %broadcast_in_dim3A_2851 = vector.shape_cast %select_n3A_2850 : vector<16xi32> to vector<16x1xi32>
    %gather3A_2852 = vector.shape_cast %broadcast_in_dim3A_2851 : vector<16x1xi32> to vector<16xi32>
    %gather3A_2853 = tpu.dynamic_gather %mul3A_2703[%gather3A_2852] in [0] : vector<16xf32>, vector<16xi32> -> vector<16xf32>
    %lt3A_2854 = arith.constant 0 : i32
    %lt3A_2855 = vector.broadcast %lt3A_2854 : i32 to vector<16xi32>
    %lt3A_2856 = arith.cmpi slt, %broadcast_in_dim3A_520, %lt3A_2855 : vector<16xi32>
    %add3A_2857 = arith.constant 16 : i32
    %add3A_2858 = vector.broadcast %add3A_2857 : i32 to vector<16xi32>
    %add3A_2859 = arith.addi %broadcast_in_dim3A_520, %add3A_2858 : vector<16xi32>
    %select_n3A_2860 = arith.select %lt3A_2856, %add3A_2859, %broadcast_in_dim3A_520 : vector<16xi1>, vector<16xi32>
    %broadcast_in_dim3A_2861 = vector.shape_cast %select_n3A_2860 : vector<16xi32> to vector<16x1xi32>
    %gather3A_2862 = vector.shape_cast %broadcast_in_dim3A_2861 : vector<16x1xi32> to vector<16xi32>
    %gather3A_2863 = tpu.dynamic_gather %mul3A_2703[%gather3A_2862] in [0] : vector<16xf32>, vector<16xi32> -> vector<16xf32>
    %add3A_2864 = arith.constant 0 : i32
    %add3A_2865 = arith.addi %mul3A_36, %add3A_2864 : i32
    %get3A_2866 = arith.constant 0 : i32
    %get3A_2867 = arith.index_cast %get3A_2866 : i32 to index
    %get3A_2868 = arith.index_cast %add3A_2865 : i32 to index
    %get3A_2869 = tpu.vector_load %arg5[%get3A_2867, %get3A_2868] {strides = array<i32>} : memref<16x128xf32, #tpu.memory_space<vmem>>, vector<1x16xf32>,
    %get3A_2870 = vector.shape_cast %get3A_2869 : vector<1x16xf32> to vector<16xf32>
    %get3A_2871 = arith.constant 1 : i32
    %get3A_2872 = arith.index_cast %get3A_2871 : i32 to index
    %get3A_2873 = arith.index_cast %add3A_2865 : i32 to index
    %get3A_2874 = tpu.vector_load %arg5[%get3A_2872, %get3A_2873] {strides = array<i32>} : memref<16x128xf32, #tpu.memory_space<vmem>>, vector<1x16xf32>,
    %get3A_2875 = vector.shape_cast %get3A_2874 : vector<1x16xf32> to vector<16xf32>
    %get3A_2876 = arith.constant 2 : i32
    %get3A_2877 = arith.index_cast %get3A_2876 : i32 to index
    %get3A_2878 = arith.index_cast %add3A_2865 : i32 to index
    %get3A_2879 = tpu.vector_load %arg5[%get3A_2877, %get3A_2878] {strides = array<i32>} : memref<16x128xf32, #tpu.memory_space<vmem>>, vector<1x16xf32>,
    %get3A_2880 = vector.shape_cast %get3A_2879 : vector<1x16xf32> to vector<16xf32>
    %get3A_2881 = arith.constant 3 : i32
    %get3A_2882 = arith.index_cast %get3A_2881 : i32 to index
    %get3A_2883 = arith.index_cast %add3A_2865 : i32 to index
    %get3A_2884 = tpu.vector_load %arg5[%get3A_2882, %get3A_2883] {strides = array<i32>} : memref<16x128xf32, #tpu.memory_space<vmem>>, vector<1x16xf32>,
    %get3A_2885 = vector.shape_cast %get3A_2884 : vector<1x16xf32> to vector<16xf32>
    %get3A_2886 = arith.constant 4 : i32
    %get3A_2887 = arith.index_cast %get3A_2886 : i32 to index
    %get3A_2888 = arith.index_cast %add3A_2865 : i32 to index
    %get3A_2889 = tpu.vector_load %arg5[%get3A_2887, %get3A_2888] {strides = array<i32>} : memref<16x128xf32, #tpu.memory_space<vmem>>, vector<1x16xf32>,
    %get3A_2890 = vector.shape_cast %get3A_2889 : vector<1x16xf32> to vector<16xf32>
    %get3A_2891 = arith.constant 5 : i32
    %get3A_2892 = arith.index_cast %get3A_2891 : i32 to index
    %get3A_2893 = arith.index_cast %add3A_2865 : i32 to index
    %get3A_2894 = tpu.vector_load %arg5[%get3A_2892, %get3A_2893] {strides = array<i32>} : memref<16x128xf32, #tpu.memory_space<vmem>>, vector<1x16xf32>,
    %get3A_2895 = vector.shape_cast %get3A_2894 : vector<1x16xf32> to vector<16xf32>
    %get3A_2896 = arith.constant 6 : i32
    %get3A_2897 = arith.index_cast %get3A_2896 : i32 to index
    %get3A_2898 = arith.index_cast %add3A_2865 : i32 to index
    %get3A_2899 = tpu.vector_load %arg5[%get3A_2897, %get3A_2898] {strides = array<i32>} : memref<16x128xf32, #tpu.memory_space<vmem>>, vector<1x16xf32>,
    %get3A_2900 = vector.shape_cast %get3A_2899 : vector<1x16xf32> to vector<16xf32>
    %get3A_2901 = arith.constant 7 : i32
    %get3A_2902 = arith.index_cast %get3A_2901 : i32 to index
    %get3A_2903 = arith.index_cast %add3A_2865 : i32 to index
    %get3A_2904 = tpu.vector_load %arg5[%get3A_2902, %get3A_2903] {strides = array<i32>} : memref<16x128xf32, #tpu.memory_space<vmem>>, vector<1x16xf32>,
    %get3A_2905 = vector.shape_cast %get3A_2904 : vector<1x16xf32> to vector<16xf32>
    %get3A_2906 = arith.constant 8 : i32
    %get3A_2907 = arith.index_cast %get3A_2906 : i32 to index
    %get3A_2908 = arith.index_cast %add3A_2865 : i32 to index
    %get3A_2909 = tpu.vector_load %arg5[%get3A_2907, %get3A_2908] {strides = array<i32>} : memref<16x128xf32, #tpu.memory_space<vmem>>, vector<1x16xf32>,
    %get3A_2910 = vector.shape_cast %get3A_2909 : vector<1x16xf32> to vector<16xf32>
    %get3A_2911 = arith.constant 9 : i32
    %get3A_2912 = arith.index_cast %get3A_2911 : i32 to index
    %get3A_2913 = arith.index_cast %add3A_2865 : i32 to index
    %get3A_2914 = tpu.vector_load %arg5[%get3A_2912, %get3A_2913] {strides = array<i32>} : memref<16x128xf32, #tpu.memory_space<vmem>>, vector<1x16xf32>,
    %get3A_2915 = vector.shape_cast %get3A_2914 : vector<1x16xf32> to vector<16xf32>
    %get3A_2916 = arith.constant 10 : i32
    %get3A_2917 = arith.index_cast %get3A_2916 : i32 to index
    %get3A_2918 = arith.index_cast %add3A_2865 : i32 to index
    %get3A_2919 = tpu.vector_load %arg5[%get3A_2917, %get3A_2918] {strides = array<i32>} : memref<16x128xf32, #tpu.memory_space<vmem>>, vector<1x16xf32>,
    %get3A_2920 = vector.shape_cast %get3A_2919 : vector<1x16xf32> to vector<16xf32>
    %get3A_2921 = arith.constant 11 : i32
    %get3A_2922 = arith.index_cast %get3A_2921 : i32 to index
    %get3A_2923 = arith.index_cast %add3A_2865 : i32 to index
    %get3A_2924 = tpu.vector_load %arg5[%get3A_2922, %get3A_2923] {strides = array<i32>} : memref<16x128xf32, #tpu.memory_space<vmem>>, vector<1x16xf32>,
    %get3A_2925 = vector.shape_cast %get3A_2924 : vector<1x16xf32> to vector<16xf32>
    %get3A_2926 = arith.constant 12 : i32
    %get3A_2927 = arith.index_cast %get3A_2926 : i32 to index
    %get3A_2928 = arith.index_cast %add3A_2865 : i32 to index
    %get3A_2929 = tpu.vector_load %arg5[%get3A_2927, %get3A_2928] {strides = array<i32>} : memref<16x128xf32, #tpu.memory_space<vmem>>, vector<1x16xf32>,
    %get3A_2930 = vector.shape_cast %get3A_2929 : vector<1x16xf32> to vector<16xf32>
    %get3A_2931 = arith.constant 13 : i32
    %get3A_2932 = arith.index_cast %get3A_2931 : i32 to index
    %get3A_2933 = arith.index_cast %add3A_2865 : i32 to index
    %get3A_2934 = tpu.vector_load %arg5[%get3A_2932, %get3A_2933] {strides = array<i32>} : memref<16x128xf32, #tpu.memory_space<vmem>>, vector<1x16xf32>,
    %get3A_2935 = vector.shape_cast %get3A_2934 : vector<1x16xf32> to vector<16xf32>
    %get3A_2936 = arith.constant 14 : i32
    %get3A_2937 = arith.index_cast %get3A_2936 : i32 to index
    %get3A_2938 = arith.index_cast %add3A_2865 : i32 to index
    %get3A_2939 = tpu.vector_load %arg5[%get3A_2937, %get3A_2938] {strides = array<i32>} : memref<16x128xf32, #tpu.memory_space<vmem>>, vector<1x16xf32>,
    %get3A_2940 = vector.shape_cast %get3A_2939 : vector<1x16xf32> to vector<16xf32>
    %get3A_2941 = arith.constant 15 : i32
    %get3A_2942 = arith.index_cast %get3A_2941 : i32 to index
    %get3A_2943 = arith.index_cast %add3A_2865 : i32 to index
    %get3A_2944 = tpu.vector_load %arg5[%get3A_2942, %get3A_2943] {strides = array<i32>} : memref<16x128xf32, #tpu.memory_space<vmem>>, vector<1x16xf32>,
    %get3A_2945 = vector.shape_cast %get3A_2944 : vector<1x16xf32> to vector<16xf32>
    %add3A_2946 = arith.constant 3968 : i32
    %add3A_2947 = arith.addi %add3A_2946, %add3A_2865 : i32
    %add3A_2948 = vector.broadcast %add3A_2947 : i32 to vector<16xi32>
    %add3A_2949 = arith.addi %iota3A, %add3A_2948 : vector<16xi32>
    %mul3A_2950 = arith.mulf %gather3A_2545, %get3A_2870 : vector<16xf32>
    %mul3A_2951 = arith.mulf %gather3A_2555, %get3A_2875 : vector<16xf32>
    %add3A_2952 = arith.addf %mul3A_2950, %mul3A_2951 : vector<16xf32>
    %mul3A_2953 = arith.mulf %gather3A_2565, %get3A_2880 : vector<16xf32>
    %add3A_2954 = arith.addf %add3A_2952, %mul3A_2953 : vector<16xf32>
    %mul3A_2955 = arith.mulf %gather3A_2575, %get3A_2885 : vector<16xf32>
    %add3A_2956 = arith.addf %add3A_2954, %mul3A_2955 : vector<16xf32>
    %mul3A_2957 = arith.mulf %gather3A_2585, %get3A_2890 : vector<16xf32>
    %mul3A_2958 = arith.mulf %gather3A_2595, %get3A_2895 : vector<16xf32>
    %add3A_2959 = arith.addf %mul3A_2957, %mul3A_2958 : vector<16xf32>
    %mul3A_2960 = arith.mulf %gather3A_2605, %get3A_2900 : vector<16xf32>
    %add3A_2961 = arith.addf %add3A_2959, %mul3A_2960 : vector<16xf32>
    %mul3A_2962 = arith.mulf %gather3A_2615, %get3A_2905 : vector<16xf32>
    %add3A_2963 = arith.addf %add3A_2961, %mul3A_2962 : vector<16xf32>
    %mul3A_2964 = arith.mulf %gather3A_2625, %get3A_2910 : vector<16xf32>
    %mul3A_2965 = arith.mulf %gather3A_2635, %get3A_2915 : vector<16xf32>
    %add3A_2966 = arith.addf %mul3A_2964, %mul3A_2965 : vector<16xf32>
    %mul3A_2967 = arith.mulf %gather3A_2645, %get3A_2920 : vector<16xf32>
    %add3A_2968 = arith.addf %add3A_2966, %mul3A_2967 : vector<16xf32>
    %mul3A_2969 = arith.mulf %gather3A_2655, %get3A_2925 : vector<16xf32>
    %add3A_2970 = arith.addf %add3A_2968, %mul3A_2969 : vector<16xf32>
    %mul3A_2971 = arith.mulf %gather3A_2665, %get3A_2930 : vector<16xf32>
    %mul3A_2972 = arith.mulf %gather3A_2675, %get3A_2935 : vector<16xf32>
    %add3A_2973 = arith.addf %mul3A_2971, %mul3A_2972 : vector<16xf32>
    %mul3A_2974 = arith.mulf %gather3A_2685, %get3A_2940 : vector<16xf32>
    %add3A_2975 = arith.addf %add3A_2973, %mul3A_2974 : vector<16xf32>
    %mul3A_2976 = arith.mulf %gather3A_2695, %get3A_2945 : vector<16xf32>
    %add3A_2977 = arith.addf %add3A_2975, %mul3A_2976 : vector<16xf32>
    %add3A_2978 = arith.addf %add3A_2956, %add3A_2963 : vector<16xf32>
    %add3A_2979 = arith.addf %add3A_2970, %add3A_2977 : vector<16xf32>
    %add3A_2980 = arith.addf %add3A_2978, %add3A_2979 : vector<16xf32>
    %add3A_2981 = arith.addf %add3A_2980, %add3A_148 : vector<16xf32>
    %add3A_2982 = arith.constant 0 : i32
    %add3A_2983 = arith.addi %add3A_2527, %add3A_2982 : i32
    %broadcast_in_dim3A_2984 = vector.broadcast %add3A_2983 : i32 to vector<16xi32>
    %eq3A_2985 = arith.cmpi eq, %add3A_2949, %broadcast_in_dim3A_2984 : vector<16xi32>
    %select_n3A_2986 = arith.select %eq3A_2985, %broadcast_in_dim3A_488, %add3A_2981 : vector<16xi1>, vector<16xf32>
    %min3A_2987 = arith.minimumf %broadcast_in_dim3A_488, %select_n3A_2986 : vector<16xf32>
    %mul3A_2988 = arith.mulf %gather3A_2713, %get3A_2870 : vector<16xf32>
    %mul3A_2989 = arith.mulf %gather3A_2723, %get3A_2875 : vector<16xf32>
    %add3A_2990 = arith.addf %mul3A_2988, %mul3A_2989 : vector<16xf32>
    %mul3A_2991 = arith.mulf %gather3A_2733, %get3A_2880 : vector<16xf32>
    %add3A_2992 = arith.addf %add3A_2990, %mul3A_2991 : vector<16xf32>
    %mul3A_2993 = arith.mulf %gather3A_2743, %get3A_2885 : vector<16xf32>
    %add3A_2994 = arith.addf %add3A_2992, %mul3A_2993 : vector<16xf32>
    %mul3A_2995 = arith.mulf %gather3A_2753, %get3A_2890 : vector<16xf32>
    %mul3A_2996 = arith.mulf %gather3A_2763, %get3A_2895 : vector<16xf32>
    %add3A_2997 = arith.addf %mul3A_2995, %mul3A_2996 : vector<16xf32>
    %mul3A_2998 = arith.mulf %gather3A_2773, %get3A_2900 : vector<16xf32>
    %add3A_2999 = arith.addf %add3A_2997, %mul3A_2998 : vector<16xf32>
    %mul3A_3000 = arith.mulf %gather3A_2783, %get3A_2905 : vector<16xf32>
    %add3A_3001 = arith.addf %add3A_2999, %mul3A_3000 : vector<16xf32>
    %mul3A_3002 = arith.mulf %gather3A_2793, %get3A_2910 : vector<16xf32>
    %mul3A_3003 = arith.mulf %gather3A_2803, %get3A_2915 : vector<16xf32>
    %add3A_3004 = arith.addf %mul3A_3002, %mul3A_3003 : vector<16xf32>
    %mul3A_3005 = arith.mulf %gather3A_2813, %get3A_2920 : vector<16xf32>
    %add3A_3006 = arith.addf %add3A_3004, %mul3A_3005 : vector<16xf32>
    %mul3A_3007 = arith.mulf %gather3A_2823, %get3A_2925 : vector<16xf32>
    %add3A_3008 = arith.addf %add3A_3006, %mul3A_3007 : vector<16xf32>
    %mul3A_3009 = arith.mulf %gather3A_2833, %get3A_2930 : vector<16xf32>
    %mul3A_3010 = arith.mulf %gather3A_2843, %get3A_2935 : vector<16xf32>
    %add3A_3011 = arith.addf %mul3A_3009, %mul3A_3010 : vector<16xf32>
    %mul3A_3012 = arith.mulf %gather3A_2853, %get3A_2940 : vector<16xf32>
    %add3A_3013 = arith.addf %add3A_3011, %mul3A_3012 : vector<16xf32>
    %mul3A_3014 = arith.mulf %gather3A_2863, %get3A_2945 : vector<16xf32>
    %add3A_3015 = arith.addf %add3A_3013, %mul3A_3014 : vector<16xf32>
    %add3A_3016 = arith.addf %add3A_2994, %add3A_3001 : vector<16xf32>
    %add3A_3017 = arith.addf %add3A_3008, %add3A_3015 : vector<16xf32>
    %add3A_3018 = arith.addf %add3A_3016, %add3A_3017 : vector<16xf32>
    %add3A_3019 = arith.addf %add3A_3018, %add3A_148 : vector<16xf32>
    %add3A_3020 = arith.constant 1 : i32
    %add3A_3021 = arith.addi %add3A_2527, %add3A_3020 : i32
    %broadcast_in_dim3A_3022 = vector.broadcast %add3A_3021 : i32 to vector<16xi32>
    %eq3A_3023 = arith.cmpi eq, %add3A_2949, %broadcast_in_dim3A_3022 : vector<16xi32>
    %select_n3A_3024 = arith.select %eq3A_3023, %broadcast_in_dim3A_488, %add3A_3019 : vector<16xi1>, vector<16xf32>
    %min3A_3025 = arith.minimumf %broadcast_in_dim3A_488, %select_n3A_3024 : vector<16xf32>
    %add3A_3026 = arith.constant 16 : i32
    %add3A_3027 = arith.addi %mul3A_36, %add3A_3026 : i32
    %get3A_3028 = arith.constant 0 : i32
    %get3A_3029 = arith.index_cast %get3A_3028 : i32 to index
    %get3A_3030 = arith.index_cast %add3A_3027 : i32 to index
    %get3A_3031 = tpu.vector_load %arg5[%get3A_3029, %get3A_3030] {strides = array<i32>} : memref<16x128xf32, #tpu.memory_space<vmem>>, vector<1x16xf32>,
    %get3A_3032 = vector.shape_cast %get3A_3031 : vector<1x16xf32> to vector<16xf32>
    %get3A_3033 = arith.constant 1 : i32
    %get3A_3034 = arith.index_cast %get3A_3033 : i32 to index
    %get3A_3035 = arith.index_cast %add3A_3027 : i32 to index
    %get3A_3036 = tpu.vector_load %arg5[%get3A_3034, %get3A_3035] {strides = array<i32>} : memref<16x128xf32, #tpu.memory_space<vmem>>, vector<1x16xf32>,
    %get3A_3037 = vector.shape_cast %get3A_3036 : vector<1x16xf32> to vector<16xf32>
    %get3A_3038 = arith.constant 2 : i32
    %get3A_3039 = arith.index_cast %get3A_3038 : i32 to index
    %get3A_3040 = arith.index_cast %add3A_3027 : i32 to index
    %get3A_3041 = tpu.vector_load %arg5[%get3A_3039, %get3A_3040] {strides = array<i32>} : memref<16x128xf32, #tpu.memory_space<vmem>>, vector<1x16xf32>,
    %get3A_3042 = vector.shape_cast %get3A_3041 : vector<1x16xf32> to vector<16xf32>
    %get3A_3043 = arith.constant 3 : i32
    %get3A_3044 = arith.index_cast %get3A_3043 : i32 to index
    %get3A_3045 = arith.index_cast %add3A_3027 : i32 to index
    %get3A_3046 = tpu.vector_load %arg5[%get3A_3044, %get3A_3045] {strides = array<i32>} : memref<16x128xf32, #tpu.memory_space<vmem>>, vector<1x16xf32>,
    %get3A_3047 = vector.shape_cast %get3A_3046 : vector<1x16xf32> to vector<16xf32>
    %get3A_3048 = arith.constant 4 : i32
    %get3A_3049 = arith.index_cast %get3A_3048 : i32 to index
    %get3A_3050 = arith.index_cast %add3A_3027 : i32 to index
    %get3A_3051 = tpu.vector_load %arg5[%get3A_3049, %get3A_3050] {strides = array<i32>} : memref<16x128xf32, #tpu.memory_space<vmem>>, vector<1x16xf32>,
    %get3A_3052 = vector.shape_cast %get3A_3051 : vector<1x16xf32> to vector<16xf32>
    %get3A_3053 = arith.constant 5 : i32
    %get3A_3054 = arith.index_cast %get3A_3053 : i32 to index
    %get3A_3055 = arith.index_cast %add3A_3027 : i32 to index
    %get3A_3056 = tpu.vector_load %arg5[%get3A_3054, %get3A_3055] {strides = array<i32>} : memref<16x128xf32, #tpu.memory_space<vmem>>, vector<1x16xf32>,
    %get3A_3057 = vector.shape_cast %get3A_3056 : vector<1x16xf32> to vector<16xf32>
    %get3A_3058 = arith.constant 6 : i32
    %get3A_3059 = arith.index_cast %get3A_3058 : i32 to index
    %get3A_3060 = arith.index_cast %add3A_3027 : i32 to index
    %get3A_3061 = tpu.vector_load %arg5[%get3A_3059, %get3A_3060] {strides = array<i32>} : memref<16x128xf32, #tpu.memory_space<vmem>>, vector<1x16xf32>,
    %get3A_3062 = vector.shape_cast %get3A_3061 : vector<1x16xf32> to vector<16xf32>
    %get3A_3063 = arith.constant 7 : i32
    %get3A_3064 = arith.index_cast %get3A_3063 : i32 to index
    %get3A_3065 = arith.index_cast %add3A_3027 : i32 to index
    %get3A_3066 = tpu.vector_load %arg5[%get3A_3064, %get3A_3065] {strides = array<i32>} : memref<16x128xf32, #tpu.memory_space<vmem>>, vector<1x16xf32>,
    %get3A_3067 = vector.shape_cast %get3A_3066 : vector<1x16xf32> to vector<16xf32>
    %get3A_3068 = arith.constant 8 : i32
    %get3A_3069 = arith.index_cast %get3A_3068 : i32 to index
    %get3A_3070 = arith.index_cast %add3A_3027 : i32 to index
    %get3A_3071 = tpu.vector_load %arg5[%get3A_3069, %get3A_3070] {strides = array<i32>} : memref<16x128xf32, #tpu.memory_space<vmem>>, vector<1x16xf32>,
    %get3A_3072 = vector.shape_cast %get3A_3071 : vector<1x16xf32> to vector<16xf32>
    %get3A_3073 = arith.constant 9 : i32
    %get3A_3074 = arith.index_cast %get3A_3073 : i32 to index
    %get3A_3075 = arith.index_cast %add3A_3027 : i32 to index
    %get3A_3076 = tpu.vector_load %arg5[%get3A_3074, %get3A_3075] {strides = array<i32>} : memref<16x128xf32, #tpu.memory_space<vmem>>, vector<1x16xf32>,
    %get3A_3077 = vector.shape_cast %get3A_3076 : vector<1x16xf32> to vector<16xf32>
    %get3A_3078 = arith.constant 10 : i32
    %get3A_3079 = arith.index_cast %get3A_3078 : i32 to index
    %get3A_3080 = arith.index_cast %add3A_3027 : i32 to index
    %get3A_3081 = tpu.vector_load %arg5[%get3A_3079, %get3A_3080] {strides = array<i32>} : memref<16x128xf32, #tpu.memory_space<vmem>>, vector<1x16xf32>,
    %get3A_3082 = vector.shape_cast %get3A_3081 : vector<1x16xf32> to vector<16xf32>
    %get3A_3083 = arith.constant 11 : i32
    %get3A_3084 = arith.index_cast %get3A_3083 : i32 to index
    %get3A_3085 = arith.index_cast %add3A_3027 : i32 to index
    %get3A_3086 = tpu.vector_load %arg5[%get3A_3084, %get3A_3085] {strides = array<i32>} : memref<16x128xf32, #tpu.memory_space<vmem>>, vector<1x16xf32>,
    %get3A_3087 = vector.shape_cast %get3A_3086 : vector<1x16xf32> to vector<16xf32>
    %get3A_3088 = arith.constant 12 : i32
    %get3A_3089 = arith.index_cast %get3A_3088 : i32 to index
    %get3A_3090 = arith.index_cast %add3A_3027 : i32 to index
    %get3A_3091 = tpu.vector_load %arg5[%get3A_3089, %get3A_3090] {strides = array<i32>} : memref<16x128xf32, #tpu.memory_space<vmem>>, vector<1x16xf32>,
    %get3A_3092 = vector.shape_cast %get3A_3091 : vector<1x16xf32> to vector<16xf32>
    %get3A_3093 = arith.constant 13 : i32
    %get3A_3094 = arith.index_cast %get3A_3093 : i32 to index
    %get3A_3095 = arith.index_cast %add3A_3027 : i32 to index
    %get3A_3096 = tpu.vector_load %arg5[%get3A_3094, %get3A_3095] {strides = array<i32>} : memref<16x128xf32, #tpu.memory_space<vmem>>, vector<1x16xf32>,
    %get3A_3097 = vector.shape_cast %get3A_3096 : vector<1x16xf32> to vector<16xf32>
    %get3A_3098 = arith.constant 14 : i32
    %get3A_3099 = arith.index_cast %get3A_3098 : i32 to index
    %get3A_3100 = arith.index_cast %add3A_3027 : i32 to index
    %get3A_3101 = tpu.vector_load %arg5[%get3A_3099, %get3A_3100] {strides = array<i32>} : memref<16x128xf32, #tpu.memory_space<vmem>>, vector<1x16xf32>,
    %get3A_3102 = vector.shape_cast %get3A_3101 : vector<1x16xf32> to vector<16xf32>
    %get3A_3103 = arith.constant 15 : i32
    %get3A_3104 = arith.index_cast %get3A_3103 : i32 to index
    %get3A_3105 = arith.index_cast %add3A_3027 : i32 to index
    %get3A_3106 = tpu.vector_load %arg5[%get3A_3104, %get3A_3105] {strides = array<i32>} : memref<16x128xf32, #tpu.memory_space<vmem>>, vector<1x16xf32>,
    %get3A_3107 = vector.shape_cast %get3A_3106 : vector<1x16xf32> to vector<16xf32>
    %add3A_3108 = arith.constant 3968 : i32
    %add3A_3109 = arith.addi %add3A_3108, %add3A_3027 : i32
    %add3A_3110 = vector.broadcast %add3A_3109 : i32 to vector<16xi32>
    %add3A_3111 = arith.addi %iota3A, %add3A_3110 : vector<16xi32>
    %mul3A_3112 = arith.mulf %gather3A_2545, %get3A_3032 : vector<16xf32>
    %mul3A_3113 = arith.mulf %gather3A_2555, %get3A_3037 : vector<16xf32>
    %add3A_3114 = arith.addf %mul3A_3112, %mul3A_3113 : vector<16xf32>
    %mul3A_3115 = arith.mulf %gather3A_2565, %get3A_3042 : vector<16xf32>
    %add3A_3116 = arith.addf %add3A_3114, %mul3A_3115 : vector<16xf32>
    %mul3A_3117 = arith.mulf %gather3A_2575, %get3A_3047 : vector<16xf32>
    %add3A_3118 = arith.addf %add3A_3116, %mul3A_3117 : vector<16xf32>
    %mul3A_3119 = arith.mulf %gather3A_2585, %get3A_3052 : vector<16xf32>
    %mul3A_3120 = arith.mulf %gather3A_2595, %get3A_3057 : vector<16xf32>
    %add3A_3121 = arith.addf %mul3A_3119, %mul3A_3120 : vector<16xf32>
    %mul3A_3122 = arith.mulf %gather3A_2605, %get3A_3062 : vector<16xf32>
    %add3A_3123 = arith.addf %add3A_3121, %mul3A_3122 : vector<16xf32>
    %mul3A_3124 = arith.mulf %gather3A_2615, %get3A_3067 : vector<16xf32>
    %add3A_3125 = arith.addf %add3A_3123, %mul3A_3124 : vector<16xf32>
    %mul3A_3126 = arith.mulf %gather3A_2625, %get3A_3072 : vector<16xf32>
    %mul3A_3127 = arith.mulf %gather3A_2635, %get3A_3077 : vector<16xf32>
    %add3A_3128 = arith.addf %mul3A_3126, %mul3A_3127 : vector<16xf32>
    %mul3A_3129 = arith.mulf %gather3A_2645, %get3A_3082 : vector<16xf32>
    %add3A_3130 = arith.addf %add3A_3128, %mul3A_3129 : vector<16xf32>
    %mul3A_3131 = arith.mulf %gather3A_2655, %get3A_3087 : vector<16xf32>
    %add3A_3132 = arith.addf %add3A_3130, %mul3A_3131 : vector<16xf32>
    %mul3A_3133 = arith.mulf %gather3A_2665, %get3A_3092 : vector<16xf32>
    %mul3A_3134 = arith.mulf %gather3A_2675, %get3A_3097 : vector<16xf32>
    %add3A_3135 = arith.addf %mul3A_3133, %mul3A_3134 : vector<16xf32>
    %mul3A_3136 = arith.mulf %gather3A_2685, %get3A_3102 : vector<16xf32>
    %add3A_3137 = arith.addf %add3A_3135, %mul3A_3136 : vector<16xf32>
    %mul3A_3138 = arith.mulf %gather3A_2695, %get3A_3107 : vector<16xf32>
    %add3A_3139 = arith.addf %add3A_3137, %mul3A_3138 : vector<16xf32>
    %add3A_3140 = arith.addf %add3A_3118, %add3A_3125 : vector<16xf32>
    %add3A_3141 = arith.addf %add3A_3132, %add3A_3139 : vector<16xf32>
    %add3A_3142 = arith.addf %add3A_3140, %add3A_3141 : vector<16xf32>
    %add3A_3143 = arith.addf %add3A_3142, %add3A_261 : vector<16xf32>
    %add3A_3144 = arith.constant 0 : i32
    %add3A_3145 = arith.addi %add3A_2527, %add3A_3144 : i32
    %broadcast_in_dim3A_3146 = vector.broadcast %add3A_3145 : i32 to vector<16xi32>
    %eq3A_3147 = arith.cmpi eq, %add3A_3111, %broadcast_in_dim3A_3146 : vector<16xi32>
    %select_n3A_3148 = arith.select %eq3A_3147, %broadcast_in_dim3A_488, %add3A_3143 : vector<16xi1>, vector<16xf32>
    %min3A_3149 = arith.minimumf %min3A_2987, %select_n3A_3148 : vector<16xf32>
    %mul3A_3150 = arith.mulf %gather3A_2713, %get3A_3032 : vector<16xf32>
    %mul3A_3151 = arith.mulf %gather3A_2723, %get3A_3037 : vector<16xf32>
    %add3A_3152 = arith.addf %mul3A_3150, %mul3A_3151 : vector<16xf32>
    %mul3A_3153 = arith.mulf %gather3A_2733, %get3A_3042 : vector<16xf32>
    %add3A_3154 = arith.addf %add3A_3152, %mul3A_3153 : vector<16xf32>
    %mul3A_3155 = arith.mulf %gather3A_2743, %get3A_3047 : vector<16xf32>
    %add3A_3156 = arith.addf %add3A_3154, %mul3A_3155 : vector<16xf32>
    %mul3A_3157 = arith.mulf %gather3A_2753, %get3A_3052 : vector<16xf32>
    %mul3A_3158 = arith.mulf %gather3A_2763, %get3A_3057 : vector<16xf32>
    %add3A_3159 = arith.addf %mul3A_3157, %mul3A_3158 : vector<16xf32>
    %mul3A_3160 = arith.mulf %gather3A_2773, %get3A_3062 : vector<16xf32>
    %add3A_3161 = arith.addf %add3A_3159, %mul3A_3160 : vector<16xf32>
    %mul3A_3162 = arith.mulf %gather3A_2783, %get3A_3067 : vector<16xf32>
    %add3A_3163 = arith.addf %add3A_3161, %mul3A_3162 : vector<16xf32>
    %mul3A_3164 = arith.mulf %gather3A_2793, %get3A_3072 : vector<16xf32>
    %mul3A_3165 = arith.mulf %gather3A_2803, %get3A_3077 : vector<16xf32>
    %add3A_3166 = arith.addf %mul3A_3164, %mul3A_3165 : vector<16xf32>
    %mul3A_3167 = arith.mulf %gather3A_2813, %get3A_3082 : vector<16xf32>
    %add3A_3168 = arith.addf %add3A_3166, %mul3A_3167 : vector<16xf32>
    %mul3A_3169 = arith.mulf %gather3A_2823, %get3A_3087 : vector<16xf32>
    %add3A_3170 = arith.addf %add3A_3168, %mul3A_3169 : vector<16xf32>
    %mul3A_3171 = arith.mulf %gather3A_2833, %get3A_3092 : vector<16xf32>
    %mul3A_3172 = arith.mulf %gather3A_2843, %get3A_3097 : vector<16xf32>
    %add3A_3173 = arith.addf %mul3A_3171, %mul3A_3172 : vector<16xf32>
    %mul3A_3174 = arith.mulf %gather3A_2853, %get3A_3102 : vector<16xf32>
    %add3A_3175 = arith.addf %add3A_3173, %mul3A_3174 : vector<16xf32>
    %mul3A_3176 = arith.mulf %gather3A_2863, %get3A_3107 : vector<16xf32>
    %add3A_3177 = arith.addf %add3A_3175, %mul3A_3176 : vector<16xf32>
    %add3A_3178 = arith.addf %add3A_3156, %add3A_3163 : vector<16xf32>
    %add3A_3179 = arith.addf %add3A_3170, %add3A_3177 : vector<16xf32>
    %add3A_3180 = arith.addf %add3A_3178, %add3A_3179 : vector<16xf32>
    %add3A_3181 = arith.addf %add3A_3180, %add3A_261 : vector<16xf32>
    %add3A_3182 = arith.constant 1 : i32
    %add3A_3183 = arith.addi %add3A_2527, %add3A_3182 : i32
    %broadcast_in_dim3A_3184 = vector.broadcast %add3A_3183 : i32 to vector<16xi32>
    %eq3A_3185 = arith.cmpi eq, %add3A_3111, %broadcast_in_dim3A_3184 : vector<16xi32>
    %select_n3A_3186 = arith.select %eq3A_3185, %broadcast_in_dim3A_488, %add3A_3181 : vector<16xi1>, vector<16xf32>
    %min3A_3187 = arith.minimumf %min3A_3025, %select_n3A_3186 : vector<16xf32>
    %add3A_3188 = arith.constant 32 : i32
    %add3A_3189 = arith.addi %mul3A_36, %add3A_3188 : i32
    %get3A_3190 = arith.constant 0 : i32
    %get3A_3191 = arith.index_cast %get3A_3190 : i32 to index
    %get3A_3192 = arith.index_cast %add3A_3189 : i32 to index
    %get3A_3193 = tpu.vector_load %arg5[%get3A_3191, %get3A_3192] {strides = array<i32>} : memref<16x128xf32, #tpu.memory_space<vmem>>, vector<1x16xf32>,
    %get3A_3194 = vector.shape_cast %get3A_3193 : vector<1x16xf32> to vector<16xf32>
    %get3A_3195 = arith.constant 1 : i32
    %get3A_3196 = arith.index_cast %get3A_3195 : i32 to index
    %get3A_3197 = arith.index_cast %add3A_3189 : i32 to index
    %get3A_3198 = tpu.vector_load %arg5[%get3A_3196, %get3A_3197] {strides = array<i32>} : memref<16x128xf32, #tpu.memory_space<vmem>>, vector<1x16xf32>,
    %get3A_3199 = vector.shape_cast %get3A_3198 : vector<1x16xf32> to vector<16xf32>
    %get3A_3200 = arith.constant 2 : i32
    %get3A_3201 = arith.index_cast %get3A_3200 : i32 to index
    %get3A_3202 = arith.index_cast %add3A_3189 : i32 to index
    %get3A_3203 = tpu.vector_load %arg5[%get3A_3201, %get3A_3202] {strides = array<i32>} : memref<16x128xf32, #tpu.memory_space<vmem>>, vector<1x16xf32>,
    %get3A_3204 = vector.shape_cast %get3A_3203 : vector<1x16xf32> to vector<16xf32>
    %get3A_3205 = arith.constant 3 : i32
    %get3A_3206 = arith.index_cast %get3A_3205 : i32 to index
    %get3A_3207 = arith.index_cast %add3A_3189 : i32 to index
    %get3A_3208 = tpu.vector_load %arg5[%get3A_3206, %get3A_3207] {strides = array<i32>} : memref<16x128xf32, #tpu.memory_space<vmem>>, vector<1x16xf32>,
    %get3A_3209 = vector.shape_cast %get3A_3208 : vector<1x16xf32> to vector<16xf32>
    %get3A_3210 = arith.constant 4 : i32
    %get3A_3211 = arith.index_cast %get3A_3210 : i32 to index
    %get3A_3212 = arith.index_cast %add3A_3189 : i32 to index
    %get3A_3213 = tpu.vector_load %arg5[%get3A_3211, %get3A_3212] {strides = array<i32>} : memref<16x128xf32, #tpu.memory_space<vmem>>, vector<1x16xf32>,
    %get3A_3214 = vector.shape_cast %get3A_3213 : vector<1x16xf32> to vector<16xf32>
    %get3A_3215 = arith.constant 5 : i32
    %get3A_3216 = arith.index_cast %get3A_3215 : i32 to index
    %get3A_3217 = arith.index_cast %add3A_3189 : i32 to index
    %get3A_3218 = tpu.vector_load %arg5[%get3A_3216, %get3A_3217] {strides = array<i32>} : memref<16x128xf32, #tpu.memory_space<vmem>>, vector<1x16xf32>,
    %get3A_3219 = vector.shape_cast %get3A_3218 : vector<1x16xf32> to vector<16xf32>
    %get3A_3220 = arith.constant 6 : i32
    %get3A_3221 = arith.index_cast %get3A_3220 : i32 to index
    %get3A_3222 = arith.index_cast %add3A_3189 : i32 to index
    %get3A_3223 = tpu.vector_load %arg5[%get3A_3221, %get3A_3222] {strides = array<i32>} : memref<16x128xf32, #tpu.memory_space<vmem>>, vector<1x16xf32>,
    %get3A_3224 = vector.shape_cast %get3A_3223 : vector<1x16xf32> to vector<16xf32>
    %get3A_3225 = arith.constant 7 : i32
    %get3A_3226 = arith.index_cast %get3A_3225 : i32 to index
    %get3A_3227 = arith.index_cast %add3A_3189 : i32 to index
    %get3A_3228 = tpu.vector_load %arg5[%get3A_3226, %get3A_3227] {strides = array<i32>} : memref<16x128xf32, #tpu.memory_space<vmem>>, vector<1x16xf32>,
    %get3A_3229 = vector.shape_cast %get3A_3228 : vector<1x16xf32> to vector<16xf32>
    %get3A_3230 = arith.constant 8 : i32
    %get3A_3231 = arith.index_cast %get3A_3230 : i32 to index
    %get3A_3232 = arith.index_cast %add3A_3189 : i32 to index
    %get3A_3233 = tpu.vector_load %arg5[%get3A_3231, %get3A_3232] {strides = array<i32>} : memref<16x128xf32, #tpu.memory_space<vmem>>, vector<1x16xf32>,
    %get3A_3234 = vector.shape_cast %get3A_3233 : vector<1x16xf32> to vector<16xf32>
    %get3A_3235 = arith.constant 9 : i32
    %get3A_3236 = arith.index_cast %get3A_3235 : i32 to index
    %get3A_3237 = arith.index_cast %add3A_3189 : i32 to index
    %get3A_3238 = tpu.vector_load %arg5[%get3A_3236, %get3A_3237] {strides = array<i32>} : memref<16x128xf32, #tpu.memory_space<vmem>>, vector<1x16xf32>,
    %get3A_3239 = vector.shape_cast %get3A_3238 : vector<1x16xf32> to vector<16xf32>
    %get3A_3240 = arith.constant 10 : i32
    %get3A_3241 = arith.index_cast %get3A_3240 : i32 to index
    %get3A_3242 = arith.index_cast %add3A_3189 : i32 to index
    %get3A_3243 = tpu.vector_load %arg5[%get3A_3241, %get3A_3242] {strides = array<i32>} : memref<16x128xf32, #tpu.memory_space<vmem>>, vector<1x16xf32>,
    %get3A_3244 = vector.shape_cast %get3A_3243 : vector<1x16xf32> to vector<16xf32>
    %get3A_3245 = arith.constant 11 : i32
    %get3A_3246 = arith.index_cast %get3A_3245 : i32 to index
    %get3A_3247 = arith.index_cast %add3A_3189 : i32 to index
    %get3A_3248 = tpu.vector_load %arg5[%get3A_3246, %get3A_3247] {strides = array<i32>} : memref<16x128xf32, #tpu.memory_space<vmem>>, vector<1x16xf32>,
    %get3A_3249 = vector.shape_cast %get3A_3248 : vector<1x16xf32> to vector<16xf32>
    %get3A_3250 = arith.constant 12 : i32
    %get3A_3251 = arith.index_cast %get3A_3250 : i32 to index
    %get3A_3252 = arith.index_cast %add3A_3189 : i32 to index
    %get3A_3253 = tpu.vector_load %arg5[%get3A_3251, %get3A_3252] {strides = array<i32>} : memref<16x128xf32, #tpu.memory_space<vmem>>, vector<1x16xf32>,
    %get3A_3254 = vector.shape_cast %get3A_3253 : vector<1x16xf32> to vector<16xf32>
    %get3A_3255 = arith.constant 13 : i32
    %get3A_3256 = arith.index_cast %get3A_3255 : i32 to index
    %get3A_3257 = arith.index_cast %add3A_3189 : i32 to index
    %get3A_3258 = tpu.vector_load %arg5[%get3A_3256, %get3A_3257] {strides = array<i32>} : memref<16x128xf32, #tpu.memory_space<vmem>>, vector<1x16xf32>,
    %get3A_3259 = vector.shape_cast %get3A_3258 : vector<1x16xf32> to vector<16xf32>
    %get3A_3260 = arith.constant 14 : i32
    %get3A_3261 = arith.index_cast %get3A_3260 : i32 to index
    %get3A_3262 = arith.index_cast %add3A_3189 : i32 to index
    %get3A_3263 = tpu.vector_load %arg5[%get3A_3261, %get3A_3262] {strides = array<i32>} : memref<16x128xf32, #tpu.memory_space<vmem>>, vector<1x16xf32>,
    %get3A_3264 = vector.shape_cast %get3A_3263 : vector<1x16xf32> to vector<16xf32>
    %get3A_3265 = arith.constant 15 : i32
    %get3A_3266 = arith.index_cast %get3A_3265 : i32 to index
    %get3A_3267 = arith.index_cast %add3A_3189 : i32 to index
    %get3A_3268 = tpu.vector_load %arg5[%get3A_3266, %get3A_3267] {strides = array<i32>} : memref<16x128xf32, #tpu.memory_space<vmem>>, vector<1x16xf32>,
    %get3A_3269 = vector.shape_cast %get3A_3268 : vector<1x16xf32> to vector<16xf32>
    %add3A_3270 = arith.constant 3968 : i32
    %add3A_3271 = arith.addi %add3A_3270, %add3A_3189 : i32
    %add3A_3272 = vector.broadcast %add3A_3271 : i32 to vector<16xi32>
    %add3A_3273 = arith.addi %iota3A, %add3A_3272 : vector<16xi32>
    %mul3A_3274 = arith.mulf %gather3A_2545, %get3A_3194 : vector<16xf32>
    %mul3A_3275 = arith.mulf %gather3A_2555, %get3A_3199 : vector<16xf32>
    %add3A_3276 = arith.addf %mul3A_3274, %mul3A_3275 : vector<16xf32>
    %mul3A_3277 = arith.mulf %gather3A_2565, %get3A_3204 : vector<16xf32>
    %add3A_3278 = arith.addf %add3A_3276, %mul3A_3277 : vector<16xf32>
    %mul3A_3279 = arith.mulf %gather3A_2575, %get3A_3209 : vector<16xf32>
    %add3A_3280 = arith.addf %add3A_3278, %mul3A_3279 : vector<16xf32>
    %mul3A_3281 = arith.mulf %gather3A_2585, %get3A_3214 : vector<16xf32>
    %mul3A_3282 = arith.mulf %gather3A_2595, %get3A_3219 : vector<16xf32>
    %add3A_3283 = arith.addf %mul3A_3281, %mul3A_3282 : vector<16xf32>
    %mul3A_3284 = arith.mulf %gather3A_2605, %get3A_3224 : vector<16xf32>
    %add3A_3285 = arith.addf %add3A_3283, %mul3A_3284 : vector<16xf32>
    %mul3A_3286 = arith.mulf %gather3A_2615, %get3A_3229 : vector<16xf32>
    %add3A_3287 = arith.addf %add3A_3285, %mul3A_3286 : vector<16xf32>
    %mul3A_3288 = arith.mulf %gather3A_2625, %get3A_3234 : vector<16xf32>
    %mul3A_3289 = arith.mulf %gather3A_2635, %get3A_3239 : vector<16xf32>
    %add3A_3290 = arith.addf %mul3A_3288, %mul3A_3289 : vector<16xf32>
    %mul3A_3291 = arith.mulf %gather3A_2645, %get3A_3244 : vector<16xf32>
    %add3A_3292 = arith.addf %add3A_3290, %mul3A_3291 : vector<16xf32>
    %mul3A_3293 = arith.mulf %gather3A_2655, %get3A_3249 : vector<16xf32>
    %add3A_3294 = arith.addf %add3A_3292, %mul3A_3293 : vector<16xf32>
    %mul3A_3295 = arith.mulf %gather3A_2665, %get3A_3254 : vector<16xf32>
    %mul3A_3296 = arith.mulf %gather3A_2675, %get3A_3259 : vector<16xf32>
    %add3A_3297 = arith.addf %mul3A_3295, %mul3A_3296 : vector<16xf32>
    %mul3A_3298 = arith.mulf %gather3A_2685, %get3A_3264 : vector<16xf32>
    %add3A_3299 = arith.addf %add3A_3297, %mul3A_3298 : vector<16xf32>
    %mul3A_3300 = arith.mulf %gather3A_2695, %get3A_3269 : vector<16xf32>
    %add3A_3301 = arith.addf %add3A_3299, %mul3A_3300 : vector<16xf32>
    %add3A_3302 = arith.addf %add3A_3280, %add3A_3287 : vector<16xf32>
    %add3A_3303 = arith.addf %add3A_3294, %add3A_3301 : vector<16xf32>
    %add3A_3304 = arith.addf %add3A_3302, %add3A_3303 : vector<16xf32>
    %add3A_3305 = arith.addf %add3A_3304, %add3A_374 : vector<16xf32>
    %add3A_3306 = arith.constant 0 : i32
    %add3A_3307 = arith.addi %add3A_2527, %add3A_3306 : i32
    %broadcast_in_dim3A_3308 = vector.broadcast %add3A_3307 : i32 to vector<16xi32>
    %eq3A_3309 = arith.cmpi eq, %add3A_3273, %broadcast_in_dim3A_3308 : vector<16xi32>
    %select_n3A_3310 = arith.select %eq3A_3309, %broadcast_in_dim3A_488, %add3A_3305 : vector<16xi1>, vector<16xf32>
    %min3A_3311 = arith.minimumf %min3A_3149, %select_n3A_3310 : vector<16xf32>
    %mul3A_3312 = arith.mulf %gather3A_2713, %get3A_3194 : vector<16xf32>
    %mul3A_3313 = arith.mulf %gather3A_2723, %get3A_3199 : vector<16xf32>
    %add3A_3314 = arith.addf %mul3A_3312, %mul3A_3313 : vector<16xf32>
    %mul3A_3315 = arith.mulf %gather3A_2733, %get3A_3204 : vector<16xf32>
    %add3A_3316 = arith.addf %add3A_3314, %mul3A_3315 : vector<16xf32>
    %mul3A_3317 = arith.mulf %gather3A_2743, %get3A_3209 : vector<16xf32>
    %add3A_3318 = arith.addf %add3A_3316, %mul3A_3317 : vector<16xf32>
    %mul3A_3319 = arith.mulf %gather3A_2753, %get3A_3214 : vector<16xf32>
    %mul3A_3320 = arith.mulf %gather3A_2763, %get3A_3219 : vector<16xf32>
    %add3A_3321 = arith.addf %mul3A_3319, %mul3A_3320 : vector<16xf32>
    %mul3A_3322 = arith.mulf %gather3A_2773, %get3A_3224 : vector<16xf32>
    %add3A_3323 = arith.addf %add3A_3321, %mul3A_3322 : vector<16xf32>
    %mul3A_3324 = arith.mulf %gather3A_2783, %get3A_3229 : vector<16xf32>
    %add3A_3325 = arith.addf %add3A_3323, %mul3A_3324 : vector<16xf32>
    %mul3A_3326 = arith.mulf %gather3A_2793, %get3A_3234 : vector<16xf32>
    %mul3A_3327 = arith.mulf %gather3A_2803, %get3A_3239 : vector<16xf32>
    %add3A_3328 = arith.addf %mul3A_3326, %mul3A_3327 : vector<16xf32>
    %mul3A_3329 = arith.mulf %gather3A_2813, %get3A_3244 : vector<16xf32>
    %add3A_3330 = arith.addf %add3A_3328, %mul3A_3329 : vector<16xf32>
    %mul3A_3331 = arith.mulf %gather3A_2823, %get3A_3249 : vector<16xf32>
    %add3A_3332 = arith.addf %add3A_3330, %mul3A_3331 : vector<16xf32>
    %mul3A_3333 = arith.mulf %gather3A_2833, %get3A_3254 : vector<16xf32>
    %mul3A_3334 = arith.mulf %gather3A_2843, %get3A_3259 : vector<16xf32>
    %add3A_3335 = arith.addf %mul3A_3333, %mul3A_3334 : vector<16xf32>
    %mul3A_3336 = arith.mulf %gather3A_2853, %get3A_3264 : vector<16xf32>
    %add3A_3337 = arith.addf %add3A_3335, %mul3A_3336 : vector<16xf32>
    %mul3A_3338 = arith.mulf %gather3A_2863, %get3A_3269 : vector<16xf32>
    %add3A_3339 = arith.addf %add3A_3337, %mul3A_3338 : vector<16xf32>
    %add3A_3340 = arith.addf %add3A_3318, %add3A_3325 : vector<16xf32>
    %add3A_3341 = arith.addf %add3A_3332, %add3A_3339 : vector<16xf32>
    %add3A_3342 = arith.addf %add3A_3340, %add3A_3341 : vector<16xf32>
    %add3A_3343 = arith.addf %add3A_3342, %add3A_374 : vector<16xf32>
    %add3A_3344 = arith.constant 1 : i32
    %add3A_3345 = arith.addi %add3A_2527, %add3A_3344 : i32
    %broadcast_in_dim3A_3346 = vector.broadcast %add3A_3345 : i32 to vector<16xi32>
    %eq3A_3347 = arith.cmpi eq, %add3A_3273, %broadcast_in_dim3A_3346 : vector<16xi32>
    %select_n3A_3348 = arith.select %eq3A_3347, %broadcast_in_dim3A_488, %add3A_3343 : vector<16xi1>, vector<16xf32>
    %min3A_3349 = arith.minimumf %min3A_3187, %select_n3A_3348 : vector<16xf32>
    %add3A_3350 = arith.constant 48 : i32
    %add3A_3351 = arith.addi %mul3A_36, %add3A_3350 : i32
    %get3A_3352 = arith.constant 0 : i32
    %get3A_3353 = arith.index_cast %get3A_3352 : i32 to index
    %get3A_3354 = arith.index_cast %add3A_3351 : i32 to index
    %get3A_3355 = tpu.vector_load %arg5[%get3A_3353, %get3A_3354] {strides = array<i32>} : memref<16x128xf32, #tpu.memory_space<vmem>>, vector<1x16xf32>,
    %get3A_3356 = vector.shape_cast %get3A_3355 : vector<1x16xf32> to vector<16xf32>
    %get3A_3357 = arith.constant 1 : i32
    %get3A_3358 = arith.index_cast %get3A_3357 : i32 to index
    %get3A_3359 = arith.index_cast %add3A_3351 : i32 to index
    %get3A_3360 = tpu.vector_load %arg5[%get3A_3358, %get3A_3359] {strides = array<i32>} : memref<16x128xf32, #tpu.memory_space<vmem>>, vector<1x16xf32>,
    %get3A_3361 = vector.shape_cast %get3A_3360 : vector<1x16xf32> to vector<16xf32>
    %get3A_3362 = arith.constant 2 : i32
    %get3A_3363 = arith.index_cast %get3A_3362 : i32 to index
    %get3A_3364 = arith.index_cast %add3A_3351 : i32 to index
    %get3A_3365 = tpu.vector_load %arg5[%get3A_3363, %get3A_3364] {strides = array<i32>} : memref<16x128xf32, #tpu.memory_space<vmem>>, vector<1x16xf32>,
    %get3A_3366 = vector.shape_cast %get3A_3365 : vector<1x16xf32> to vector<16xf32>
    %get3A_3367 = arith.constant 3 : i32
    %get3A_3368 = arith.index_cast %get3A_3367 : i32 to index
    %get3A_3369 = arith.index_cast %add3A_3351 : i32 to index
    %get3A_3370 = tpu.vector_load %arg5[%get3A_3368, %get3A_3369] {strides = array<i32>} : memref<16x128xf32, #tpu.memory_space<vmem>>, vector<1x16xf32>,
    %get3A_3371 = vector.shape_cast %get3A_3370 : vector<1x16xf32> to vector<16xf32>
    %get3A_3372 = arith.constant 4 : i32
    %get3A_3373 = arith.index_cast %get3A_3372 : i32 to index
    %get3A_3374 = arith.index_cast %add3A_3351 : i32 to index
    %get3A_3375 = tpu.vector_load %arg5[%get3A_3373, %get3A_3374] {strides = array<i32>} : memref<16x128xf32, #tpu.memory_space<vmem>>, vector<1x16xf32>,
    %get3A_3376 = vector.shape_cast %get3A_3375 : vector<1x16xf32> to vector<16xf32>
    %get3A_3377 = arith.constant 5 : i32
    %get3A_3378 = arith.index_cast %get3A_3377 : i32 to index
    %get3A_3379 = arith.index_cast %add3A_3351 : i32 to index
    %get3A_3380 = tpu.vector_load %arg5[%get3A_3378, %get3A_3379] {strides = array<i32>} : memref<16x128xf32, #tpu.memory_space<vmem>>, vector<1x16xf32>,
    %get3A_3381 = vector.shape_cast %get3A_3380 : vector<1x16xf32> to vector<16xf32>
    %get3A_3382 = arith.constant 6 : i32
    %get3A_3383 = arith.index_cast %get3A_3382 : i32 to index
    %get3A_3384 = arith.index_cast %add3A_3351 : i32 to index
    %get3A_3385 = tpu.vector_load %arg5[%get3A_3383, %get3A_3384] {strides = array<i32>} : memref<16x128xf32, #tpu.memory_space<vmem>>, vector<1x16xf32>,
    %get3A_3386 = vector.shape_cast %get3A_3385 : vector<1x16xf32> to vector<16xf32>
    %get3A_3387 = arith.constant 7 : i32
    %get3A_3388 = arith.index_cast %get3A_3387 : i32 to index
    %get3A_3389 = arith.index_cast %add3A_3351 : i32 to index
    %get3A_3390 = tpu.vector_load %arg5[%get3A_3388, %get3A_3389] {strides = array<i32>} : memref<16x128xf32, #tpu.memory_space<vmem>>, vector<1x16xf32>,
    %get3A_3391 = vector.shape_cast %get3A_3390 : vector<1x16xf32> to vector<16xf32>
    %get3A_3392 = arith.constant 8 : i32
    %get3A_3393 = arith.index_cast %get3A_3392 : i32 to index
    %get3A_3394 = arith.index_cast %add3A_3351 : i32 to index
    %get3A_3395 = tpu.vector_load %arg5[%get3A_3393, %get3A_3394] {strides = array<i32>} : memref<16x128xf32, #tpu.memory_space<vmem>>, vector<1x16xf32>,
    %get3A_3396 = vector.shape_cast %get3A_3395 : vector<1x16xf32> to vector<16xf32>
    %get3A_3397 = arith.constant 9 : i32
    %get3A_3398 = arith.index_cast %get3A_3397 : i32 to index
    %get3A_3399 = arith.index_cast %add3A_3351 : i32 to index
    %get3A_3400 = tpu.vector_load %arg5[%get3A_3398, %get3A_3399] {strides = array<i32>} : memref<16x128xf32, #tpu.memory_space<vmem>>, vector<1x16xf32>,
    %get3A_3401 = vector.shape_cast %get3A_3400 : vector<1x16xf32> to vector<16xf32>
    %get3A_3402 = arith.constant 10 : i32
    %get3A_3403 = arith.index_cast %get3A_3402 : i32 to index
    %get3A_3404 = arith.index_cast %add3A_3351 : i32 to index
    %get3A_3405 = tpu.vector_load %arg5[%get3A_3403, %get3A_3404] {strides = array<i32>} : memref<16x128xf32, #tpu.memory_space<vmem>>, vector<1x16xf32>,
    %get3A_3406 = vector.shape_cast %get3A_3405 : vector<1x16xf32> to vector<16xf32>
    %get3A_3407 = arith.constant 11 : i32
    %get3A_3408 = arith.index_cast %get3A_3407 : i32 to index
    %get3A_3409 = arith.index_cast %add3A_3351 : i32 to index
    %get3A_3410 = tpu.vector_load %arg5[%get3A_3408, %get3A_3409] {strides = array<i32>} : memref<16x128xf32, #tpu.memory_space<vmem>>, vector<1x16xf32>,
    %get3A_3411 = vector.shape_cast %get3A_3410 : vector<1x16xf32> to vector<16xf32>
    %get3A_3412 = arith.constant 12 : i32
    %get3A_3413 = arith.index_cast %get3A_3412 : i32 to index
    %get3A_3414 = arith.index_cast %add3A_3351 : i32 to index
    %get3A_3415 = tpu.vector_load %arg5[%get3A_3413, %get3A_3414] {strides = array<i32>} : memref<16x128xf32, #tpu.memory_space<vmem>>, vector<1x16xf32>,
    %get3A_3416 = vector.shape_cast %get3A_3415 : vector<1x16xf32> to vector<16xf32>
    %get3A_3417 = arith.constant 13 : i32
    %get3A_3418 = arith.index_cast %get3A_3417 : i32 to index
    %get3A_3419 = arith.index_cast %add3A_3351 : i32 to index
    %get3A_3420 = tpu.vector_load %arg5[%get3A_3418, %get3A_3419] {strides = array<i32>} : memref<16x128xf32, #tpu.memory_space<vmem>>, vector<1x16xf32>,
    %get3A_3421 = vector.shape_cast %get3A_3420 : vector<1x16xf32> to vector<16xf32>
    %get3A_3422 = arith.constant 14 : i32
    %get3A_3423 = arith.index_cast %get3A_3422 : i32 to index
    %get3A_3424 = arith.index_cast %add3A_3351 : i32 to index
    %get3A_3425 = tpu.vector_load %arg5[%get3A_3423, %get3A_3424] {strides = array<i32>} : memref<16x128xf32, #tpu.memory_space<vmem>>, vector<1x16xf32>,
    %get3A_3426 = vector.shape_cast %get3A_3425 : vector<1x16xf32> to vector<16xf32>
    %get3A_3427 = arith.constant 15 : i32
    %get3A_3428 = arith.index_cast %get3A_3427 : i32 to index
    %get3A_3429 = arith.index_cast %add3A_3351 : i32 to index
    %get3A_3430 = tpu.vector_load %arg5[%get3A_3428, %get3A_3429] {strides = array<i32>} : memref<16x128xf32, #tpu.memory_space<vmem>>, vector<1x16xf32>,
    %get3A_3431 = vector.shape_cast %get3A_3430 : vector<1x16xf32> to vector<16xf32>
    %add3A_3432 = arith.constant 3968 : i32
    %add3A_3433 = arith.addi %add3A_3432, %add3A_3351 : i32
    %add3A_3434 = vector.broadcast %add3A_3433 : i32 to vector<16xi32>
    %add3A_3435 = arith.addi %iota3A, %add3A_3434 : vector<16xi32>
    %mul3A_3436 = arith.mulf %gather3A_2545, %get3A_3356 : vector<16xf32>
    %mul3A_3437 = arith.mulf %gather3A_2555, %get3A_3361 : vector<16xf32>
    %add3A_3438 = arith.addf %mul3A_3436, %mul3A_3437 : vector<16xf32>
    %mul3A_3439 = arith.mulf %gather3A_2565, %get3A_3366 : vector<16xf32>
    %add3A_3440 = arith.addf %add3A_3438, %mul3A_3439 : vector<16xf32>
    %mul3A_3441 = arith.mulf %gather3A_2575, %get3A_3371 : vector<16xf32>
    %add3A_3442 = arith.addf %add3A_3440, %mul3A_3441 : vector<16xf32>
    %mul3A_3443 = arith.mulf %gather3A_2585, %get3A_3376 : vector<16xf32>
    %mul3A_3444 = arith.mulf %gather3A_2595, %get3A_3381 : vector<16xf32>
    %add3A_3445 = arith.addf %mul3A_3443, %mul3A_3444 : vector<16xf32>
    %mul3A_3446 = arith.mulf %gather3A_2605, %get3A_3386 : vector<16xf32>
    %add3A_3447 = arith.addf %add3A_3445, %mul3A_3446 : vector<16xf32>
    %mul3A_3448 = arith.mulf %gather3A_2615, %get3A_3391 : vector<16xf32>
    %add3A_3449 = arith.addf %add3A_3447, %mul3A_3448 : vector<16xf32>
    %mul3A_3450 = arith.mulf %gather3A_2625, %get3A_3396 : vector<16xf32>
    %mul3A_3451 = arith.mulf %gather3A_2635, %get3A_3401 : vector<16xf32>
    %add3A_3452 = arith.addf %mul3A_3450, %mul3A_3451 : vector<16xf32>
    %mul3A_3453 = arith.mulf %gather3A_2645, %get3A_3406 : vector<16xf32>
    %add3A_3454 = arith.addf %add3A_3452, %mul3A_3453 : vector<16xf32>
    %mul3A_3455 = arith.mulf %gather3A_2655, %get3A_3411 : vector<16xf32>
    %add3A_3456 = arith.addf %add3A_3454, %mul3A_3455 : vector<16xf32>
    %mul3A_3457 = arith.mulf %gather3A_2665, %get3A_3416 : vector<16xf32>
    %mul3A_3458 = arith.mulf %gather3A_2675, %get3A_3421 : vector<16xf32>
    %add3A_3459 = arith.addf %mul3A_3457, %mul3A_3458 : vector<16xf32>
    %mul3A_3460 = arith.mulf %gather3A_2685, %get3A_3426 : vector<16xf32>
    %add3A_3461 = arith.addf %add3A_3459, %mul3A_3460 : vector<16xf32>
    %mul3A_3462 = arith.mulf %gather3A_2695, %get3A_3431 : vector<16xf32>
    %add3A_3463 = arith.addf %add3A_3461, %mul3A_3462 : vector<16xf32>
    %add3A_3464 = arith.addf %add3A_3442, %add3A_3449 : vector<16xf32>
    %add3A_3465 = arith.addf %add3A_3456, %add3A_3463 : vector<16xf32>
    %add3A_3466 = arith.addf %add3A_3464, %add3A_3465 : vector<16xf32>
    %add3A_3467 = arith.addf %add3A_3466, %add3A_487 : vector<16xf32>
    %add3A_3468 = arith.constant 0 : i32
    %add3A_3469 = arith.addi %add3A_2527, %add3A_3468 : i32
    %broadcast_in_dim3A_3470 = vector.broadcast %add3A_3469 : i32 to vector<16xi32>
    %eq3A_3471 = arith.cmpi eq, %add3A_3435, %broadcast_in_dim3A_3470 : vector<16xi32>
    %select_n3A_3472 = arith.select %eq3A_3471, %broadcast_in_dim3A_488, %add3A_3467 : vector<16xi1>, vector<16xf32>
    %min3A_3473 = arith.minimumf %min3A_3311, %select_n3A_3472 : vector<16xf32>
    %mul3A_3474 = arith.mulf %gather3A_2713, %get3A_3356 : vector<16xf32>
    %mul3A_3475 = arith.mulf %gather3A_2723, %get3A_3361 : vector<16xf32>
    %add3A_3476 = arith.addf %mul3A_3474, %mul3A_3475 : vector<16xf32>
    %mul3A_3477 = arith.mulf %gather3A_2733, %get3A_3366 : vector<16xf32>
    %add3A_3478 = arith.addf %add3A_3476, %mul3A_3477 : vector<16xf32>
    %mul3A_3479 = arith.mulf %gather3A_2743, %get3A_3371 : vector<16xf32>
    %add3A_3480 = arith.addf %add3A_3478, %mul3A_3479 : vector<16xf32>
    %mul3A_3481 = arith.mulf %gather3A_2753, %get3A_3376 : vector<16xf32>
    %mul3A_3482 = arith.mulf %gather3A_2763, %get3A_3381 : vector<16xf32>
    %add3A_3483 = arith.addf %mul3A_3481, %mul3A_3482 : vector<16xf32>
    %mul3A_3484 = arith.mulf %gather3A_2773, %get3A_3386 : vector<16xf32>
    %add3A_3485 = arith.addf %add3A_3483, %mul3A_3484 : vector<16xf32>
    %mul3A_3486 = arith.mulf %gather3A_2783, %get3A_3391 : vector<16xf32>
    %add3A_3487 = arith.addf %add3A_3485, %mul3A_3486 : vector<16xf32>
    %mul3A_3488 = arith.mulf %gather3A_2793, %get3A_3396 : vector<16xf32>
    %mul3A_3489 = arith.mulf %gather3A_2803, %get3A_3401 : vector<16xf32>
    %add3A_3490 = arith.addf %mul3A_3488, %mul3A_3489 : vector<16xf32>
    %mul3A_3491 = arith.mulf %gather3A_2813, %get3A_3406 : vector<16xf32>
    %add3A_3492 = arith.addf %add3A_3490, %mul3A_3491 : vector<16xf32>
    %mul3A_3493 = arith.mulf %gather3A_2823, %get3A_3411 : vector<16xf32>
    %add3A_3494 = arith.addf %add3A_3492, %mul3A_3493 : vector<16xf32>
    %mul3A_3495 = arith.mulf %gather3A_2833, %get3A_3416 : vector<16xf32>
    %mul3A_3496 = arith.mulf %gather3A_2843, %get3A_3421 : vector<16xf32>
    %add3A_3497 = arith.addf %mul3A_3495, %mul3A_3496 : vector<16xf32>
    %mul3A_3498 = arith.mulf %gather3A_2853, %get3A_3426 : vector<16xf32>
    %add3A_3499 = arith.addf %add3A_3497, %mul3A_3498 : vector<16xf32>
    %mul3A_3500 = arith.mulf %gather3A_2863, %get3A_3431 : vector<16xf32>
    %add3A_3501 = arith.addf %add3A_3499, %mul3A_3500 : vector<16xf32>
    %add3A_3502 = arith.addf %add3A_3480, %add3A_3487 : vector<16xf32>
    %add3A_3503 = arith.addf %add3A_3494, %add3A_3501 : vector<16xf32>
    %add3A_3504 = arith.addf %add3A_3502, %add3A_3503 : vector<16xf32>
    %add3A_3505 = arith.addf %add3A_3504, %add3A_487 : vector<16xf32>
    %add3A_3506 = arith.constant 1 : i32
    %add3A_3507 = arith.addi %add3A_2527, %add3A_3506 : i32
    %broadcast_in_dim3A_3508 = vector.broadcast %add3A_3507 : i32 to vector<16xi32>
    %eq3A_3509 = arith.cmpi eq, %add3A_3435, %broadcast_in_dim3A_3508 : vector<16xi32>
    %select_n3A_3510 = arith.select %eq3A_3509, %broadcast_in_dim3A_488, %add3A_3505 : vector<16xi1>, vector<16xf32>
    %min3A_3511 = arith.minimumf %min3A_3349, %select_n3A_3510 : vector<16xf32>
    %swap3A_3512 = arith.constant 4 : i32
    %swap3A_3513 = arith.index_cast %swap3A_3512 : i32 to index
    %swap3A_3514 = arith.constant 0 : index
    %swap3A_3515 = tpu.vector_load %arg7[%swap3A_3513, %swap3A_3514] {strides = array<i32>} : memref<8x16xf32, #tpu.memory_space<vmem>>, vector<1x16xf32>,
    %swap3A_3516 = vector.shape_cast %swap3A_3515 : vector<1x16xf32> to vector<16xf32>
    %swap3A_3517 = vector.shape_cast %min3A_3473 : vector<16xf32> to vector<1x16xf32>
    tpu.vector_store %arg7[%swap3A_3513, %swap3A_3514], %swap3A_3517 {strides = array<i32>} : memref<8x16xf32, #tpu.memory_space<vmem>>, vector<1x16xf32>,
    %swap3A_3518 = arith.constant 5 : i32
    %swap3A_3519 = arith.index_cast %swap3A_3518 : i32 to index
    %swap3A_3520 = arith.constant 0 : index
    %swap3A_3521 = tpu.vector_load %arg7[%swap3A_3519, %swap3A_3520] {strides = array<i32>} : memref<8x16xf32, #tpu.memory_space<vmem>>, vector<1x16xf32>,
    %swap3A_3522 = vector.shape_cast %swap3A_3521 : vector<1x16xf32> to vector<16xf32>
    %swap3A_3523 = vector.shape_cast %min3A_3511 : vector<16xf32> to vector<1x16xf32>
    tpu.vector_store %arg7[%swap3A_3519, %swap3A_3520], %swap3A_3523 {strides = array<i32>} : memref<8x16xf32, #tpu.memory_space<vmem>>, vector<1x16xf32>,
    %mul3A_3524 = arith.constant 8 : i32
    %mul3A_3525 = arith.muli %select_n3A, %mul3A_3524 : i32
    %add3A_3526 = arith.constant 3968 : i32
    %add3A_3527 = arith.addi %add3A_3526, %mul3A_3525 : i32
    %add3A_3528 = arith.constant 6 : i32
    %add3A_3529 = arith.addi %add3A_3527, %add3A_3528 : i32
    %get3A_3530 = arith.constant 6 : i32
    %get3A_3531 = arith.index_cast %get3A_3530 : i32 to index
    %get3A_3532 = arith.constant 0 : index
    %get3A_3533 = tpu.vector_load %arg6[%get3A_3531, %get3A_3532] {strides = array<i32>} : memref<8x16xf32, #tpu.memory_space<vmem>>, vector<1x16xf32>,
    %get3A_3534 = vector.shape_cast %get3A_3533 : vector<1x16xf32> to vector<16xf32>
    %mul3A_3535 = arith.constant -2.000000e+00 : f32
    %mul3A_3536 = vector.broadcast %mul3A_3535 : f32 to vector<16xf32>
    %mul3A_3537 = arith.mulf %get3A_3534, %mul3A_3536 : vector<16xf32>
    %lt3A_3538 = arith.constant 0 : i32
    %lt3A_3539 = vector.broadcast %lt3A_3538 : i32 to vector<16xi32>
    %lt3A_3540 = arith.cmpi slt, %broadcast_in_dim3A_490, %lt3A_3539 : vector<16xi32>
    %add3A_3541 = arith.constant 16 : i32
    %add3A_3542 = vector.broadcast %add3A_3541 : i32 to vector<16xi32>
    %add3A_3543 = arith.addi %broadcast_in_dim3A_490, %add3A_3542 : vector<16xi32>
    %select_n3A_3544 = arith.select %lt3A_3540, %add3A_3543, %broadcast_in_dim3A_490 : vector<16xi1>, vector<16xi32>
    %broadcast_in_dim3A_3545 = vector.shape_cast %select_n3A_3544 : vector<16xi32> to vector<16x1xi32>
    %gather3A_3546 = vector.shape_cast %broadcast_in_dim3A_3545 : vector<16x1xi32> to vector<16xi32>
    %gather3A_3547 = tpu.dynamic_gather %mul3A_3537[%gather3A_3546] in [0] : vector<16xf32>, vector<16xi32> -> vector<16xf32>
    %lt3A_3548 = arith.constant 0 : i32
    %lt3A_3549 = vector.broadcast %lt3A_3548 : i32 to vector<16xi32>
    %lt3A_3550 = arith.cmpi slt, %broadcast_in_dim3A_492, %lt3A_3549 : vector<16xi32>
    %add3A_3551 = arith.constant 16 : i32
    %add3A_3552 = vector.broadcast %add3A_3551 : i32 to vector<16xi32>
    %add3A_3553 = arith.addi %broadcast_in_dim3A_492, %add3A_3552 : vector<16xi32>
    %select_n3A_3554 = arith.select %lt3A_3550, %add3A_3553, %broadcast_in_dim3A_492 : vector<16xi1>, vector<16xi32>
    %broadcast_in_dim3A_3555 = vector.shape_cast %select_n3A_3554 : vector<16xi32> to vector<16x1xi32>
    %gather3A_3556 = vector.shape_cast %broadcast_in_dim3A_3555 : vector<16x1xi32> to vector<16xi32>
    %gather3A_3557 = tpu.dynamic_gather %mul3A_3537[%gather3A_3556] in [0] : vector<16xf32>, vector<16xi32> -> vector<16xf32>
    %lt3A_3558 = arith.constant 0 : i32
    %lt3A_3559 = vector.broadcast %lt3A_3558 : i32 to vector<16xi32>
    %lt3A_3560 = arith.cmpi slt, %broadcast_in_dim3A_494, %lt3A_3559 : vector<16xi32>
    %add3A_3561 = arith.constant 16 : i32
    %add3A_3562 = vector.broadcast %add3A_3561 : i32 to vector<16xi32>
    %add3A_3563 = arith.addi %broadcast_in_dim3A_494, %add3A_3562 : vector<16xi32>
    %select_n3A_3564 = arith.select %lt3A_3560, %add3A_3563, %broadcast_in_dim3A_494 : vector<16xi1>, vector<16xi32>
    %broadcast_in_dim3A_3565 = vector.shape_cast %select_n3A_3564 : vector<16xi32> to vector<16x1xi32>
    %gather3A_3566 = vector.shape_cast %broadcast_in_dim3A_3565 : vector<16x1xi32> to vector<16xi32>
    %gather3A_3567 = tpu.dynamic_gather %mul3A_3537[%gather3A_3566] in [0] : vector<16xf32>, vector<16xi32> -> vector<16xf32>
    %lt3A_3568 = arith.constant 0 : i32
    %lt3A_3569 = vector.broadcast %lt3A_3568 : i32 to vector<16xi32>
    %lt3A_3570 = arith.cmpi slt, %broadcast_in_dim3A_496, %lt3A_3569 : vector<16xi32>
    %add3A_3571 = arith.constant 16 : i32
    %add3A_3572 = vector.broadcast %add3A_3571 : i32 to vector<16xi32>
    %add3A_3573 = arith.addi %broadcast_in_dim3A_496, %add3A_3572 : vector<16xi32>
    %select_n3A_3574 = arith.select %lt3A_3570, %add3A_3573, %broadcast_in_dim3A_496 : vector<16xi1>, vector<16xi32>
    %broadcast_in_dim3A_3575 = vector.shape_cast %select_n3A_3574 : vector<16xi32> to vector<16x1xi32>
    %gather3A_3576 = vector.shape_cast %broadcast_in_dim3A_3575 : vector<16x1xi32> to vector<16xi32>
    %gather3A_3577 = tpu.dynamic_gather %mul3A_3537[%gather3A_3576] in [0] : vector<16xf32>, vector<16xi32> -> vector<16xf32>
    %lt3A_3578 = arith.constant 0 : i32
    %lt3A_3579 = vector.broadcast %lt3A_3578 : i32 to vector<16xi32>
    %lt3A_3580 = arith.cmpi slt, %broadcast_in_dim3A_498, %lt3A_3579 : vector<16xi32>
    %add3A_3581 = arith.constant 16 : i32
    %add3A_3582 = vector.broadcast %add3A_3581 : i32 to vector<16xi32>
    %add3A_3583 = arith.addi %broadcast_in_dim3A_498, %add3A_3582 : vector<16xi32>
    %select_n3A_3584 = arith.select %lt3A_3580, %add3A_3583, %broadcast_in_dim3A_498 : vector<16xi1>, vector<16xi32>
    %broadcast_in_dim3A_3585 = vector.shape_cast %select_n3A_3584 : vector<16xi32> to vector<16x1xi32>
    %gather3A_3586 = vector.shape_cast %broadcast_in_dim3A_3585 : vector<16x1xi32> to vector<16xi32>
    %gather3A_3587 = tpu.dynamic_gather %mul3A_3537[%gather3A_3586] in [0] : vector<16xf32>, vector<16xi32> -> vector<16xf32>
    %lt3A_3588 = arith.constant 0 : i32
    %lt3A_3589 = vector.broadcast %lt3A_3588 : i32 to vector<16xi32>
    %lt3A_3590 = arith.cmpi slt, %broadcast_in_dim3A_500, %lt3A_3589 : vector<16xi32>
    %add3A_3591 = arith.constant 16 : i32
    %add3A_3592 = vector.broadcast %add3A_3591 : i32 to vector<16xi32>
    %add3A_3593 = arith.addi %broadcast_in_dim3A_500, %add3A_3592 : vector<16xi32>
    %select_n3A_3594 = arith.select %lt3A_3590, %add3A_3593, %broadcast_in_dim3A_500 : vector<16xi1>, vector<16xi32>
    %broadcast_in_dim3A_3595 = vector.shape_cast %select_n3A_3594 : vector<16xi32> to vector<16x1xi32>
    %gather3A_3596 = vector.shape_cast %broadcast_in_dim3A_3595 : vector<16x1xi32> to vector<16xi32>
    %gather3A_3597 = tpu.dynamic_gather %mul3A_3537[%gather3A_3596] in [0] : vector<16xf32>, vector<16xi32> -> vector<16xf32>
    %lt3A_3598 = arith.constant 0 : i32
    %lt3A_3599 = vector.broadcast %lt3A_3598 : i32 to vector<16xi32>
    %lt3A_3600 = arith.cmpi slt, %broadcast_in_dim3A_502, %lt3A_3599 : vector<16xi32>
    %add3A_3601 = arith.constant 16 : i32
    %add3A_3602 = vector.broadcast %add3A_3601 : i32 to vector<16xi32>
    %add3A_3603 = arith.addi %broadcast_in_dim3A_502, %add3A_3602 : vector<16xi32>
    %select_n3A_3604 = arith.select %lt3A_3600, %add3A_3603, %broadcast_in_dim3A_502 : vector<16xi1>, vector<16xi32>
    %broadcast_in_dim3A_3605 = vector.shape_cast %select_n3A_3604 : vector<16xi32> to vector<16x1xi32>
    %gather3A_3606 = vector.shape_cast %broadcast_in_dim3A_3605 : vector<16x1xi32> to vector<16xi32>
    %gather3A_3607 = tpu.dynamic_gather %mul3A_3537[%gather3A_3606] in [0] : vector<16xf32>, vector<16xi32> -> vector<16xf32>
    %lt3A_3608 = arith.constant 0 : i32
    %lt3A_3609 = vector.broadcast %lt3A_3608 : i32 to vector<16xi32>
    %lt3A_3610 = arith.cmpi slt, %broadcast_in_dim3A_504, %lt3A_3609 : vector<16xi32>
    %add3A_3611 = arith.constant 16 : i32
    %add3A_3612 = vector.broadcast %add3A_3611 : i32 to vector<16xi32>
    %add3A_3613 = arith.addi %broadcast_in_dim3A_504, %add3A_3612 : vector<16xi32>
    %select_n3A_3614 = arith.select %lt3A_3610, %add3A_3613, %broadcast_in_dim3A_504 : vector<16xi1>, vector<16xi32>
    %broadcast_in_dim3A_3615 = vector.shape_cast %select_n3A_3614 : vector<16xi32> to vector<16x1xi32>
    %gather3A_3616 = vector.shape_cast %broadcast_in_dim3A_3615 : vector<16x1xi32> to vector<16xi32>
    %gather3A_3617 = tpu.dynamic_gather %mul3A_3537[%gather3A_3616] in [0] : vector<16xf32>, vector<16xi32> -> vector<16xf32>
    %lt3A_3618 = arith.constant 0 : i32
    %lt3A_3619 = vector.broadcast %lt3A_3618 : i32 to vector<16xi32>
    %lt3A_3620 = arith.cmpi slt, %broadcast_in_dim3A_506, %lt3A_3619 : vector<16xi32>
    %add3A_3621 = arith.constant 16 : i32
    %add3A_3622 = vector.broadcast %add3A_3621 : i32 to vector<16xi32>
    %add3A_3623 = arith.addi %broadcast_in_dim3A_506, %add3A_3622 : vector<16xi32>
    %select_n3A_3624 = arith.select %lt3A_3620, %add3A_3623, %broadcast_in_dim3A_506 : vector<16xi1>, vector<16xi32>
    %broadcast_in_dim3A_3625 = vector.shape_cast %select_n3A_3624 : vector<16xi32> to vector<16x1xi32>
    %gather3A_3626 = vector.shape_cast %broadcast_in_dim3A_3625 : vector<16x1xi32> to vector<16xi32>
    %gather3A_3627 = tpu.dynamic_gather %mul3A_3537[%gather3A_3626] in [0] : vector<16xf32>, vector<16xi32> -> vector<16xf32>
    %lt3A_3628 = arith.constant 0 : i32
    %lt3A_3629 = vector.broadcast %lt3A_3628 : i32 to vector<16xi32>
    %lt3A_3630 = arith.cmpi slt, %broadcast_in_dim3A_508, %lt3A_3629 : vector<16xi32>
    %add3A_3631 = arith.constant 16 : i32
    %add3A_3632 = vector.broadcast %add3A_3631 : i32 to vector<16xi32>
    %add3A_3633 = arith.addi %broadcast_in_dim3A_508, %add3A_3632 : vector<16xi32>
    %select_n3A_3634 = arith.select %lt3A_3630, %add3A_3633, %broadcast_in_dim3A_508 : vector<16xi1>, vector<16xi32>
    %broadcast_in_dim3A_3635 = vector.shape_cast %select_n3A_3634 : vector<16xi32> to vector<16x1xi32>
    %gather3A_3636 = vector.shape_cast %broadcast_in_dim3A_3635 : vector<16x1xi32> to vector<16xi32>
    %gather3A_3637 = tpu.dynamic_gather %mul3A_3537[%gather3A_3636] in [0] : vector<16xf32>, vector<16xi32> -> vector<16xf32>
    %lt3A_3638 = arith.constant 0 : i32
    %lt3A_3639 = vector.broadcast %lt3A_3638 : i32 to vector<16xi32>
    %lt3A_3640 = arith.cmpi slt, %broadcast_in_dim3A_510, %lt3A_3639 : vector<16xi32>
    %add3A_3641 = arith.constant 16 : i32
    %add3A_3642 = vector.broadcast %add3A_3641 : i32 to vector<16xi32>
    %add3A_3643 = arith.addi %broadcast_in_dim3A_510, %add3A_3642 : vector<16xi32>
    %select_n3A_3644 = arith.select %lt3A_3640, %add3A_3643, %broadcast_in_dim3A_510 : vector<16xi1>, vector<16xi32>
    %broadcast_in_dim3A_3645 = vector.shape_cast %select_n3A_3644 : vector<16xi32> to vector<16x1xi32>
    %gather3A_3646 = vector.shape_cast %broadcast_in_dim3A_3645 : vector<16x1xi32> to vector<16xi32>
    %gather3A_3647 = tpu.dynamic_gather %mul3A_3537[%gather3A_3646] in [0] : vector<16xf32>, vector<16xi32> -> vector<16xf32>
    %lt3A_3648 = arith.constant 0 : i32
    %lt3A_3649 = vector.broadcast %lt3A_3648 : i32 to vector<16xi32>
    %lt3A_3650 = arith.cmpi slt, %broadcast_in_dim3A_512, %lt3A_3649 : vector<16xi32>
    %add3A_3651 = arith.constant 16 : i32
    %add3A_3652 = vector.broadcast %add3A_3651 : i32 to vector<16xi32>
    %add3A_3653 = arith.addi %broadcast_in_dim3A_512, %add3A_3652 : vector<16xi32>
    %select_n3A_3654 = arith.select %lt3A_3650, %add3A_3653, %broadcast_in_dim3A_512 : vector<16xi1>, vector<16xi32>
    %broadcast_in_dim3A_3655 = vector.shape_cast %select_n3A_3654 : vector<16xi32> to vector<16x1xi32>
    %gather3A_3656 = vector.shape_cast %broadcast_in_dim3A_3655 : vector<16x1xi32> to vector<16xi32>
    %gather3A_3657 = tpu.dynamic_gather %mul3A_3537[%gather3A_3656] in [0] : vector<16xf32>, vector<16xi32> -> vector<16xf32>
    %lt3A_3658 = arith.constant 0 : i32
    %lt3A_3659 = vector.broadcast %lt3A_3658 : i32 to vector<16xi32>
    %lt3A_3660 = arith.cmpi slt, %broadcast_in_dim3A_514, %lt3A_3659 : vector<16xi32>
    %add3A_3661 = arith.constant 16 : i32
    %add3A_3662 = vector.broadcast %add3A_3661 : i32 to vector<16xi32>
    %add3A_3663 = arith.addi %broadcast_in_dim3A_514, %add3A_3662 : vector<16xi32>
    %select_n3A_3664 = arith.select %lt3A_3660, %add3A_3663, %broadcast_in_dim3A_514 : vector<16xi1>, vector<16xi32>
    %broadcast_in_dim3A_3665 = vector.shape_cast %select_n3A_3664 : vector<16xi32> to vector<16x1xi32>
    %gather3A_3666 = vector.shape_cast %broadcast_in_dim3A_3665 : vector<16x1xi32> to vector<16xi32>
    %gather3A_3667 = tpu.dynamic_gather %mul3A_3537[%gather3A_3666] in [0] : vector<16xf32>, vector<16xi32> -> vector<16xf32>
    %lt3A_3668 = arith.constant 0 : i32
    %lt3A_3669 = vector.broadcast %lt3A_3668 : i32 to vector<16xi32>
    %lt3A_3670 = arith.cmpi slt, %broadcast_in_dim3A_516, %lt3A_3669 : vector<16xi32>
    %add3A_3671 = arith.constant 16 : i32
    %add3A_3672 = vector.broadcast %add3A_3671 : i32 to vector<16xi32>
    %add3A_3673 = arith.addi %broadcast_in_dim3A_516, %add3A_3672 : vector<16xi32>
    %select_n3A_3674 = arith.select %lt3A_3670, %add3A_3673, %broadcast_in_dim3A_516 : vector<16xi1>, vector<16xi32>
    %broadcast_in_dim3A_3675 = vector.shape_cast %select_n3A_3674 : vector<16xi32> to vector<16x1xi32>
    %gather3A_3676 = vector.shape_cast %broadcast_in_dim3A_3675 : vector<16x1xi32> to vector<16xi32>
    %gather3A_3677 = tpu.dynamic_gather %mul3A_3537[%gather3A_3676] in [0] : vector<16xf32>, vector<16xi32> -> vector<16xf32>
    %lt3A_3678 = arith.constant 0 : i32
    %lt3A_3679 = vector.broadcast %lt3A_3678 : i32 to vector<16xi32>
    %lt3A_3680 = arith.cmpi slt, %broadcast_in_dim3A_518, %lt3A_3679 : vector<16xi32>
    %add3A_3681 = arith.constant 16 : i32
    %add3A_3682 = vector.broadcast %add3A_3681 : i32 to vector<16xi32>
    %add3A_3683 = arith.addi %broadcast_in_dim3A_518, %add3A_3682 : vector<16xi32>
    %select_n3A_3684 = arith.select %lt3A_3680, %add3A_3683, %broadcast_in_dim3A_518 : vector<16xi1>, vector<16xi32>
    %broadcast_in_dim3A_3685 = vector.shape_cast %select_n3A_3684 : vector<16xi32> to vector<16x1xi32>
    %gather3A_3686 = vector.shape_cast %broadcast_in_dim3A_3685 : vector<16x1xi32> to vector<16xi32>
    %gather3A_3687 = tpu.dynamic_gather %mul3A_3537[%gather3A_3686] in [0] : vector<16xf32>, vector<16xi32> -> vector<16xf32>
    %lt3A_3688 = arith.constant 0 : i32
    %lt3A_3689 = vector.broadcast %lt3A_3688 : i32 to vector<16xi32>
    %lt3A_3690 = arith.cmpi slt, %broadcast_in_dim3A_520, %lt3A_3689 : vector<16xi32>
    %add3A_3691 = arith.constant 16 : i32
    %add3A_3692 = vector.broadcast %add3A_3691 : i32 to vector<16xi32>
    %add3A_3693 = arith.addi %broadcast_in_dim3A_520, %add3A_3692 : vector<16xi32>
    %select_n3A_3694 = arith.select %lt3A_3690, %add3A_3693, %broadcast_in_dim3A_520 : vector<16xi1>, vector<16xi32>
    %broadcast_in_dim3A_3695 = vector.shape_cast %select_n3A_3694 : vector<16xi32> to vector<16x1xi32>
    %gather3A_3696 = vector.shape_cast %broadcast_in_dim3A_3695 : vector<16x1xi32> to vector<16xi32>
    %gather3A_3697 = tpu.dynamic_gather %mul3A_3537[%gather3A_3696] in [0] : vector<16xf32>, vector<16xi32> -> vector<16xf32>
    %get3A_3698 = arith.constant 7 : i32
    %get3A_3699 = arith.index_cast %get3A_3698 : i32 to index
    %get3A_3700 = arith.constant 0 : index
    %get3A_3701 = tpu.vector_load %arg6[%get3A_3699, %get3A_3700] {strides = array<i32>} : memref<8x16xf32, #tpu.memory_space<vmem>>, vector<1x16xf32>,
    %get3A_3702 = vector.shape_cast %get3A_3701 : vector<1x16xf32> to vector<16xf32>
    %mul3A_3703 = arith.constant -2.000000e+00 : f32
    %mul3A_3704 = vector.broadcast %mul3A_3703 : f32 to vector<16xf32>
    %mul3A_3705 = arith.mulf %get3A_3702, %mul3A_3704 : vector<16xf32>
    %lt3A_3706 = arith.constant 0 : i32
    %lt3A_3707 = vector.broadcast %lt3A_3706 : i32 to vector<16xi32>
    %lt3A_3708 = arith.cmpi slt, %broadcast_in_dim3A_490, %lt3A_3707 : vector<16xi32>
    %add3A_3709 = arith.constant 16 : i32
    %add3A_3710 = vector.broadcast %add3A_3709 : i32 to vector<16xi32>
    %add3A_3711 = arith.addi %broadcast_in_dim3A_490, %add3A_3710 : vector<16xi32>
    %select_n3A_3712 = arith.select %lt3A_3708, %add3A_3711, %broadcast_in_dim3A_490 : vector<16xi1>, vector<16xi32>
    %broadcast_in_dim3A_3713 = vector.shape_cast %select_n3A_3712 : vector<16xi32> to vector<16x1xi32>
    %gather3A_3714 = vector.shape_cast %broadcast_in_dim3A_3713 : vector<16x1xi32> to vector<16xi32>
    %gather3A_3715 = tpu.dynamic_gather %mul3A_3705[%gather3A_3714] in [0] : vector<16xf32>, vector<16xi32> -> vector<16xf32>
    %lt3A_3716 = arith.constant 0 : i32
    %lt3A_3717 = vector.broadcast %lt3A_3716 : i32 to vector<16xi32>
    %lt3A_3718 = arith.cmpi slt, %broadcast_in_dim3A_492, %lt3A_3717 : vector<16xi32>
    %add3A_3719 = arith.constant 16 : i32
    %add3A_3720 = vector.broadcast %add3A_3719 : i32 to vector<16xi32>
    %add3A_3721 = arith.addi %broadcast_in_dim3A_492, %add3A_3720 : vector<16xi32>
    %select_n3A_3722 = arith.select %lt3A_3718, %add3A_3721, %broadcast_in_dim3A_492 : vector<16xi1>, vector<16xi32>
    %broadcast_in_dim3A_3723 = vector.shape_cast %select_n3A_3722 : vector<16xi32> to vector<16x1xi32>
    %gather3A_3724 = vector.shape_cast %broadcast_in_dim3A_3723 : vector<16x1xi32> to vector<16xi32>
    %gather3A_3725 = tpu.dynamic_gather %mul3A_3705[%gather3A_3724] in [0] : vector<16xf32>, vector<16xi32> -> vector<16xf32>
    %lt3A_3726 = arith.constant 0 : i32
    %lt3A_3727 = vector.broadcast %lt3A_3726 : i32 to vector<16xi32>
    %lt3A_3728 = arith.cmpi slt, %broadcast_in_dim3A_494, %lt3A_3727 : vector<16xi32>
    %add3A_3729 = arith.constant 16 : i32
    %add3A_3730 = vector.broadcast %add3A_3729 : i32 to vector<16xi32>
    %add3A_3731 = arith.addi %broadcast_in_dim3A_494, %add3A_3730 : vector<16xi32>
    %select_n3A_3732 = arith.select %lt3A_3728, %add3A_3731, %broadcast_in_dim3A_494 : vector<16xi1>, vector<16xi32>
    %broadcast_in_dim3A_3733 = vector.shape_cast %select_n3A_3732 : vector<16xi32> to vector<16x1xi32>
    %gather3A_3734 = vector.shape_cast %broadcast_in_dim3A_3733 : vector<16x1xi32> to vector<16xi32>
    %gather3A_3735 = tpu.dynamic_gather %mul3A_3705[%gather3A_3734] in [0] : vector<16xf32>, vector<16xi32> -> vector<16xf32>
    %lt3A_3736 = arith.constant 0 : i32
    %lt3A_3737 = vector.broadcast %lt3A_3736 : i32 to vector<16xi32>
    %lt3A_3738 = arith.cmpi slt, %broadcast_in_dim3A_496, %lt3A_3737 : vector<16xi32>
    %add3A_3739 = arith.constant 16 : i32
    %add3A_3740 = vector.broadcast %add3A_3739 : i32 to vector<16xi32>
    %add3A_3741 = arith.addi %broadcast_in_dim3A_496, %add3A_3740 : vector<16xi32>
    %select_n3A_3742 = arith.select %lt3A_3738, %add3A_3741, %broadcast_in_dim3A_496 : vector<16xi1>, vector<16xi32>
    %broadcast_in_dim3A_3743 = vector.shape_cast %select_n3A_3742 : vector<16xi32> to vector<16x1xi32>
    %gather3A_3744 = vector.shape_cast %broadcast_in_dim3A_3743 : vector<16x1xi32> to vector<16xi32>
    %gather3A_3745 = tpu.dynamic_gather %mul3A_3705[%gather3A_3744] in [0] : vector<16xf32>, vector<16xi32> -> vector<16xf32>
    %lt3A_3746 = arith.constant 0 : i32
    %lt3A_3747 = vector.broadcast %lt3A_3746 : i32 to vector<16xi32>
    %lt3A_3748 = arith.cmpi slt, %broadcast_in_dim3A_498, %lt3A_3747 : vector<16xi32>
    %add3A_3749 = arith.constant 16 : i32
    %add3A_3750 = vector.broadcast %add3A_3749 : i32 to vector<16xi32>
    %add3A_3751 = arith.addi %broadcast_in_dim3A_498, %add3A_3750 : vector<16xi32>
    %select_n3A_3752 = arith.select %lt3A_3748, %add3A_3751, %broadcast_in_dim3A_498 : vector<16xi1>, vector<16xi32>
    %broadcast_in_dim3A_3753 = vector.shape_cast %select_n3A_3752 : vector<16xi32> to vector<16x1xi32>
    %gather3A_3754 = vector.shape_cast %broadcast_in_dim3A_3753 : vector<16x1xi32> to vector<16xi32>
    %gather3A_3755 = tpu.dynamic_gather %mul3A_3705[%gather3A_3754] in [0] : vector<16xf32>, vector<16xi32> -> vector<16xf32>
    %lt3A_3756 = arith.constant 0 : i32
    %lt3A_3757 = vector.broadcast %lt3A_3756 : i32 to vector<16xi32>
    %lt3A_3758 = arith.cmpi slt, %broadcast_in_dim3A_500, %lt3A_3757 : vector<16xi32>
    %add3A_3759 = arith.constant 16 : i32
    %add3A_3760 = vector.broadcast %add3A_3759 : i32 to vector<16xi32>
    %add3A_3761 = arith.addi %broadcast_in_dim3A_500, %add3A_3760 : vector<16xi32>
    %select_n3A_3762 = arith.select %lt3A_3758, %add3A_3761, %broadcast_in_dim3A_500 : vector<16xi1>, vector<16xi32>
    %broadcast_in_dim3A_3763 = vector.shape_cast %select_n3A_3762 : vector<16xi32> to vector<16x1xi32>
    %gather3A_3764 = vector.shape_cast %broadcast_in_dim3A_3763 : vector<16x1xi32> to vector<16xi32>
    %gather3A_3765 = tpu.dynamic_gather %mul3A_3705[%gather3A_3764] in [0] : vector<16xf32>, vector<16xi32> -> vector<16xf32>
    %lt3A_3766 = arith.constant 0 : i32
    %lt3A_3767 = vector.broadcast %lt3A_3766 : i32 to vector<16xi32>
    %lt3A_3768 = arith.cmpi slt, %broadcast_in_dim3A_502, %lt3A_3767 : vector<16xi32>
    %add3A_3769 = arith.constant 16 : i32
    %add3A_3770 = vector.broadcast %add3A_3769 : i32 to vector<16xi32>
    %add3A_3771 = arith.addi %broadcast_in_dim3A_502, %add3A_3770 : vector<16xi32>
    %select_n3A_3772 = arith.select %lt3A_3768, %add3A_3771, %broadcast_in_dim3A_502 : vector<16xi1>, vector<16xi32>
    %broadcast_in_dim3A_3773 = vector.shape_cast %select_n3A_3772 : vector<16xi32> to vector<16x1xi32>
    %gather3A_3774 = vector.shape_cast %broadcast_in_dim3A_3773 : vector<16x1xi32> to vector<16xi32>
    %gather3A_3775 = tpu.dynamic_gather %mul3A_3705[%gather3A_3774] in [0] : vector<16xf32>, vector<16xi32> -> vector<16xf32>
    %lt3A_3776 = arith.constant 0 : i32
    %lt3A_3777 = vector.broadcast %lt3A_3776 : i32 to vector<16xi32>
    %lt3A_3778 = arith.cmpi slt, %broadcast_in_dim3A_504, %lt3A_3777 : vector<16xi32>
    %add3A_3779 = arith.constant 16 : i32
    %add3A_3780 = vector.broadcast %add3A_3779 : i32 to vector<16xi32>
    %add3A_3781 = arith.addi %broadcast_in_dim3A_504, %add3A_3780 : vector<16xi32>
    %select_n3A_3782 = arith.select %lt3A_3778, %add3A_3781, %broadcast_in_dim3A_504 : vector<16xi1>, vector<16xi32>
    %broadcast_in_dim3A_3783 = vector.shape_cast %select_n3A_3782 : vector<16xi32> to vector<16x1xi32>
    %gather3A_3784 = vector.shape_cast %broadcast_in_dim3A_3783 : vector<16x1xi32> to vector<16xi32>
    %gather3A_3785 = tpu.dynamic_gather %mul3A_3705[%gather3A_3784] in [0] : vector<16xf32>, vector<16xi32> -> vector<16xf32>
    %lt3A_3786 = arith.constant 0 : i32
    %lt3A_3787 = vector.broadcast %lt3A_3786 : i32 to vector<16xi32>
    %lt3A_3788 = arith.cmpi slt, %broadcast_in_dim3A_506, %lt3A_3787 : vector<16xi32>
    %add3A_3789 = arith.constant 16 : i32
    %add3A_3790 = vector.broadcast %add3A_3789 : i32 to vector<16xi32>
    %add3A_3791 = arith.addi %broadcast_in_dim3A_506, %add3A_3790 : vector<16xi32>
    %select_n3A_3792 = arith.select %lt3A_3788, %add3A_3791, %broadcast_in_dim3A_506 : vector<16xi1>, vector<16xi32>
    %broadcast_in_dim3A_3793 = vector.shape_cast %select_n3A_3792 : vector<16xi32> to vector<16x1xi32>
    %gather3A_3794 = vector.shape_cast %broadcast_in_dim3A_3793 : vector<16x1xi32> to vector<16xi32>
    %gather3A_3795 = tpu.dynamic_gather %mul3A_3705[%gather3A_3794] in [0] : vector<16xf32>, vector<16xi32> -> vector<16xf32>
    %lt3A_3796 = arith.constant 0 : i32
    %lt3A_3797 = vector.broadcast %lt3A_3796 : i32 to vector<16xi32>
    %lt3A_3798 = arith.cmpi slt, %broadcast_in_dim3A_508, %lt3A_3797 : vector<16xi32>
    %add3A_3799 = arith.constant 16 : i32
    %add3A_3800 = vector.broadcast %add3A_3799 : i32 to vector<16xi32>
    %add3A_3801 = arith.addi %broadcast_in_dim3A_508, %add3A_3800 : vector<16xi32>
    %select_n3A_3802 = arith.select %lt3A_3798, %add3A_3801, %broadcast_in_dim3A_508 : vector<16xi1>, vector<16xi32>
    %broadcast_in_dim3A_3803 = vector.shape_cast %select_n3A_3802 : vector<16xi32> to vector<16x1xi32>
    %gather3A_3804 = vector.shape_cast %broadcast_in_dim3A_3803 : vector<16x1xi32> to vector<16xi32>
    %gather3A_3805 = tpu.dynamic_gather %mul3A_3705[%gather3A_3804] in [0] : vector<16xf32>, vector<16xi32> -> vector<16xf32>
    %lt3A_3806 = arith.constant 0 : i32
    %lt3A_3807 = vector.broadcast %lt3A_3806 : i32 to vector<16xi32>
    %lt3A_3808 = arith.cmpi slt, %broadcast_in_dim3A_510, %lt3A_3807 : vector<16xi32>
    %add3A_3809 = arith.constant 16 : i32
    %add3A_3810 = vector.broadcast %add3A_3809 : i32 to vector<16xi32>
    %add3A_3811 = arith.addi %broadcast_in_dim3A_510, %add3A_3810 : vector<16xi32>
    %select_n3A_3812 = arith.select %lt3A_3808, %add3A_3811, %broadcast_in_dim3A_510 : vector<16xi1>, vector<16xi32>
    %broadcast_in_dim3A_3813 = vector.shape_cast %select_n3A_3812 : vector<16xi32> to vector<16x1xi32>
    %gather3A_3814 = vector.shape_cast %broadcast_in_dim3A_3813 : vector<16x1xi32> to vector<16xi32>
    %gather3A_3815 = tpu.dynamic_gather %mul3A_3705[%gather3A_3814] in [0] : vector<16xf32>, vector<16xi32> -> vector<16xf32>
    %lt3A_3816 = arith.constant 0 : i32
    %lt3A_3817 = vector.broadcast %lt3A_3816 : i32 to vector<16xi32>
    %lt3A_3818 = arith.cmpi slt, %broadcast_in_dim3A_512, %lt3A_3817 : vector<16xi32>
    %add3A_3819 = arith.constant 16 : i32
    %add3A_3820 = vector.broadcast %add3A_3819 : i32 to vector<16xi32>
    %add3A_3821 = arith.addi %broadcast_in_dim3A_512, %add3A_3820 : vector<16xi32>
    %select_n3A_3822 = arith.select %lt3A_3818, %add3A_3821, %broadcast_in_dim3A_512 : vector<16xi1>, vector<16xi32>
    %broadcast_in_dim3A_3823 = vector.shape_cast %select_n3A_3822 : vector<16xi32> to vector<16x1xi32>
    %gather3A_3824 = vector.shape_cast %broadcast_in_dim3A_3823 : vector<16x1xi32> to vector<16xi32>
    %gather3A_3825 = tpu.dynamic_gather %mul3A_3705[%gather3A_3824] in [0] : vector<16xf32>, vector<16xi32> -> vector<16xf32>
    %lt3A_3826 = arith.constant 0 : i32
    %lt3A_3827 = vector.broadcast %lt3A_3826 : i32 to vector<16xi32>
    %lt3A_3828 = arith.cmpi slt, %broadcast_in_dim3A_514, %lt3A_3827 : vector<16xi32>
    %add3A_3829 = arith.constant 16 : i32
    %add3A_3830 = vector.broadcast %add3A_3829 : i32 to vector<16xi32>
    %add3A_3831 = arith.addi %broadcast_in_dim3A_514, %add3A_3830 : vector<16xi32>
    %select_n3A_3832 = arith.select %lt3A_3828, %add3A_3831, %broadcast_in_dim3A_514 : vector<16xi1>, vector<16xi32>
    %broadcast_in_dim3A_3833 = vector.shape_cast %select_n3A_3832 : vector<16xi32> to vector<16x1xi32>
    %gather3A_3834 = vector.shape_cast %broadcast_in_dim3A_3833 : vector<16x1xi32> to vector<16xi32>
    %gather3A_3835 = tpu.dynamic_gather %mul3A_3705[%gather3A_3834] in [0] : vector<16xf32>, vector<16xi32> -> vector<16xf32>
    %lt3A_3836 = arith.constant 0 : i32
    %lt3A_3837 = vector.broadcast %lt3A_3836 : i32 to vector<16xi32>
    %lt3A_3838 = arith.cmpi slt, %broadcast_in_dim3A_516, %lt3A_3837 : vector<16xi32>
    %add3A_3839 = arith.constant 16 : i32
    %add3A_3840 = vector.broadcast %add3A_3839 : i32 to vector<16xi32>
    %add3A_3841 = arith.addi %broadcast_in_dim3A_516, %add3A_3840 : vector<16xi32>
    %select_n3A_3842 = arith.select %lt3A_3838, %add3A_3841, %broadcast_in_dim3A_516 : vector<16xi1>, vector<16xi32>
    %broadcast_in_dim3A_3843 = vector.shape_cast %select_n3A_3842 : vector<16xi32> to vector<16x1xi32>
    %gather3A_3844 = vector.shape_cast %broadcast_in_dim3A_3843 : vector<16x1xi32> to vector<16xi32>
    %gather3A_3845 = tpu.dynamic_gather %mul3A_3705[%gather3A_3844] in [0] : vector<16xf32>, vector<16xi32> -> vector<16xf32>
    %lt3A_3846 = arith.constant 0 : i32
    %lt3A_3847 = vector.broadcast %lt3A_3846 : i32 to vector<16xi32>
    %lt3A_3848 = arith.cmpi slt, %broadcast_in_dim3A_518, %lt3A_3847 : vector<16xi32>
    %add3A_3849 = arith.constant 16 : i32
    %add3A_3850 = vector.broadcast %add3A_3849 : i32 to vector<16xi32>
    %add3A_3851 = arith.addi %broadcast_in_dim3A_518, %add3A_3850 : vector<16xi32>
    %select_n3A_3852 = arith.select %lt3A_3848, %add3A_3851, %broadcast_in_dim3A_518 : vector<16xi1>, vector<16xi32>
    %broadcast_in_dim3A_3853 = vector.shape_cast %select_n3A_3852 : vector<16xi32> to vector<16x1xi32>
    %gather3A_3854 = vector.shape_cast %broadcast_in_dim3A_3853 : vector<16x1xi32> to vector<16xi32>
    %gather3A_3855 = tpu.dynamic_gather %mul3A_3705[%gather3A_3854] in [0] : vector<16xf32>, vector<16xi32> -> vector<16xf32>
    %lt3A_3856 = arith.constant 0 : i32
    %lt3A_3857 = vector.broadcast %lt3A_3856 : i32 to vector<16xi32>
    %lt3A_3858 = arith.cmpi slt, %broadcast_in_dim3A_520, %lt3A_3857 : vector<16xi32>
    %add3A_3859 = arith.constant 16 : i32
    %add3A_3860 = vector.broadcast %add3A_3859 : i32 to vector<16xi32>
    %add3A_3861 = arith.addi %broadcast_in_dim3A_520, %add3A_3860 : vector<16xi32>
    %select_n3A_3862 = arith.select %lt3A_3858, %add3A_3861, %broadcast_in_dim3A_520 : vector<16xi1>, vector<16xi32>
    %broadcast_in_dim3A_3863 = vector.shape_cast %select_n3A_3862 : vector<16xi32> to vector<16x1xi32>
    %gather3A_3864 = vector.shape_cast %broadcast_in_dim3A_3863 : vector<16x1xi32> to vector<16xi32>
    %gather3A_3865 = tpu.dynamic_gather %mul3A_3705[%gather3A_3864] in [0] : vector<16xf32>, vector<16xi32> -> vector<16xf32>
    %add3A_3866 = arith.constant 0 : i32
    %add3A_3867 = arith.addi %mul3A_36, %add3A_3866 : i32
    %get3A_3868 = arith.constant 0 : i32
    %get3A_3869 = arith.index_cast %get3A_3868 : i32 to index
    %get3A_3870 = arith.index_cast %add3A_3867 : i32 to index
    %get3A_3871 = tpu.vector_load %arg5[%get3A_3869, %get3A_3870] {strides = array<i32>} : memref<16x128xf32, #tpu.memory_space<vmem>>, vector<1x16xf32>,
    %get3A_3872 = vector.shape_cast %get3A_3871 : vector<1x16xf32> to vector<16xf32>
    %get3A_3873 = arith.constant 1 : i32
    %get3A_3874 = arith.index_cast %get3A_3873 : i32 to index
    %get3A_3875 = arith.index_cast %add3A_3867 : i32 to index
    %get3A_3876 = tpu.vector_load %arg5[%get3A_3874, %get3A_3875] {strides = array<i32>} : memref<16x128xf32, #tpu.memory_space<vmem>>, vector<1x16xf32>,
    %get3A_3877 = vector.shape_cast %get3A_3876 : vector<1x16xf32> to vector<16xf32>
    %get3A_3878 = arith.constant 2 : i32
    %get3A_3879 = arith.index_cast %get3A_3878 : i32 to index
    %get3A_3880 = arith.index_cast %add3A_3867 : i32 to index
    %get3A_3881 = tpu.vector_load %arg5[%get3A_3879, %get3A_3880] {strides = array<i32>} : memref<16x128xf32, #tpu.memory_space<vmem>>, vector<1x16xf32>,
    %get3A_3882 = vector.shape_cast %get3A_3881 : vector<1x16xf32> to vector<16xf32>
    %get3A_3883 = arith.constant 3 : i32
    %get3A_3884 = arith.index_cast %get3A_3883 : i32 to index
    %get3A_3885 = arith.index_cast %add3A_3867 : i32 to index
    %get3A_3886 = tpu.vector_load %arg5[%get3A_3884, %get3A_3885] {strides = array<i32>} : memref<16x128xf32, #tpu.memory_space<vmem>>, vector<1x16xf32>,
    %get3A_3887 = vector.shape_cast %get3A_3886 : vector<1x16xf32> to vector<16xf32>
    %get3A_3888 = arith.constant 4 : i32
    %get3A_3889 = arith.index_cast %get3A_3888 : i32 to index
    %get3A_3890 = arith.index_cast %add3A_3867 : i32 to index
    %get3A_3891 = tpu.vector_load %arg5[%get3A_3889, %get3A_3890] {strides = array<i32>} : memref<16x128xf32, #tpu.memory_space<vmem>>, vector<1x16xf32>,
    %get3A_3892 = vector.shape_cast %get3A_3891 : vector<1x16xf32> to vector<16xf32>
    %get3A_3893 = arith.constant 5 : i32
    %get3A_3894 = arith.index_cast %get3A_3893 : i32 to index
    %get3A_3895 = arith.index_cast %add3A_3867 : i32 to index
    %get3A_3896 = tpu.vector_load %arg5[%get3A_3894, %get3A_3895] {strides = array<i32>} : memref<16x128xf32, #tpu.memory_space<vmem>>, vector<1x16xf32>,
    %get3A_3897 = vector.shape_cast %get3A_3896 : vector<1x16xf32> to vector<16xf32>
    %get3A_3898 = arith.constant 6 : i32
    %get3A_3899 = arith.index_cast %get3A_3898 : i32 to index
    %get3A_3900 = arith.index_cast %add3A_3867 : i32 to index
    %get3A_3901 = tpu.vector_load %arg5[%get3A_3899, %get3A_3900] {strides = array<i32>} : memref<16x128xf32, #tpu.memory_space<vmem>>, vector<1x16xf32>,
    %get3A_3902 = vector.shape_cast %get3A_3901 : vector<1x16xf32> to vector<16xf32>
    %get3A_3903 = arith.constant 7 : i32
    %get3A_3904 = arith.index_cast %get3A_3903 : i32 to index
    %get3A_3905 = arith.index_cast %add3A_3867 : i32 to index
    %get3A_3906 = tpu.vector_load %arg5[%get3A_3904, %get3A_3905] {strides = array<i32>} : memref<16x128xf32, #tpu.memory_space<vmem>>, vector<1x16xf32>,
    %get3A_3907 = vector.shape_cast %get3A_3906 : vector<1x16xf32> to vector<16xf32>
    %get3A_3908 = arith.constant 8 : i32
    %get3A_3909 = arith.index_cast %get3A_3908 : i32 to index
    %get3A_3910 = arith.index_cast %add3A_3867 : i32 to index
    %get3A_3911 = tpu.vector_load %arg5[%get3A_3909, %get3A_3910] {strides = array<i32>} : memref<16x128xf32, #tpu.memory_space<vmem>>, vector<1x16xf32>,
    %get3A_3912 = vector.shape_cast %get3A_3911 : vector<1x16xf32> to vector<16xf32>
    %get3A_3913 = arith.constant 9 : i32
    %get3A_3914 = arith.index_cast %get3A_3913 : i32 to index
    %get3A_3915 = arith.index_cast %add3A_3867 : i32 to index
    %get3A_3916 = tpu.vector_load %arg5[%get3A_3914, %get3A_3915] {strides = array<i32>} : memref<16x128xf32, #tpu.memory_space<vmem>>, vector<1x16xf32>,
    %get3A_3917 = vector.shape_cast %get3A_3916 : vector<1x16xf32> to vector<16xf32>
    %get3A_3918 = arith.constant 10 : i32
    %get3A_3919 = arith.index_cast %get3A_3918 : i32 to index
    %get3A_3920 = arith.index_cast %add3A_3867 : i32 to index
    %get3A_3921 = tpu.vector_load %arg5[%get3A_3919, %get3A_3920] {strides = array<i32>} : memref<16x128xf32, #tpu.memory_space<vmem>>, vector<1x16xf32>,
    %get3A_3922 = vector.shape_cast %get3A_3921 : vector<1x16xf32> to vector<16xf32>
    %get3A_3923 = arith.constant 11 : i32
    %get3A_3924 = arith.index_cast %get3A_3923 : i32 to index
    %get3A_3925 = arith.index_cast %add3A_3867 : i32 to index
    %get3A_3926 = tpu.vector_load %arg5[%get3A_3924, %get3A_3925] {strides = array<i32>} : memref<16x128xf32, #tpu.memory_space<vmem>>, vector<1x16xf32>,
    %get3A_3927 = vector.shape_cast %get3A_3926 : vector<1x16xf32> to vector<16xf32>
    %get3A_3928 = arith.constant 12 : i32
    %get3A_3929 = arith.index_cast %get3A_3928 : i32 to index
    %get3A_3930 = arith.index_cast %add3A_3867 : i32 to index
    %get3A_3931 = tpu.vector_load %arg5[%get3A_3929, %get3A_3930] {strides = array<i32>} : memref<16x128xf32, #tpu.memory_space<vmem>>, vector<1x16xf32>,
    %get3A_3932 = vector.shape_cast %get3A_3931 : vector<1x16xf32> to vector<16xf32>
    %get3A_3933 = arith.constant 13 : i32
    %get3A_3934 = arith.index_cast %get3A_3933 : i32 to index
    %get3A_3935 = arith.index_cast %add3A_3867 : i32 to index
    %get3A_3936 = tpu.vector_load %arg5[%get3A_3934, %get3A_3935] {strides = array<i32>} : memref<16x128xf32, #tpu.memory_space<vmem>>, vector<1x16xf32>,
    %get3A_3937 = vector.shape_cast %get3A_3936 : vector<1x16xf32> to vector<16xf32>
    %get3A_3938 = arith.constant 14 : i32
    %get3A_3939 = arith.index_cast %get3A_3938 : i32 to index
    %get3A_3940 = arith.index_cast %add3A_3867 : i32 to index
    %get3A_3941 = tpu.vector_load %arg5[%get3A_3939, %get3A_3940] {strides = array<i32>} : memref<16x128xf32, #tpu.memory_space<vmem>>, vector<1x16xf32>,
    %get3A_3942 = vector.shape_cast %get3A_3941 : vector<1x16xf32> to vector<16xf32>
    %get3A_3943 = arith.constant 15 : i32
    %get3A_3944 = arith.index_cast %get3A_3943 : i32 to index
    %get3A_3945 = arith.index_cast %add3A_3867 : i32 to index
    %get3A_3946 = tpu.vector_load %arg5[%get3A_3944, %get3A_3945] {strides = array<i32>} : memref<16x128xf32, #tpu.memory_space<vmem>>, vector<1x16xf32>,
    %get3A_3947 = vector.shape_cast %get3A_3946 : vector<1x16xf32> to vector<16xf32>
    %add3A_3948 = arith.constant 3968 : i32
    %add3A_3949 = arith.addi %add3A_3948, %add3A_3867 : i32
    %add3A_3950 = vector.broadcast %add3A_3949 : i32 to vector<16xi32>
    %add3A_3951 = arith.addi %iota3A, %add3A_3950 : vector<16xi32>
    %mul3A_3952 = arith.mulf %gather3A_3547, %get3A_3872 : vector<16xf32>
    %mul3A_3953 = arith.mulf %gather3A_3557, %get3A_3877 : vector<16xf32>
    %add3A_3954 = arith.addf %mul3A_3952, %mul3A_3953 : vector<16xf32>
    %mul3A_3955 = arith.mulf %gather3A_3567, %get3A_3882 : vector<16xf32>
    %add3A_3956 = arith.addf %add3A_3954, %mul3A_3955 : vector<16xf32>
    %mul3A_3957 = arith.mulf %gather3A_3577, %get3A_3887 : vector<16xf32>
    %add3A_3958 = arith.addf %add3A_3956, %mul3A_3957 : vector<16xf32>
    %mul3A_3959 = arith.mulf %gather3A_3587, %get3A_3892 : vector<16xf32>
    %mul3A_3960 = arith.mulf %gather3A_3597, %get3A_3897 : vector<16xf32>
    %add3A_3961 = arith.addf %mul3A_3959, %mul3A_3960 : vector<16xf32>
    %mul3A_3962 = arith.mulf %gather3A_3607, %get3A_3902 : vector<16xf32>
    %add3A_3963 = arith.addf %add3A_3961, %mul3A_3962 : vector<16xf32>
    %mul3A_3964 = arith.mulf %gather3A_3617, %get3A_3907 : vector<16xf32>
    %add3A_3965 = arith.addf %add3A_3963, %mul3A_3964 : vector<16xf32>
    %mul3A_3966 = arith.mulf %gather3A_3627, %get3A_3912 : vector<16xf32>
    %mul3A_3967 = arith.mulf %gather3A_3637, %get3A_3917 : vector<16xf32>
    %add3A_3968 = arith.addf %mul3A_3966, %mul3A_3967 : vector<16xf32>
    %mul3A_3969 = arith.mulf %gather3A_3647, %get3A_3922 : vector<16xf32>
    %add3A_3970 = arith.addf %add3A_3968, %mul3A_3969 : vector<16xf32>
    %mul3A_3971 = arith.mulf %gather3A_3657, %get3A_3927 : vector<16xf32>
    %add3A_3972 = arith.addf %add3A_3970, %mul3A_3971 : vector<16xf32>
    %mul3A_3973 = arith.mulf %gather3A_3667, %get3A_3932 : vector<16xf32>
    %mul3A_3974 = arith.mulf %gather3A_3677, %get3A_3937 : vector<16xf32>
    %add3A_3975 = arith.addf %mul3A_3973, %mul3A_3974 : vector<16xf32>
    %mul3A_3976 = arith.mulf %gather3A_3687, %get3A_3942 : vector<16xf32>
    %add3A_3977 = arith.addf %add3A_3975, %mul3A_3976 : vector<16xf32>
    %mul3A_3978 = arith.mulf %gather3A_3697, %get3A_3947 : vector<16xf32>
    %add3A_3979 = arith.addf %add3A_3977, %mul3A_3978 : vector<16xf32>
    %add3A_3980 = arith.addf %add3A_3958, %add3A_3965 : vector<16xf32>
    %add3A_3981 = arith.addf %add3A_3972, %add3A_3979 : vector<16xf32>
    %add3A_3982 = arith.addf %add3A_3980, %add3A_3981 : vector<16xf32>
    %add3A_3983 = arith.addf %add3A_3982, %add3A_148 : vector<16xf32>
    %add3A_3984 = arith.constant 0 : i32
    %add3A_3985 = arith.addi %add3A_3529, %add3A_3984 : i32
    %broadcast_in_dim3A_3986 = vector.broadcast %add3A_3985 : i32 to vector<16xi32>
    %eq3A_3987 = arith.cmpi eq, %add3A_3951, %broadcast_in_dim3A_3986 : vector<16xi32>
    %select_n3A_3988 = arith.select %eq3A_3987, %broadcast_in_dim3A_488, %add3A_3983 : vector<16xi1>, vector<16xf32>
    %min3A_3989 = arith.minimumf %broadcast_in_dim3A_488, %select_n3A_3988 : vector<16xf32>
    %mul3A_3990 = arith.mulf %gather3A_3715, %get3A_3872 : vector<16xf32>
    %mul3A_3991 = arith.mulf %gather3A_3725, %get3A_3877 : vector<16xf32>
    %add3A_3992 = arith.addf %mul3A_3990, %mul3A_3991 : vector<16xf32>
    %mul3A_3993 = arith.mulf %gather3A_3735, %get3A_3882 : vector<16xf32>
    %add3A_3994 = arith.addf %add3A_3992, %mul3A_3993 : vector<16xf32>
    %mul3A_3995 = arith.mulf %gather3A_3745, %get3A_3887 : vector<16xf32>
    %add3A_3996 = arith.addf %add3A_3994, %mul3A_3995 : vector<16xf32>
    %mul3A_3997 = arith.mulf %gather3A_3755, %get3A_3892 : vector<16xf32>
    %mul3A_3998 = arith.mulf %gather3A_3765, %get3A_3897 : vector<16xf32>
    %add3A_3999 = arith.addf %mul3A_3997, %mul3A_3998 : vector<16xf32>
    %mul3A_4000 = arith.mulf %gather3A_3775, %get3A_3902 : vector<16xf32>
    %add3A_4001 = arith.addf %add3A_3999, %mul3A_4000 : vector<16xf32>
    %mul3A_4002 = arith.mulf %gather3A_3785, %get3A_3907 : vector<16xf32>
    %add3A_4003 = arith.addf %add3A_4001, %mul3A_4002 : vector<16xf32>
    %mul3A_4004 = arith.mulf %gather3A_3795, %get3A_3912 : vector<16xf32>
    %mul3A_4005 = arith.mulf %gather3A_3805, %get3A_3917 : vector<16xf32>
    %add3A_4006 = arith.addf %mul3A_4004, %mul3A_4005 : vector<16xf32>
    %mul3A_4007 = arith.mulf %gather3A_3815, %get3A_3922 : vector<16xf32>
    %add3A_4008 = arith.addf %add3A_4006, %mul3A_4007 : vector<16xf32>
    %mul3A_4009 = arith.mulf %gather3A_3825, %get3A_3927 : vector<16xf32>
    %add3A_4010 = arith.addf %add3A_4008, %mul3A_4009 : vector<16xf32>
    %mul3A_4011 = arith.mulf %gather3A_3835, %get3A_3932 : vector<16xf32>
    %mul3A_4012 = arith.mulf %gather3A_3845, %get3A_3937 : vector<16xf32>
    %add3A_4013 = arith.addf %mul3A_4011, %mul3A_4012 : vector<16xf32>
    %mul3A_4014 = arith.mulf %gather3A_3855, %get3A_3942 : vector<16xf32>
    %add3A_4015 = arith.addf %add3A_4013, %mul3A_4014 : vector<16xf32>
    %mul3A_4016 = arith.mulf %gather3A_3865, %get3A_3947 : vector<16xf32>
    %add3A_4017 = arith.addf %add3A_4015, %mul3A_4016 : vector<16xf32>
    %add3A_4018 = arith.addf %add3A_3996, %add3A_4003 : vector<16xf32>
    %add3A_4019 = arith.addf %add3A_4010, %add3A_4017 : vector<16xf32>
    %add3A_4020 = arith.addf %add3A_4018, %add3A_4019 : vector<16xf32>
    %add3A_4021 = arith.addf %add3A_4020, %add3A_148 : vector<16xf32>
    %add3A_4022 = arith.constant 1 : i32
    %add3A_4023 = arith.addi %add3A_3529, %add3A_4022 : i32
    %broadcast_in_dim3A_4024 = vector.broadcast %add3A_4023 : i32 to vector<16xi32>
    %eq3A_4025 = arith.cmpi eq, %add3A_3951, %broadcast_in_dim3A_4024 : vector<16xi32>
    %select_n3A_4026 = arith.select %eq3A_4025, %broadcast_in_dim3A_488, %add3A_4021 : vector<16xi1>, vector<16xf32>
    %min3A_4027 = arith.minimumf %broadcast_in_dim3A_488, %select_n3A_4026 : vector<16xf32>
    %add3A_4028 = arith.constant 16 : i32
    %add3A_4029 = arith.addi %mul3A_36, %add3A_4028 : i32
    %get3A_4030 = arith.constant 0 : i32
    %get3A_4031 = arith.index_cast %get3A_4030 : i32 to index
    %get3A_4032 = arith.index_cast %add3A_4029 : i32 to index
    %get3A_4033 = tpu.vector_load %arg5[%get3A_4031, %get3A_4032] {strides = array<i32>} : memref<16x128xf32, #tpu.memory_space<vmem>>, vector<1x16xf32>,
    %get3A_4034 = vector.shape_cast %get3A_4033 : vector<1x16xf32> to vector<16xf32>
    %get3A_4035 = arith.constant 1 : i32
    %get3A_4036 = arith.index_cast %get3A_4035 : i32 to index
    %get3A_4037 = arith.index_cast %add3A_4029 : i32 to index
    %get3A_4038 = tpu.vector_load %arg5[%get3A_4036, %get3A_4037] {strides = array<i32>} : memref<16x128xf32, #tpu.memory_space<vmem>>, vector<1x16xf32>,
    %get3A_4039 = vector.shape_cast %get3A_4038 : vector<1x16xf32> to vector<16xf32>
    %get3A_4040 = arith.constant 2 : i32
    %get3A_4041 = arith.index_cast %get3A_4040 : i32 to index
    %get3A_4042 = arith.index_cast %add3A_4029 : i32 to index
    %get3A_4043 = tpu.vector_load %arg5[%get3A_4041, %get3A_4042] {strides = array<i32>} : memref<16x128xf32, #tpu.memory_space<vmem>>, vector<1x16xf32>,
    %get3A_4044 = vector.shape_cast %get3A_4043 : vector<1x16xf32> to vector<16xf32>
    %get3A_4045 = arith.constant 3 : i32
    %get3A_4046 = arith.index_cast %get3A_4045 : i32 to index
    %get3A_4047 = arith.index_cast %add3A_4029 : i32 to index
    %get3A_4048 = tpu.vector_load %arg5[%get3A_4046, %get3A_4047] {strides = array<i32>} : memref<16x128xf32, #tpu.memory_space<vmem>>, vector<1x16xf32>,
    %get3A_4049 = vector.shape_cast %get3A_4048 : vector<1x16xf32> to vector<16xf32>
    %get3A_4050 = arith.constant 4 : i32
    %get3A_4051 = arith.index_cast %get3A_4050 : i32 to index
    %get3A_4052 = arith.index_cast %add3A_4029 : i32 to index
    %get3A_4053 = tpu.vector_load %arg5[%get3A_4051, %get3A_4052] {strides = array<i32>} : memref<16x128xf32, #tpu.memory_space<vmem>>, vector<1x16xf32>,
    %get3A_4054 = vector.shape_cast %get3A_4053 : vector<1x16xf32> to vector<16xf32>
    %get3A_4055 = arith.constant 5 : i32
    %get3A_4056 = arith.index_cast %get3A_4055 : i32 to index
    %get3A_4057 = arith.index_cast %add3A_4029 : i32 to index
    %get3A_4058 = tpu.vector_load %arg5[%get3A_4056, %get3A_4057] {strides = array<i32>} : memref<16x128xf32, #tpu.memory_space<vmem>>, vector<1x16xf32>,
    %get3A_4059 = vector.shape_cast %get3A_4058 : vector<1x16xf32> to vector<16xf32>
    %get3A_4060 = arith.constant 6 : i32
    %get3A_4061 = arith.index_cast %get3A_4060 : i32 to index
    %get3A_4062 = arith.index_cast %add3A_4029 : i32 to index
    %get3A_4063 = tpu.vector_load %arg5[%get3A_4061, %get3A_4062] {strides = array<i32>} : memref<16x128xf32, #tpu.memory_space<vmem>>, vector<1x16xf32>,
    %get3A_4064 = vector.shape_cast %get3A_4063 : vector<1x16xf32> to vector<16xf32>
    %get3A_4065 = arith.constant 7 : i32
    %get3A_4066 = arith.index_cast %get3A_4065 : i32 to index
    %get3A_4067 = arith.index_cast %add3A_4029 : i32 to index
    %get3A_4068 = tpu.vector_load %arg5[%get3A_4066, %get3A_4067] {strides = array<i32>} : memref<16x128xf32, #tpu.memory_space<vmem>>, vector<1x16xf32>,
    %get3A_4069 = vector.shape_cast %get3A_4068 : vector<1x16xf32> to vector<16xf32>
    %get3A_4070 = arith.constant 8 : i32
    %get3A_4071 = arith.index_cast %get3A_4070 : i32 to index
    %get3A_4072 = arith.index_cast %add3A_4029 : i32 to index
    %get3A_4073 = tpu.vector_load %arg5[%get3A_4071, %get3A_4072] {strides = array<i32>} : memref<16x128xf32, #tpu.memory_space<vmem>>, vector<1x16xf32>,
    %get3A_4074 = vector.shape_cast %get3A_4073 : vector<1x16xf32> to vector<16xf32>
    %get3A_4075 = arith.constant 9 : i32
    %get3A_4076 = arith.index_cast %get3A_4075 : i32 to index
    %get3A_4077 = arith.index_cast %add3A_4029 : i32 to index
    %get3A_4078 = tpu.vector_load %arg5[%get3A_4076, %get3A_4077] {strides = array<i32>} : memref<16x128xf32, #tpu.memory_space<vmem>>, vector<1x16xf32>,
    %get3A_4079 = vector.shape_cast %get3A_4078 : vector<1x16xf32> to vector<16xf32>
    %get3A_4080 = arith.constant 10 : i32
    %get3A_4081 = arith.index_cast %get3A_4080 : i32 to index
    %get3A_4082 = arith.index_cast %add3A_4029 : i32 to index
    %get3A_4083 = tpu.vector_load %arg5[%get3A_4081, %get3A_4082] {strides = array<i32>} : memref<16x128xf32, #tpu.memory_space<vmem>>, vector<1x16xf32>,
    %get3A_4084 = vector.shape_cast %get3A_4083 : vector<1x16xf32> to vector<16xf32>
    %get3A_4085 = arith.constant 11 : i32
    %get3A_4086 = arith.index_cast %get3A_4085 : i32 to index
    %get3A_4087 = arith.index_cast %add3A_4029 : i32 to index
    %get3A_4088 = tpu.vector_load %arg5[%get3A_4086, %get3A_4087] {strides = array<i32>} : memref<16x128xf32, #tpu.memory_space<vmem>>, vector<1x16xf32>,
    %get3A_4089 = vector.shape_cast %get3A_4088 : vector<1x16xf32> to vector<16xf32>
    %get3A_4090 = arith.constant 12 : i32
    %get3A_4091 = arith.index_cast %get3A_4090 : i32 to index
    %get3A_4092 = arith.index_cast %add3A_4029 : i32 to index
    %get3A_4093 = tpu.vector_load %arg5[%get3A_4091, %get3A_4092] {strides = array<i32>} : memref<16x128xf32, #tpu.memory_space<vmem>>, vector<1x16xf32>,
    %get3A_4094 = vector.shape_cast %get3A_4093 : vector<1x16xf32> to vector<16xf32>
    %get3A_4095 = arith.constant 13 : i32
    %get3A_4096 = arith.index_cast %get3A_4095 : i32 to index
    %get3A_4097 = arith.index_cast %add3A_4029 : i32 to index
    %get3A_4098 = tpu.vector_load %arg5[%get3A_4096, %get3A_4097] {strides = array<i32>} : memref<16x128xf32, #tpu.memory_space<vmem>>, vector<1x16xf32>,
    %get3A_4099 = vector.shape_cast %get3A_4098 : vector<1x16xf32> to vector<16xf32>
    %get3A_4100 = arith.constant 14 : i32
    %get3A_4101 = arith.index_cast %get3A_4100 : i32 to index
    %get3A_4102 = arith.index_cast %add3A_4029 : i32 to index
    %get3A_4103 = tpu.vector_load %arg5[%get3A_4101, %get3A_4102] {strides = array<i32>} : memref<16x128xf32, #tpu.memory_space<vmem>>, vector<1x16xf32>,
    %get3A_4104 = vector.shape_cast %get3A_4103 : vector<1x16xf32> to vector<16xf32>
    %get3A_4105 = arith.constant 15 : i32
    %get3A_4106 = arith.index_cast %get3A_4105 : i32 to index
    %get3A_4107 = arith.index_cast %add3A_4029 : i32 to index
    %get3A_4108 = tpu.vector_load %arg5[%get3A_4106, %get3A_4107] {strides = array<i32>} : memref<16x128xf32, #tpu.memory_space<vmem>>, vector<1x16xf32>,
    %get3A_4109 = vector.shape_cast %get3A_4108 : vector<1x16xf32> to vector<16xf32>
    %add3A_4110 = arith.constant 3968 : i32
    %add3A_4111 = arith.addi %add3A_4110, %add3A_4029 : i32
    %add3A_4112 = vector.broadcast %add3A_4111 : i32 to vector<16xi32>
    %add3A_4113 = arith.addi %iota3A, %add3A_4112 : vector<16xi32>
    %mul3A_4114 = arith.mulf %gather3A_3547, %get3A_4034 : vector<16xf32>
    %mul3A_4115 = arith.mulf %gather3A_3557, %get3A_4039 : vector<16xf32>
    %add3A_4116 = arith.addf %mul3A_4114, %mul3A_4115 : vector<16xf32>
    %mul3A_4117 = arith.mulf %gather3A_3567, %get3A_4044 : vector<16xf32>
    %add3A_4118 = arith.addf %add3A_4116, %mul3A_4117 : vector<16xf32>
    %mul3A_4119 = arith.mulf %gather3A_3577, %get3A_4049 : vector<16xf32>
    %add3A_4120 = arith.addf %add3A_4118, %mul3A_4119 : vector<16xf32>
    %mul3A_4121 = arith.mulf %gather3A_3587, %get3A_4054 : vector<16xf32>
    %mul3A_4122 = arith.mulf %gather3A_3597, %get3A_4059 : vector<16xf32>
    %add3A_4123 = arith.addf %mul3A_4121, %mul3A_4122 : vector<16xf32>
    %mul3A_4124 = arith.mulf %gather3A_3607, %get3A_4064 : vector<16xf32>
    %add3A_4125 = arith.addf %add3A_4123, %mul3A_4124 : vector<16xf32>
    %mul3A_4126 = arith.mulf %gather3A_3617, %get3A_4069 : vector<16xf32>
    %add3A_4127 = arith.addf %add3A_4125, %mul3A_4126 : vector<16xf32>
    %mul3A_4128 = arith.mulf %gather3A_3627, %get3A_4074 : vector<16xf32>
    %mul3A_4129 = arith.mulf %gather3A_3637, %get3A_4079 : vector<16xf32>
    %add3A_4130 = arith.addf %mul3A_4128, %mul3A_4129 : vector<16xf32>
    %mul3A_4131 = arith.mulf %gather3A_3647, %get3A_4084 : vector<16xf32>
    %add3A_4132 = arith.addf %add3A_4130, %mul3A_4131 : vector<16xf32>
    %mul3A_4133 = arith.mulf %gather3A_3657, %get3A_4089 : vector<16xf32>
    %add3A_4134 = arith.addf %add3A_4132, %mul3A_4133 : vector<16xf32>
    %mul3A_4135 = arith.mulf %gather3A_3667, %get3A_4094 : vector<16xf32>
    %mul3A_4136 = arith.mulf %gather3A_3677, %get3A_4099 : vector<16xf32>
    %add3A_4137 = arith.addf %mul3A_4135, %mul3A_4136 : vector<16xf32>
    %mul3A_4138 = arith.mulf %gather3A_3687, %get3A_4104 : vector<16xf32>
    %add3A_4139 = arith.addf %add3A_4137, %mul3A_4138 : vector<16xf32>
    %mul3A_4140 = arith.mulf %gather3A_3697, %get3A_4109 : vector<16xf32>
    %add3A_4141 = arith.addf %add3A_4139, %mul3A_4140 : vector<16xf32>
    %add3A_4142 = arith.addf %add3A_4120, %add3A_4127 : vector<16xf32>
    %add3A_4143 = arith.addf %add3A_4134, %add3A_4141 : vector<16xf32>
    %add3A_4144 = arith.addf %add3A_4142, %add3A_4143 : vector<16xf32>
    %add3A_4145 = arith.addf %add3A_4144, %add3A_261 : vector<16xf32>
    %add3A_4146 = arith.constant 0 : i32
    %add3A_4147 = arith.addi %add3A_3529, %add3A_4146 : i32
    %broadcast_in_dim3A_4148 = vector.broadcast %add3A_4147 : i32 to vector<16xi32>
    %eq3A_4149 = arith.cmpi eq, %add3A_4113, %broadcast_in_dim3A_4148 : vector<16xi32>
    %select_n3A_4150 = arith.select %eq3A_4149, %broadcast_in_dim3A_488, %add3A_4145 : vector<16xi1>, vector<16xf32>
    %min3A_4151 = arith.minimumf %min3A_3989, %select_n3A_4150 : vector<16xf32>
    %mul3A_4152 = arith.mulf %gather3A_3715, %get3A_4034 : vector<16xf32>
    %mul3A_4153 = arith.mulf %gather3A_3725, %get3A_4039 : vector<16xf32>
    %add3A_4154 = arith.addf %mul3A_4152, %mul3A_4153 : vector<16xf32>
    %mul3A_4155 = arith.mulf %gather3A_3735, %get3A_4044 : vector<16xf32>
    %add3A_4156 = arith.addf %add3A_4154, %mul3A_4155 : vector<16xf32>
    %mul3A_4157 = arith.mulf %gather3A_3745, %get3A_4049 : vector<16xf32>
    %add3A_4158 = arith.addf %add3A_4156, %mul3A_4157 : vector<16xf32>
    %mul3A_4159 = arith.mulf %gather3A_3755, %get3A_4054 : vector<16xf32>
    %mul3A_4160 = arith.mulf %gather3A_3765, %get3A_4059 : vector<16xf32>
    %add3A_4161 = arith.addf %mul3A_4159, %mul3A_4160 : vector<16xf32>
    %mul3A_4162 = arith.mulf %gather3A_3775, %get3A_4064 : vector<16xf32>
    %add3A_4163 = arith.addf %add3A_4161, %mul3A_4162 : vector<16xf32>
    %mul3A_4164 = arith.mulf %gather3A_3785, %get3A_4069 : vector<16xf32>
    %add3A_4165 = arith.addf %add3A_4163, %mul3A_4164 : vector<16xf32>
    %mul3A_4166 = arith.mulf %gather3A_3795, %get3A_4074 : vector<16xf32>
    %mul3A_4167 = arith.mulf %gather3A_3805, %get3A_4079 : vector<16xf32>
    %add3A_4168 = arith.addf %mul3A_4166, %mul3A_4167 : vector<16xf32>
    %mul3A_4169 = arith.mulf %gather3A_3815, %get3A_4084 : vector<16xf32>
    %add3A_4170 = arith.addf %add3A_4168, %mul3A_4169 : vector<16xf32>
    %mul3A_4171 = arith.mulf %gather3A_3825, %get3A_4089 : vector<16xf32>
    %add3A_4172 = arith.addf %add3A_4170, %mul3A_4171 : vector<16xf32>
    %mul3A_4173 = arith.mulf %gather3A_3835, %get3A_4094 : vector<16xf32>
    %mul3A_4174 = arith.mulf %gather3A_3845, %get3A_4099 : vector<16xf32>
    %add3A_4175 = arith.addf %mul3A_4173, %mul3A_4174 : vector<16xf32>
    %mul3A_4176 = arith.mulf %gather3A_3855, %get3A_4104 : vector<16xf32>
    %add3A_4177 = arith.addf %add3A_4175, %mul3A_4176 : vector<16xf32>
    %mul3A_4178 = arith.mulf %gather3A_3865, %get3A_4109 : vector<16xf32>
    %add3A_4179 = arith.addf %add3A_4177, %mul3A_4178 : vector<16xf32>
    %add3A_4180 = arith.addf %add3A_4158, %add3A_4165 : vector<16xf32>
    %add3A_4181 = arith.addf %add3A_4172, %add3A_4179 : vector<16xf32>
    %add3A_4182 = arith.addf %add3A_4180, %add3A_4181 : vector<16xf32>
    %add3A_4183 = arith.addf %add3A_4182, %add3A_261 : vector<16xf32>
    %add3A_4184 = arith.constant 1 : i32
    %add3A_4185 = arith.addi %add3A_3529, %add3A_4184 : i32
    %broadcast_in_dim3A_4186 = vector.broadcast %add3A_4185 : i32 to vector<16xi32>
    %eq3A_4187 = arith.cmpi eq, %add3A_4113, %broadcast_in_dim3A_4186 : vector<16xi32>
    %select_n3A_4188 = arith.select %eq3A_4187, %broadcast_in_dim3A_488, %add3A_4183 : vector<16xi1>, vector<16xf32>
    %min3A_4189 = arith.minimumf %min3A_4027, %select_n3A_4188 : vector<16xf32>
    %add3A_4190 = arith.constant 32 : i32
    %add3A_4191 = arith.addi %mul3A_36, %add3A_4190 : i32
    %get3A_4192 = arith.constant 0 : i32
    %get3A_4193 = arith.index_cast %get3A_4192 : i32 to index
    %get3A_4194 = arith.index_cast %add3A_4191 : i32 to index
    %get3A_4195 = tpu.vector_load %arg5[%get3A_4193, %get3A_4194] {strides = array<i32>} : memref<16x128xf32, #tpu.memory_space<vmem>>, vector<1x16xf32>,
    %get3A_4196 = vector.shape_cast %get3A_4195 : vector<1x16xf32> to vector<16xf32>
    %get3A_4197 = arith.constant 1 : i32
    %get3A_4198 = arith.index_cast %get3A_4197 : i32 to index
    %get3A_4199 = arith.index_cast %add3A_4191 : i32 to index
    %get3A_4200 = tpu.vector_load %arg5[%get3A_4198, %get3A_4199] {strides = array<i32>} : memref<16x128xf32, #tpu.memory_space<vmem>>, vector<1x16xf32>,
    %get3A_4201 = vector.shape_cast %get3A_4200 : vector<1x16xf32> to vector<16xf32>
    %get3A_4202 = arith.constant 2 : i32
    %get3A_4203 = arith.index_cast %get3A_4202 : i32 to index
    %get3A_4204 = arith.index_cast %add3A_4191 : i32 to index
    %get3A_4205 = tpu.vector_load %arg5[%get3A_4203, %get3A_4204] {strides = array<i32>} : memref<16x128xf32, #tpu.memory_space<vmem>>, vector<1x16xf32>,
    %get3A_4206 = vector.shape_cast %get3A_4205 : vector<1x16xf32> to vector<16xf32>
    %get3A_4207 = arith.constant 3 : i32
    %get3A_4208 = arith.index_cast %get3A_4207 : i32 to index
    %get3A_4209 = arith.index_cast %add3A_4191 : i32 to index
    %get3A_4210 = tpu.vector_load %arg5[%get3A_4208, %get3A_4209] {strides = array<i32>} : memref<16x128xf32, #tpu.memory_space<vmem>>, vector<1x16xf32>,
    %get3A_4211 = vector.shape_cast %get3A_4210 : vector<1x16xf32> to vector<16xf32>
    %get3A_4212 = arith.constant 4 : i32
    %get3A_4213 = arith.index_cast %get3A_4212 : i32 to index
    %get3A_4214 = arith.index_cast %add3A_4191 : i32 to index
    %get3A_4215 = tpu.vector_load %arg5[%get3A_4213, %get3A_4214] {strides = array<i32>} : memref<16x128xf32, #tpu.memory_space<vmem>>, vector<1x16xf32>,
    %get3A_4216 = vector.shape_cast %get3A_4215 : vector<1x16xf32> to vector<16xf32>
    %get3A_4217 = arith.constant 5 : i32
    %get3A_4218 = arith.index_cast %get3A_4217 : i32 to index
    %get3A_4219 = arith.index_cast %add3A_4191 : i32 to index
    %get3A_4220 = tpu.vector_load %arg5[%get3A_4218, %get3A_4219] {strides = array<i32>} : memref<16x128xf32, #tpu.memory_space<vmem>>, vector<1x16xf32>,
    %get3A_4221 = vector.shape_cast %get3A_4220 : vector<1x16xf32> to vector<16xf32>
    %get3A_4222 = arith.constant 6 : i32
    %get3A_4223 = arith.index_cast %get3A_4222 : i32 to index
    %get3A_4224 = arith.index_cast %add3A_4191 : i32 to index
    %get3A_4225 = tpu.vector_load %arg5[%get3A_4223, %get3A_4224] {strides = array<i32>} : memref<16x128xf32, #tpu.memory_space<vmem>>, vector<1x16xf32>,
    %get3A_4226 = vector.shape_cast %get3A_4225 : vector<1x16xf32> to vector<16xf32>
    %get3A_4227 = arith.constant 7 : i32
    %get3A_4228 = arith.index_cast %get3A_4227 : i32 to index
    %get3A_4229 = arith.index_cast %add3A_4191 : i32 to index
    %get3A_4230 = tpu.vector_load %arg5[%get3A_4228, %get3A_4229] {strides = array<i32>} : memref<16x128xf32, #tpu.memory_space<vmem>>, vector<1x16xf32>,
    %get3A_4231 = vector.shape_cast %get3A_4230 : vector<1x16xf32> to vector<16xf32>
    %get3A_4232 = arith.constant 8 : i32
    %get3A_4233 = arith.index_cast %get3A_4232 : i32 to index
    %get3A_4234 = arith.index_cast %add3A_4191 : i32 to index
    %get3A_4235 = tpu.vector_load %arg5[%get3A_4233, %get3A_4234] {strides = array<i32>} : memref<16x128xf32, #tpu.memory_space<vmem>>, vector<1x16xf32>,
    %get3A_4236 = vector.shape_cast %get3A_4235 : vector<1x16xf32> to vector<16xf32>
    %get3A_4237 = arith.constant 9 : i32
    %get3A_4238 = arith.index_cast %get3A_4237 : i32 to index
    %get3A_4239 = arith.index_cast %add3A_4191 : i32 to index
    %get3A_4240 = tpu.vector_load %arg5[%get3A_4238, %get3A_4239] {strides = array<i32>} : memref<16x128xf32, #tpu.memory_space<vmem>>, vector<1x16xf32>,
    %get3A_4241 = vector.shape_cast %get3A_4240 : vector<1x16xf32> to vector<16xf32>
    %get3A_4242 = arith.constant 10 : i32
    %get3A_4243 = arith.index_cast %get3A_4242 : i32 to index
    %get3A_4244 = arith.index_cast %add3A_4191 : i32 to index
    %get3A_4245 = tpu.vector_load %arg5[%get3A_4243, %get3A_4244] {strides = array<i32>} : memref<16x128xf32, #tpu.memory_space<vmem>>, vector<1x16xf32>,
    %get3A_4246 = vector.shape_cast %get3A_4245 : vector<1x16xf32> to vector<16xf32>
    %get3A_4247 = arith.constant 11 : i32
    %get3A_4248 = arith.index_cast %get3A_4247 : i32 to index
    %get3A_4249 = arith.index_cast %add3A_4191 : i32 to index
    %get3A_4250 = tpu.vector_load %arg5[%get3A_4248, %get3A_4249] {strides = array<i32>} : memref<16x128xf32, #tpu.memory_space<vmem>>, vector<1x16xf32>,
    %get3A_4251 = vector.shape_cast %get3A_4250 : vector<1x16xf32> to vector<16xf32>
    %get3A_4252 = arith.constant 12 : i32
    %get3A_4253 = arith.index_cast %get3A_4252 : i32 to index
    %get3A_4254 = arith.index_cast %add3A_4191 : i32 to index
    %get3A_4255 = tpu.vector_load %arg5[%get3A_4253, %get3A_4254] {strides = array<i32>} : memref<16x128xf32, #tpu.memory_space<vmem>>, vector<1x16xf32>,
    %get3A_4256 = vector.shape_cast %get3A_4255 : vector<1x16xf32> to vector<16xf32>
    %get3A_4257 = arith.constant 13 : i32
    %get3A_4258 = arith.index_cast %get3A_4257 : i32 to index
    %get3A_4259 = arith.index_cast %add3A_4191 : i32 to index
    %get3A_4260 = tpu.vector_load %arg5[%get3A_4258, %get3A_4259] {strides = array<i32>} : memref<16x128xf32, #tpu.memory_space<vmem>>, vector<1x16xf32>,
    %get3A_4261 = vector.shape_cast %get3A_4260 : vector<1x16xf32> to vector<16xf32>
    %get3A_4262 = arith.constant 14 : i32
    %get3A_4263 = arith.index_cast %get3A_4262 : i32 to index
    %get3A_4264 = arith.index_cast %add3A_4191 : i32 to index
    %get3A_4265 = tpu.vector_load %arg5[%get3A_4263, %get3A_4264] {strides = array<i32>} : memref<16x128xf32, #tpu.memory_space<vmem>>, vector<1x16xf32>,
    %get3A_4266 = vector.shape_cast %get3A_4265 : vector<1x16xf32> to vector<16xf32>
    %get3A_4267 = arith.constant 15 : i32
    %get3A_4268 = arith.index_cast %get3A_4267 : i32 to index
    %get3A_4269 = arith.index_cast %add3A_4191 : i32 to index
    %get3A_4270 = tpu.vector_load %arg5[%get3A_4268, %get3A_4269] {strides = array<i32>} : memref<16x128xf32, #tpu.memory_space<vmem>>, vector<1x16xf32>,
    %get3A_4271 = vector.shape_cast %get3A_4270 : vector<1x16xf32> to vector<16xf32>
    %add3A_4272 = arith.constant 3968 : i32
    %add3A_4273 = arith.addi %add3A_4272, %add3A_4191 : i32
    %add3A_4274 = vector.broadcast %add3A_4273 : i32 to vector<16xi32>
    %add3A_4275 = arith.addi %iota3A, %add3A_4274 : vector<16xi32>
    %mul3A_4276 = arith.mulf %gather3A_3547, %get3A_4196 : vector<16xf32>
    %mul3A_4277 = arith.mulf %gather3A_3557, %get3A_4201 : vector<16xf32>
    %add3A_4278 = arith.addf %mul3A_4276, %mul3A_4277 : vector<16xf32>
    %mul3A_4279 = arith.mulf %gather3A_3567, %get3A_4206 : vector<16xf32>
    %add3A_4280 = arith.addf %add3A_4278, %mul3A_4279 : vector<16xf32>
    %mul3A_4281 = arith.mulf %gather3A_3577, %get3A_4211 : vector<16xf32>
    %add3A_4282 = arith.addf %add3A_4280, %mul3A_4281 : vector<16xf32>
    %mul3A_4283 = arith.mulf %gather3A_3587, %get3A_4216 : vector<16xf32>
    %mul3A_4284 = arith.mulf %gather3A_3597, %get3A_4221 : vector<16xf32>
    %add3A_4285 = arith.addf %mul3A_4283, %mul3A_4284 : vector<16xf32>
    %mul3A_4286 = arith.mulf %gather3A_3607, %get3A_4226 : vector<16xf32>
    %add3A_4287 = arith.addf %add3A_4285, %mul3A_4286 : vector<16xf32>
    %mul3A_4288 = arith.mulf %gather3A_3617, %get3A_4231 : vector<16xf32>
    %add3A_4289 = arith.addf %add3A_4287, %mul3A_4288 : vector<16xf32>
    %mul3A_4290 = arith.mulf %gather3A_3627, %get3A_4236 : vector<16xf32>
    %mul3A_4291 = arith.mulf %gather3A_3637, %get3A_4241 : vector<16xf32>
    %add3A_4292 = arith.addf %mul3A_4290, %mul3A_4291 : vector<16xf32>
    %mul3A_4293 = arith.mulf %gather3A_3647, %get3A_4246 : vector<16xf32>
    %add3A_4294 = arith.addf %add3A_4292, %mul3A_4293 : vector<16xf32>
    %mul3A_4295 = arith.mulf %gather3A_3657, %get3A_4251 : vector<16xf32>
    %add3A_4296 = arith.addf %add3A_4294, %mul3A_4295 : vector<16xf32>
    %mul3A_4297 = arith.mulf %gather3A_3667, %get3A_4256 : vector<16xf32>
    %mul3A_4298 = arith.mulf %gather3A_3677, %get3A_4261 : vector<16xf32>
    %add3A_4299 = arith.addf %mul3A_4297, %mul3A_4298 : vector<16xf32>
    %mul3A_4300 = arith.mulf %gather3A_3687, %get3A_4266 : vector<16xf32>
    %add3A_4301 = arith.addf %add3A_4299, %mul3A_4300 : vector<16xf32>
    %mul3A_4302 = arith.mulf %gather3A_3697, %get3A_4271 : vector<16xf32>
    %add3A_4303 = arith.addf %add3A_4301, %mul3A_4302 : vector<16xf32>
    %add3A_4304 = arith.addf %add3A_4282, %add3A_4289 : vector<16xf32>
    %add3A_4305 = arith.addf %add3A_4296, %add3A_4303 : vector<16xf32>
    %add3A_4306 = arith.addf %add3A_4304, %add3A_4305 : vector<16xf32>
    %add3A_4307 = arith.addf %add3A_4306, %add3A_374 : vector<16xf32>
    %add3A_4308 = arith.constant 0 : i32
    %add3A_4309 = arith.addi %add3A_3529, %add3A_4308 : i32
    %broadcast_in_dim3A_4310 = vector.broadcast %add3A_4309 : i32 to vector<16xi32>
    %eq3A_4311 = arith.cmpi eq, %add3A_4275, %broadcast_in_dim3A_4310 : vector<16xi32>
    %select_n3A_4312 = arith.select %eq3A_4311, %broadcast_in_dim3A_488, %add3A_4307 : vector<16xi1>, vector<16xf32>
    %min3A_4313 = arith.minimumf %min3A_4151, %select_n3A_4312 : vector<16xf32>
    %mul3A_4314 = arith.mulf %gather3A_3715, %get3A_4196 : vector<16xf32>
    %mul3A_4315 = arith.mulf %gather3A_3725, %get3A_4201 : vector<16xf32>
    %add3A_4316 = arith.addf %mul3A_4314, %mul3A_4315 : vector<16xf32>
    %mul3A_4317 = arith.mulf %gather3A_3735, %get3A_4206 : vector<16xf32>
    %add3A_4318 = arith.addf %add3A_4316, %mul3A_4317 : vector<16xf32>
    %mul3A_4319 = arith.mulf %gather3A_3745, %get3A_4211 : vector<16xf32>
    %add3A_4320 = arith.addf %add3A_4318, %mul3A_4319 : vector<16xf32>
    %mul3A_4321 = arith.mulf %gather3A_3755, %get3A_4216 : vector<16xf32>
    %mul3A_4322 = arith.mulf %gather3A_3765, %get3A_4221 : vector<16xf32>
    %add3A_4323 = arith.addf %mul3A_4321, %mul3A_4322 : vector<16xf32>
    %mul3A_4324 = arith.mulf %gather3A_3775, %get3A_4226 : vector<16xf32>
    %add3A_4325 = arith.addf %add3A_4323, %mul3A_4324 : vector<16xf32>
    %mul3A_4326 = arith.mulf %gather3A_3785, %get3A_4231 : vector<16xf32>
    %add3A_4327 = arith.addf %add3A_4325, %mul3A_4326 : vector<16xf32>
    %mul3A_4328 = arith.mulf %gather3A_3795, %get3A_4236 : vector<16xf32>
    %mul3A_4329 = arith.mulf %gather3A_3805, %get3A_4241 : vector<16xf32>
    %add3A_4330 = arith.addf %mul3A_4328, %mul3A_4329 : vector<16xf32>
    %mul3A_4331 = arith.mulf %gather3A_3815, %get3A_4246 : vector<16xf32>
    %add3A_4332 = arith.addf %add3A_4330, %mul3A_4331 : vector<16xf32>
    %mul3A_4333 = arith.mulf %gather3A_3825, %get3A_4251 : vector<16xf32>
    %add3A_4334 = arith.addf %add3A_4332, %mul3A_4333 : vector<16xf32>
    %mul3A_4335 = arith.mulf %gather3A_3835, %get3A_4256 : vector<16xf32>
    %mul3A_4336 = arith.mulf %gather3A_3845, %get3A_4261 : vector<16xf32>
    %add3A_4337 = arith.addf %mul3A_4335, %mul3A_4336 : vector<16xf32>
    %mul3A_4338 = arith.mulf %gather3A_3855, %get3A_4266 : vector<16xf32>
    %add3A_4339 = arith.addf %add3A_4337, %mul3A_4338 : vector<16xf32>
    %mul3A_4340 = arith.mulf %gather3A_3865, %get3A_4271 : vector<16xf32>
    %add3A_4341 = arith.addf %add3A_4339, %mul3A_4340 : vector<16xf32>
    %add3A_4342 = arith.addf %add3A_4320, %add3A_4327 : vector<16xf32>
    %add3A_4343 = arith.addf %add3A_4334, %add3A_4341 : vector<16xf32>
    %add3A_4344 = arith.addf %add3A_4342, %add3A_4343 : vector<16xf32>
    %add3A_4345 = arith.addf %add3A_4344, %add3A_374 : vector<16xf32>
    %add3A_4346 = arith.constant 1 : i32
    %add3A_4347 = arith.addi %add3A_3529, %add3A_4346 : i32
    %broadcast_in_dim3A_4348 = vector.broadcast %add3A_4347 : i32 to vector<16xi32>
    %eq3A_4349 = arith.cmpi eq, %add3A_4275, %broadcast_in_dim3A_4348 : vector<16xi32>
    %select_n3A_4350 = arith.select %eq3A_4349, %broadcast_in_dim3A_488, %add3A_4345 : vector<16xi1>, vector<16xf32>
    %min3A_4351 = arith.minimumf %min3A_4189, %select_n3A_4350 : vector<16xf32>
    %add3A_4352 = arith.constant 48 : i32
    %add3A_4353 = arith.addi %mul3A_36, %add3A_4352 : i32
    %get3A_4354 = arith.constant 0 : i32
    %get3A_4355 = arith.index_cast %get3A_4354 : i32 to index
    %get3A_4356 = arith.index_cast %add3A_4353 : i32 to index
    %get3A_4357 = tpu.vector_load %arg5[%get3A_4355, %get3A_4356] {strides = array<i32>} : memref<16x128xf32, #tpu.memory_space<vmem>>, vector<1x16xf32>,
    %get3A_4358 = vector.shape_cast %get3A_4357 : vector<1x16xf32> to vector<16xf32>
    %get3A_4359 = arith.constant 1 : i32
    %get3A_4360 = arith.index_cast %get3A_4359 : i32 to index
    %get3A_4361 = arith.index_cast %add3A_4353 : i32 to index
    %get3A_4362 = tpu.vector_load %arg5[%get3A_4360, %get3A_4361] {strides = array<i32>} : memref<16x128xf32, #tpu.memory_space<vmem>>, vector<1x16xf32>,
    %get3A_4363 = vector.shape_cast %get3A_4362 : vector<1x16xf32> to vector<16xf32>
    %get3A_4364 = arith.constant 2 : i32
    %get3A_4365 = arith.index_cast %get3A_4364 : i32 to index
    %get3A_4366 = arith.index_cast %add3A_4353 : i32 to index
    %get3A_4367 = tpu.vector_load %arg5[%get3A_4365, %get3A_4366] {strides = array<i32>} : memref<16x128xf32, #tpu.memory_space<vmem>>, vector<1x16xf32>,
    %get3A_4368 = vector.shape_cast %get3A_4367 : vector<1x16xf32> to vector<16xf32>
    %get3A_4369 = arith.constant 3 : i32
    %get3A_4370 = arith.index_cast %get3A_4369 : i32 to index
    %get3A_4371 = arith.index_cast %add3A_4353 : i32 to index
    %get3A_4372 = tpu.vector_load %arg5[%get3A_4370, %get3A_4371] {strides = array<i32>} : memref<16x128xf32, #tpu.memory_space<vmem>>, vector<1x16xf32>,
    %get3A_4373 = vector.shape_cast %get3A_4372 : vector<1x16xf32> to vector<16xf32>
    %get3A_4374 = arith.constant 4 : i32
    %get3A_4375 = arith.index_cast %get3A_4374 : i32 to index
    %get3A_4376 = arith.index_cast %add3A_4353 : i32 to index
    %get3A_4377 = tpu.vector_load %arg5[%get3A_4375, %get3A_4376] {strides = array<i32>} : memref<16x128xf32, #tpu.memory_space<vmem>>, vector<1x16xf32>,
    %get3A_4378 = vector.shape_cast %get3A_4377 : vector<1x16xf32> to vector<16xf32>
    %get3A_4379 = arith.constant 5 : i32
    %get3A_4380 = arith.index_cast %get3A_4379 : i32 to index
    %get3A_4381 = arith.index_cast %add3A_4353 : i32 to index
    %get3A_4382 = tpu.vector_load %arg5[%get3A_4380, %get3A_4381] {strides = array<i32>} : memref<16x128xf32, #tpu.memory_space<vmem>>, vector<1x16xf32>,
    %get3A_4383 = vector.shape_cast %get3A_4382 : vector<1x16xf32> to vector<16xf32>
    %get3A_4384 = arith.constant 6 : i32
    %get3A_4385 = arith.index_cast %get3A_4384 : i32 to index
    %get3A_4386 = arith.index_cast %add3A_4353 : i32 to index
    %get3A_4387 = tpu.vector_load %arg5[%get3A_4385, %get3A_4386] {strides = array<i32>} : memref<16x128xf32, #tpu.memory_space<vmem>>, vector<1x16xf32>,
    %get3A_4388 = vector.shape_cast %get3A_4387 : vector<1x16xf32> to vector<16xf32>
    %get3A_4389 = arith.constant 7 : i32
    %get3A_4390 = arith.index_cast %get3A_4389 : i32 to index
    %get3A_4391 = arith.index_cast %add3A_4353 : i32 to index
    %get3A_4392 = tpu.vector_load %arg5[%get3A_4390, %get3A_4391] {strides = array<i32>} : memref<16x128xf32, #tpu.memory_space<vmem>>, vector<1x16xf32>,
    %get3A_4393 = vector.shape_cast %get3A_4392 : vector<1x16xf32> to vector<16xf32>
    %get3A_4394 = arith.constant 8 : i32
    %get3A_4395 = arith.index_cast %get3A_4394 : i32 to index
    %get3A_4396 = arith.index_cast %add3A_4353 : i32 to index
    %get3A_4397 = tpu.vector_load %arg5[%get3A_4395, %get3A_4396] {strides = array<i32>} : memref<16x128xf32, #tpu.memory_space<vmem>>, vector<1x16xf32>,
    %get3A_4398 = vector.shape_cast %get3A_4397 : vector<1x16xf32> to vector<16xf32>
    %get3A_4399 = arith.constant 9 : i32
    %get3A_4400 = arith.index_cast %get3A_4399 : i32 to index
    %get3A_4401 = arith.index_cast %add3A_4353 : i32 to index
    %get3A_4402 = tpu.vector_load %arg5[%get3A_4400, %get3A_4401] {strides = array<i32>} : memref<16x128xf32, #tpu.memory_space<vmem>>, vector<1x16xf32>,
    %get3A_4403 = vector.shape_cast %get3A_4402 : vector<1x16xf32> to vector<16xf32>
    %get3A_4404 = arith.constant 10 : i32
    %get3A_4405 = arith.index_cast %get3A_4404 : i32 to index
    %get3A_4406 = arith.index_cast %add3A_4353 : i32 to index
    %get3A_4407 = tpu.vector_load %arg5[%get3A_4405, %get3A_4406] {strides = array<i32>} : memref<16x128xf32, #tpu.memory_space<vmem>>, vector<1x16xf32>,
    %get3A_4408 = vector.shape_cast %get3A_4407 : vector<1x16xf32> to vector<16xf32>
    %get3A_4409 = arith.constant 11 : i32
    %get3A_4410 = arith.index_cast %get3A_4409 : i32 to index
    %get3A_4411 = arith.index_cast %add3A_4353 : i32 to index
    %get3A_4412 = tpu.vector_load %arg5[%get3A_4410, %get3A_4411] {strides = array<i32>} : memref<16x128xf32, #tpu.memory_space<vmem>>, vector<1x16xf32>,
    %get3A_4413 = vector.shape_cast %get3A_4412 : vector<1x16xf32> to vector<16xf32>
    %get3A_4414 = arith.constant 12 : i32
    %get3A_4415 = arith.index_cast %get3A_4414 : i32 to index
    %get3A_4416 = arith.index_cast %add3A_4353 : i32 to index
    %get3A_4417 = tpu.vector_load %arg5[%get3A_4415, %get3A_4416] {strides = array<i32>} : memref<16x128xf32, #tpu.memory_space<vmem>>, vector<1x16xf32>,
    %get3A_4418 = vector.shape_cast %get3A_4417 : vector<1x16xf32> to vector<16xf32>
    %get3A_4419 = arith.constant 13 : i32
    %get3A_4420 = arith.index_cast %get3A_4419 : i32 to index
    %get3A_4421 = arith.index_cast %add3A_4353 : i32 to index
    %get3A_4422 = tpu.vector_load %arg5[%get3A_4420, %get3A_4421] {strides = array<i32>} : memref<16x128xf32, #tpu.memory_space<vmem>>, vector<1x16xf32>,
    %get3A_4423 = vector.shape_cast %get3A_4422 : vector<1x16xf32> to vector<16xf32>
    %get3A_4424 = arith.constant 14 : i32
    %get3A_4425 = arith.index_cast %get3A_4424 : i32 to index
    %get3A_4426 = arith.index_cast %add3A_4353 : i32 to index
    %get3A_4427 = tpu.vector_load %arg5[%get3A_4425, %get3A_4426] {strides = array<i32>} : memref<16x128xf32, #tpu.memory_space<vmem>>, vector<1x16xf32>,
    %get3A_4428 = vector.shape_cast %get3A_4427 : vector<1x16xf32> to vector<16xf32>
    %get3A_4429 = arith.constant 15 : i32
    %get3A_4430 = arith.index_cast %get3A_4429 : i32 to index
    %get3A_4431 = arith.index_cast %add3A_4353 : i32 to index
    %get3A_4432 = tpu.vector_load %arg5[%get3A_4430, %get3A_4431] {strides = array<i32>} : memref<16x128xf32, #tpu.memory_space<vmem>>, vector<1x16xf32>,
    %get3A_4433 = vector.shape_cast %get3A_4432 : vector<1x16xf32> to vector<16xf32>
    %add3A_4434 = arith.constant 3968 : i32
    %add3A_4435 = arith.addi %add3A_4434, %add3A_4353 : i32
    %add3A_4436 = vector.broadcast %add3A_4435 : i32 to vector<16xi32>
    %add3A_4437 = arith.addi %iota3A, %add3A_4436 : vector<16xi32>
    %mul3A_4438 = arith.mulf %gather3A_3547, %get3A_4358 : vector<16xf32>
    %mul3A_4439 = arith.mulf %gather3A_3557, %get3A_4363 : vector<16xf32>
    %add3A_4440 = arith.addf %mul3A_4438, %mul3A_4439 : vector<16xf32>
    %mul3A_4441 = arith.mulf %gather3A_3567, %get3A_4368 : vector<16xf32>
    %add3A_4442 = arith.addf %add3A_4440, %mul3A_4441 : vector<16xf32>
    %mul3A_4443 = arith.mulf %gather3A_3577, %get3A_4373 : vector<16xf32>
    %add3A_4444 = arith.addf %add3A_4442, %mul3A_4443 : vector<16xf32>
    %mul3A_4445 = arith.mulf %gather3A_3587, %get3A_4378 : vector<16xf32>
    %mul3A_4446 = arith.mulf %gather3A_3597, %get3A_4383 : vector<16xf32>
    %add3A_4447 = arith.addf %mul3A_4445, %mul3A_4446 : vector<16xf32>
    %mul3A_4448 = arith.mulf %gather3A_3607, %get3A_4388 : vector<16xf32>
    %add3A_4449 = arith.addf %add3A_4447, %mul3A_4448 : vector<16xf32>
    %mul3A_4450 = arith.mulf %gather3A_3617, %get3A_4393 : vector<16xf32>
    %add3A_4451 = arith.addf %add3A_4449, %mul3A_4450 : vector<16xf32>
    %mul3A_4452 = arith.mulf %gather3A_3627, %get3A_4398 : vector<16xf32>
    %mul3A_4453 = arith.mulf %gather3A_3637, %get3A_4403 : vector<16xf32>
    %add3A_4454 = arith.addf %mul3A_4452, %mul3A_4453 : vector<16xf32>
    %mul3A_4455 = arith.mulf %gather3A_3647, %get3A_4408 : vector<16xf32>
    %add3A_4456 = arith.addf %add3A_4454, %mul3A_4455 : vector<16xf32>
    %mul3A_4457 = arith.mulf %gather3A_3657, %get3A_4413 : vector<16xf32>
    %add3A_4458 = arith.addf %add3A_4456, %mul3A_4457 : vector<16xf32>
    %mul3A_4459 = arith.mulf %gather3A_3667, %get3A_4418 : vector<16xf32>
    %mul3A_4460 = arith.mulf %gather3A_3677, %get3A_4423 : vector<16xf32>
    %add3A_4461 = arith.addf %mul3A_4459, %mul3A_4460 : vector<16xf32>
    %mul3A_4462 = arith.mulf %gather3A_3687, %get3A_4428 : vector<16xf32>
    %add3A_4463 = arith.addf %add3A_4461, %mul3A_4462 : vector<16xf32>
    %mul3A_4464 = arith.mulf %gather3A_3697, %get3A_4433 : vector<16xf32>
    %add3A_4465 = arith.addf %add3A_4463, %mul3A_4464 : vector<16xf32>
    %add3A_4466 = arith.addf %add3A_4444, %add3A_4451 : vector<16xf32>
    %add3A_4467 = arith.addf %add3A_4458, %add3A_4465 : vector<16xf32>
    %add3A_4468 = arith.addf %add3A_4466, %add3A_4467 : vector<16xf32>
    %add3A_4469 = arith.addf %add3A_4468, %add3A_487 : vector<16xf32>
    %add3A_4470 = arith.constant 0 : i32
    %add3A_4471 = arith.addi %add3A_3529, %add3A_4470 : i32
    %broadcast_in_dim3A_4472 = vector.broadcast %add3A_4471 : i32 to vector<16xi32>
    %eq3A_4473 = arith.cmpi eq, %add3A_4437, %broadcast_in_dim3A_4472 : vector<16xi32>
    %select_n3A_4474 = arith.select %eq3A_4473, %broadcast_in_dim3A_488, %add3A_4469 : vector<16xi1>, vector<16xf32>
    %min3A_4475 = arith.minimumf %min3A_4313, %select_n3A_4474 : vector<16xf32>
    %mul3A_4476 = arith.mulf %gather3A_3715, %get3A_4358 : vector<16xf32>
    %mul3A_4477 = arith.mulf %gather3A_3725, %get3A_4363 : vector<16xf32>
    %add3A_4478 = arith.addf %mul3A_4476, %mul3A_4477 : vector<16xf32>
    %mul3A_4479 = arith.mulf %gather3A_3735, %get3A_4368 : vector<16xf32>
    %add3A_4480 = arith.addf %add3A_4478, %mul3A_4479 : vector<16xf32>
    %mul3A_4481 = arith.mulf %gather3A_3745, %get3A_4373 : vector<16xf32>
    %add3A_4482 = arith.addf %add3A_4480, %mul3A_4481 : vector<16xf32>
    %mul3A_4483 = arith.mulf %gather3A_3755, %get3A_4378 : vector<16xf32>
    %mul3A_4484 = arith.mulf %gather3A_3765, %get3A_4383 : vector<16xf32>
    %add3A_4485 = arith.addf %mul3A_4483, %mul3A_4484 : vector<16xf32>
    %mul3A_4486 = arith.mulf %gather3A_3775, %get3A_4388 : vector<16xf32>
    %add3A_4487 = arith.addf %add3A_4485, %mul3A_4486 : vector<16xf32>
    %mul3A_4488 = arith.mulf %gather3A_3785, %get3A_4393 : vector<16xf32>
    %add3A_4489 = arith.addf %add3A_4487, %mul3A_4488 : vector<16xf32>
    %mul3A_4490 = arith.mulf %gather3A_3795, %get3A_4398 : vector<16xf32>
    %mul3A_4491 = arith.mulf %gather3A_3805, %get3A_4403 : vector<16xf32>
    %add3A_4492 = arith.addf %mul3A_4490, %mul3A_4491 : vector<16xf32>
    %mul3A_4493 = arith.mulf %gather3A_3815, %get3A_4408 : vector<16xf32>
    %add3A_4494 = arith.addf %add3A_4492, %mul3A_4493 : vector<16xf32>
    %mul3A_4495 = arith.mulf %gather3A_3825, %get3A_4413 : vector<16xf32>
    %add3A_4496 = arith.addf %add3A_4494, %mul3A_4495 : vector<16xf32>
    %mul3A_4497 = arith.mulf %gather3A_3835, %get3A_4418 : vector<16xf32>
    %mul3A_4498 = arith.mulf %gather3A_3845, %get3A_4423 : vector<16xf32>
    %add3A_4499 = arith.addf %mul3A_4497, %mul3A_4498 : vector<16xf32>
    %mul3A_4500 = arith.mulf %gather3A_3855, %get3A_4428 : vector<16xf32>
    %add3A_4501 = arith.addf %add3A_4499, %mul3A_4500 : vector<16xf32>
    %mul3A_4502 = arith.mulf %gather3A_3865, %get3A_4433 : vector<16xf32>
    %add3A_4503 = arith.addf %add3A_4501, %mul3A_4502 : vector<16xf32>
    %add3A_4504 = arith.addf %add3A_4482, %add3A_4489 : vector<16xf32>
    %add3A_4505 = arith.addf %add3A_4496, %add3A_4503 : vector<16xf32>
    %add3A_4506 = arith.addf %add3A_4504, %add3A_4505 : vector<16xf32>
    %add3A_4507 = arith.addf %add3A_4506, %add3A_487 : vector<16xf32>
    %add3A_4508 = arith.constant 1 : i32
    %add3A_4509 = arith.addi %add3A_3529, %add3A_4508 : i32
    %broadcast_in_dim3A_4510 = vector.broadcast %add3A_4509 : i32 to vector<16xi32>
    %eq3A_4511 = arith.cmpi eq, %add3A_4437, %broadcast_in_dim3A_4510 : vector<16xi32>
    %select_n3A_4512 = arith.select %eq3A_4511, %broadcast_in_dim3A_488, %add3A_4507 : vector<16xi1>, vector<16xf32>
    %min3A_4513 = arith.minimumf %min3A_4351, %select_n3A_4512 : vector<16xf32>
    %swap3A_4514 = arith.constant 6 : i32
    %swap3A_4515 = arith.index_cast %swap3A_4514 : i32 to index
    %swap3A_4516 = arith.constant 0 : index
    %swap3A_4517 = tpu.vector_load %arg7[%swap3A_4515, %swap3A_4516] {strides = array<i32>} : memref<8x16xf32, #tpu.memory_space<vmem>>, vector<1x16xf32>,
    %swap3A_4518 = vector.shape_cast %swap3A_4517 : vector<1x16xf32> to vector<16xf32>
    %swap3A_4519 = vector.shape_cast %min3A_4475 : vector<16xf32> to vector<1x16xf32>
    tpu.vector_store %arg7[%swap3A_4515, %swap3A_4516], %swap3A_4519 {strides = array<i32>} : memref<8x16xf32, #tpu.memory_space<vmem>>, vector<1x16xf32>,
    %swap3A_4520 = arith.constant 7 : i32
    %swap3A_4521 = arith.index_cast %swap3A_4520 : i32 to index
    %swap3A_4522 = arith.constant 0 : index
    %swap3A_4523 = tpu.vector_load %arg7[%swap3A_4521, %swap3A_4522] {strides = array<i32>} : memref<8x16xf32, #tpu.memory_space<vmem>>, vector<1x16xf32>,
    %swap3A_4524 = vector.shape_cast %swap3A_4523 : vector<1x16xf32> to vector<16xf32>
    %swap3A_4525 = vector.shape_cast %min3A_4513 : vector<16xf32> to vector<1x16xf32>
    tpu.vector_store %arg7[%swap3A_4521, %swap3A_4522], %swap3A_4525 {strides = array<i32>} : memref<8x16xf32, #tpu.memory_space<vmem>>, vector<1x16xf32>,
    %mul3A_4526 = arith.constant 8 : i32
    %mul3A_4527 = arith.muli %select_n3A, %mul3A_4526 : i32
    "tpu.region"() ({
      %run_scoped3A = tpu.sem_alloc : memref<!tpu.dma_semaphore, #tpu.memory_space<semaphore_mem>>
      %dma_start3A = arith.constant 0 : i32
      %dma_start3A_4528 = tpu.memref_slice %arg4[%select_n3A_30, %mul3A_4527, %dma_start3A] : memref<2x128x16xf32, #tpu.memory_space<hbm>> -> memref<1x8x16xf32, #tpu.memory_space<hbm>>
      %dma_start3A_4529 = tpu.memref_squeeze %dma_start3A_4528 : memref<1x8x16xf32, #tpu.memory_space<hbm>> -> memref<8x16xf32, #tpu.memory_space<hbm>>
      %dma_start3A_4530 = arith.constant 0 : i32
      %dma_start3A_4531 = tpu.memref_slice %arg4[%select_n3A_30, %mul3A_4527, %dma_start3A_4530] : memref<2x128x16xf32, #tpu.memory_space<hbm>> -> memref<1x8x16xf32, #tpu.memory_space<hbm>>
      %dma_start3A_4532 = tpu.memref_squeeze %dma_start3A_4531 : memref<1x8x16xf32, #tpu.memory_space<hbm>> -> memref<8x16xf32, #tpu.memory_space<hbm>>
      tpu.enqueue_dma source(%arg7 : memref<8x16xf32, #tpu.memory_space<vmem>>) target(%dma_start3A_4532 : memref<8x16xf32, #tpu.memory_space<hbm>>) target_semaphore(%run_scoped3A : memref<!tpu.dma_semaphore, #tpu.memory_space<semaphore_mem>>)
      %dma_wait3A = arith.constant 0 : i32
      %dma_wait3A_4533 = tpu.memref_slice %arg4[%select_n3A_30, %mul3A_4527, %dma_wait3A] : memref<2x128x16xf32, #tpu.memory_space<hbm>> -> memref<1x8x16xf32, #tpu.memory_space<hbm>>
      %dma_wait3A_4534 = tpu.memref_squeeze %dma_wait3A_4533 : memref<1x8x16xf32, #tpu.memory_space<hbm>> -> memref<8x16xf32, #tpu.memory_space<hbm>>
      %dma_wait3A_4535 = arith.constant 0 : i32
      %dma_wait3A_4536 = tpu.memref_slice %arg4[%select_n3A_30, %mul3A_4527, %dma_wait3A_4535] : memref<2x128x16xf32, #tpu.memory_space<hbm>> -> memref<1x8x16xf32, #tpu.memory_space<hbm>>
      %dma_wait3A_4537 = tpu.memref_squeeze %dma_wait3A_4536 : memref<1x8x16xf32, #tpu.memory_space<hbm>> -> memref<8x16xf32, #tpu.memory_space<hbm>>
      tpu.wait_dma2 semaphore(%run_scoped3A : memref<!tpu.dma_semaphore, #tpu.memory_space<semaphore_mem>>) src(%arg7 : memref<8x16xf32, #tpu.memory_space<vmem>>) dst(%dma_wait3A_4537 : memref<8x16xf32, #tpu.memory_space<hbm>>)
      tpu.yield
    }) : () -> ()
    return
  }
}

module attributes {stable_mosaic.version = 14 : i64} {
  func.func @_epilogue_tc(%arg0: memref<4096x16xf32, #tpu.memory_space<vmem>>, %arg1: memref<1x1xf32, #tpu.memory_space<vmem>>, %arg2: memref<128xf32, #tpu.memory_space<vmem>>, %arg3: memref<2x128x16xf32, #tpu.memory_space<vmem>>, %arg4: memref<1x1xf32, #tpu.memory_space<smem>>) attributes {dimension_semantics = [], scalar_prefetch = 0 : i64, scratch_operands = 0 : i64, tpu.core_type = #tpu.core_type<tc>} {
    %get3A = arith.constant 3968 : index
    %get3A_0 = arith.constant 0 : index
    %get3A_1 = vector.load %arg0[%get3A, %get3A_0] : memref<4096x16xf32, #tpu.memory_space<vmem>>, vector<128x16xf32>
    %mul3A = arith.mulf %get3A_1, %get3A_1 : vector<128x16xf32>
    %reduce_sum3A = arith.constant dense<0.000000e+00> : vector<128xf32>
    %reduce_sum3A_2 = vector.multi_reduction <add>, %mul3A, %reduce_sum3A [1] : vector<128x16xf32> to vector<128xf32>
    %get3A_3 = arith.constant 0 : index
    %get3A_4 = arith.constant 0 : index
    %get3A_5 = arith.constant 0 : index
    %get3A_6 = vector.load %arg3[%get3A_3, %get3A_4, %get3A_5] : memref<2x128x16xf32, #tpu.memory_space<vmem>>, vector<2x128x16xf32>
    %reduce_min3A = arith.constant dense<0x7F800000> : vector<128x16xf32>
    %reduce_min3A_7 = vector.multi_reduction <minimumf>, %get3A_6, %reduce_min3A [0] : vector<2x128x16xf32> to vector<128x16xf32>
    %reduce_min3A_8 = arith.constant dense<0x7F800000> : vector<128xf32>
    %reduce_min3A_9 = vector.multi_reduction <minimumf>, %reduce_min3A_7, %reduce_min3A_8 [1] : vector<128x16xf32> to vector<128xf32>
    %add3A = arith.addf %reduce_sum3A_2, %reduce_min3A_9 : vector<128xf32>
    %get3A_10 = arith.constant 0 : index
    %get3A_11 = vector.load %arg2[%get3A_10] : memref<128xf32, #tpu.memory_space<vmem>>, vector<128xf32>
    %min3A = arith.minimumf %add3A, %get3A_11 : vector<128xf32>
    %max3A = arith.constant 0.000000e+00 : f32
    %max3A_12 = vector.broadcast %max3A : f32 to vector<128xf32>
    %max3A_13 = arith.maximumf %min3A, %max3A_12 : vector<128xf32>
    %sqrt3A = math.sqrt %max3A_13 : vector<128xf32>
    %add3A_14 = arith.constant 9.99999993E-9 : f32
    %add3A_15 = vector.broadcast %add3A_14 : f32 to vector<128xf32>
    %add3A_16 = arith.addf %sqrt3A, %add3A_15 : vector<128xf32>
    %log3A = math.log %add3A_16 : vector<128xf32>
    %reduce_sum3A_17 = vector.shape_cast %log3A : vector<128xf32> to vector<1x128xf32>
    %reduce_sum3A_18 = arith.constant dense<0.000000e+00> : vector<1xf32>
    %reduce_sum3A_19 = vector.multi_reduction <add>, %reduce_sum3A_17, %reduce_sum3A_18 [1] : vector<1x128xf32> to vector<1xf32>
    %reduce_sum3A_20 = vector.shape_cast %reduce_sum3A_19 : vector<1xf32> to vector<1x1xf32>
    %reduce_sum3A_21 = vector.extract %reduce_sum3A_20[0, 0] : f32 from vector<1x1xf32>
    %get3A_22 = arith.constant 0 : index
    %get3A_23 = arith.constant 0 : index
    %get3A_24 = vector.load %arg1[%get3A_22, %get3A_23] : memref<1x1xf32, #tpu.memory_space<vmem>>, vector<1x1xf32>
    %get3A_25 = vector.extract %get3A_24[0, 0] : f32 from vector<1x1xf32>
    %add3A_26 = arith.addf %get3A_25, %reduce_sum3A_21 : f32
    %neg3A = arith.constant 0.000000e+00 : f32
    %neg3A_27 = arith.subf %neg3A, %add3A_26 : f32
    %div3A = arith.constant 4.096000e+03 : f32
    %div3A_28 = arith.divf %neg3A_27, %div3A : f32
    %swap3A = arith.constant 0 : index
    %swap3A_29 = arith.constant 0 : index
    %swap3A_30 = memref.load %arg4[%swap3A, %swap3A_29] : memref<1x1xf32, #tpu.memory_space<smem>>
    memref.store %div3A_28, %arg4[%swap3A, %swap3A_29] : memref<1x1xf32, #tpu.memory_space<smem>>
    return
  }
}

module attributes {stable_mosaic.version = 14 : i64} {
  func.func @_koleo_tc(%arg0: memref<4096x16xf32, #tpu.memory_space<vmem>>, %arg1: memref<1x1xf32, #tpu.memory_space<smem>>, %arg2: memref<128xf32, #tpu.memory_space<vmem>>, %arg3: memref<4096x18xf32, #tpu.memory_space<vmem>>, %arg4: memref<4096x18xf32, #tpu.memory_space<vmem>>) attributes {dimension_semantics = [], scalar_prefetch = 0 : i64, scratch_operands = 2 : i64, tpu.core_type = #tpu.core_type<tc>} {
    %get3A = arith.constant 0 : index
    %get3A_0 = arith.constant 0 : index
    %get3A_1 = vector.load %arg0[%get3A, %get3A_0] : memref<4096x16xf32, #tpu.memory_space<vmem>>, vector<4096x16xf32>
    %mul3A = arith.mulf %get3A_1, %get3A_1 : vector<4096x16xf32>
    %reduce_sum3A = arith.constant dense<0.000000e+00> : vector<4096xf32>
    %reduce_sum3A_2 = vector.multi_reduction <add>, %mul3A, %reduce_sum3A [1] : vector<4096x16xf32> to vector<4096xf32>
    %broadcast_in_dim3A = vector.shape_cast %reduce_sum3A_2 : vector<4096xf32> to vector<4096x1xf32>
    %broadcast_in_dim3A_3 = arith.constant 1.000000e+00 : f32
    %broadcast_in_dim3A_4 = vector.broadcast %broadcast_in_dim3A_3 : f32 to vector<4096x1xf32>
    %concatenate3A = tpu.concatenate %get3A_1, %broadcast_in_dim3A_4, %broadcast_in_dim3A in 1 : vector<4096x16xf32>, vector<4096x1xf32>, vector<4096x1xf32> -> vector<4096x18xf32>
    %swap3A = arith.constant 0 : index
    %swap3A_5 = arith.constant 0 : index
    %swap3A_6 = vector.load %arg3[%swap3A, %swap3A_5] : memref<4096x18xf32, #tpu.memory_space<vmem>>, vector<4096x18xf32>
    tpu.vector_store %arg3[%swap3A, %swap3A_5], %concatenate3A {strides = array<i32>} : memref<4096x18xf32, #tpu.memory_space<vmem>>, vector<4096x18xf32>,
    %mul3A_7 = arith.constant -2.000000e+00 : f32
    %mul3A_8 = vector.broadcast %mul3A_7 : f32 to vector<4096x16xf32>
    %mul3A_9 = arith.mulf %mul3A_8, %get3A_1 : vector<4096x16xf32>
    %concatenate3A_10 = tpu.concatenate %mul3A_9, %broadcast_in_dim3A, %broadcast_in_dim3A_4 in 1 : vector<4096x16xf32>, vector<4096x1xf32>, vector<4096x1xf32> -> vector<4096x18xf32>
    %swap3A_11 = arith.constant 0 : index
    %swap3A_12 = arith.constant 0 : index
    %swap3A_13 = vector.load %arg4[%swap3A_11, %swap3A_12] : memref<4096x18xf32, #tpu.memory_space<vmem>>, vector<4096x18xf32>
    tpu.vector_store %arg4[%swap3A_11, %swap3A_12], %concatenate3A_10 {strides = array<i32>} : memref<4096x18xf32, #tpu.memory_space<vmem>>, vector<4096x18xf32>,
    %iota3A = tpu.iota {dimensions = array<i32: 0>} : vector<384x384xi32>
    %iota3A_14 = tpu.iota {dimensions = array<i32: 1>} : vector<384x384xi32>
    %eq3A = arith.cmpi eq, %iota3A, %iota3A_14 : vector<384x384xi32>
    %iota3A_15 = tpu.iota {dimensions = array<i32: 0>} : vector<128x128xi32>
    %iota3A_16 = tpu.iota {dimensions = array<i32: 1>} : vector<128x128xi32>
    %eq3A_17 = arith.cmpi eq, %iota3A_15, %iota3A_16 : vector<128x128xi32>
    %broadcast_in_dim3A_18 = arith.constant 0x7F800000 : f32
    %broadcast_in_dim3A_19 = vector.broadcast %broadcast_in_dim3A_18 : f32 to vector<3968xf32>
    %broadcast_in_dim3A_20 = arith.constant 0x7F800000 : f32
    %broadcast_in_dim3A_21 = vector.broadcast %broadcast_in_dim3A_20 : f32 to vector<128xf32>
    %get3A_22 = arith.constant 0 : index
    %get3A_23 = arith.constant 0 : index
    %get3A_24 = vector.load %arg3[%get3A_22, %get3A_23] : memref<4096x18xf32, #tpu.memory_space<vmem>>, vector<384x18xf32>
    %get3A_25 = arith.constant 0 : index
    %get3A_26 = arith.constant 0 : index
    %get3A_27 = vector.load %arg4[%get3A_25, %get3A_26] : memref<4096x18xf32, #tpu.memory_space<vmem>>, vector<4096x18xf32>
    %dot_general3A = arith.constant dense<0.000000e+00> : vector<384x4096xf32>
    %dot_general3A_28 = tpu.matmul %get3A_24, %get3A_27, %dot_general3A {dimension_numbers = #tpu.dot_dimension_numbers<[1], [1], [0], [0], [0, 0, 1, 0], [], []>, transpose_lhs_hint = false} : vector<384x18xf32>, vector<4096x18xf32>, vector<384x4096xf32> -> vector<384x4096xf32>
    %slice3A = vector.extract_strided_slice %dot_general3A_28 {offsets = [0, 0], sizes = [384, 384], strides = [1, 1]} : vector<384x4096xf32> to vector<384x384xf32>
    %jit3A = arith.constant 0x7F800000 : f32
    %broadcast_in_dim3A_29 = vector.broadcast %jit3A : f32 to vector<384x384xf32>
    %select_n3A = arith.select %eq3A, %broadcast_in_dim3A_29, %slice3A : vector<384x384xi1>, vector<384x384xf32>
    %reduce_min3A = arith.constant dense<0x7F800000> : vector<384xf32>
    %reduce_min3A_30 = vector.multi_reduction <minimumf>, %select_n3A, %reduce_min3A [1] : vector<384x384xf32> to vector<384xf32>
    %slice3A_31 = vector.extract_strided_slice %dot_general3A_28 {offsets = [0, 384], sizes = [384, 3712], strides = [1, 1]} : vector<384x4096xf32> to vector<384x3712xf32>
    %reduce_min3A_32 = arith.constant dense<0x7F800000> : vector<384xf32>
    %reduce_min3A_33 = vector.multi_reduction <minimumf>, %slice3A_31, %reduce_min3A_32 [1] : vector<384x3712xf32> to vector<384xf32>
    %min3A = arith.minimumf %reduce_min3A_30, %reduce_min3A_33 : vector<384xf32>
    %slice3A_34 = vector.extract_strided_slice %broadcast_in_dim3A_19 {offsets = [0], sizes = [384], strides = [1]} : vector<3968xf32> to vector<384xf32>
    %min3A_35 = arith.minimumf %min3A, %slice3A_34 : vector<384xf32>
    %slice3A_36 = vector.extract_strided_slice %dot_general3A_28 {offsets = [0, 384], sizes = [384, 3584], strides = [1, 1]} : vector<384x4096xf32> to vector<384x3584xf32>
    %reduce_min3A_37 = arith.constant dense<0x7F800000> : vector<3584xf32>
    %reduce_min3A_38 = vector.multi_reduction <minimumf>, %slice3A_36, %reduce_min3A_37 [0] : vector<384x3584xf32> to vector<3584xf32>
    %slice3A_39 = vector.extract_strided_slice %broadcast_in_dim3A_19 {offsets = [0], sizes = [384], strides = [1]} : vector<3968xf32> to vector<384xf32>
    %slice3A_40 = vector.extract_strided_slice %broadcast_in_dim3A_19 {offsets = [384], sizes = [3584], strides = [1]} : vector<3968xf32> to vector<3584xf32>
    %min3A_41 = arith.minimumf %slice3A_40, %reduce_min3A_38 : vector<3584xf32>
    %concatenate3A_42 = tpu.concatenate %slice3A_39, %min3A_41 in 0 : vector<384xf32>, vector<3584xf32> -> vector<3968xf32>
    %slice3A_43 = vector.extract_strided_slice %dot_general3A_28 {offsets = [0, 3968], sizes = [384, 128], strides = [1, 1]} : vector<384x4096xf32> to vector<384x128xf32>
    %reduce_min3A_44 = arith.constant dense<0x7F800000> : vector<128xf32>
    %reduce_min3A_45 = vector.multi_reduction <minimumf>, %slice3A_43, %reduce_min3A_44 [0] : vector<384x128xf32> to vector<128xf32>
    %min3A_46 = arith.minimumf %broadcast_in_dim3A_21, %reduce_min3A_45 : vector<128xf32>
    %max3A = arith.constant 0.000000e+00 : f32
    %max3A_47 = vector.broadcast %max3A : f32 to vector<384xf32>
    %max3A_48 = arith.maximumf %min3A_35, %max3A_47 : vector<384xf32>
    %sqrt3A = math.sqrt %max3A_48 : vector<384xf32>
    %add3A = arith.constant 9.99999993E-9 : f32
    %add3A_49 = vector.broadcast %add3A : f32 to vector<384xf32>
    %add3A_50 = arith.addf %sqrt3A, %add3A_49 : vector<384xf32>
    %log3A = math.log %add3A_50 : vector<384xf32>
    %reduce_sum3A_51 = vector.shape_cast %log3A : vector<384xf32> to vector<1x384xf32>
    %reduce_sum3A_52 = arith.constant dense<0.000000e+00> : vector<1xf32>
    %reduce_sum3A_53 = vector.multi_reduction <add>, %reduce_sum3A_51, %reduce_sum3A_52 [1] : vector<1x384xf32> to vector<1xf32>
    %reduce_sum3A_54 = vector.shape_cast %reduce_sum3A_53 : vector<1xf32> to vector<1x1xf32>
    %reduce_sum3A_55 = vector.extract %reduce_sum3A_54[0, 0] : f32 from vector<1x1xf32>
    %get3A_56 = arith.constant 384 : index
    %get3A_57 = arith.constant 0 : index
    %get3A_58 = vector.load %arg3[%get3A_56, %get3A_57] : memref<4096x18xf32, #tpu.memory_space<vmem>>, vector<384x18xf32>
    %get3A_59 = arith.constant 384 : index
    %get3A_60 = arith.constant 0 : index
    %get3A_61 = vector.load %arg4[%get3A_59, %get3A_60] : memref<4096x18xf32, #tpu.memory_space<vmem>>, vector<3712x18xf32>
    %dot_general3A_62 = arith.constant dense<0.000000e+00> : vector<384x3712xf32>
    %dot_general3A_63 = tpu.matmul %get3A_58, %get3A_61, %dot_general3A_62 {dimension_numbers = #tpu.dot_dimension_numbers<[1], [1], [0], [0], [0, 0, 1, 0], [], []>, transpose_lhs_hint = false} : vector<384x18xf32>, vector<3712x18xf32>, vector<384x3712xf32> -> vector<384x3712xf32>
    %slice3A_64 = vector.extract_strided_slice %dot_general3A_63 {offsets = [0, 0], sizes = [384, 384], strides = [1, 1]} : vector<384x3712xf32> to vector<384x384xf32>
    %jit3A_65 = arith.constant 0x7F800000 : f32
    %broadcast_in_dim3A_66 = vector.broadcast %jit3A_65 : f32 to vector<384x384xf32>
    %select_n3A_67 = arith.select %eq3A, %broadcast_in_dim3A_66, %slice3A_64 : vector<384x384xi1>, vector<384x384xf32>
    %reduce_min3A_68 = arith.constant dense<0x7F800000> : vector<384xf32>
    %reduce_min3A_69 = vector.multi_reduction <minimumf>, %select_n3A_67, %reduce_min3A_68 [1] : vector<384x384xf32> to vector<384xf32>
    %slice3A_70 = vector.extract_strided_slice %dot_general3A_63 {offsets = [0, 384], sizes = [384, 3328], strides = [1, 1]} : vector<384x3712xf32> to vector<384x3328xf32>
    %reduce_min3A_71 = arith.constant dense<0x7F800000> : vector<384xf32>
    %reduce_min3A_72 = vector.multi_reduction <minimumf>, %slice3A_70, %reduce_min3A_71 [1] : vector<384x3328xf32> to vector<384xf32>
    %min3A_73 = arith.minimumf %reduce_min3A_69, %reduce_min3A_72 : vector<384xf32>
    %slice3A_74 = vector.extract_strided_slice %concatenate3A_42 {offsets = [384], sizes = [384], strides = [1]} : vector<3968xf32> to vector<384xf32>
    %min3A_75 = arith.minimumf %min3A_73, %slice3A_74 : vector<384xf32>
    %slice3A_76 = vector.extract_strided_slice %dot_general3A_63 {offsets = [0, 384], sizes = [384, 3200], strides = [1, 1]} : vector<384x3712xf32> to vector<384x3200xf32>
    %reduce_min3A_77 = arith.constant dense<0x7F800000> : vector<3200xf32>
    %reduce_min3A_78 = vector.multi_reduction <minimumf>, %slice3A_76, %reduce_min3A_77 [0] : vector<384x3200xf32> to vector<3200xf32>
    %slice3A_79 = vector.extract_strided_slice %concatenate3A_42 {offsets = [0], sizes = [768], strides = [1]} : vector<3968xf32> to vector<768xf32>
    %slice3A_80 = vector.extract_strided_slice %concatenate3A_42 {offsets = [768], sizes = [3200], strides = [1]} : vector<3968xf32> to vector<3200xf32>
    %min3A_81 = arith.minimumf %slice3A_80, %reduce_min3A_78 : vector<3200xf32>
    %concatenate3A_82 = tpu.concatenate %slice3A_79, %min3A_81 in 0 : vector<768xf32>, vector<3200xf32> -> vector<3968xf32>
    %slice3A_83 = vector.extract_strided_slice %dot_general3A_63 {offsets = [0, 3584], sizes = [384, 128], strides = [1, 1]} : vector<384x3712xf32> to vector<384x128xf32>
    %reduce_min3A_84 = arith.constant dense<0x7F800000> : vector<128xf32>
    %reduce_min3A_85 = vector.multi_reduction <minimumf>, %slice3A_83, %reduce_min3A_84 [0] : vector<384x128xf32> to vector<128xf32>
    %min3A_86 = arith.minimumf %min3A_46, %reduce_min3A_85 : vector<128xf32>
    %max3A_87 = arith.constant 0.000000e+00 : f32
    %max3A_88 = vector.broadcast %max3A_87 : f32 to vector<384xf32>
    %max3A_89 = arith.maximumf %min3A_75, %max3A_88 : vector<384xf32>
    %sqrt3A_90 = math.sqrt %max3A_89 : vector<384xf32>
    %add3A_91 = arith.constant 9.99999993E-9 : f32
    %add3A_92 = vector.broadcast %add3A_91 : f32 to vector<384xf32>
    %add3A_93 = arith.addf %sqrt3A_90, %add3A_92 : vector<384xf32>
    %log3A_94 = math.log %add3A_93 : vector<384xf32>
    %reduce_sum3A_95 = vector.shape_cast %log3A_94 : vector<384xf32> to vector<1x384xf32>
    %reduce_sum3A_96 = arith.constant dense<0.000000e+00> : vector<1xf32>
    %reduce_sum3A_97 = vector.multi_reduction <add>, %reduce_sum3A_95, %reduce_sum3A_96 [1] : vector<1x384xf32> to vector<1xf32>
    %reduce_sum3A_98 = vector.shape_cast %reduce_sum3A_97 : vector<1xf32> to vector<1x1xf32>
    %reduce_sum3A_99 = vector.extract %reduce_sum3A_98[0, 0] : f32 from vector<1x1xf32>
    %add3A_100 = arith.addf %reduce_sum3A_55, %reduce_sum3A_99 : f32
    %get3A_101 = arith.constant 768 : index
    %get3A_102 = arith.constant 0 : index
    %get3A_103 = vector.load %arg3[%get3A_101, %get3A_102] : memref<4096x18xf32, #tpu.memory_space<vmem>>, vector<384x18xf32>
    %get3A_104 = arith.constant 768 : index
    %get3A_105 = arith.constant 0 : index
    %get3A_106 = vector.load %arg4[%get3A_104, %get3A_105] : memref<4096x18xf32, #tpu.memory_space<vmem>>, vector<3328x18xf32>
    %dot_general3A_107 = arith.constant dense<0.000000e+00> : vector<384x3328xf32>
    %dot_general3A_108 = tpu.matmul %get3A_103, %get3A_106, %dot_general3A_107 {dimension_numbers = #tpu.dot_dimension_numbers<[1], [1], [0], [0], [0, 0, 1, 0], [], []>, transpose_lhs_hint = false} : vector<384x18xf32>, vector<3328x18xf32>, vector<384x3328xf32> -> vector<384x3328xf32>
    %slice3A_109 = vector.extract_strided_slice %dot_general3A_108 {offsets = [0, 0], sizes = [384, 384], strides = [1, 1]} : vector<384x3328xf32> to vector<384x384xf32>
    %jit3A_110 = arith.constant 0x7F800000 : f32
    %broadcast_in_dim3A_111 = vector.broadcast %jit3A_110 : f32 to vector<384x384xf32>
    %select_n3A_112 = arith.select %eq3A, %broadcast_in_dim3A_111, %slice3A_109 : vector<384x384xi1>, vector<384x384xf32>
    %reduce_min3A_113 = arith.constant dense<0x7F800000> : vector<384xf32>
    %reduce_min3A_114 = vector.multi_reduction <minimumf>, %select_n3A_112, %reduce_min3A_113 [1] : vector<384x384xf32> to vector<384xf32>
    %slice3A_115 = vector.extract_strided_slice %dot_general3A_108 {offsets = [0, 384], sizes = [384, 2944], strides = [1, 1]} : vector<384x3328xf32> to vector<384x2944xf32>
    %reduce_min3A_116 = arith.constant dense<0x7F800000> : vector<384xf32>
    %reduce_min3A_117 = vector.multi_reduction <minimumf>, %slice3A_115, %reduce_min3A_116 [1] : vector<384x2944xf32> to vector<384xf32>
    %min3A_118 = arith.minimumf %reduce_min3A_114, %reduce_min3A_117 : vector<384xf32>
    %slice3A_119 = vector.extract_strided_slice %concatenate3A_82 {offsets = [768], sizes = [384], strides = [1]} : vector<3968xf32> to vector<384xf32>
    %min3A_120 = arith.minimumf %min3A_118, %slice3A_119 : vector<384xf32>
    %slice3A_121 = vector.extract_strided_slice %dot_general3A_108 {offsets = [0, 384], sizes = [384, 2816], strides = [1, 1]} : vector<384x3328xf32> to vector<384x2816xf32>
    %reduce_min3A_122 = arith.constant dense<0x7F800000> : vector<2816xf32>
    %reduce_min3A_123 = vector.multi_reduction <minimumf>, %slice3A_121, %reduce_min3A_122 [0] : vector<384x2816xf32> to vector<2816xf32>
    %slice3A_124 = vector.extract_strided_slice %concatenate3A_82 {offsets = [0], sizes = [1152], strides = [1]} : vector<3968xf32> to vector<1152xf32>
    %slice3A_125 = vector.extract_strided_slice %concatenate3A_82 {offsets = [1152], sizes = [2816], strides = [1]} : vector<3968xf32> to vector<2816xf32>
    %min3A_126 = arith.minimumf %slice3A_125, %reduce_min3A_123 : vector<2816xf32>
    %concatenate3A_127 = tpu.concatenate %slice3A_124, %min3A_126 in 0 : vector<1152xf32>, vector<2816xf32> -> vector<3968xf32>
    %slice3A_128 = vector.extract_strided_slice %dot_general3A_108 {offsets = [0, 3200], sizes = [384, 128], strides = [1, 1]} : vector<384x3328xf32> to vector<384x128xf32>
    %reduce_min3A_129 = arith.constant dense<0x7F800000> : vector<128xf32>
    %reduce_min3A_130 = vector.multi_reduction <minimumf>, %slice3A_128, %reduce_min3A_129 [0] : vector<384x128xf32> to vector<128xf32>
    %min3A_131 = arith.minimumf %min3A_86, %reduce_min3A_130 : vector<128xf32>
    %max3A_132 = arith.constant 0.000000e+00 : f32
    %max3A_133 = vector.broadcast %max3A_132 : f32 to vector<384xf32>
    %max3A_134 = arith.maximumf %min3A_120, %max3A_133 : vector<384xf32>
    %sqrt3A_135 = math.sqrt %max3A_134 : vector<384xf32>
    %add3A_136 = arith.constant 9.99999993E-9 : f32
    %add3A_137 = vector.broadcast %add3A_136 : f32 to vector<384xf32>
    %add3A_138 = arith.addf %sqrt3A_135, %add3A_137 : vector<384xf32>
    %log3A_139 = math.log %add3A_138 : vector<384xf32>
    %reduce_sum3A_140 = vector.shape_cast %log3A_139 : vector<384xf32> to vector<1x384xf32>
    %reduce_sum3A_141 = arith.constant dense<0.000000e+00> : vector<1xf32>
    %reduce_sum3A_142 = vector.multi_reduction <add>, %reduce_sum3A_140, %reduce_sum3A_141 [1] : vector<1x384xf32> to vector<1xf32>
    %reduce_sum3A_143 = vector.shape_cast %reduce_sum3A_142 : vector<1xf32> to vector<1x1xf32>
    %reduce_sum3A_144 = vector.extract %reduce_sum3A_143[0, 0] : f32 from vector<1x1xf32>
    %add3A_145 = arith.addf %add3A_100, %reduce_sum3A_144 : f32
    %get3A_146 = arith.constant 1152 : index
    %get3A_147 = arith.constant 0 : index
    %get3A_148 = vector.load %arg3[%get3A_146, %get3A_147] : memref<4096x18xf32, #tpu.memory_space<vmem>>, vector<384x18xf32>
    %get3A_149 = arith.constant 1152 : index
    %get3A_150 = arith.constant 0 : index
    %get3A_151 = vector.load %arg4[%get3A_149, %get3A_150] : memref<4096x18xf32, #tpu.memory_space<vmem>>, vector<2944x18xf32>
    %dot_general3A_152 = arith.constant dense<0.000000e+00> : vector<384x2944xf32>
    %dot_general3A_153 = tpu.matmul %get3A_148, %get3A_151, %dot_general3A_152 {dimension_numbers = #tpu.dot_dimension_numbers<[1], [1], [0], [0], [0, 0, 1, 0], [], []>, transpose_lhs_hint = false} : vector<384x18xf32>, vector<2944x18xf32>, vector<384x2944xf32> -> vector<384x2944xf32>
    %slice3A_154 = vector.extract_strided_slice %dot_general3A_153 {offsets = [0, 0], sizes = [384, 384], strides = [1, 1]} : vector<384x2944xf32> to vector<384x384xf32>
    %jit3A_155 = arith.constant 0x7F800000 : f32
    %broadcast_in_dim3A_156 = vector.broadcast %jit3A_155 : f32 to vector<384x384xf32>
    %select_n3A_157 = arith.select %eq3A, %broadcast_in_dim3A_156, %slice3A_154 : vector<384x384xi1>, vector<384x384xf32>
    %reduce_min3A_158 = arith.constant dense<0x7F800000> : vector<384xf32>
    %reduce_min3A_159 = vector.multi_reduction <minimumf>, %select_n3A_157, %reduce_min3A_158 [1] : vector<384x384xf32> to vector<384xf32>
    %slice3A_160 = vector.extract_strided_slice %dot_general3A_153 {offsets = [0, 384], sizes = [384, 2560], strides = [1, 1]} : vector<384x2944xf32> to vector<384x2560xf32>
    %reduce_min3A_161 = arith.constant dense<0x7F800000> : vector<384xf32>
    %reduce_min3A_162 = vector.multi_reduction <minimumf>, %slice3A_160, %reduce_min3A_161 [1] : vector<384x2560xf32> to vector<384xf32>
    %min3A_163 = arith.minimumf %reduce_min3A_159, %reduce_min3A_162 : vector<384xf32>
    %slice3A_164 = vector.extract_strided_slice %concatenate3A_127 {offsets = [1152], sizes = [384], strides = [1]} : vector<3968xf32> to vector<384xf32>
    %min3A_165 = arith.minimumf %min3A_163, %slice3A_164 : vector<384xf32>
    %slice3A_166 = vector.extract_strided_slice %dot_general3A_153 {offsets = [0, 384], sizes = [384, 2432], strides = [1, 1]} : vector<384x2944xf32> to vector<384x2432xf32>
    %reduce_min3A_167 = arith.constant dense<0x7F800000> : vector<2432xf32>
    %reduce_min3A_168 = vector.multi_reduction <minimumf>, %slice3A_166, %reduce_min3A_167 [0] : vector<384x2432xf32> to vector<2432xf32>
    %slice3A_169 = vector.extract_strided_slice %concatenate3A_127 {offsets = [0], sizes = [1536], strides = [1]} : vector<3968xf32> to vector<1536xf32>
    %slice3A_170 = vector.extract_strided_slice %concatenate3A_127 {offsets = [1536], sizes = [2432], strides = [1]} : vector<3968xf32> to vector<2432xf32>
    %min3A_171 = arith.minimumf %slice3A_170, %reduce_min3A_168 : vector<2432xf32>
    %concatenate3A_172 = tpu.concatenate %slice3A_169, %min3A_171 in 0 : vector<1536xf32>, vector<2432xf32> -> vector<3968xf32>
    %slice3A_173 = vector.extract_strided_slice %dot_general3A_153 {offsets = [0, 2816], sizes = [384, 128], strides = [1, 1]} : vector<384x2944xf32> to vector<384x128xf32>
    %reduce_min3A_174 = arith.constant dense<0x7F800000> : vector<128xf32>
    %reduce_min3A_175 = vector.multi_reduction <minimumf>, %slice3A_173, %reduce_min3A_174 [0] : vector<384x128xf32> to vector<128xf32>
    %min3A_176 = arith.minimumf %min3A_131, %reduce_min3A_175 : vector<128xf32>
    %max3A_177 = arith.constant 0.000000e+00 : f32
    %max3A_178 = vector.broadcast %max3A_177 : f32 to vector<384xf32>
    %max3A_179 = arith.maximumf %min3A_165, %max3A_178 : vector<384xf32>
    %sqrt3A_180 = math.sqrt %max3A_179 : vector<384xf32>
    %add3A_181 = arith.constant 9.99999993E-9 : f32
    %add3A_182 = vector.broadcast %add3A_181 : f32 to vector<384xf32>
    %add3A_183 = arith.addf %sqrt3A_180, %add3A_182 : vector<384xf32>
    %log3A_184 = math.log %add3A_183 : vector<384xf32>
    %reduce_sum3A_185 = vector.shape_cast %log3A_184 : vector<384xf32> to vector<1x384xf32>
    %reduce_sum3A_186 = arith.constant dense<0.000000e+00> : vector<1xf32>
    %reduce_sum3A_187 = vector.multi_reduction <add>, %reduce_sum3A_185, %reduce_sum3A_186 [1] : vector<1x384xf32> to vector<1xf32>
    %reduce_sum3A_188 = vector.shape_cast %reduce_sum3A_187 : vector<1xf32> to vector<1x1xf32>
    %reduce_sum3A_189 = vector.extract %reduce_sum3A_188[0, 0] : f32 from vector<1x1xf32>
    %add3A_190 = arith.addf %add3A_145, %reduce_sum3A_189 : f32
    %get3A_191 = arith.constant 1536 : index
    %get3A_192 = arith.constant 0 : index
    %get3A_193 = vector.load %arg3[%get3A_191, %get3A_192] : memref<4096x18xf32, #tpu.memory_space<vmem>>, vector<384x18xf32>
    %get3A_194 = arith.constant 1536 : index
    %get3A_195 = arith.constant 0 : index
    %get3A_196 = vector.load %arg4[%get3A_194, %get3A_195] : memref<4096x18xf32, #tpu.memory_space<vmem>>, vector<2560x18xf32>
    %dot_general3A_197 = arith.constant dense<0.000000e+00> : vector<384x2560xf32>
    %dot_general3A_198 = tpu.matmul %get3A_193, %get3A_196, %dot_general3A_197 {dimension_numbers = #tpu.dot_dimension_numbers<[1], [1], [0], [0], [0, 0, 1, 0], [], []>, transpose_lhs_hint = false} : vector<384x18xf32>, vector<2560x18xf32>, vector<384x2560xf32> -> vector<384x2560xf32>
    %slice3A_199 = vector.extract_strided_slice %dot_general3A_198 {offsets = [0, 0], sizes = [384, 384], strides = [1, 1]} : vector<384x2560xf32> to vector<384x384xf32>
    %jit3A_200 = arith.constant 0x7F800000 : f32
    %broadcast_in_dim3A_201 = vector.broadcast %jit3A_200 : f32 to vector<384x384xf32>
    %select_n3A_202 = arith.select %eq3A, %broadcast_in_dim3A_201, %slice3A_199 : vector<384x384xi1>, vector<384x384xf32>
    %reduce_min3A_203 = arith.constant dense<0x7F800000> : vector<384xf32>
    %reduce_min3A_204 = vector.multi_reduction <minimumf>, %select_n3A_202, %reduce_min3A_203 [1] : vector<384x384xf32> to vector<384xf32>
    %slice3A_205 = vector.extract_strided_slice %dot_general3A_198 {offsets = [0, 384], sizes = [384, 2176], strides = [1, 1]} : vector<384x2560xf32> to vector<384x2176xf32>
    %reduce_min3A_206 = arith.constant dense<0x7F800000> : vector<384xf32>
    %reduce_min3A_207 = vector.multi_reduction <minimumf>, %slice3A_205, %reduce_min3A_206 [1] : vector<384x2176xf32> to vector<384xf32>
    %min3A_208 = arith.minimumf %reduce_min3A_204, %reduce_min3A_207 : vector<384xf32>
    %slice3A_209 = vector.extract_strided_slice %concatenate3A_172 {offsets = [1536], sizes = [384], strides = [1]} : vector<3968xf32> to vector<384xf32>
    %min3A_210 = arith.minimumf %min3A_208, %slice3A_209 : vector<384xf32>
    %slice3A_211 = vector.extract_strided_slice %dot_general3A_198 {offsets = [0, 384], sizes = [384, 2048], strides = [1, 1]} : vector<384x2560xf32> to vector<384x2048xf32>
    %reduce_min3A_212 = arith.constant dense<0x7F800000> : vector<2048xf32>
    %reduce_min3A_213 = vector.multi_reduction <minimumf>, %slice3A_211, %reduce_min3A_212 [0] : vector<384x2048xf32> to vector<2048xf32>
    %slice3A_214 = vector.extract_strided_slice %concatenate3A_172 {offsets = [0], sizes = [1920], strides = [1]} : vector<3968xf32> to vector<1920xf32>
    %slice3A_215 = vector.extract_strided_slice %concatenate3A_172 {offsets = [1920], sizes = [2048], strides = [1]} : vector<3968xf32> to vector<2048xf32>
    %min3A_216 = arith.minimumf %slice3A_215, %reduce_min3A_213 : vector<2048xf32>
    %concatenate3A_217 = tpu.concatenate %slice3A_214, %min3A_216 in 0 : vector<1920xf32>, vector<2048xf32> -> vector<3968xf32>
    %slice3A_218 = vector.extract_strided_slice %dot_general3A_198 {offsets = [0, 2432], sizes = [384, 128], strides = [1, 1]} : vector<384x2560xf32> to vector<384x128xf32>
    %reduce_min3A_219 = arith.constant dense<0x7F800000> : vector<128xf32>
    %reduce_min3A_220 = vector.multi_reduction <minimumf>, %slice3A_218, %reduce_min3A_219 [0] : vector<384x128xf32> to vector<128xf32>
    %min3A_221 = arith.minimumf %min3A_176, %reduce_min3A_220 : vector<128xf32>
    %max3A_222 = arith.constant 0.000000e+00 : f32
    %max3A_223 = vector.broadcast %max3A_222 : f32 to vector<384xf32>
    %max3A_224 = arith.maximumf %min3A_210, %max3A_223 : vector<384xf32>
    %sqrt3A_225 = math.sqrt %max3A_224 : vector<384xf32>
    %add3A_226 = arith.constant 9.99999993E-9 : f32
    %add3A_227 = vector.broadcast %add3A_226 : f32 to vector<384xf32>
    %add3A_228 = arith.addf %sqrt3A_225, %add3A_227 : vector<384xf32>
    %log3A_229 = math.log %add3A_228 : vector<384xf32>
    %reduce_sum3A_230 = vector.shape_cast %log3A_229 : vector<384xf32> to vector<1x384xf32>
    %reduce_sum3A_231 = arith.constant dense<0.000000e+00> : vector<1xf32>
    %reduce_sum3A_232 = vector.multi_reduction <add>, %reduce_sum3A_230, %reduce_sum3A_231 [1] : vector<1x384xf32> to vector<1xf32>
    %reduce_sum3A_233 = vector.shape_cast %reduce_sum3A_232 : vector<1xf32> to vector<1x1xf32>
    %reduce_sum3A_234 = vector.extract %reduce_sum3A_233[0, 0] : f32 from vector<1x1xf32>
    %add3A_235 = arith.addf %add3A_190, %reduce_sum3A_234 : f32
    %get3A_236 = arith.constant 1920 : index
    %get3A_237 = arith.constant 0 : index
    %get3A_238 = vector.load %arg3[%get3A_236, %get3A_237] : memref<4096x18xf32, #tpu.memory_space<vmem>>, vector<384x18xf32>
    %get3A_239 = arith.constant 1920 : index
    %get3A_240 = arith.constant 0 : index
    %get3A_241 = vector.load %arg4[%get3A_239, %get3A_240] : memref<4096x18xf32, #tpu.memory_space<vmem>>, vector<2176x18xf32>
    %dot_general3A_242 = arith.constant dense<0.000000e+00> : vector<384x2176xf32>
    %dot_general3A_243 = tpu.matmul %get3A_238, %get3A_241, %dot_general3A_242 {dimension_numbers = #tpu.dot_dimension_numbers<[1], [1], [0], [0], [0, 0, 1, 0], [], []>, transpose_lhs_hint = false} : vector<384x18xf32>, vector<2176x18xf32>, vector<384x2176xf32> -> vector<384x2176xf32>
    %slice3A_244 = vector.extract_strided_slice %dot_general3A_243 {offsets = [0, 0], sizes = [384, 384], strides = [1, 1]} : vector<384x2176xf32> to vector<384x384xf32>
    %jit3A_245 = arith.constant 0x7F800000 : f32
    %broadcast_in_dim3A_246 = vector.broadcast %jit3A_245 : f32 to vector<384x384xf32>
    %select_n3A_247 = arith.select %eq3A, %broadcast_in_dim3A_246, %slice3A_244 : vector<384x384xi1>, vector<384x384xf32>
    %reduce_min3A_248 = arith.constant dense<0x7F800000> : vector<384xf32>
    %reduce_min3A_249 = vector.multi_reduction <minimumf>, %select_n3A_247, %reduce_min3A_248 [1] : vector<384x384xf32> to vector<384xf32>
    %slice3A_250 = vector.extract_strided_slice %dot_general3A_243 {offsets = [0, 384], sizes = [384, 1792], strides = [1, 1]} : vector<384x2176xf32> to vector<384x1792xf32>
    %reduce_min3A_251 = arith.constant dense<0x7F800000> : vector<384xf32>
    %reduce_min3A_252 = vector.multi_reduction <minimumf>, %slice3A_250, %reduce_min3A_251 [1] : vector<384x1792xf32> to vector<384xf32>
    %min3A_253 = arith.minimumf %reduce_min3A_249, %reduce_min3A_252 : vector<384xf32>
    %slice3A_254 = vector.extract_strided_slice %concatenate3A_217 {offsets = [1920], sizes = [384], strides = [1]} : vector<3968xf32> to vector<384xf32>
    %min3A_255 = arith.minimumf %min3A_253, %slice3A_254 : vector<384xf32>
    %slice3A_256 = vector.extract_strided_slice %dot_general3A_243 {offsets = [0, 384], sizes = [384, 1664], strides = [1, 1]} : vector<384x2176xf32> to vector<384x1664xf32>
    %reduce_min3A_257 = arith.constant dense<0x7F800000> : vector<1664xf32>
    %reduce_min3A_258 = vector.multi_reduction <minimumf>, %slice3A_256, %reduce_min3A_257 [0] : vector<384x1664xf32> to vector<1664xf32>
    %slice3A_259 = vector.extract_strided_slice %concatenate3A_217 {offsets = [0], sizes = [2304], strides = [1]} : vector<3968xf32> to vector<2304xf32>
    %slice3A_260 = vector.extract_strided_slice %concatenate3A_217 {offsets = [2304], sizes = [1664], strides = [1]} : vector<3968xf32> to vector<1664xf32>
    %min3A_261 = arith.minimumf %slice3A_260, %reduce_min3A_258 : vector<1664xf32>
    %concatenate3A_262 = tpu.concatenate %slice3A_259, %min3A_261 in 0 : vector<2304xf32>, vector<1664xf32> -> vector<3968xf32>
    %slice3A_263 = vector.extract_strided_slice %dot_general3A_243 {offsets = [0, 2048], sizes = [384, 128], strides = [1, 1]} : vector<384x2176xf32> to vector<384x128xf32>
    %reduce_min3A_264 = arith.constant dense<0x7F800000> : vector<128xf32>
    %reduce_min3A_265 = vector.multi_reduction <minimumf>, %slice3A_263, %reduce_min3A_264 [0] : vector<384x128xf32> to vector<128xf32>
    %min3A_266 = arith.minimumf %min3A_221, %reduce_min3A_265 : vector<128xf32>
    %max3A_267 = arith.constant 0.000000e+00 : f32
    %max3A_268 = vector.broadcast %max3A_267 : f32 to vector<384xf32>
    %max3A_269 = arith.maximumf %min3A_255, %max3A_268 : vector<384xf32>
    %sqrt3A_270 = math.sqrt %max3A_269 : vector<384xf32>
    %add3A_271 = arith.constant 9.99999993E-9 : f32
    %add3A_272 = vector.broadcast %add3A_271 : f32 to vector<384xf32>
    %add3A_273 = arith.addf %sqrt3A_270, %add3A_272 : vector<384xf32>
    %log3A_274 = math.log %add3A_273 : vector<384xf32>
    %reduce_sum3A_275 = vector.shape_cast %log3A_274 : vector<384xf32> to vector<1x384xf32>
    %reduce_sum3A_276 = arith.constant dense<0.000000e+00> : vector<1xf32>
    %reduce_sum3A_277 = vector.multi_reduction <add>, %reduce_sum3A_275, %reduce_sum3A_276 [1] : vector<1x384xf32> to vector<1xf32>
    %reduce_sum3A_278 = vector.shape_cast %reduce_sum3A_277 : vector<1xf32> to vector<1x1xf32>
    %reduce_sum3A_279 = vector.extract %reduce_sum3A_278[0, 0] : f32 from vector<1x1xf32>
    %add3A_280 = arith.addf %add3A_235, %reduce_sum3A_279 : f32
    %get3A_281 = arith.constant 2304 : index
    %get3A_282 = arith.constant 0 : index
    %get3A_283 = vector.load %arg3[%get3A_281, %get3A_282] : memref<4096x18xf32, #tpu.memory_space<vmem>>, vector<384x18xf32>
    %get3A_284 = arith.constant 2304 : index
    %get3A_285 = arith.constant 0 : index
    %get3A_286 = vector.load %arg4[%get3A_284, %get3A_285] : memref<4096x18xf32, #tpu.memory_space<vmem>>, vector<1792x18xf32>
    %dot_general3A_287 = arith.constant dense<0.000000e+00> : vector<384x1792xf32>
    %dot_general3A_288 = tpu.matmul %get3A_283, %get3A_286, %dot_general3A_287 {dimension_numbers = #tpu.dot_dimension_numbers<[1], [1], [0], [0], [0, 0, 1, 0], [], []>, transpose_lhs_hint = false} : vector<384x18xf32>, vector<1792x18xf32>, vector<384x1792xf32> -> vector<384x1792xf32>
    %slice3A_289 = vector.extract_strided_slice %dot_general3A_288 {offsets = [0, 0], sizes = [384, 384], strides = [1, 1]} : vector<384x1792xf32> to vector<384x384xf32>
    %jit3A_290 = arith.constant 0x7F800000 : f32
    %broadcast_in_dim3A_291 = vector.broadcast %jit3A_290 : f32 to vector<384x384xf32>
    %select_n3A_292 = arith.select %eq3A, %broadcast_in_dim3A_291, %slice3A_289 : vector<384x384xi1>, vector<384x384xf32>
    %reduce_min3A_293 = arith.constant dense<0x7F800000> : vector<384xf32>
    %reduce_min3A_294 = vector.multi_reduction <minimumf>, %select_n3A_292, %reduce_min3A_293 [1] : vector<384x384xf32> to vector<384xf32>
    %slice3A_295 = vector.extract_strided_slice %dot_general3A_288 {offsets = [0, 384], sizes = [384, 1408], strides = [1, 1]} : vector<384x1792xf32> to vector<384x1408xf32>
    %reduce_min3A_296 = arith.constant dense<0x7F800000> : vector<384xf32>
    %reduce_min3A_297 = vector.multi_reduction <minimumf>, %slice3A_295, %reduce_min3A_296 [1] : vector<384x1408xf32> to vector<384xf32>
    %min3A_298 = arith.minimumf %reduce_min3A_294, %reduce_min3A_297 : vector<384xf32>
    %slice3A_299 = vector.extract_strided_slice %concatenate3A_262 {offsets = [2304], sizes = [384], strides = [1]} : vector<3968xf32> to vector<384xf32>
    %min3A_300 = arith.minimumf %min3A_298, %slice3A_299 : vector<384xf32>
    %slice3A_301 = vector.extract_strided_slice %dot_general3A_288 {offsets = [0, 384], sizes = [384, 1280], strides = [1, 1]} : vector<384x1792xf32> to vector<384x1280xf32>
    %reduce_min3A_302 = arith.constant dense<0x7F800000> : vector<1280xf32>
    %reduce_min3A_303 = vector.multi_reduction <minimumf>, %slice3A_301, %reduce_min3A_302 [0] : vector<384x1280xf32> to vector<1280xf32>
    %slice3A_304 = vector.extract_strided_slice %concatenate3A_262 {offsets = [0], sizes = [2688], strides = [1]} : vector<3968xf32> to vector<2688xf32>
    %slice3A_305 = vector.extract_strided_slice %concatenate3A_262 {offsets = [2688], sizes = [1280], strides = [1]} : vector<3968xf32> to vector<1280xf32>
    %min3A_306 = arith.minimumf %slice3A_305, %reduce_min3A_303 : vector<1280xf32>
    %concatenate3A_307 = tpu.concatenate %slice3A_304, %min3A_306 in 0 : vector<2688xf32>, vector<1280xf32> -> vector<3968xf32>
    %slice3A_308 = vector.extract_strided_slice %dot_general3A_288 {offsets = [0, 1664], sizes = [384, 128], strides = [1, 1]} : vector<384x1792xf32> to vector<384x128xf32>
    %reduce_min3A_309 = arith.constant dense<0x7F800000> : vector<128xf32>
    %reduce_min3A_310 = vector.multi_reduction <minimumf>, %slice3A_308, %reduce_min3A_309 [0] : vector<384x128xf32> to vector<128xf32>
    %min3A_311 = arith.minimumf %min3A_266, %reduce_min3A_310 : vector<128xf32>
    %max3A_312 = arith.constant 0.000000e+00 : f32
    %max3A_313 = vector.broadcast %max3A_312 : f32 to vector<384xf32>
    %max3A_314 = arith.maximumf %min3A_300, %max3A_313 : vector<384xf32>
    %sqrt3A_315 = math.sqrt %max3A_314 : vector<384xf32>
    %add3A_316 = arith.constant 9.99999993E-9 : f32
    %add3A_317 = vector.broadcast %add3A_316 : f32 to vector<384xf32>
    %add3A_318 = arith.addf %sqrt3A_315, %add3A_317 : vector<384xf32>
    %log3A_319 = math.log %add3A_318 : vector<384xf32>
    %reduce_sum3A_320 = vector.shape_cast %log3A_319 : vector<384xf32> to vector<1x384xf32>
    %reduce_sum3A_321 = arith.constant dense<0.000000e+00> : vector<1xf32>
    %reduce_sum3A_322 = vector.multi_reduction <add>, %reduce_sum3A_320, %reduce_sum3A_321 [1] : vector<1x384xf32> to vector<1xf32>
    %reduce_sum3A_323 = vector.shape_cast %reduce_sum3A_322 : vector<1xf32> to vector<1x1xf32>
    %reduce_sum3A_324 = vector.extract %reduce_sum3A_323[0, 0] : f32 from vector<1x1xf32>
    %add3A_325 = arith.addf %add3A_280, %reduce_sum3A_324 : f32
    %get3A_326 = arith.constant 2688 : index
    %get3A_327 = arith.constant 0 : index
    %get3A_328 = vector.load %arg3[%get3A_326, %get3A_327] : memref<4096x18xf32, #tpu.memory_space<vmem>>, vector<384x18xf32>
    %get3A_329 = arith.constant 2688 : index
    %get3A_330 = arith.constant 0 : index
    %get3A_331 = vector.load %arg4[%get3A_329, %get3A_330] : memref<4096x18xf32, #tpu.memory_space<vmem>>, vector<1408x18xf32>
    %dot_general3A_332 = arith.constant dense<0.000000e+00> : vector<384x1408xf32>
    %dot_general3A_333 = tpu.matmul %get3A_328, %get3A_331, %dot_general3A_332 {dimension_numbers = #tpu.dot_dimension_numbers<[1], [1], [0], [0], [0, 0, 1, 0], [], []>, transpose_lhs_hint = false} : vector<384x18xf32>, vector<1408x18xf32>, vector<384x1408xf32> -> vector<384x1408xf32>
    %slice3A_334 = vector.extract_strided_slice %dot_general3A_333 {offsets = [0, 0], sizes = [384, 384], strides = [1, 1]} : vector<384x1408xf32> to vector<384x384xf32>
    %jit3A_335 = arith.constant 0x7F800000 : f32
    %broadcast_in_dim3A_336 = vector.broadcast %jit3A_335 : f32 to vector<384x384xf32>
    %select_n3A_337 = arith.select %eq3A, %broadcast_in_dim3A_336, %slice3A_334 : vector<384x384xi1>, vector<384x384xf32>
    %reduce_min3A_338 = arith.constant dense<0x7F800000> : vector<384xf32>
    %reduce_min3A_339 = vector.multi_reduction <minimumf>, %select_n3A_337, %reduce_min3A_338 [1] : vector<384x384xf32> to vector<384xf32>
    %slice3A_340 = vector.extract_strided_slice %dot_general3A_333 {offsets = [0, 384], sizes = [384, 1024], strides = [1, 1]} : vector<384x1408xf32> to vector<384x1024xf32>
    %reduce_min3A_341 = arith.constant dense<0x7F800000> : vector<384xf32>
    %reduce_min3A_342 = vector.multi_reduction <minimumf>, %slice3A_340, %reduce_min3A_341 [1] : vector<384x1024xf32> to vector<384xf32>
    %min3A_343 = arith.minimumf %reduce_min3A_339, %reduce_min3A_342 : vector<384xf32>
    %slice3A_344 = vector.extract_strided_slice %concatenate3A_307 {offsets = [2688], sizes = [384], strides = [1]} : vector<3968xf32> to vector<384xf32>
    %min3A_345 = arith.minimumf %min3A_343, %slice3A_344 : vector<384xf32>
    %slice3A_346 = vector.extract_strided_slice %dot_general3A_333 {offsets = [0, 384], sizes = [384, 896], strides = [1, 1]} : vector<384x1408xf32> to vector<384x896xf32>
    %reduce_min3A_347 = arith.constant dense<0x7F800000> : vector<896xf32>
    %reduce_min3A_348 = vector.multi_reduction <minimumf>, %slice3A_346, %reduce_min3A_347 [0] : vector<384x896xf32> to vector<896xf32>
    %slice3A_349 = vector.extract_strided_slice %concatenate3A_307 {offsets = [0], sizes = [3072], strides = [1]} : vector<3968xf32> to vector<3072xf32>
    %slice3A_350 = vector.extract_strided_slice %concatenate3A_307 {offsets = [3072], sizes = [896], strides = [1]} : vector<3968xf32> to vector<896xf32>
    %min3A_351 = arith.minimumf %slice3A_350, %reduce_min3A_348 : vector<896xf32>
    %concatenate3A_352 = tpu.concatenate %slice3A_349, %min3A_351 in 0 : vector<3072xf32>, vector<896xf32> -> vector<3968xf32>
    %slice3A_353 = vector.extract_strided_slice %dot_general3A_333 {offsets = [0, 1280], sizes = [384, 128], strides = [1, 1]} : vector<384x1408xf32> to vector<384x128xf32>
    %reduce_min3A_354 = arith.constant dense<0x7F800000> : vector<128xf32>
    %reduce_min3A_355 = vector.multi_reduction <minimumf>, %slice3A_353, %reduce_min3A_354 [0] : vector<384x128xf32> to vector<128xf32>
    %min3A_356 = arith.minimumf %min3A_311, %reduce_min3A_355 : vector<128xf32>
    %max3A_357 = arith.constant 0.000000e+00 : f32
    %max3A_358 = vector.broadcast %max3A_357 : f32 to vector<384xf32>
    %max3A_359 = arith.maximumf %min3A_345, %max3A_358 : vector<384xf32>
    %sqrt3A_360 = math.sqrt %max3A_359 : vector<384xf32>
    %add3A_361 = arith.constant 9.99999993E-9 : f32
    %add3A_362 = vector.broadcast %add3A_361 : f32 to vector<384xf32>
    %add3A_363 = arith.addf %sqrt3A_360, %add3A_362 : vector<384xf32>
    %log3A_364 = math.log %add3A_363 : vector<384xf32>
    %reduce_sum3A_365 = vector.shape_cast %log3A_364 : vector<384xf32> to vector<1x384xf32>
    %reduce_sum3A_366 = arith.constant dense<0.000000e+00> : vector<1xf32>
    %reduce_sum3A_367 = vector.multi_reduction <add>, %reduce_sum3A_365, %reduce_sum3A_366 [1] : vector<1x384xf32> to vector<1xf32>
    %reduce_sum3A_368 = vector.shape_cast %reduce_sum3A_367 : vector<1xf32> to vector<1x1xf32>
    %reduce_sum3A_369 = vector.extract %reduce_sum3A_368[0, 0] : f32 from vector<1x1xf32>
    %add3A_370 = arith.addf %add3A_325, %reduce_sum3A_369 : f32
    %get3A_371 = arith.constant 3072 : index
    %get3A_372 = arith.constant 0 : index
    %get3A_373 = vector.load %arg3[%get3A_371, %get3A_372] : memref<4096x18xf32, #tpu.memory_space<vmem>>, vector<384x18xf32>
    %get3A_374 = arith.constant 3072 : index
    %get3A_375 = arith.constant 0 : index
    %get3A_376 = vector.load %arg4[%get3A_374, %get3A_375] : memref<4096x18xf32, #tpu.memory_space<vmem>>, vector<1024x18xf32>
    %dot_general3A_377 = arith.constant dense<0.000000e+00> : vector<384x1024xf32>
    %dot_general3A_378 = tpu.matmul %get3A_373, %get3A_376, %dot_general3A_377 {dimension_numbers = #tpu.dot_dimension_numbers<[1], [1], [0], [0], [0, 0, 1, 0], [], []>, transpose_lhs_hint = false} : vector<384x18xf32>, vector<1024x18xf32>, vector<384x1024xf32> -> vector<384x1024xf32>
    %slice3A_379 = vector.extract_strided_slice %dot_general3A_378 {offsets = [0, 0], sizes = [384, 384], strides = [1, 1]} : vector<384x1024xf32> to vector<384x384xf32>
    %jit3A_380 = arith.constant 0x7F800000 : f32
    %broadcast_in_dim3A_381 = vector.broadcast %jit3A_380 : f32 to vector<384x384xf32>
    %select_n3A_382 = arith.select %eq3A, %broadcast_in_dim3A_381, %slice3A_379 : vector<384x384xi1>, vector<384x384xf32>
    %reduce_min3A_383 = arith.constant dense<0x7F800000> : vector<384xf32>
    %reduce_min3A_384 = vector.multi_reduction <minimumf>, %select_n3A_382, %reduce_min3A_383 [1] : vector<384x384xf32> to vector<384xf32>
    %slice3A_385 = vector.extract_strided_slice %dot_general3A_378 {offsets = [0, 384], sizes = [384, 640], strides = [1, 1]} : vector<384x1024xf32> to vector<384x640xf32>
    %reduce_min3A_386 = arith.constant dense<0x7F800000> : vector<384xf32>
    %reduce_min3A_387 = vector.multi_reduction <minimumf>, %slice3A_385, %reduce_min3A_386 [1] : vector<384x640xf32> to vector<384xf32>
    %min3A_388 = arith.minimumf %reduce_min3A_384, %reduce_min3A_387 : vector<384xf32>
    %slice3A_389 = vector.extract_strided_slice %concatenate3A_352 {offsets = [3072], sizes = [384], strides = [1]} : vector<3968xf32> to vector<384xf32>
    %min3A_390 = arith.minimumf %min3A_388, %slice3A_389 : vector<384xf32>
    %slice3A_391 = vector.extract_strided_slice %dot_general3A_378 {offsets = [0, 384], sizes = [384, 512], strides = [1, 1]} : vector<384x1024xf32> to vector<384x512xf32>
    %reduce_min3A_392 = arith.constant dense<0x7F800000> : vector<512xf32>
    %reduce_min3A_393 = vector.multi_reduction <minimumf>, %slice3A_391, %reduce_min3A_392 [0] : vector<384x512xf32> to vector<512xf32>
    %slice3A_394 = vector.extract_strided_slice %concatenate3A_352 {offsets = [0], sizes = [3456], strides = [1]} : vector<3968xf32> to vector<3456xf32>
    %slice3A_395 = vector.extract_strided_slice %concatenate3A_352 {offsets = [3456], sizes = [512], strides = [1]} : vector<3968xf32> to vector<512xf32>
    %min3A_396 = arith.minimumf %slice3A_395, %reduce_min3A_393 : vector<512xf32>
    %concatenate3A_397 = tpu.concatenate %slice3A_394, %min3A_396 in 0 : vector<3456xf32>, vector<512xf32> -> vector<3968xf32>
    %slice3A_398 = vector.extract_strided_slice %dot_general3A_378 {offsets = [0, 896], sizes = [384, 128], strides = [1, 1]} : vector<384x1024xf32> to vector<384x128xf32>
    %reduce_min3A_399 = arith.constant dense<0x7F800000> : vector<128xf32>
    %reduce_min3A_400 = vector.multi_reduction <minimumf>, %slice3A_398, %reduce_min3A_399 [0] : vector<384x128xf32> to vector<128xf32>
    %min3A_401 = arith.minimumf %min3A_356, %reduce_min3A_400 : vector<128xf32>
    %max3A_402 = arith.constant 0.000000e+00 : f32
    %max3A_403 = vector.broadcast %max3A_402 : f32 to vector<384xf32>
    %max3A_404 = arith.maximumf %min3A_390, %max3A_403 : vector<384xf32>
    %sqrt3A_405 = math.sqrt %max3A_404 : vector<384xf32>
    %add3A_406 = arith.constant 9.99999993E-9 : f32
    %add3A_407 = vector.broadcast %add3A_406 : f32 to vector<384xf32>
    %add3A_408 = arith.addf %sqrt3A_405, %add3A_407 : vector<384xf32>
    %log3A_409 = math.log %add3A_408 : vector<384xf32>
    %reduce_sum3A_410 = vector.shape_cast %log3A_409 : vector<384xf32> to vector<1x384xf32>
    %reduce_sum3A_411 = arith.constant dense<0.000000e+00> : vector<1xf32>
    %reduce_sum3A_412 = vector.multi_reduction <add>, %reduce_sum3A_410, %reduce_sum3A_411 [1] : vector<1x384xf32> to vector<1xf32>
    %reduce_sum3A_413 = vector.shape_cast %reduce_sum3A_412 : vector<1xf32> to vector<1x1xf32>
    %reduce_sum3A_414 = vector.extract %reduce_sum3A_413[0, 0] : f32 from vector<1x1xf32>
    %add3A_415 = arith.addf %add3A_370, %reduce_sum3A_414 : f32
    %get3A_416 = arith.constant 3456 : index
    %get3A_417 = arith.constant 0 : index
    %get3A_418 = vector.load %arg3[%get3A_416, %get3A_417] : memref<4096x18xf32, #tpu.memory_space<vmem>>, vector<384x18xf32>
    %get3A_419 = arith.constant 3456 : index
    %get3A_420 = arith.constant 0 : index
    %get3A_421 = vector.load %arg4[%get3A_419, %get3A_420] : memref<4096x18xf32, #tpu.memory_space<vmem>>, vector<640x18xf32>
    %dot_general3A_422 = arith.constant dense<0.000000e+00> : vector<384x640xf32>
    %dot_general3A_423 = tpu.matmul %get3A_418, %get3A_421, %dot_general3A_422 {dimension_numbers = #tpu.dot_dimension_numbers<[1], [1], [0], [0], [0, 0, 1, 0], [], []>, transpose_lhs_hint = false} : vector<384x18xf32>, vector<640x18xf32>, vector<384x640xf32> -> vector<384x640xf32>
    %slice3A_424 = vector.extract_strided_slice %dot_general3A_423 {offsets = [0, 0], sizes = [384, 384], strides = [1, 1]} : vector<384x640xf32> to vector<384x384xf32>
    %jit3A_425 = arith.constant 0x7F800000 : f32
    %broadcast_in_dim3A_426 = vector.broadcast %jit3A_425 : f32 to vector<384x384xf32>
    %select_n3A_427 = arith.select %eq3A, %broadcast_in_dim3A_426, %slice3A_424 : vector<384x384xi1>, vector<384x384xf32>
    %reduce_min3A_428 = arith.constant dense<0x7F800000> : vector<384xf32>
    %reduce_min3A_429 = vector.multi_reduction <minimumf>, %select_n3A_427, %reduce_min3A_428 [1] : vector<384x384xf32> to vector<384xf32>
    %slice3A_430 = vector.extract_strided_slice %dot_general3A_423 {offsets = [0, 384], sizes = [384, 256], strides = [1, 1]} : vector<384x640xf32> to vector<384x256xf32>
    %reduce_min3A_431 = arith.constant dense<0x7F800000> : vector<384xf32>
    %reduce_min3A_432 = vector.multi_reduction <minimumf>, %slice3A_430, %reduce_min3A_431 [1] : vector<384x256xf32> to vector<384xf32>
    %min3A_433 = arith.minimumf %reduce_min3A_429, %reduce_min3A_432 : vector<384xf32>
    %slice3A_434 = vector.extract_strided_slice %concatenate3A_397 {offsets = [3456], sizes = [384], strides = [1]} : vector<3968xf32> to vector<384xf32>
    %min3A_435 = arith.minimumf %min3A_433, %slice3A_434 : vector<384xf32>
    %slice3A_436 = vector.extract_strided_slice %dot_general3A_423 {offsets = [0, 384], sizes = [384, 128], strides = [1, 1]} : vector<384x640xf32> to vector<384x128xf32>
    %reduce_min3A_437 = arith.constant dense<0x7F800000> : vector<128xf32>
    %reduce_min3A_438 = vector.multi_reduction <minimumf>, %slice3A_436, %reduce_min3A_437 [0] : vector<384x128xf32> to vector<128xf32>
    %slice3A_439 = vector.extract_strided_slice %concatenate3A_397 {offsets = [0], sizes = [3840], strides = [1]} : vector<3968xf32> to vector<3840xf32>
    %slice3A_440 = vector.extract_strided_slice %concatenate3A_397 {offsets = [3840], sizes = [128], strides = [1]} : vector<3968xf32> to vector<128xf32>
    %min3A_441 = arith.minimumf %slice3A_440, %reduce_min3A_438 : vector<128xf32>
    %concatenate3A_442 = tpu.concatenate %slice3A_439, %min3A_441 in 0 : vector<3840xf32>, vector<128xf32> -> vector<3968xf32>
    %slice3A_443 = vector.extract_strided_slice %dot_general3A_423 {offsets = [0, 512], sizes = [384, 128], strides = [1, 1]} : vector<384x640xf32> to vector<384x128xf32>
    %reduce_min3A_444 = arith.constant dense<0x7F800000> : vector<128xf32>
    %reduce_min3A_445 = vector.multi_reduction <minimumf>, %slice3A_443, %reduce_min3A_444 [0] : vector<384x128xf32> to vector<128xf32>
    %min3A_446 = arith.minimumf %min3A_401, %reduce_min3A_445 : vector<128xf32>
    %max3A_447 = arith.constant 0.000000e+00 : f32
    %max3A_448 = vector.broadcast %max3A_447 : f32 to vector<384xf32>
    %max3A_449 = arith.maximumf %min3A_435, %max3A_448 : vector<384xf32>
    %sqrt3A_450 = math.sqrt %max3A_449 : vector<384xf32>
    %add3A_451 = arith.constant 9.99999993E-9 : f32
    %add3A_452 = vector.broadcast %add3A_451 : f32 to vector<384xf32>
    %add3A_453 = arith.addf %sqrt3A_450, %add3A_452 : vector<384xf32>
    %log3A_454 = math.log %add3A_453 : vector<384xf32>
    %reduce_sum3A_455 = vector.shape_cast %log3A_454 : vector<384xf32> to vector<1x384xf32>
    %reduce_sum3A_456 = arith.constant dense<0.000000e+00> : vector<1xf32>
    %reduce_sum3A_457 = vector.multi_reduction <add>, %reduce_sum3A_455, %reduce_sum3A_456 [1] : vector<1x384xf32> to vector<1xf32>
    %reduce_sum3A_458 = vector.shape_cast %reduce_sum3A_457 : vector<1xf32> to vector<1x1xf32>
    %reduce_sum3A_459 = vector.extract %reduce_sum3A_458[0, 0] : f32 from vector<1x1xf32>
    %add3A_460 = arith.addf %add3A_415, %reduce_sum3A_459 : f32
    %get3A_461 = arith.constant 3840 : index
    %get3A_462 = arith.constant 0 : index
    %get3A_463 = vector.load %arg3[%get3A_461, %get3A_462] : memref<4096x18xf32, #tpu.memory_space<vmem>>, vector<128x18xf32>
    %get3A_464 = arith.constant 3840 : index
    %get3A_465 = arith.constant 0 : index
    %get3A_466 = vector.load %arg4[%get3A_464, %get3A_465] : memref<4096x18xf32, #tpu.memory_space<vmem>>, vector<256x18xf32>
    %dot_general3A_467 = arith.constant dense<0.000000e+00> : vector<128x256xf32>
    %dot_general3A_468 = tpu.matmul %get3A_463, %get3A_466, %dot_general3A_467 {dimension_numbers = #tpu.dot_dimension_numbers<[1], [1], [0], [0], [0, 0, 1, 0], [], []>, transpose_lhs_hint = false} : vector<128x18xf32>, vector<256x18xf32>, vector<128x256xf32> -> vector<128x256xf32>
    %slice3A_469 = vector.extract_strided_slice %dot_general3A_468 {offsets = [0, 0], sizes = [128, 128], strides = [1, 1]} : vector<128x256xf32> to vector<128x128xf32>
    %jit3A_470 = arith.constant 0x7F800000 : f32
    %broadcast_in_dim3A_471 = vector.broadcast %jit3A_470 : f32 to vector<128x128xf32>
    %select_n3A_472 = arith.select %eq3A_17, %broadcast_in_dim3A_471, %slice3A_469 : vector<128x128xi1>, vector<128x128xf32>
    %reduce_min3A_473 = arith.constant dense<0x7F800000> : vector<128xf32>
    %reduce_min3A_474 = vector.multi_reduction <minimumf>, %select_n3A_472, %reduce_min3A_473 [1] : vector<128x128xf32> to vector<128xf32>
    %slice3A_475 = vector.extract_strided_slice %dot_general3A_468 {offsets = [0, 128], sizes = [128, 128], strides = [1, 1]} : vector<128x256xf32> to vector<128x128xf32>
    %reduce_min3A_476 = arith.constant dense<0x7F800000> : vector<128xf32>
    %reduce_min3A_477 = vector.multi_reduction <minimumf>, %slice3A_475, %reduce_min3A_476 [1] : vector<128x128xf32> to vector<128xf32>
    %min3A_478 = arith.minimumf %reduce_min3A_474, %reduce_min3A_477 : vector<128xf32>
    %slice3A_479 = vector.extract_strided_slice %concatenate3A_442 {offsets = [3840], sizes = [128], strides = [1]} : vector<3968xf32> to vector<128xf32>
    %min3A_480 = arith.minimumf %min3A_478, %slice3A_479 : vector<128xf32>
    %slice3A_481 = vector.extract_strided_slice %dot_general3A_468 {offsets = [0, 128], sizes = [128, 128], strides = [1, 1]} : vector<128x256xf32> to vector<128x128xf32>
    %reduce_min3A_482 = arith.constant dense<0x7F800000> : vector<128xf32>
    %reduce_min3A_483 = vector.multi_reduction <minimumf>, %slice3A_481, %reduce_min3A_482 [0] : vector<128x128xf32> to vector<128xf32>
    %min3A_484 = arith.minimumf %min3A_446, %reduce_min3A_483 : vector<128xf32>
    %max3A_485 = arith.constant 0.000000e+00 : f32
    %max3A_486 = vector.broadcast %max3A_485 : f32 to vector<128xf32>
    %max3A_487 = arith.maximumf %min3A_480, %max3A_486 : vector<128xf32>
    %sqrt3A_488 = math.sqrt %max3A_487 : vector<128xf32>
    %add3A_489 = arith.constant 9.99999993E-9 : f32
    %add3A_490 = vector.broadcast %add3A_489 : f32 to vector<128xf32>
    %add3A_491 = arith.addf %sqrt3A_488, %add3A_490 : vector<128xf32>
    %log3A_492 = math.log %add3A_491 : vector<128xf32>
    %reduce_sum3A_493 = vector.shape_cast %log3A_492 : vector<128xf32> to vector<1x128xf32>
    %reduce_sum3A_494 = arith.constant dense<0.000000e+00> : vector<1xf32>
    %reduce_sum3A_495 = vector.multi_reduction <add>, %reduce_sum3A_493, %reduce_sum3A_494 [1] : vector<1x128xf32> to vector<1xf32>
    %reduce_sum3A_496 = vector.shape_cast %reduce_sum3A_495 : vector<1xf32> to vector<1x1xf32>
    %reduce_sum3A_497 = vector.extract %reduce_sum3A_496[0, 0] : f32 from vector<1x1xf32>
    %add3A_498 = arith.addf %add3A_460, %reduce_sum3A_497 : f32
    %swap3A_499 = arith.constant 0 : index
    %swap3A_500 = arith.constant 0 : index
    %swap3A_501 = memref.load %arg1[%swap3A_499, %swap3A_500] : memref<1x1xf32, #tpu.memory_space<smem>>
    memref.store %add3A_498, %arg1[%swap3A_499, %swap3A_500] : memref<1x1xf32, #tpu.memory_space<smem>>
    %swap3A_502 = arith.constant 0 : index
    %swap3A_503 = vector.load %arg2[%swap3A_502] : memref<128xf32, #tpu.memory_space<vmem>>, vector<128xf32>
    tpu.vector_store %arg2[%swap3A_502], %min3A_484 {strides = array<i32>} : memref<128xf32, #tpu.memory_space<vmem>>, vector<128xf32>,
    return
  }
}

</mosaic_0001>

<sc_bundles>
// kernel: kernel.5.cloned.1.call-start
scs
__scs_entry_jumppad:
0x0: {  	(pc) =	sbr.rel $0x88, $3  }
0x1: {  	(tag) =	ssettag $0x0;
	lr =	simm.s32 $0x1  }
0x2: {  	[smem:$0x3FA0] =	sst lr;
	_ =	strace $0xD0000000  }
0x3: {  	_ = 	snop  }
0x4: {  	_ = 	snop  }
0x5: {  	_ = 	snop  }
0x6: {  	_ = 	snop  }
0x7: {  	_ = 	snop  }
__scs_overlays_trampoline_lowered:
0x8: {  	[smem:$0x3FAF] =	sst s0  }
0x9: {  	[smem:$0x3FB0] =	sst s1  }
0xa: {  	[smem:$0x3FB1] =	sst s2  }
0xb: {  	[smem:$0x3FB2] =	sst s3  }
0xc: {  	[smem:$0x3FB3] =	sst s4  }
0xd: {  	[smem:$0x3FB4] =	sst s5  }
0xe: {  	[smem:$0x3FB5] =	sst s6  }
0xf: {  	[smem:$0x3FB6] =	sst s7  }
0x10: {  	[smem:$0x3FB7] =	sst s8  }
0x11: {  	[smem:$0x3FB8] =	sst s9;
	s0 =	simm.s32 @!p0 $0x0  }
0x12: {  	s1 =	sld [smem:$0x3F9E];
	s0 =	simm.s32 @p0 $0x1  }
0x13: {  	[smem:$0x3FB9] =	sst s0;
	s0 =	simm.s32 @!p1 $0x0  }
0x14: {  	s2 =	sld [smem:$0x3F9D];
	s0 =	simm.s32 @p1 $0x1  }
0x15: {  	[smem:$0x3FBA] =	sst s0;
	s0 =	simm.s32 @!p2 $0x0  }
0x16: {  	s3 =	sld [smem:$0x3FDB];
	s0 =	simm.s32 @p2 $0x1  }
0x17: {  	s4 =	simm.s32 $0x1BF5;
	[smem:$0x3FBC] =	sst s0  }
0x18: {  	s0 =	sld [smem:$0x3F9F];
	_ =	swait.ge [sflag:s4], $0x0  }
0x19: {  	s7 =	sld [smem:$0x3FA0]  }
0x1a: {  	s8 =	sadd.s32 $0xFFFFE003, lr  }
0x1b: {  	s9 =	sadd.s32 $0xFFFFFEF7, lr;
	s5 =	simm.s32 $0xFFFFFFFF;
	p2 =	slt.u32 s8, $0xFFFFF086  }
0x1c: {  	p1 =	slt.u32 s9, $0xF7A;
	s5 =	simm.s32 @!p2 $0x0  }
0x1d: {  	s5 =	simm.s32 @p1 $0x1;
	p0 =	seq.s32 s7, s2  }
0x1e: {  	s7 =	smul.u32 @!p0 $0xF7A, s2;
	p2 =	seq.s32 @!p0 s5, $0x0  }
0x1f: {  	s9 =	smul.u32 $0xF7A, s1;
	s8 =	simm.s32 @!p0 $0x1BF5;
	p2 =	por !p2, p0  }
0x20: {  	[sflag:s8] =	ssyncset.s32 @!p0 $0xFFFFF086;
	s6 =	sadd.s32 @!p0 s3, s7;
	s7 =	simm.s32 @!p0 $0x108  }
0x21: {  	s3 =	sadd.s32 s3, s9;
	s6 =	sadd.s32 @!p0 $0x88, s6;
	s7 =	simm.s32 @p2 $0x1082  }
0x22: {  	[simem:s7], [sflag:s8] =	dma.local @!p0 [hbm:s6], $0xF7A  }
0x23: {  	s9 =	sor.u32 $0xD0000000, s2;
	s6 =	simm.s32 $0x108;
	_ =	swait.ge @!p0 [sflag:s8], $0x0  }
0x24: {  	s3 =	sadd.s32 $0x88, s3;
	s6 =	simm.s32 @!p1 $0x1082;
	[sflag:s4] =	ssyncset.s32 $0xFFFFF086  }
0x25: {  	[simem:s6], [sflag:s4] =	dma.local [hbm:s3], $0xF7A  }
0x26: {  	[smem:$0x3FA0] =	sst s1;
	(tag) =	ssettag s2;
	_ =	strace s9  }
0x27: {  	s1 =	sld [smem:$0x3FB0]  }
0x28: {  	s2 =	sld [smem:$0x3FB1]  }
0x29: {  	s4 =	sld [smem:$0x3FB3]  }
0x2a: {  	p0 =	seq.s32 s5, $0x0;
	s5 =	sld [smem:$0x3FB4]  }
0x2b: {  	s6 =	sld [smem:$0x3FB5]  }
0x2c: {  	s7 =	sld [smem:$0x3FB6]  }
0x2d: {  	s3 =	simm.s32 $0x108;
	s8 =	sld [smem:$0x3FB7]  }
0x2e: {  	s3 =	simm.s32 @!p0 $0x1082;
	s9 =	sld [smem:$0x3FB8]  }
0x2f: {  	lr =	sadd.s32 s0, s3;
	s0 =	sld [smem:$0x3FAF]  }
0x30: {  	s3 =	sld [smem:$0x3FB2]  }
0x31: {  	[smem:$0x3FBB] =	sst s10  }
0x32: {  	s10 =	sld [smem:$0x3FB9];
	_ =	sdelay $0x3  }
0x33: {  	p0 =	seq.s32 s10, $0x1;
	s10 =	sld [smem:$0x3FBB];
	_ =	sdelay $0x3  }
0x34: {  	[smem:$0x3FBB] =	sst s10  }
0x35: {  	s10 =	sld [smem:$0x3FBA];
	_ =	sdelay $0x3  }
0x36: {  	p1 =	seq.s32 s10, $0x1;
	s10 =	sld [smem:$0x3FBB];
	_ =	sdelay $0x3  }
0x37: {  	[smem:$0x3FBB] =	sst s10  }
0x38: {  	s10 =	sld [smem:$0x3FBC]  }
0x39: {  	_ = 	snop;
	(pc) =	sbr.ind lr, $3  }
0x3a: {  	_ = 	snop  }
0x3b: {  	_ = 	snop  }
0x3c: {  	p2 =	seq.s32 s10, $0x1;
	s10 =	sld [smem:$0x3FBB]  }
0x3d: {  	_ =	shalt  }
0x3e: {  	_ =	shalt  }
0x3f: {  	_ =	shalt  }
0x40: {  	_ =	shalt  }
0x41: {  	_ =	shalt  }
0x42: {  	_ =	shalt  }
0x43: {  	_ =	shalt  }
0x44: {  	_ =	shalt  }
0x45: {  	_ =	shalt  }
0x46: {  	_ =	shalt  }
0x47: {  	_ =	shalt  }
0x48: {  	_ =	shalt  }
0x49: {  	_ =	shalt  }
0x4a: {  	_ =	shalt  }
0x4b: {  	_ =	shalt  }
0x4c: {  	_ =	shalt  }
0x4d: {  	_ =	shalt  }
0x4e: {  	_ =	shalt  }
0x4f: {  	_ =	shalt  }
0x50: {  	_ =	shalt  }
0x51: {  	_ =	shalt  }
0x52: {  	_ =	shalt  }
0x53: {  	_ =	shalt  }
0x54: {  	_ =	shalt  }
0x55: {  	_ =	shalt  }
0x56: {  	_ =	shalt  }
0x57: {  	_ =	shalt  }
0x58: {  	_ =	shalt  }
0x59: {  	_ =	shalt  }
0x5a: {  	_ =	shalt  }
0x5b: {  	_ =	shalt  }
0x5c: {  	_ =	shalt  }
0x5d: {  	_ =	shalt  }
0x5e: {  	_ =	shalt  }
0x5f: {  	_ =	shalt  }
0x60: {  	_ =	shalt  }
0x61: {  	_ =	shalt  }
0x62: {  	_ =	shalt  }
0x63: {  	_ =	shalt  }
0x64: {  	_ =	shalt  }
0x65: {  	_ =	shalt  }
0x66: {  	_ =	shalt  }
0x67: {  	_ =	shalt  }
0x68: {  	_ =	shalt  }
0x69: {  	_ =	shalt  }
0x6a: {  	_ =	shalt  }
0x6b: {  	_ =	shalt  }
0x6c: {  	_ =	shalt  }
0x6d: {  	_ =	shalt  }
0x6e: {  	_ =	shalt  }
0x6f: {  	_ =	shalt  }
0x70: {  	_ =	shalt  }
0x71: {  	_ =	shalt  }
0x72: {  	_ =	shalt  }
0x73: {  	_ =	shalt  }
0x74: {  	_ =	shalt  }
0x75: {  	_ =	shalt  }
0x76: {  	_ =	shalt  }
0x77: {  	_ =	shalt  }
0x78: {  	_ =	shalt  }
0x79: {  	_ =	shalt  }
0x7a: {  	_ =	shalt  }
0x7b: {  	_ =	shalt  }
0x7c: {  	_ =	shalt  }
0x7d: {  	_ =	shalt  }
0x7e: {  	_ =	shalt  }
0x7f: {  	_ =	shalt  }
0x80: {  	_ =	shalt  }
0x81: {  	_ =	shalt  }
0x82: {  	_ =	shalt  }
0x83: {  	_ =	shalt  }
0x84: {  	_ =	shalt  }
0x85: {  	_ =	shalt  }
0x86: {  	_ =	shalt  }
0x87: {  	_ =	shalt  }
.Lfunc_end0:
.L_simem_size_0:
called_computation_lowered:
.L_overlay_start_0:
0x88: {  	s2 =	sld [smem:$0x3FD9]  }
0x89: {  	s3 =	sld [smem:$0x3FFE];
	_ =	sdelay $0x1  }
0x8a: {  	s1 =	srdreg.scid  }
0x8b: {  	s0 =	sand.u32 $0x1, s1  }
0x8c: {  	s16 =	sshll.u32 s0, $0xA;
	s2 =	sadd.s32 s3, s2  }
0x8d: {  	s2 =	sadd.s32 s2, s16  }
0x8e: {  	[smem:$0x3FC7] =	sst s2  }
0x8f: {  	_ = 	snop  }
0x90: {  	(tm) =	ssettm $0x1  }
0x91: {  	s17 =	sld [smem:$0x3FFB];
	_ =	sdelay $0x3  }
0x92: {  	_ =	strace s17  }
0x93: {  	s2 =	sld [smem:$0x3FFC];
	_ =	sdelay $0x3  }
0x94: {  	_ =	strace s2  }
0x95: {  	s2 =	sld [smem:$0x3FFD];
	_ =	sdelay $0x3  }
0x96: {  	_ =	strace s2  }
0x97: {  	_ =	strace $0x8FFFFFFF  }
0x98: {  	s18 =	sld [smem:$0x3FDB];
	_ =	sdelay $0x1  }
0x99: {  	s19 =	simm.s32 $_scs_section_size  }
0x9a: {  	s4 =	simm.s32 $_size__tile_overlayer_lowered;
	s5 =	simm.s32 $_tile_overlayer_lowered  }
0x9b: {  	s22 =	simm.s32 $0x1BFF;
	s21 =	sshll.u32 s5, $0x1;
	s2 =	sadd.s32 s19, s18  }
0x9c: {  	s6 =	simm.s32 $0x0;
	s20 =	sshll.u32 s4, $0x1;
	s4 =	sadd.s32 s21, s2  }
0x9d: {  	[timem:s6], [sflag:s22] =	dma.local [hbm:s4], s20  }
0x9e: {  	_ =	swait.ge [sflag:s22], s20  }
0x9f: {  	s3 =	ssub.s32 $0x0, s20;
	[sflag:s22] =	ssyncset.done $0x0  }
0xa0: {  	[sflag:s22] =	ssyncadd.s32 s3;
	_ =	sdelay $0x1  }
0xa1: {  	s23 =	simm.s32 $0x1B8B  }
0xa2: {  	_ =	swait.ge [sflag:s23], $0x1  }
0xa3: {  	[sflag:s23] =	ssyncset.done $0x0  }
0xa4: {  	s25 =	simm.s32 $0x1B8E;
	s24 =	sld [smem:$0x3FFE];
	[sflag:s23] =	ssyncadd.s32 $0xFFFFFFFF  }
0xa5: {  	s26 =	simm.s32 $execute0_lowered;
	[smem:$0x3FD2] =	sst s25  }
0xa6: {  	s4 =	sshll.u32 s26, $0x1;
	_ =	strace $0x80000046;
	[dreg:$0x1] =	wrdreg $0xFFFFFFFF  }
0xa7: {  	s28 =	simm.s32 $_size_execute0_lowered;
	s2 =	sadd.s32 s2, s4;
	[dreg:$0x0] =	wrdreg $0x0  }
0xa8: {  	s4 =	sshll.u32 s28, $0x1;
	[dreg:$0x2] =	wrdreg s2  }
0xa9: {  	[dreg:$0x3] =	wrdreg s4  }
0xaa: {  	[dreg:$0x4] =	wrdreg $0xC0  }
0xab: {  	_ =	task [dreg:s6], $0x5FFFF  }
0xac: {  	[dreg:$0x1] =	wrdreg $0xFFFFFFFF  }
0xad: {  	[dreg:$0x0] =	wrdreg $0x60  }
0xae: {  	[dreg:$0x2] =	wrdreg s24  }
0xaf: {  	[dreg:$0x3] =	wrdreg $0x9  }
0xb0: {  	_ =	task.clear_ibuf [dreg:s6], $0x4FFFF;
	_ =	strace $0x90000046  }
0xb1: {  	s29 =	simm.s32 $0x9;
	_ =	strace $0x80000048  }
0xb2: {  	_ =	swait.ge [sflag:s29], $0x1  }
0xb3: {  	[sflag:s29] =	ssyncadd.s32 $0xFFFFFFFF  }
0xb4: {  	_ =	strace $0x90000048  }
0xb5: {  	_ =	sfence  }
0xb6: {  	s30 =	sld [smem:$0x0];
	_ =	sdelay $0x2  }
0xb7: {  	s31 =	sshll.u32 s1, $0xD;
	s1 =	sshrl.u32 s1, $0x2  }
0xb8: {  	s3 =	sand.u32 $0x4000, s31;
	s1 =	sadd.s32 s1, s30  }
0xb9: {  	s0 =	sor.u32 s3, s0;
	s1 =	sshll.u32 s1, $0x11  }
0xba: {  	s0 =	sor.u32 s1, s0  }
0xbb: {  	s0 =	sadd.s32 $0x8F2B, s0  }
0xbc: {  	[sflag:s0] =	ssyncadd.remote.s32 $0x1  }
0xbd: {  	_ =	sfence.sel $0xFFFF  }
0xbe: {  	[dreg:$0x0] =	wrdreg $0xFFFFFFFF;
	(pc) =	sbr.abs _section_cstart, $3  }
0xbf: {  	[dreg:$0x1] =	wrdreg $0xFFFFFFFF  }
0xc0: {  	_ =	task.clear_ibuf [dreg:s6], $0x2FFFF;
	_ =	strace $0x9FFFFFFF  }
0xc1: {  	(tm) =	ssettm $0x7FFFFFFF  }
tec
execute0_lowered:
.L_overlay_start_1:
0x0: {  	(tag) =	ssettag $0x1  }
0x1: {  	s1 =	srdreg.scid  }
0x2: {  	s0 =	stileid.u32;
	s6 =	sand.u32 $0x1, s1  }
0x3: {  	s1 =	sor.u32 s6, s0  }
0x4: {  	p1 =	seq.s32 s6, $0x1;
	p0 =	seq.s32 s1, $0x0  }
0x5: {  	p0 =	por !p0, !p1  }
0x6: {  	s1 =	simm.s32 $0x1;
	p0 =	por !p0, !p0  }
0x7: {  	v0 =	vlaneseq.u32;
	s1 =	simm.s32 @!p0 $0x0  }
0x8: {  	v12 =	vimm.s32 $0x0;
	v48 =	vimm.s32 $0x0;
	v49 =	vimm.s32 $0x0;
	s4 =	ssub.s32 s0, s1  }
0x9: {  	v50 =	vimm.s32 $0x0;
	v51 =	vimm.s32 $0x0;
	v52 =	vimm.s32 $0x0;
	s1 =	sshll.u32 s6, $0x6;
	s2 =	sshll.u32 s4, $0x3  }
0xa: {  	v53 =	vimm.s32 $0x0;
	v54 =	vimm.s32 $0x0;
	v55 =	vimm.s32 $0x0;
	s3 =	sor.u32 $0xF80, s1;
	s22 =	sor.u32 $0xF90, s1;
	s23 =	sor.u32 $0xFA0, s1  }
0xb: {  	v56 =	vimm.s32 $0x0;
	v57 =	vimm.s32 $0x0;
	v58 =	vimm.s32 $0x0;
	s8 =	sor.u32 $0xFB0, s1;
	s7 =	sadd.s32 $0xF80, s2;
	s5 =	sadd.s32 $0xF81, s2  }
0xc: {  	v59 =	vimm.s32 $0x0;
	v60 =	vimm.s32 $0x0;
	v61 =	vimm.s32 $0x0;
	s24 =	sadd.s32 $0xF82, s2;
	s25 =	sadd.s32 $0xF83, s2;
	s26 =	sadd.s32 $0xF84, s2  }
0xd: {  	v62 =	vimm.s32 $0x0;
	v1 =	vor.u32 s3, v0;
	v4 =	vor.u32 s22, v0;
	s28 =	sadd.s32 $0xF85, s2;
	s29 =	sadd.s32 $0xF86, s2;
	s2 =	sadd.s32 $0xF87, s2  }
0xe: {  	v5 =	vor.u32 s23, v0;
	v0 =	vor.u32 s8, v0;
	v11 =	vmov s2  }
0xf: {  	v63 =	vimm.s32 $0x0;
	v10 =	vmov s29;
	vm0 =	veq.s32 v0, v11  }
0x10: {  	v2 =	vmov s7;
	v12 =	vsel vm0, $0xFFFFFFFF, v12;
	vm0 =	veq.s32 v0, v10  }
0x11: {  	v3 =	vmov s5;
	[tilespmem:$0x1FEF0] =	vst v12;
	v12 =	vsel vm0, $0xFFFFFFFF, v48;
	vm0 =	veq.s32 v5, v11  }
0x12: {  	v6 =	vmov s24;
	[tilespmem:$0x1FF00] =	vst v12;
	v12 =	vsel vm0, $0xFFFFFFFF, v49;
	vm0 =	veq.s32 v5, v10  }
0x13: {  	v7 =	vmov s25;
	[tilespmem:$0x1FF10] =	vst v12;
	v12 =	vsel vm0, $0xFFFFFFFF, v50;
	vm0 =	veq.s32 v4, v11  }
0x14: {  	v8 =	vmov s26;
	[tilespmem:$0x1FF20] =	vst v12;
	v12 =	vsel vm0, $0xFFFFFFFF, v51;
	vm0 =	veq.s32 v4, v10  }
0x15: {  	v9 =	vmov s28;
	[tilespmem:$0x1FF30] =	vst v12;
	v12 =	vsel vm0, $0xFFFFFFFF, v52;
	vm0 =	veq.s32 v1, v11  }
0x16: {  	vm1 =	veq.s32 v5, v7;
	[tilespmem:$0x1FF40] =	vst v12;
	v11 =	vsel vm0, $0xFFFFFFFF, v53;
	vm0 =	veq.s32 v1, v10  }
0x17: {  	vm2 =	veq.s32 v4, v7;
	[tilespmem:$0x1FF50] =	vst v11;
	v10 =	vsel vm0, $0xFFFFFFFF, v54;
	vm0 =	veq.s32 v0, v9  }
0x18: {  	vm3 =	veq.s32 v1, v7;
	[tilespmem:$0x1FF60] =	vst v10;
	v10 =	vsel vm0, $0xFFFFFFFF, v55;
	vm0 =	veq.s32 v0, v8  }
0x19: {  	vm4 =	veq.s32 v0, v6;
	[tilespmem:$0x1FF70] =	vst v10;
	v10 =	vsel vm0, $0xFFFFFFFF, v56;
	vm0 =	veq.s32 v5, v9  }
0x1a: {  	s30 =	rddreg [dreg:$0x0];
	vm5 =	veq.s32 v5, v6;
	[tilespmem:$0x1FF80] =	vst v10;
	v10 =	vsel vm0, $0xFFFFFFFF, v57;
	vm0 =	veq.s32 v5, v8  }
0x1b: {  	s9 =	sshll.u32 s6, $0xE;
	s6 =	ssub.s32 $0x2, s6;
	s10 =	sshll.u32 s4, $0xA;
	vm6 =	veq.s32 v4, v6;
	[tilespmem:$0x1FF90] =	vst v10;
	v10 =	vsel vm0, $0xFFFFFFFF, v58;
	vm0 =	veq.s32 v4, v9  }
0x1c: {  	s4 =	sadd.s32 $0xA00, s30;
	s31 =	sshrl.u32 s6, $0x1;
	s3 =	simm.s32 $0x0;
	vm7 =	veq.s32 v1, v6;
	[tilespmem:$0x1FFA0] =	vst v10;
	v10 =	vsel vm0, $0xFFFFFFFF, v59;
	vm0 =	veq.s32 v4, v8  }
0x1d: {  	s9 =	sadd.s32 s9, s10;
	s10 =	simm.s32 $0xC00;
	s2 =	rddreg [dreg:$0x1];
	vm8 =	veq.s32 v0, v3;
	[tilespmem:$0x1FFB0] =	vst v10;
	v10 =	vsel vm0, $0xFFFFFFFF, v60;
	vm0 =	veq.s32 v1, v9  }
0x1e: {  	[smem:$0x7FF] =	sst s3;
	s7 =	sshll.u32 s7, $0x4;
	s9 =	sshrl.u32 s9, $0x3;
	vm9 =	veq.s32 v0, v2;
	[tilespmem:$0x1FFC0] =	vst v10;
	v9 =	vsel vm0, $0xFFFFFFFF, v61;
	vm0 =	veq.s32 v1, v8  }
0x1f: {  	s5 =	simm.s32 $0x1;
	s7 =	sadd.s32 s7, s30;
	s8 =	sadd.s32 s9, s30;
	vm10 =	veq.s32 v5, v3;
	[tilespmem:$0x1FFD0] =	vst v9;
	v8 =	vsel vm0, $0xFFFFFFFF, v62;
	vm0 =	veq.s32 v0, v7  }
0x20: {  	s9 =	ssub.s32 s6, s31;
	vm11 =	veq.s32 v5, v2;
	vm12 =	veq.s32 v4, v3;
	s6 =	sadd.s32 $0xC00, s7;
	s7 =	sadd.s32 $0x10C00, s8;
	[tilespmem:$0x1FFE0] =	vst v8;
	v8 =	vsel vm0, $0xFFFFFFFF, v63  }
0x21: {  	vm13 =	veq.s32 v4, v2;
	vm14 =	veq.s32 v1, v3;
	vm15 =	veq.s32 v1, v2;
	s8 =	smax.u32 s9, $0x1;
	s9 =	simm.s32 $0x800;
	_ =	strace $0x80000047;
	[tilespmem:$0x1FFF0] =	vst v8  }
.LBB2_1:
0x22: {  	[tilespmem:s3], [sflag:$0x1] =	stream.linear.gather [hbm4b:s4+s3], $0x800, $0x38;
	[tilespmem:$0x1000] =	vst v63  }
0x23: {  	_ =	swait.ge [sflag:s5], $0x800  }
0x24: {  	[sflag:s5] =	ssyncset.done $0x0  }
0x25: {  	[sflag:s5] =	ssyncadd.s32 $0xFFFFF800  }
0x26: {  	[tilespmem:s9], [sflag:$0x1] =	stream.linear.gather [hbm4b:s6+s3], $0x400, $0x38;
	[tilespmem:$0x1000] =	vst v63  }
0x27: {  	_ =	swait.ge [sflag:s5], $0x400  }
0x28: {  	[sflag:s5] =	ssyncset.done $0x0  }
0x29: {  	[sflag:s5] =	ssyncadd.s32 $0xFFFFFC00  }
0x2a: {  	v19 =	vld [tilespmem:s1+$0x0]  }
0x2b: {  	v20 =	vld [tilespmem:s1+$0x80]  }
0x2c: {  	v22 =	vld [tilespmem:s1+$0x100]  }
0x2d: {  	v46 =	vld [tilespmem:s1+$0x180]  }
0x2e: {  	v24 =	vld [tilespmem:s1+$0x200]  }
0x2f: {  	v23 =	vld [tilespmem:s1+$0x280]  }
0x30: {  	v25 =	vld [tilespmem:s1+$0x300]  }
0x31: {  	v45 =	vld [tilespmem:s1+$0x380]  }
0x32: {  	v28 =	vld [tilespmem:s1+$0x400]  }
0x33: {  	v32 =	vld [tilespmem:s1+$0x480]  }
0x34: {  	v42 =	vld [tilespmem:s1+$0x500]  }
0x35: {  	v44 =	vld [tilespmem:s1+$0x580]  }
0x36: {  	v27 =	vld [tilespmem:s1+$0x600]  }
0x37: {  	v29 =	vld [tilespmem:s1+$0x680]  }
0x38: {  	v41 =	vld [tilespmem:s1+$0x700]  }
0x39: {  	v43 =	vld [tilespmem:s1+$0x780]  }
0x3a: {  	v60 =	vld [tilespmem:s1+$0x10]  }
0x3b: {  	v61 =	vld [tilespmem:s1+$0x90]  }
0x3c: {  	v0 =	vld [tilespmem:s1+$0x110]  }
0x3d: {  	v35 =	vld [tilespmem:s1+$0x190]  }
0x3e: {  	v63 =	vld [tilespmem:s1+$0x210]  }
0x3f: {  	v59 =	vld [tilespmem:s1+$0x290]  }
0x40: {  	v12 =	vld [tilespmem:s1+$0x310]  }
0x41: {  	v38 =	vld [tilespmem:s1+$0x390]  }
0x42: {  	v13 =	vld [tilespmem:s1+$0x410]  }
0x43: {  	v14 =	vld [tilespmem:s1+$0x490];
	v1 =	vmul.f32 v19, v19  }
0x44: {  	v9 =	vld [tilespmem:s1+$0x510];
	v2 =	vmul.f32 v20, v20;
	v34 =	vmul.f32 v22, v22  }
0x45: {  	v39 =	vld [tilespmem:s1+$0x590];
	v3 =	vmul.f32 v24, v24;
	v4 =	vmul.f32 v23, v23  }
0x46: {  	v16 =	vld [tilespmem:s1+$0x610];
	v36 =	vmul.f32 v28, v28;
	v5 =	vmul.f32 v32, v32  }
0x47: {  	v57 =	vld [tilespmem:s1+$0x690];
	v37 =	vmul.f32 v27, v27;
	v6 =	vmul.f32 v29, v29  }
0x48: {  	v18 =	vld [tilespmem:s1+$0x710];
	v7 =	vmul.f32 v25, v25;
	v40 =	vmul.f32 v42, v42  }
0x49: {  	v17 =	vld [tilespmem:s1+$0x790];
	v8 =	vmul.f32 v46, v46;
	v47 =	vmul.f32 v41, v41  }
0x4a: {  	v21 =	vld [tilespmem:s1+$0x20];
	v48 =	vmul.f32 v45, v45;
	v49 =	vmul.f32 v44, v44  }
0x4b: {  	v26 =	vld [tilespmem:s1+$0xA0];
	v50 =	vmul.f32 v43, v43;
	v51 =	vmul.f32 v60, v60  }
0x4c: {  	v30 =	vld [tilespmem:s1+$0x120];
	[tilespmem:$0x1FC20] =	vst v0;
	v52 =	vmul.f32 v61, v61;
	v53 =	vmul.f32 v0, v0  }
0x4d: {  	v15 =	vld [tilespmem:s1+$0x1A0];
	[tilespmem:$0x1FC90] =	vst v35;
	v55 =	vmul.f32 v63, v63;
	v1 =	vadd.f32 v2, v1;
	v3 =	vadd.f32 v4, v3  }
0x4e: {  	v33 =	vld [tilespmem:s1+$0x220];
	[tilespmem:$0x1FC30] =	vst v12;
	v56 =	vmul.f32 v59, v59;
	v2 =	vadd.f32 v5, v36;
	v4 =	vadd.f32 v6, v37  }
0x4f: {  	v31 =	vld [tilespmem:s1+$0x3A0];
	[tilespmem:$0x1FCA0] =	vst v38;
	v58 =	vmul.f32 v35, v35;
	v1 =	vadd.f32 v34, v1;
	v3 =	vadd.f32 v7, v3  }
0x50: {  	[tilespmem:$0x1FC40] =	vst v13;
	v62 =	vmul.f32 v12, v12;
	v12 =	vld [tilespmem:s1+$0x620];
	v2 =	vadd.f32 v40, v2;
	v4 =	vadd.f32 v47, v4  }
0x51: {  	[tilespmem:$0x1FC50] =	vst v14;
	v34 =	vld [tilespmem:s1+$0x2A0];
	v40 =	vmul.f32 v13, v13;
	v1 =	vadd.f32 v8, v1;
	v3 =	vadd.f32 v48, v3  }
0x52: {  	v10 =	vld [tilespmem:s1+$0x420];
	[tilespmem:$0x1FCB0] =	vst v39;
	v47 =	vmul.f32 v14, v14;
	v2 =	vadd.f32 v49, v2;
	v4 =	vadd.f32 v50, v4  }
0x53: {  	v11 =	vld [tilespmem:s1+$0x4A0];
	[tilespmem:$0x1FC80] =	vst v18;
	v48 =	vmul.f32 v16, v16;
	v49 =	vmul.f32 v57, v57;
	v1 =	vadd.f32 v3, v1  }
0x54: {  	[tilespmem:$0x1FCC0] =	vst v17;
	v35 =	vld [tilespmem:s1+$0x5A0];
	v7 =	vimm.s32 $0xE;
	v2 =	vadd.f32 v4, v2;
	v3 =	vadd.f32 v52, v51  }
0x55: {  	[tilespmem:$0x1FCD0] =	vst v21;
	v0 =	vld [tilespmem:s1+$0x7A0];
	v51 =	vmul.f32 v9, v9;
	v52 =	vmul.f32 v38, v38;
	v5 =	vadd.f32 v49, v48  }
0x56: {  	[tilespmem:$0x1FD50] =	vst v12;
	v50 =	vld [tilespmem:s1+$0x6A0];
	v48 =	vmul.f32 v12, v12;
	v12 =	vimm.s32 $0x1;
	v38 =	vmul.f32 v34, v34  }
0x57: {  	[tilespmem:$0x1FCE0] =	vst v26;
	v36 =	vld [tilespmem:s1+$0x320];
	v54 =	vadd.f32 v2, v1;
	v3 =	vadd.f32 v53, v3;
	v53 =	vmul.f32 v18, v18  }
0x58: {  	[tilespmem:$0x1FCF0] =	vst v30;
	v37 =	vld [tilespmem:s1+$0x520];
	v1 =	vadd.f32 v56, v55;
	v55 =	vmul.f32 v17, v17;
	v56 =	vmul.f32 v21, v21  }
0x59: {  	[tilespmem:$0x1FD30] =	vst v10;
	v13 =	vld [tilespmem:s1+$0x720];
	v2 =	vadd.f32 v47, v40;
	v40 =	vmul.f32 v10, v10;
	v47 =	vmul.f32 v11, v11  }
0x5a: {  	[tilespmem:$0x1FD40] =	vst v11;
	v14 =	vld [tilespmem:s1+$0x30];
	v10 =	vimm.s32 $0x9;
	v11 =	vimm.s32 $0xA;
	v1 =	vadd.f32 v62, v1  }
0x5b: {  	[tilespmem:$0x1FD10] =	vst v34;
	v34 =	vld [tilespmem:s1+$0x4B0];
	v49 =	vmul.f32 v50, v50;
	v3 =	vadd.f32 v58, v3;
	v2 =	vadd.f32 v51, v2  }
0x5c: {  	v18 =	vld [tilespmem:s1+$0xB0];
	[tilespmem:$0x1FDD0] =	vst v54;
	v54 =	vmul.f32 v39, v39;
	v5 =	vadd.f32 v53, v5;
	v58 =	vmul.f32 v26, v26  }
0x5d: {  	v17 =	vld [tilespmem:s1+$0x130];
	[tilespmem:$0x1FD60] =	vst v50;
	v62 =	vmul.f32 v30, v30;
	v30 =	vmul.f32 v33, v33;
	v50 =	vadd.f32 v47, v40  }
0x5e: {  	[tilespmem:$0x1FD90] =	vst v15;
	v21 =	vld [tilespmem:s1+$0x1B0];
	v39 =	vmul.f32 v36, v36;
	v8 =	vadd.f32 v49, v48;
	v1 =	vadd.f32 v52, v1  }
0x5f: {  	[tilespmem:$0x1FD00] =	vst v33;
	v26 =	vld [tilespmem:s1+$0x230];
	v51 =	vmul.f32 v37, v37;
	v2 =	vadd.f32 v54, v2;
	v5 =	vadd.f32 v55, v5  }
0x60: {  	[tilespmem:$0x1FD20] =	vst v36;
	v33 =	vld [tilespmem:s1+$0x2B0];
	v4 =	vadd.f32 v58, v56;
	v52 =	vmul.f32 v13, v13;
	v54 =	vmul.f32 v15, v15  }
0x61: {  	[tilespmem:$0x1FD70] =	vst v37;
	v36 =	vld [tilespmem:s1+$0x530];
	v6 =	vadd.f32 v51, v50;
	v55 =	vmul.f32 v31, v31;
	v58 =	vmul.f32 v35, v35  }
0x62: {  	[tilespmem:$0x1FD80] =	vst v13;
	v37 =	vld [tilespmem:s1+$0x5B0];
	v15 =	vimm.s32 $0x0;
	v13 =	vimm.s32 $0xB;
	v40 =	vmul.f32 v18, v18  }
0x63: {  	[tilespmem:$0x1FC70] =	vst v9;
	v56 =	vld [tilespmem:$0x880];
	v47 =	vmul.f32 v17, v17;
	v1 =	vadd.f32 v1, v3;
	v3 =	vadd.f32 v38, v30  }
0x64: {  	[tilespmem:$0x1FDA0] =	vst v31;
	v31 =	vld [tilespmem:s1+$0x430];
	v50 =	vmul.f32 v21, v21;
	v4 =	vadd.f32 v62, v4;
	v8 =	vadd.f32 v52, v8  }
0x65: {  	[tilespmem:$0x1FC60] =	vst v16;
	v30 =	vld [tilespmem:s1+$0x330];
	v62 =	vmul.f32 v0, v0;
	v6 =	vadd.f32 v58, v6;
	v48 =	vmul.f32 v26, v26  }
0x66: {  	[tilespmem:$0x1FDB0] =	vst v35;
	v2 =	vadd.f32 v5, v2;
	v58 =	vld [tilespmem:s1+$0x730];
	v49 =	vmul.f32 v33, v33;
	v9 =	vmul.f32 v36, v36  }
0x67: {  	[tilespmem:$0x1FE10] =	vst v18;
	v52 =	vld [tilespmem:s1+$0x7B0];
	v18 =	vmul.f32 v37, v37;
	v3 =	vadd.f32 v39, v3;
	v4 =	vadd.f32 v54, v4  }
0x68: {  	[tilespmem:$0x1FDC0] =	vst v0;
	v53 =	vld [tilespmem:$0x800];
	v35 =	vadd.f32 v62, v8;
	v39 =	vmul.f32 v14, v14;
	v1 =	vadd.f32 v2, v1  }
0x69: {  	v16 =	vld [tilespmem:s1+$0x3B0];
	[tilespmem:$0x1FE00] =	vst v14;
	v14 =	vimm.s32 $0xC;
	v0 =	vmul.f32 $-2.000000000e+00, v56;
	v54 =	vmul.f32 v31, v31  }
0x6a: {  	v3 =	vadd.f32 v55, v3;
	v38 =	vadd.f32 v35, v6;
	v55 =	vmul.f32 v34, v34  }
0x6b: {  	v62 =	vld [tilespmem:s1+$0x630];
	[tilespmem:$0x1FEE0] =	vst v1;
	v1 =	vadd.f32 v40, v39;
	v51 =	vmul.f32 v30, v30;
	v40 =	vmul.f32 v58, v58  }
0x6c: {  	v56 =	vld [tilespmem:s1+$0x6B0];
	[tilespmem:$0x1FEC0] =	vst v52;
	v5 =	vmul.f32 v52, v52;
	v52 =	vimm.s32 $0x5;
	v15 =	vperm.xlane v0, v15  }
0x6d: {  	v12 =	vperm.xlane v0, v12;
	v3 =	vadd.f32 v3, v4;
	v4 =	vmul.f32 $-2.000000000e+00, v53  }
0x6e: {  	v53 =	vmul.f32 v16, v16;
	v1 =	vadd.f32 v47, v1;
	v47 =	vimm.s32 $0x0  }
0x6f: {  	[tilespmem:$0x1FE20] =	vst v17;
	v2 =	vadd.f32 v55, v54;
	v54 =	vimm.s32 $0x7;
	v55 =	vimm.s32 $0x8  }
0x70: {  	[tilespmem:$0x1FE30] =	vst v21;
	v3 =	vadd.f32 v38, v3;
	v38 =	vmul.f32 v62, v62;
	v1 =	vadd.f32 v50, v1  }
0x71: {  	[tilespmem:$0x1FE80] =	vst v30;
	v39 =	vmul.f32 v56, v56;
	v30 =	vperm.xlane v4, v47;
	v50 =	vimm.s32 $0x3  }
0x72: {  	[tilespmem:$0x1FE50] =	vst v33;
	v2 =	vadd.f32 v9, v2;
	v33 =	vperm.xlane v4, v52;
	v21 =	vperm.xlane v4, v55  }
0x73: {  	[tilespmem:$0x1FE90] =	vst v36;
	v47 =	vimm.s32 $0x5;
	v36 =	vperm.xlane v4, v11;
	v17 =	vperm.xlane v4, v14  }
0x74: {  	[tilespmem:$0x1FE60] =	vst v31;
	v14 =	vimm.s32 $0xD;
	v31 =	vperm.xlane v4, v50;
	v50 =	vimm.s32 $0xC  }
0x75: {  	[tilespmem:$0x1FDF0] =	vst v3;
	v3 =	vadd.f32 v49, v48;
	v48 =	vimm.s32 $0x1;
	v6 =	vadd.f32 v39, v38  }
0x76: {  	v39 =	vperm.xlane v4, v54;
	v2 =	vadd.f32 v18, v2;
	v18 =	vperm.xlane v4, v10  }
0x77: {  	[tilespmem:$0x1FEA0] =	vst v16;
	v49 =	vimm.s32 $0x2;
	v38 =	vperm.xlane v4, v13;
	v16 =	vmul.f32 v30, v19  }
0x78: {  	v54 =	vimm.s32 $0x9;
	v55 =	vmul.f32 v33, v23;
	v13 =	vperm.xlane v4, v14  }
0x79: {  	[tilespmem:$0x1FE40] =	vst v26;
	v14 =	vperm.xlane v4, v7;
	v7 =	vimm.s32 $0xF;
	v26 =	vperm.xlane v4, v48  }
0x7a: {  	[tilespmem:$0x1FE70] =	vst v34;
	v34 =	vperm.xlane v4, v49;
	v49 =	vimm.s32 $0x2;
	v48 =	vimm.s32 $0x4  }
0x7b: {  	v3 =	vadd.f32 v51, v3;
	v51 =	vimm.s32 $0x4;
	v6 =	vadd.f32 v40, v6  }
0x7c: {  	v8 =	vmul.f32 v31, v46;
	v35 =	vperm.xlane v4, v51;
	v51 =	vimm.s32 $0x6  }
0x7d: {  	v3 =	vadd.f32 v53, v3;
	v53 =	vimm.s32 $0x6;
	v5 =	vadd.f32 v5, v6  }
0x7e: {  	[tilespmem:$0x1FEB0] =	vst v37;
	v40 =	vmul.f32 v26, v20;
	v37 =	vperm.xlane v4, v53;
	v53 =	vimm.s32 $0x8  }
0x7f: {  	v52 =	vmul.f32 v35, v24;
	v10 =	vadd.f32 v3, v1;
	v9 =	vadd.f32 v5, v2  }
0x80: {  	v3 =	vadd.f32 v40, v16;
	v40 =	vimm.s32 $0xD;
	v16 =	vmul.f32 v34, v22  }
0x81: {  	v2 =	vmul.f32 v17, v27;
	v5 =	vadd.f32 v55, v52;
	v11 =	vmul.f32 v37, v25  }
0x82: {  	v3 =	vadd.f32 v16, v3;
	v16 =	vperm.xlane v4, v7;
	v7 =	vmul.f32 v15, v19  }
0x83: {  	v4 =	vmul.f32 v12, v20;
	v1 =	vadd.f32 v11, v5;
	v5 =	vmul.f32 v39, v45  }
0x84: {  	v11 =	vmul.f32 v18, v32;
	v6 =	vadd.f32 v8, v3;
	v3 =	vmul.f32 v21, v28  }
0x85: {  	v20 =	vmul.f32 v38, v44;
	v9 =	vadd.f32 v9, v10;
	v8 =	vmul.f32 v13, v29  }
0x86: {  	v19 =	vperm.xlane v0, v48;
	v5 =	vadd.f32 v5, v1;
	v3 =	vadd.f32 v11, v3  }
0x87: {  	v11 =	vmul.f32 v36, v42;
	v1 =	vadd.f32 v8, v2;
	v8 =	vmul.f32 v14, v41  }
0x88: {  	[tilespmem:$0x1FED0] =	vst v9;
	v9 =	vperm.xlane v0, v50;
	v5 =	vadd.f32 v5, v6;
	v6 =	vmul.f32 v19, v24  }
0x89: {  	v3 =	vadd.f32 v11, v3;
	v2 =	vadd.f32 v8, v1;
	v11 =	vmul.f32 v16, v43  }
0x8a: {  	v55 =	vimm.s32 $0xE;
	v24 =	vperm.xlane v0, v54;
	v8 =	vperm.xlane v0, v49  }
0x8b: {  	v20 =	vadd.f32 v20, v3;
	v3 =	vperm.xlane v0, v47;
	v1 =	vadd.f32 v11, v2  }
0x8c: {  	v11 =	vperm.xlane v0, v51;
	v51 =	vmul.f32 v24, v32;
	v32 =	vimm.s32 $0xA  }
0x8d: {  	v50 =	vadd.f32 v4, v7;
	v2 =	vmul.f32 v8, v22;
	v32 =	vperm.xlane v0, v32  }
0x8e: {  	v47 =	vmul.f32 v3, v23;
	v1 =	vadd.f32 v1, v20;
	v48 =	vmul.f32 v11, v25  }
0x8f: {  	v52 =	vimm.s32 $0xF;
	v20 =	vperm.xlane v0, v53;
	v53 =	vmul.f32 v9, v27  }
0x90: {  	v2 =	vadd.f32 v2, v50;
	v42 =	vmul.f32 v32, v42;
	v1 =	vadd.f32 v1, v5  }
0x91: {  	v49 =	vmul.f32 v20, v28;
	v5 =	vperm.xlane v0, v40;
	v28 =	vimm.s32 $0x3  }
0x92: {  	v6 =	vadd.f32 v47, v6;
	v40 =	vimm.s32 $0xB;
	v28 =	vperm.xlane v0, v28  }
0x93: {  	[tilespmem:$0x1FDE0] =	vst v1;
	v54 =	vmul.f32 v5, v29;
	v29 =	vimm.s32 $0x7;
	v1 =	vperm.xlane v0, v55  }
0x94: {  	v27 =	vperm.xlane v0, v40;
	v4 =	vadd.f32 v51, v49;
	v25 =	vperm.xlane v0, v29  }
0x95: {  	v29 =	vperm.xlane v0, v52;
	v7 =	vadd.f32 v54, v53;
	v47 =	vmul.f32 v1, v41  }
0x96: {  	v6 =	vadd.f32 v48, v6;
	v49 =	vmul.f32 v27, v44;
	v0 =	vadd.f32 v42, v4  }
0x97: {  	v48 =	vmul.f32 v25, v45;
	v50 =	vmul.f32 v29, v43;
	v7 =	vadd.f32 v47, v7  }
0x98: {  	v0 =	vadd.f32 v49, v0;
	v49 =	vld [tilespmem:$0x1FC50]  }
0x99: {  	v4 =	vadd.f32 v48, v6;
	v48 =	vld [tilespmem:$0x1FC40];
	v51 =	vadd.f32 v50, v7  }
0x9a: {  	v45 =	vld [tilespmem:$0x1FC20]  }
0x9b: {  	v46 =	vmul.f32 v28, v46;
	v0 =	vadd.f32 v51, v0;
	v51 =	vld [tilespmem:$0x1FC70]  }
0x9c: {  	v52 =	vmul.f32 v30, v60;
	v53 =	vmul.f32 v26, v61  }
0x9d: {  	v42 =	vld [tilespmem:$0x1FC90];
	v2 =	vadd.f32 v46, v2  }
0x9e: {  	v46 =	vld [tilespmem:$0x1FC30];
	v7 =	vadd.f32 v53, v52;
	v53 =	vmul.f32 v18, v49;
	v52 =	vmul.f32 v21, v48  }
0x9f: {  	v50 =	vld [tilespmem:$0x1FC60];
	v2 =	vadd.f32 v4, v2  }
0xa0: {  	v43 =	vld [tilespmem:$0x1FCA0];
	v4 =	vmul.f32 v34, v45;
	v44 =	vadd.f32 v53, v52;
	v47 =	vmul.f32 v36, v51  }
0xa1: {  	v55 =	vmul.f32 v33, v59;
	v52 =	vld [tilespmem:$0x1FC80]  }
0xa2: {  	v54 =	vmul.f32 v35, v63;
	v4 =	vadd.f32 v4, v7;
	v7 =	vadd.f32 v47, v44;
	v44 =	vld [tilespmem:$0x1FCB0]  }
0xa3: {  	v53 =	vld [tilespmem:$0x1FCC0]  }
0xa4: {  	v6 =	vadd.f32 v55, v54;
	v55 =	vmul.f32 v13, v57;
	v54 =	vmul.f32 v17, v50  }
0xa5: {  	v10 =	vmul.f32 v31, v42;
	v23 =	vmul.f32 v37, v46  }
0xa6: {  	v40 =	vmul.f32 v39, v43;
	v22 =	vadd.f32 v55, v54;
	v55 =	vmul.f32 v14, v52  }
0xa7: {  	v41 =	vmul.f32 v11, v46;
	v6 =	vadd.f32 v23, v6;
	v47 =	vmul.f32 v38, v44  }
0xa8: {  	v4 =	vadd.f32 v10, v4;
	v22 =	vadd.f32 v55, v22;
	v55 =	vmul.f32 v16, v53  }
0xa9: {  	v46 =	vmul.f32 v24, v49;
	v6 =	vadd.f32 v40, v6;
	v7 =	vadd.f32 v47, v7  }
0xaa: {  	v47 =	vadd.f32 v55, v22;
	v22 =	vmul.f32 v8, v45;
	v45 =	vmul.f32 v20, v48  }
0xab: {  	v49 =	vmul.f32 v5, v57;
	v48 =	vmul.f32 v9, v50  }
0xac: {  	v4 =	vadd.f32 v6, v4;
	v6 =	vadd.f32 v46, v45;
	v45 =	vld [tilespmem:$0x1FCD0]  }
0xad: {  	v10 =	vadd.f32 v49, v48;
	v48 =	vld [tilespmem:$0x1FCE0]  }
0xae: {  	v54 =	vmul.f32 v15, v60;
	v55 =	vmul.f32 v12, v61  }
0xaf: {  	v60 =	vmul.f32 v19, v63;
	v61 =	vmul.f32 v3, v59;
	v7 =	vadd.f32 v47, v7  }
0xb0: {  	v47 =	vadd.f32 v0, v2;
	v63 =	vadd.f32 v55, v54  }
0xb1: {  	v40 =	vadd.f32 v61, v60;
	v54 =	vmul.f32 v32, v51;
	v60 =	vmul.f32 v29, v53  }
0xb2: {  	v53 =	vld [tilespmem:$0x1FD00];
	v2 =	vadd.f32 v22, v63;
	v61 =	vmul.f32 v30, v45;
	v63 =	vmul.f32 v26, v48  }
0xb3: {  	v6 =	vadd.f32 v54, v6;
	v54 =	vld [tilespmem:$0x1FD10]  }
0xb4: {  	v22 =	vadd.f32 v63, v61;
	v61 =	vld [tilespmem:$0x1FD30]  }
0xb5: {  	v63 =	vld [tilespmem:$0x1FD40]  }
0xb6: {  	v57 =	vmul.f32 v1, v52;
	v50 =	vmul.f32 v28, v42  }
0xb7: {  	v55 =	vmul.f32 v25, v43;
	v4 =	vadd.f32 v7, v4;
	v7 =	vadd.f32 v41, v40  }
0xb8: {  	v59 =	vmul.f32 v27, v44;
	v10 =	vadd.f32 v57, v10;
	v2 =	vadd.f32 v50, v2  }
0xb9: {  	v46 =	vld [tilespmem:$0x1FCF0];
	v7 =	vadd.f32 v55, v7;
	v49 =	vmul.f32 v35, v53;
	v50 =	vmul.f32 v33, v54  }
0xba: {  	v57 =	vld [tilespmem:$0x1FD50];
	v10 =	vadd.f32 v60, v10;
	v55 =	vmul.f32 v21, v61;
	v60 =	vmul.f32 v18, v63  }
0xbb: {  	v6 =	vadd.f32 v59, v6;
	v59 =	vld [tilespmem:$0x1FD60];
	v2 =	vadd.f32 v7, v2  }
0xbc: {  	v7 =	vadd.f32 v50, v49;
	v50 =	vadd.f32 v60, v55;
	v55 =	vld [tilespmem:$0x1FD70];
	_ =	sdelay $0x1  }
0xbd: {  	v60 =	vld [tilespmem:$0x1FD80];
	_ =	sdelay $0x1  }
0xbe: {  	v0 =	vmul.f32 v17, v57;
	v49 =	vmul.f32 v13, v59  }
0xbf: {  	v52 =	vld [tilespmem:$0x1FD20];
	v23 =	vmul.f32 v34, v46;
	v51 =	vmul.f32 v36, v55  }
0xc0: {  	v41 =	vadd.f32 v49, v0;
	v49 =	vld [tilespmem:$0x1FD90]  }
0xc1: {  	v22 =	vadd.f32 v23, v22;
	v0 =	vmul.f32 v14, v60;
	v23 =	vadd.f32 v51, v50;
	v50 =	vld [tilespmem:$0x1FDA0]  }
0xc2: {  	v51 =	vld [tilespmem:$0x1FDB0]  }
0xc3: {  	v45 =	vmul.f32 v15, v45;
	v48 =	vmul.f32 v12, v48;
	v41 =	vadd.f32 v0, v41;
	v0 =	vld [tilespmem:$0x1FDC0]  }
0xc4: {  	v42 =	vmul.f32 v37, v52;
	v53 =	vmul.f32 v19, v53;
	v6 =	vadd.f32 v10, v6  }
0xc5: {  	v45 =	vadd.f32 v48, v45;
	v48 =	vmul.f32 v8, v46;
	v46 =	vmul.f32 v9, v57  }
0xc6: {  	v17 =	vmul.f32 v17, v62;
	v2 =	vadd.f32 v6, v2;
	v13 =	vmul.f32 v13, v56  }
0xc7: {  	v7 =	vadd.f32 v42, v7;
	v40 =	vmul.f32 v31, v49;
	v43 =	vmul.f32 v39, v50  }
0xc8: {  	v13 =	vadd.f32 v13, v17;
	v42 =	vmul.f32 v38, v51;
	v44 =	vmul.f32 v16, v0  }
0xc9: {  	v22 =	vadd.f32 v40, v22;
	v14 =	vmul.f32 v14, v58;
	v7 =	vadd.f32 v43, v7  }
0xca: {  	v9 =	vmul.f32 v9, v62;
	v23 =	vadd.f32 v42, v23;
	v44 =	vadd.f32 v44, v41  }
0xcb: {  	v49 =	vmul.f32 v28, v49;
	v13 =	vadd.f32 v14, v13;
	v7 =	vadd.f32 v7, v22  }
0xcc: {  	v43 =	vld [tilespmem:$0x1FDF0];
	v10 =	vadd.f32 v44, v23;
	v44 =	vmul.f32 v3, v54;
	v54 =	vmul.f32 v20, v61  }
0xcd: {  	v14 =	vimm.s32 $0x3;
	v41 =	vld [tilespmem:$0x1FE20];
	v61 =	vmul.f32 v24, v63;
	v63 =	vmul.f32 v25, v50  }
0xce: {  	v42 =	vld [tilespmem:$0x1FE00];
	v7 =	vadd.f32 v10, v7;
	v6 =	vadd.f32 v44, v53;
	v53 =	vmul.f32 v11, v52  }
0xcf: {  	v50 =	vld [tilespmem:$0x1FDE0];
	v10 =	vadd.f32 v48, v45;
	v45 =	vmul.f32 v32, v55;
	v48 =	vmul.f32 v5, v59  }
0xd0: {  	v22 =	vadd.f32 v61, v54;
	v52 =	vmul.f32 v1, v60;
	v61 =	vld [tilespmem:$0x1FEE0];
	v54 =	vmul.f32 v29, v0  }
0xd1: {  	v44 =	vld [tilespmem:$0x1FE10];
	v5 =	vmul.f32 v5, v56;
	v1 =	vmul.f32 v1, v58;
	v6 =	vadd.f32 v53, v6  }
0xd2: {  	v57 =	vmul.f32 v34, v41;
	v34 =	vld [tilespmem:$0x1FE30];
	v10 =	vadd.f32 v49, v10;
	v22 =	vadd.f32 v45, v22  }
0xd3: {  	v49 =	vadd.f32 v48, v46;
	v53 =	vmul.f32 v27, v51;
	v7 =	vadd.f32 v7, v43;
	v45 =	vld [tilespmem:$0x1FE40]  }
0xd4: {  	v30 =	vmul.f32 v30, v42;
	v48 =	vld [tilespmem:$0x1FE70];
	v5 =	vadd.f32 v5, v9;
	v6 =	vadd.f32 v63, v6  }
0xd5: {  	v15 =	vmul.f32 v15, v42;
	v51 =	vld [tilespmem:$0x1FE90];
	v23 =	vadd.f32 v52, v49;
	v22 =	vadd.f32 v53, v22  }
0xd6: {  	v8 =	vmul.f32 v8, v41;
	v9 =	vld [tilespmem:$0x980];
	v1 =	vadd.f32 v1, v5;
	v4 =	vadd.f32 v4, v61  }
0xd7: {  	v63 =	vld [tilespmem:$0x1FDD0];
	v2 =	vadd.f32 v2, v61;
	v26 =	vmul.f32 v26, v44;
	v12 =	vmul.f32 v12, v44  }
0xd8: {  	v49 =	vld [tilespmem:$0x1FE80];
	v23 =	vadd.f32 v54, v23;
	v59 =	vmul.f32 v31, v34;
	v46 =	vmul.f32 v28, v34  }
0xd9: {  	v6 =	vadd.f32 v6, v10;
	v60 =	vmul.f32 v35, v45;
	v35 =	vld [tilespmem:$0x1FE50];
	v18 =	vmul.f32 v18, v48  }
0xda: {  	v55 =	vadd.f32 v26, v30;
	v52 =	vmul.f32 v36, v51;
	v41 =	vmul.f32 v19, v45  }
0xdb: {  	v54 =	vld [tilespmem:$0x1FEA0];
	v12 =	vadd.f32 v12, v15;
	v44 =	vmul.f32 v24, v48;
	v45 =	vmul.f32 v32, v51  }
0xdc: {  	v5 =	vmul.f32 $-2.000000000e+00, v9;
	v22 =	vadd.f32 v23, v22;
	v10 =	vadd.f32 v57, v55;
	v57 =	vld [tilespmem:$0x1FEB0]  }
0xdd: {  	v40 =	vadd.f32 v50, v63;
	v47 =	vadd.f32 v47, v63;
	v50 =	vmul.f32 v37, v49  }
0xde: {  	v8 =	vadd.f32 v8, v12;
	v0 =	vmul.f32 v33, v35;
	v33 =	vld [tilespmem:$0x1FE60];
	v3 =	vmul.f32 v3, v35  }
0xdf: {  	v11 =	vmul.f32 v11, v49;
	v6 =	vadd.f32 v22, v6;
	v10 =	vadd.f32 v59, v10  }
0xe0: {  	v55 =	vmul.f32 v39, v54;
	v23 =	vadd.f32 v0, v60;
	v3 =	vadd.f32 v3, v41  }
0xe1: {  	v48 =	vmul.f32 v25, v54;
	v8 =	vadd.f32 v46, v8;
	v59 =	vmul.f32 v38, v57;
	v60 =	vld [tilespmem:$0x1FEC0]  }
0xe2: {  	v53 =	vadd.f32 v50, v23;
	v3 =	vadd.f32 v11, v3;
	v50 =	vmul.f32 v27, v57  }
0xe3: {  	v57 =	vadd.f32 v6, v43;
	v21 =	vmul.f32 v21, v33;
	v42 =	vmul.f32 v20, v33  }
0xe4: {  	v20 =	vimm.s32 $0x2;
	v38 =	vadd.f32 v55, v53;
	v3 =	vadd.f32 v48, v3  }
0xe5: {  	v55 =	vmin.f32 v47, v2;
	v48 =	vimm.s32 $0x9;
	v25 =	vperm.xlane v5, v20  }
0xe6: {  	v18 =	vadd.f32 v18, v21;
	v0 =	vmul.f32 v16, v60;
	v12 =	vadd.f32 v44, v42  }
0xe7: {  	v51 =	vmul.f32 v29, v60;
	v56 =	vsel vm12, v47, v55;
	v44 =	vimm.s32 $0x7  }
0xe8: {  	v47 =	vimm.s32 $0x8;
	v36 =	vperm.xlane v5, v48;
	v10 =	vadd.f32 v38, v10  }
0xe9: {  	v3 =	vadd.f32 v3, v8;
	v21 =	vperm.xlane v5, v44;
	v18 =	vadd.f32 v52, v18  }
0xea: {  	v34 =	vperm.xlane v5, v47;
	v13 =	vadd.f32 v0, v13;
	v49 =	vadd.f32 v45, v12  }
0xeb: {  	v52 =	vmin.f32 v40, v4;
	v1 =	vadd.f32 v51, v1;
	v0 =	vsel vm14, v2, v56  }
0xec: {  	v12 =	vimm.s32 $0x4;
	v51 =	vimm.s32 $0xC;
	v53 =	vsel vm13, v40, v52  }
0xed: {  	v2 =	vmin.f32 v0, v57;
	v27 =	vperm.xlane v5, v12;
	v39 =	vadd.f32 v59, v18  }
0xee: {  	v60 =	vld [tilespmem:$0x1FED0];
	v40 =	vperm.xlane v5, v51;
	v11 =	vadd.f32 v50, v49;
	v4 =	vsel vm15, v4, v53  }
0xef: {  	v54 =	vld [tilespmem:$0x900];
	v0 =	vsel vm10, v0, v2;
	v18 =	vimm.s32 $0x5;
	v13 =	vadd.f32 v13, v39  }
0xf0: {  	v49 =	vimm.s32 $0xA;
	v50 =	vimm.s32 $0xB;
	v1 =	vadd.f32 v1, v11  }
0xf1: {  	v53 =	vimm.s32 $0xE;
	v58 =	vmin.f32 v4, v7;
	v10 =	vadd.f32 v13, v10  }
0xf2: {  	v28 =	vperm.xlane v5, v18;
	v26 =	vperm.xlane v5, v49;
	v1 =	vadd.f32 v1, v3  }
0xf3: {  	v22 =	vperm.xlane v5, v50;
	v8 =	vsel vm11, v4, v58;
	v59 =	vadd.f32 v10, v60  }
0xf4: {  	v4 =	vmul.f32 $-2.000000000e+00, v54;
	v11 =	vimm.s32 $0x1;
	v1 =	vadd.f32 v1, v60  }
0xf5: {  	v38 =	vperm.xlane v5, v53;
	v35 =	vperm.xlane v5, v11;
	v3 =	vmin.f32 v8, v59  }
0xf6: {  	v46 =	vperm.xlane v4, v11;
	v0 =	vmin.f32 v0, v1;
	v3 =	vsel vm9, v58, v3  }
0xf7: {  	v39 =	vperm.xlane v4, v20;
	v24 =	vperm.xlane v4, v14;
	v0 =	vsel vm8, v2, v0;
	[tilespmem:$0xC00] =	vst v3  }
0xf8: {  	v62 =	vmov v43;
	v42 =	vperm.xlane v4, v12;
	v43 =	vperm.xlane v4, v18;
	[tilespmem:$0xC80] =	vst v0  }
0xf9: {  	v52 =	vimm.s32 $0xD;
	v29 =	vperm.xlane v4, v47;
	v30 =	vperm.xlane v4, v48;
	v6 =	vld [tilespmem:s1+$0x0]  }
0xfa: {  	v37 =	vperm.xlane v4, v51;
	v41 =	vperm.xlane v4, v52;
	v7 =	vld [tilespmem:s1+$0x80]  }
0xfb: {  	v13 =	vimm.s32 $0x6;
	v31 =	vperm.xlane v4, v53;
	v20 =	vperm.xlane v5, v14;
	v8 =	vld [tilespmem:s1+$0x100]  }
0xfc: {  	v32 =	vperm.xlane v4, v13;
	v23 =	vperm.xlane v5, v13;
	v10 =	vimm.s32 $0x0;
	v9 =	vld [tilespmem:s1+$0x180]  }
0xfd: {  	v45 =	vperm.xlane v4, v10;
	v33 =	vperm.xlane v5, v10;
	v14 =	vld [tilespmem:s1+$0x400]  }
0xfe: {  	v56 =	vimm.s32 $0xF;
	v1 =	vperm.xlane v4, v49;
	v2 =	vperm.xlane v4, v50;
	v16 =	vld [tilespmem:s1+$0x600]  }
0xff: {  	v0 =	vperm.xlane v4, v44;
	v3 =	vperm.xlane v4, v56;
	v10 =	vld [tilespmem:s1+$0x200]  }
0x100: {  	v44 =	vperm.xlane v5, v52;
	v11 =	vld [tilespmem:s1+$0x280];
	v57 =	vmul.f32 v6, v45  }
0x101: {  	v12 =	vld [tilespmem:s1+$0x300];
	v58 =	vmul.f32 v7, v46;
	v59 =	vmul.f32 v8, v39  }
0x102: {  	v15 =	vld [tilespmem:s1+$0x480];
	v48 =	vmul.f32 v9, v24;
	v18 =	vmul.f32 v14, v29  }
0x103: {  	v49 =	vld [tilespmem:s1+$0x580];
	v51 =	vmul.f32 v16, v37;
	v6 =	vmul.f32 v6, v33  }
0x104: {  	v17 =	vld [tilespmem:s1+$0x680];
	v7 =	vmul.f32 v7, v35;
	v53 =	vmul.f32 v8, v25  }
0x105: {  	v13 =	vld [tilespmem:s1+$0x380];
	v54 =	vmul.f32 v10, v27;
	v55 =	vmul.f32 v11, v28  }
0x106: {  	v19 =	vld [tilespmem:s1+$0x500];
	v9 =	vmul.f32 v9, v20;
	v4 =	vadd.f32 v58, v57;
	v57 =	vmul.f32 v10, v42  }
0x107: {  	v47 =	vld [tilespmem:s1+$0x700];
	v58 =	vmul.f32 v11, v43;
	v6 =	vadd.f32 v7, v6;
	v8 =	vadd.f32 v55, v54  }
0x108: {  	v54 =	vmul.f32 v49, v22;
	v4 =	vadd.f32 v59, v4;
	v59 =	vmul.f32 v15, v30  }
0x109: {  	v52 =	vld [tilespmem:s1+$0x780];
	v50 =	vadd.f32 v58, v57;
	v57 =	vmul.f32 v17, v41;
	v58 =	vmul.f32 v12, v32  }
0x10a: {  	v6 =	vadd.f32 v53, v6;
	v12 =	vmul.f32 v12, v23;
	v53 =	vmul.f32 v13, v21  }
0x10b: {  	v18 =	vadd.f32 v59, v18;
	v59 =	vmul.f32 v19, v1;
	v48 =	vadd.f32 v48, v4  }
0x10c: {  	v4 =	vadd.f32 v57, v51;
	v57 =	vmul.f32 v47, v31;
	v50 =	vadd.f32 v58, v50  }
0x10d: {  	v58 =	vmul.f32 v13, v0;
	v8 =	vadd.f32 v12, v8;
	v18 =	vadd.f32 v59, v18  }
0x10e: {  	v59 =	vmul.f32 v49, v2;
	v51 =	vadd.f32 v57, v4;
	v57 =	vmul.f32 v52, v3  }
0x10f: {  	v6 =	vadd.f32 v9, v6;
	v12 =	vld [tilespmem:s1+$0x410];
	v50 =	vadd.f32 v58, v50;
	v4 =	vperm.xlane v5, v56  }
0x110: {  	v11 =	vld [tilespmem:s1+$0x10];
	v56 =	vmul.f32 v14, v34;
	v58 =	vadd.f32 v59, v18;
	v59 =	vadd.f32 v57, v51  }
0x111: {  	v48 =	vadd.f32 v50, v48;
	v57 =	vmul.f32 v15, v36;
	v15 =	vld [tilespmem:s1+$0x90];
	v50 =	vmul.f32 v19, v26  }
0x112: {  	v18 =	vld [tilespmem:s1+$0x190];
	v5 =	vadd.f32 v59, v58;
	v58 =	vmul.f32 v16, v40;
	v59 =	vmul.f32 v17, v44  }
0x113: {  	v8 =	vadd.f32 v53, v8;
	v14 =	vld [tilespmem:s1+$0x490];
	v51 =	vmul.f32 v47, v38;
	v55 =	vmul.f32 v52, v4  }
0x114: {  	v19 =	vld [tilespmem:s1+$0x210];
	v49 =	vmul.f32 v12, v29;
	v7 =	vadd.f32 v57, v56;
	v10 =	vadd.f32 v59, v58  }
0x115: {  	v8 =	vadd.f32 v8, v6;
	v12 =	vmul.f32 v12, v34;
	v17 =	vld [tilespmem:s1+$0x110];
	v56 =	vmul.f32 v11, v45  }
0x116: {  	v16 =	vld [tilespmem:s1+$0x690];
	v11 =	vmul.f32 v11, v33;
	v7 =	vadd.f32 v50, v7;
	v10 =	vadd.f32 v51, v10  }
0x117: {  	v5 =	vadd.f32 v5, v48;
	v57 =	vmul.f32 v15, v46;
	v50 =	vmul.f32 v18, v24  }
0x118: {  	v13 =	vld [tilespmem:s1+$0x290];
	v15 =	vmul.f32 v15, v35;
	v7 =	vadd.f32 v54, v7;
	v10 =	vadd.f32 v55, v10  }
0x119: {  	v18 =	vmul.f32 v18, v20;
	v6 =	vadd.f32 v5, v63;
	v51 =	vld [tilespmem:s1+$0x590];
	v48 =	vadd.f32 v57, v56  }
0x11a: {  	v59 =	vmul.f32 v17, v39;
	v57 =	vmul.f32 v19, v42;
	v7 =	vadd.f32 v10, v7;
	v10 =	vld [tilespmem:s1+$0x610]  }
0x11b: {  	v47 =	vld [tilespmem:s1+$0x310];
	v56 =	vmul.f32 v16, v41;
	v11 =	vadd.f32 v15, v11;
	v55 =	vmul.f32 v14, v30  }
0x11c: {  	v19 =	vmul.f32 v19, v27;
	v16 =	vmul.f32 v16, v44;
	v58 =	vadd.f32 v7, v8;
	v7 =	vld [tilespmem:s1+$0x510]  }
0x11d: {  	v14 =	vmul.f32 v14, v36;
	v48 =	vadd.f32 v59, v48;
	v49 =	vadd.f32 v55, v49;
	v8 =	vld [tilespmem:s1+$0x710]  }
0x11e: {  	v9 =	vld [tilespmem:s1+$0x390];
	v59 =	vmul.f32 v51, v2;
	v5 =	vadd.f32 v58, v63;
	v58 =	vmul.f32 v13, v43  }
0x11f: {  	v12 =	vadd.f32 v14, v12;
	v13 =	vmul.f32 v13, v28;
	v53 =	vmul.f32 v10, v37  }
0x120: {  	v10 =	vmul.f32 v10, v40;
	v52 =	vadd.f32 v58, v57;
	v57 =	vmul.f32 v47, v32  }
0x121: {  	v54 =	vld [tilespmem:s1+$0x790];
	v48 =	vadd.f32 v50, v48;
	v58 =	vmul.f32 v17, v25;
	v47 =	vmul.f32 v47, v23  }
0x122: {  	v55 =	vmul.f32 v7, v1;
	v50 =	vadd.f32 v56, v53;
	v53 =	vmul.f32 v8, v31  }
0x123: {  	v14 =	vld [tilespmem:s1+$0x2A0];
	v13 =	vadd.f32 v13, v19;
	v56 =	vmul.f32 v9, v0;
	v7 =	vmul.f32 v7, v26  }
0x124: {  	v10 =	vadd.f32 v16, v10;
	v8 =	vmul.f32 v8, v38;
	v52 =	vadd.f32 v57, v52  }
0x125: {  	v9 =	vmul.f32 v9, v21;
	v11 =	vadd.f32 v58, v11;
	v13 =	vadd.f32 v47, v13  }
0x126: {  	v17 =	vld [tilespmem:s1+$0xA0];
	v57 =	vmul.f32 v54, v3;
	v49 =	vadd.f32 v55, v49;
	v50 =	vadd.f32 v53, v50  }
0x127: {  	v19 =	vld [tilespmem:s1+$0x220];
	v7 =	vadd.f32 v7, v12;
	v8 =	vadd.f32 v8, v10;
	v55 =	vmul.f32 v54, v4  }
0x128: {  	v53 =	vld [tilespmem:s1+$0x20];
	v54 =	vmul.f32 v14, v43;
	v52 =	vadd.f32 v56, v52;
	v11 =	vadd.f32 v18, v11  }
0x129: {  	v10 =	vld [tilespmem:s1+$0x620];
	v14 =	vmul.f32 v14, v28;
	v9 =	vadd.f32 v9, v13;
	v49 =	vadd.f32 v59, v49  }
0x12a: {  	v16 =	vld [tilespmem:s1+$0x320];
	v50 =	vadd.f32 v57, v50;
	v59 =	vmul.f32 v51, v22;
	v8 =	vadd.f32 v55, v8  }
0x12b: {  	v51 =	vld [tilespmem:s1+$0x420];
	v58 =	vmul.f32 v17, v46;
	v17 =	vmul.f32 v17, v35;
	v48 =	vadd.f32 v52, v48  }
0x12c: {  	v47 =	vld [tilespmem:s1+$0x6A0];
	v9 =	vadd.f32 v9, v11;
	v52 =	vmul.f32 v19, v42;
	v19 =	vmul.f32 v19, v27  }
0x12d: {  	v13 =	vld [tilespmem:s1+$0x4A0];
	v49 =	vadd.f32 v50, v49;
	v7 =	vadd.f32 v59, v7;
	v57 =	vmul.f32 v53, v45  }
0x12e: {  	v50 =	vld [tilespmem:s1+$0x120];
	v52 =	vadd.f32 v54, v52;
	v54 =	vmul.f32 v10, v37;
	v53 =	vmul.f32 v53, v33  }
0x12f: {  	v18 =	vld [tilespmem:s1+$0x720];
	v14 =	vadd.f32 v14, v19;
	v10 =	vmul.f32 v10, v40;
	v56 =	vadd.f32 v49, v48  }
0x130: {  	v12 =	vld [tilespmem:s1+$0x3A0];
	v8 =	vadd.f32 v8, v7;
	v48 =	vadd.f32 v58, v57;
	v49 =	vmul.f32 v51, v29  }
0x131: {  	v11 =	vld [tilespmem:s1+$0x520];
	v57 =	vmul.f32 v47, v41;
	v58 =	vmul.f32 v16, v32;
	v17 =	vadd.f32 v17, v53  }
0x132: {  	v15 =	vld [tilespmem:s1+$0x1A0];
	v16 =	vmul.f32 v16, v23;
	v7 =	vadd.f32 v56, v61;
	v56 =	vmul.f32 v13, v30  }
0x133: {  	v55 =	vld [tilespmem:s1+$0x7A0];
	v8 =	vadd.f32 v8, v9;
	v13 =	vmul.f32 v13, v36;
	v59 =	vmul.f32 v50, v39  }
0x134: {  	v54 =	vadd.f32 v57, v54;
	v57 =	vmul.f32 v18, v31;
	v52 =	vadd.f32 v58, v52  }
0x135: {  	v9 =	vld [tilespmem:s1+$0x5A0];
	v58 =	vmul.f32 v12, v0;
	v50 =	vmul.f32 v50, v25;
	v14 =	vadd.f32 v16, v14  }
0x136: {  	v12 =	vmul.f32 v12, v21;
	v49 =	vadd.f32 v56, v49;
	v56 =	vmul.f32 v11, v1  }
0x137: {  	v53 =	vld [tilespmem:s1+$0x130];
	v8 =	vadd.f32 v8, v61;
	v61 =	vmul.f32 v51, v34;
	v48 =	vadd.f32 v59, v48  }
0x138: {  	v51 =	vld [tilespmem:s1+$0x230];
	v59 =	vmul.f32 v15, v24;
	v54 =	vadd.f32 v57, v54;
	v57 =	vmul.f32 v55, v3  }
0x139: {  	v52 =	vadd.f32 v58, v52;
	v15 =	vmul.f32 v15, v20;
	v17 =	vadd.f32 v50, v17;
	v50 =	vld [tilespmem:s1+$0x330]  }
0x13a: {  	v12 =	vadd.f32 v12, v14;
	v14 =	vld [tilespmem:s1+$0x530];
	v49 =	vadd.f32 v56, v49;
	v56 =	vmul.f32 v9, v2  }
0x13b: {  	v48 =	vadd.f32 v59, v48;
	v54 =	vadd.f32 v57, v54;
	v57 =	vmul.f32 v18, v38;
	v18 =	vld [tilespmem:s1+$0x3B0]  }
0x13c: {  	v11 =	vmul.f32 v11, v26;
	v13 =	vadd.f32 v13, v61;
	v49 =	vadd.f32 v56, v49;
	v56 =	vld [tilespmem:s1+$0x30]  }
0x13d: {  	v58 =	vmul.f32 v55, v4;
	v15 =	vadd.f32 v15, v17;
	v48 =	vadd.f32 v52, v48;
	v52 =	vld [tilespmem:s1+$0xB0]  }
0x13e: {  	v55 =	vmul.f32 v53, v39;
	v9 =	vmul.f32 v9, v22;
	v11 =	vadd.f32 v11, v13;
	v13 =	vld [tilespmem:s1+$0x430]  }
0x13f: {  	v17 =	vld [tilespmem:s1+$0x4B0];
	v12 =	vadd.f32 v12, v15;
	v49 =	vadd.f32 v54, v49;
	v54 =	vmul.f32 v47, v44  }
0x140: {  	v9 =	vadd.f32 v9, v11;
	v1 =	vmul.f32 v14, v1;
	v14 =	vmul.f32 v14, v26;
	v47 =	vld [tilespmem:s1+$0x2B0]  }
0x141: {  	v11 =	vld [tilespmem:s1+$0x630];
	v0 =	vmul.f32 v18, v0;
	v18 =	vmul.f32 v18, v21;
	v10 =	vadd.f32 v54, v10  }
0x142: {  	v48 =	vadd.f32 v49, v48;
	v49 =	vld [tilespmem:s1+$0x1B0];
	v59 =	vmul.f32 v56, v45;
	v61 =	vmul.f32 v52, v46  }
0x143: {  	v15 =	vld [tilespmem:s1+$0x6B0];
	v46 =	vmul.f32 v13, v29;
	v13 =	vmul.f32 v13, v34;
	v10 =	vadd.f32 v57, v10  }
0x144: {  	v57 =	vmul.f32 v51, v42;
	v42 =	vmul.f32 v50, v32  }
0x145: {  	v54 =	vadd.f32 v61, v59;
	v10 =	vadd.f32 v58, v10;
	v58 =	vmul.f32 v47, v43  }
0x146: {  	v45 =	vld [tilespmem:s1+$0x730];
	v43 =	vadd.f32 v48, v62;
	v48 =	vmul.f32 v17, v30;
	v17 =	vmul.f32 v17, v36  }
0x147: {  	v16 =	vadd.f32 v55, v54;
	v59 =	vmul.f32 v49, v24;
	v54 =	vmul.f32 v11, v37  }
0x148: {  	v55 =	vmul.f32 v15, v41;
	v37 =	vmul.f32 v51, v27  }
0x149: {  	v32 =	vld [tilespmem:s1+$0x7B0];
	v11 =	vmul.f32 v11, v40;
	v15 =	vmul.f32 v15, v44;
	v9 =	vadd.f32 v10, v9  }
0x14a: {  	v41 =	vmul.f32 v50, v23;
	v39 =	vadd.f32 v58, v57;
	v19 =	vadd.f32 v48, v46  }
0x14b: {  	v57 =	vmul.f32 v45, v31;
	v58 =	vmul.f32 v56, v33;
	v13 =	vadd.f32 v17, v13  }
0x14c: {  	v44 =	vmul.f32 v45, v38;
	v45 =	vmin.f32 v6, v7;
	v56 =	vimm.s32 $0xE  }
0x14d: {  	v16 =	vadd.f32 v59, v16;
	v24 =	vadd.f32 v55, v54;
	v59 =	vmul.f32 v52, v35  }
0x14e: {  	v3 =	vmul.f32 v32, v3;
	v35 =	vmul.f32 v53, v25;
	v11 =	vadd.f32 v15, v11  }
0x14f: {  	v4 =	vmul.f32 v32, v4;
	v6 =	vsel vm6, v6, v45;
	v9 =	vadd.f32 v9, v12  }
0x150: {  	v15 =	vimm.s32 $0x5;
	v12 =	vadd.f32 v42, v39;
	v1 =	vadd.f32 v1, v19  }
0x151: {  	v39 =	vmul.f32 v47, v28;
	v42 =	vmul.f32 v49, v20;
	v13 =	vadd.f32 v14, v13  }
0x152: {  	v10 =	vld [tilespmem:s1+$0x5B0];
	v47 =	vmin.f32 v5, v8;
	v6 =	vsel vm7, v7, v6;
	v14 =	vimm.s32 $0x3  }
0x153: {  	v19 =	vimm.s32 $0x4;
	v31 =	vadd.f32 v57, v24;
	v33 =	vadd.f32 v59, v58  }
0x154: {  	v11 =	vadd.f32 v44, v11;
	v5 =	vsel vm2, v5, v47;
	v48 =	vmin.f32 v6, v43  }
0x155: {  	v54 =	vld [tilespmem:$0x1FFF0];
	v57 =	vimm.s32 $0xD;
	v0 =	vadd.f32 v0, v12;
	v12 =	vadd.f32 v39, v37  }
0x156: {  	v49 =	vadd.f32 v9, v62;
	v50 =	vsel vm3, v8, v5;
	v51 =	vsel vm5, v6, v48  }
0x157: {  	v2 =	vmul.f32 v10, v2;
	v3 =	vadd.f32 v3, v31;
	v4 =	vadd.f32 v4, v11  }
0x158: {  	v46 =	vld [tilespmem:$0xA00];
	v10 =	vmul.f32 v10, v22;
	v12 =	vadd.f32 v41, v12;
	v0 =	vadd.f32 v0, v16  }
0x159: {  	v55 =	vld [tilespmem:$0xA80];
	v6 =	vimm.s32 $0x2;
	v1 =	vadd.f32 v2, v1;
	v2 =	vadd.f32 v35, v33  }
0x15a: {  	v52 =	vmin.f32 v50, v49;
	vm0 =	vnez.u8 v54;
	v10 =	vadd.f32 v10, v13  }
0x15b: {  	v16 =	vimm.s32 $0x7;
	v12 =	vadd.f32 v18, v12;
	v2 =	vadd.f32 v42, v2  }
0x15c: {  	v49 =	vimm.s32 $0xA;
	v13 =	vimm.s32 $0x1;
	v1 =	vadd.f32 v3, v1  }
0x15d: {  	v4 =	vadd.f32 v4, v10;
	v3 =	vmul.f32 $-2.000000000e+00, v46;
	v2 =	vadd.f32 v12, v2  }
0x15e: {  	v10 =	vmul.f32 $-2.000000000e+00, v55;
	v55 =	vimm.s32 $0xF;
	v0 =	vadd.f32 v1, v0  }
0x15f: {  	v44 =	vperm.xlane v3, v13;
	v34 =	vperm.xlane v3, v6;
	v2 =	vadd.f32 v4, v2  }
0x160: {  	v36 =	vperm.xlane v3, v14;
	v33 =	vperm.xlane v3, v19;
	v0 =	vadd.f32 v0, v60  }
0x161: {  	v35 =	vperm.xlane v3, v15;
	v22 =	vperm.xlane v3, v16;
	v2 =	vadd.f32 v2, v60  }
0x162: {  	v27 =	vperm.xlane v3, v49;
	v4 =	vsel vm1, v50, v52;
	v0 =	vmin.f32 v51, v0  }
0x163: {  	v43 =	vperm.xlane v3, v57;
	v0 =	vsel vm4, v48, v0;
	v53 =	vmin.f32 v4, v2  }
0x164: {  	v39 =	vperm.xlane v3, v56;
	v28 =	vperm.xlane v3, v55;
	[tilespmem:$0xD00] =	vst v0;
	v1 =	vsel vm0, v52, v53  }
0x165: {  	v21 =	vimm.s32 $0x6;
	v30 =	vperm.xlane v10, v13;
	v20 =	vperm.xlane v10, v14;
	[tilespmem:$0xD80] =	vst v1  }
0x166: {  	v25 =	vperm.xlane v10, v15;
	v23 =	vperm.xlane v10, v21;
	v5 =	vld [tilespmem:s1+$0x0]  }
0x167: {  	v61 =	vmovc v62;
	v62 =	vmovc v60;
	v26 =	vperm.xlane v10, v49;
	v50 =	vimm.s32 $0xB;
	v60 =	vimm.s32 $0x8;
	v7 =	vld [tilespmem:s1+$0x80]  }
0x168: {  	v24 =	vperm.xlane v10, v50;
	v51 =	vimm.s32 $0xC;
	v37 =	vperm.xlane v3, v60;
	v8 =	vld [tilespmem:s1+$0x100]  }
0x169: {  	v48 =	vimm.s32 $0x9;
	v42 =	vperm.xlane v3, v51;
	v31 =	vperm.xlane v10, v60;
	v11 =	vld [tilespmem:s1+$0x200]  }
0x16a: {  	v40 =	vperm.xlane v10, v51;
	v38 =	vperm.xlane v3, v48;
	v12 =	vld [tilespmem:s1+$0x280]  }
0x16b: {  	v0 =	vperm.xlane v3, v50;
	v2 =	vperm.xlane v10, v6;
	v15 =	vld [tilespmem:s1+$0x400]  }
0x16c: {  	v4 =	vimm.s32 $0x0;
	v1 =	vperm.xlane v3, v21;
	v21 =	vperm.xlane v10, v16;
	v16 =	vld [tilespmem:s1+$0x480]  }
0x16d: {  	v32 =	vperm.xlane v10, v48;
	v41 =	vperm.xlane v3, v4;
	v17 =	vld [tilespmem:s1+$0x600]  }
0x16e: {  	v29 =	vperm.xlane v10, v4;
	v3 =	vperm.xlane v10, v19;
	v9 =	vld [tilespmem:s1+$0x180]  }
0x16f: {  	v13 =	vld [tilespmem:s1+$0x300];
	v52 =	vmul.f32 v5, v41;
	v53 =	vmul.f32 v7, v44  }
0x170: {  	v18 =	vld [tilespmem:s1+$0x680];
	v54 =	vmul.f32 v8, v34;
	v58 =	vmul.f32 v11, v33  }
0x171: {  	v19 =	vld [tilespmem:s1+$0x500];
	v59 =	vmul.f32 v12, v35;
	v6 =	vmul.f32 v15, v37  }
0x172: {  	v60 =	vmul.f32 v16, v38;
	v48 =	vmul.f32 v17, v42  }
0x173: {  	v45 =	vld [tilespmem:s1+$0x700];
	v7 =	vmul.f32 v7, v30;
	v8 =	vmul.f32 v8, v2  }
0x174: {  	v14 =	vld [tilespmem:s1+$0x380];
	v15 =	vmul.f32 v15, v31;
	v16 =	vmul.f32 v16, v32;
	v4 =	vadd.f32 v53, v52  }
0x175: {  	v46 =	vld [tilespmem:s1+$0x580];
	v47 =	vadd.f32 v59, v58;
	v58 =	vmul.f32 v18, v43;
	v59 =	vmul.f32 v13, v1  }
0x176: {  	v49 =	vld [tilespmem:s1+$0x780];
	v6 =	vadd.f32 v60, v6;
	v60 =	vmul.f32 v19, v27;
	v53 =	vmul.f32 v9, v36  }
0x177: {  	v9 =	vmul.f32 v9, v20;
	v13 =	vmul.f32 v13, v23;
	v15 =	vadd.f32 v16, v15  }
0x178: {  	v4 =	vadd.f32 v54, v4;
	v48 =	vadd.f32 v58, v48;
	v58 =	vmul.f32 v45, v39  }
0x179: {  	v47 =	vadd.f32 v59, v47;
	v59 =	vmul.f32 v14, v22;
	v50 =	vadd.f32 v60, v6  }
0x17a: {  	v60 =	vmul.f32 v46, v0;
	v6 =	vperm.xlane v10, v57;
	v48 =	vadd.f32 v58, v48  }
0x17b: {  	v58 =	vmul.f32 v49, v28;
	v47 =	vadd.f32 v59, v47;
	v59 =	vmul.f32 v5, v29  }
0x17c: {  	v51 =	vld [tilespmem:s1+$0x10];
	v53 =	vadd.f32 v53, v4;
	v4 =	vperm.xlane v10, v56;
	v50 =	vadd.f32 v60, v50  }
0x17d: {  	v52 =	vld [tilespmem:s1+$0x190];
	v5 =	vperm.xlane v10, v55;
	v48 =	vadd.f32 v58, v48;
	v57 =	vadd.f32 v7, v59  }
0x17e: {  	v60 =	vadd.f32 v47, v53;
	v58 =	vmul.f32 v11, v3;
	v59 =	vmul.f32 v12, v25;
	v12 =	vld [tilespmem:s1+$0x210]  }
0x17f: {  	v47 =	vld [tilespmem:s1+$0x290];
	v53 =	vmul.f32 v19, v26;
	v56 =	vadd.f32 v48, v50;
	v8 =	vadd.f32 v8, v57  }
0x180: {  	v54 =	vld [tilespmem:s1+$0x90];
	v10 =	vadd.f32 v59, v58;
	v50 =	vmul.f32 v18, v6;
	v57 =	vmul.f32 v14, v21  }
0x181: {  	v48 =	vld [tilespmem:s1+$0x110];
	v58 =	vadd.f32 v53, v15;
	v59 =	vmul.f32 v46, v24;
	v53 =	vmul.f32 v51, v41  }
0x182: {  	v7 =	vadd.f32 v56, v60;
	v60 =	vmul.f32 v17, v40;
	v56 =	vmul.f32 v45, v4;
	v17 =	vld [tilespmem:s1+$0x410]  }
0x183: {  	v10 =	vadd.f32 v13, v10;
	v45 =	vld [tilespmem:s1+$0x610];
	v14 =	vadd.f32 v59, v58;
	v58 =	vmul.f32 v12, v33  }
0x184: {  	v15 =	vld [tilespmem:s1+$0x490];
	v8 =	vadd.f32 v9, v8;
	v59 =	vmul.f32 v47, v35;
	v12 =	vmul.f32 v12, v3  }
0x185: {  	v13 =	vld [tilespmem:s1+$0x690];
	v55 =	vadd.f32 v50, v60;
	v60 =	vmul.f32 v49, v5;
	v10 =	vadd.f32 v57, v10  }
0x186: {  	v57 =	vmul.f32 v48, v34;
	v49 =	vadd.f32 v59, v58;
	v58 =	vmul.f32 v52, v36  }
0x187: {  	v18 =	vld [tilespmem:s1+$0x310];
	v59 =	vmul.f32 v51, v29;
	v9 =	vadd.f32 v56, v55;
	v55 =	vmul.f32 v54, v44  }
0x188: {  	v11 =	vld [tilespmem:s1+$0x510];
	v8 =	vadd.f32 v10, v8;
	v46 =	vmul.f32 v17, v37;
	v50 =	vmul.f32 v45, v42  }
0x189: {  	v10 =	vld [tilespmem:s1+$0x710];
	v17 =	vmul.f32 v17, v31;
	v45 =	vmul.f32 v45, v40;
	v9 =	vadd.f32 v60, v9  }
0x18a: {  	v56 =	vadd.f32 v55, v53;
	v55 =	vmul.f32 v15, v38;
	v60 =	vmul.f32 v13, v43  }
0x18b: {  	v19 =	vld [tilespmem:s1+$0x390];
	v15 =	vmul.f32 v15, v32;
	v13 =	vmul.f32 v13, v6;
	v9 =	vadd.f32 v9, v14  }
0x18c: {  	v53 =	vld [tilespmem:s1+$0x790];
	v16 =	vadd.f32 v57, v56;
	v57 =	vmul.f32 v18, v1;
	v46 =	vadd.f32 v55, v46  }
0x18d: {  	v55 =	vmul.f32 v11, v27;
	v50 =	vadd.f32 v60, v50;
	v15 =	vadd.f32 v15, v17  }
0x18e: {  	v14 =	vld [tilespmem:s1+$0x590];
	v11 =	vmul.f32 v11, v26;
	v13 =	vadd.f32 v13, v45;
	v60 =	vmul.f32 v10, v39  }
0x18f: {  	v10 =	vmul.f32 v10, v4;
	v49 =	vadd.f32 v57, v49;
	v46 =	vadd.f32 v55, v46  }
0x190: {  	v57 =	vmul.f32 v19, v22;
	v16 =	vadd.f32 v58, v16;
	v8 =	vadd.f32 v9, v8  }
0x191: {  	v11 =	vadd.f32 v11, v15;
	v50 =	vadd.f32 v60, v50;
	v60 =	vmul.f32 v53, v28  }
0x192: {  	v48 =	vmul.f32 v48, v2;
	v15 =	vld [tilespmem:s1+$0x4A0];
	v10 =	vadd.f32 v10, v13;
	v49 =	vadd.f32 v57, v49  }
0x193: {  	v57 =	vmul.f32 v47, v25;
	v47 =	vld [tilespmem:s1+$0x220];
	v55 =	vmul.f32 v14, v0;
	v50 =	vadd.f32 v60, v50  }
0x194: {  	v60 =	vmul.f32 v54, v30;
	v54 =	vld [tilespmem:s1+$0xA0];
	v14 =	vmul.f32 v14, v24;
	v16 =	vadd.f32 v49, v16  }
0x195: {  	v18 =	vmul.f32 v18, v23;
	v49 =	vld [tilespmem:s1+$0x120];
	v12 =	vadd.f32 v57, v12;
	v46 =	vadd.f32 v55, v46  }
0x196: {  	v55 =	vld [tilespmem:s1+$0x20];
	v9 =	vadd.f32 v60, v59;
	v59 =	vmul.f32 v53, v5;
	v11 =	vadd.f32 v14, v11  }
0x197: {  	v19 =	vmul.f32 v19, v21;
	v12 =	vadd.f32 v18, v12;
	v18 =	vld [tilespmem:s1+$0x420];
	v46 =	vadd.f32 v50, v46  }
0x198: {  	v58 =	vmul.f32 v52, v20;
	v9 =	vadd.f32 v48, v9;
	v48 =	vld [tilespmem:s1+$0x2A0];
	v10 =	vadd.f32 v59, v10  }
0x199: {  	v50 =	vld [tilespmem:s1+$0x1A0];
	v53 =	vmul.f32 v47, v33;
	v12 =	vadd.f32 v19, v12;
	v51 =	vmul.f32 v54, v44  }
0x19a: {  	v45 =	vld [tilespmem:s1+$0x520];
	v16 =	vadd.f32 v46, v16;
	v9 =	vadd.f32 v58, v9;
	v52 =	vmul.f32 v49, v34  }
0x19b: {  	v46 =	vld [tilespmem:s1+$0x320];
	v58 =	vmul.f32 v15, v38;
	v10 =	vadd.f32 v10, v11;
	v19 =	vmul.f32 v55, v41  }
0x19c: {  	v14 =	vld [tilespmem:s1+$0x620];
	v49 =	vmul.f32 v49, v2;
	v15 =	vmul.f32 v15, v32;
	v9 =	vadd.f32 v12, v9  }
0x19d: {  	v17 =	vld [tilespmem:s1+$0x3A0];
	v60 =	vmul.f32 v48, v35;
	v19 =	vadd.f32 v51, v19;
	v51 =	vmul.f32 v18, v37  }
0x19e: {  	v7 =	vadd.f32 v7, v63;
	v13 =	vld [tilespmem:s1+$0x6A0];
	v59 =	vmul.f32 v50, v36;
	v18 =	vmul.f32 v18, v31  }
0x19f: {  	v12 =	vld [tilespmem:s1+$0x5A0];
	v50 =	vmul.f32 v50, v20;
	v9 =	vadd.f32 v10, v9;
	v10 =	vmul.f32 v55, v29  }
0x1a0: {  	v55 =	vmul.f32 v47, v3;
	v11 =	vadd.f32 v60, v53;
	v60 =	vmul.f32 v46, v1  }
0x1a1: {  	v19 =	vadd.f32 v52, v19;
	v52 =	vmul.f32 v45, v27;
	v53 =	vmul.f32 v14, v42  }
0x1a2: {  	v57 =	vld [tilespmem:s1+$0x720];
	v51 =	vadd.f32 v58, v51;
	v14 =	vmul.f32 v14, v40;
	v46 =	vmul.f32 v46, v23  }
0x1a3: {  	v56 =	vld [tilespmem:s1+$0x7A0];
	v15 =	vadd.f32 v15, v18;
	v11 =	vadd.f32 v60, v11;
	v60 =	vmul.f32 v13, v43  }
0x1a4: {  	v47 =	vld [tilespmem:s1+$0x230];
	v51 =	vadd.f32 v52, v51;
	v52 =	vmul.f32 v17, v22;
	v58 =	vmul.f32 v12, v0  }
0x1a5: {  	v18 =	vld [tilespmem:s1+$0x3B0];
	v19 =	vadd.f32 v59, v19;
	v59 =	vmul.f32 v54, v30;
	v13 =	vmul.f32 v13, v6  }
0x1a6: {  	v17 =	vmul.f32 v17, v21;
	v12 =	vmul.f32 v12, v24;
	v54 =	vld [tilespmem:s1+$0x730];
	v53 =	vadd.f32 v60, v53  }
0x1a7: {  	v60 =	vmul.f32 v57, v39;
	v11 =	vadd.f32 v52, v11;
	v51 =	vadd.f32 v58, v51;
	v58 =	vld [tilespmem:$0x1FEE0]  }
0x1a8: {  	v10 =	vadd.f32 v59, v10;
	v59 =	vmul.f32 v48, v25;
	v48 =	vld [tilespmem:s1+$0x130];
	v13 =	vadd.f32 v13, v14  }
0x1a9: {  	v14 =	vld [tilespmem:s1+$0x630];
	v33 =	vmul.f32 v47, v33;
	v52 =	vadd.f32 v60, v53;
	v11 =	vadd.f32 v11, v19  }
0x1aa: {  	v60 =	vmul.f32 v56, v28;
	v10 =	vadd.f32 v49, v10;
	v49 =	vld [tilespmem:s1+$0x1B0];
	v19 =	vadd.f32 v59, v55  }
0x1ab: {  	v8 =	vadd.f32 v8, v63;
	v3 =	vmul.f32 v47, v3;
	v59 =	vmul.f32 v57, v4;
	v53 =	vld [tilespmem:s1+$0x330]  }
0x1ac: {  	v22 =	vmul.f32 v18, v22;
	v55 =	vld [tilespmem:s1+$0x5B0];
	v52 =	vadd.f32 v60, v52;
	v19 =	vadd.f32 v46, v19  }
0x1ad: {  	v4 =	vmul.f32 v54, v4;
	v13 =	vadd.f32 v59, v13;
	v10 =	vadd.f32 v50, v10  }
0x1ae: {  	v46 =	vld [tilespmem:s1+$0x430];
	v16 =	vadd.f32 v16, v58;
	v9 =	vadd.f32 v9, v58;
	v34 =	vmul.f32 v48, v34  }
0x1af: {  	v57 =	vmul.f32 v14, v42;
	v2 =	vmul.f32 v48, v2;
	v60 =	vadd.f32 v52, v51;
	v51 =	vld [tilespmem:s1+$0x30]  }
0x1b0: {  	v14 =	vmul.f32 v14, v40;
	v52 =	vld [tilespmem:s1+$0xB0];
	v17 =	vadd.f32 v17, v19;
	v36 =	vmul.f32 v49, v36  }
0x1b1: {  	v19 =	vld [tilespmem:s1+$0x4B0];
	v50 =	vmin.f32 v7, v16;
	v1 =	vmul.f32 v53, v1;
	v0 =	vmul.f32 v55, v0  }
0x1b2: {  	v20 =	vmul.f32 v49, v20;
	v11 =	vadd.f32 v60, v11;
	v60 =	vmul.f32 v45, v26  }
0x1b3: {  	v48 =	vmin.f32 v8, v9;
	v45 =	vld [tilespmem:s1+$0x2B0];
	v10 =	vadd.f32 v17, v10;
	v37 =	vmul.f32 v46, v37  }
0x1b4: {  	v42 =	vmul.f32 v46, v31;
	v15 =	vadd.f32 v60, v15;
	v60 =	vmul.f32 v56, v5  }
0x1b5: {  	v11 =	vadd.f32 v11, v61;
	v41 =	vmul.f32 v51, v41;
	v44 =	vmul.f32 v52, v44  }
0x1b6: {  	v56 =	vld [tilespmem:s1+$0x7B0];
	v38 =	vmul.f32 v19, v38;
	v19 =	vmul.f32 v19, v32;
	v12 =	vadd.f32 v12, v15  }
0x1b7: {  	v13 =	vadd.f32 v60, v13;
	v60 =	vmul.f32 v54, v39;
	v41 =	vadd.f32 v44, v41  }
0x1b8: {  	v15 =	vld [tilespmem:s1+$0x6B0];
	v35 =	vmul.f32 v45, v35;
	v37 =	vadd.f32 v38, v37;
	v38 =	vmul.f32 v52, v30  }
0x1b9: {  	v39 =	vld [tilespmem:$0x1FFC0];
	v25 =	vmul.f32 v45, v25;
	v19 =	vadd.f32 v19, v42;
	v45 =	vmul.f32 v18, v21  }
0x1ba: {  	v46 =	vld [tilespmem:$0x1FFE0];
	v18 =	vimm.s32 $0x4;
	v12 =	vadd.f32 v13, v12;
	v34 =	vadd.f32 v34, v41  }
0x1bb: {  	v13 =	vld [tilespmem:s1+$0x530];
	v33 =	vadd.f32 v35, v33;
	v28 =	vmul.f32 v56, v28;
	v3 =	vadd.f32 v25, v3  }
0x1bc: {  	v5 =	vmul.f32 v56, v5;
	v10 =	vadd.f32 v12, v10;
	v12 =	vmul.f32 v55, v24  }
0x1bd: {  	v59 =	vmul.f32 v15, v43;
	v34 =	vadd.f32 v36, v34;
	v1 =	vadd.f32 v1, v33  }
0x1be: {  	vm0 =	vnez.u8 v39;
	v6 =	vmul.f32 v15, v6;
	v43 =	vmul.f32 v53, v23  }
0x1bf: {  	v7 =	vsel vm0, v7, v50;
	vm0 =	vnez.u8 v46;
	v50 =	vadd.f32 v10, v61  }
0x1c0: {  	v49 =	vld [tilespmem:$0x1FFB0];
	v10 =	vimm.s32 $0x2;
	v27 =	vmul.f32 v13, v27;
	v35 =	vadd.f32 v59, v57  }
0x1c1: {  	v1 =	vadd.f32 v22, v1;
	v13 =	vmul.f32 v13, v26;
	v6 =	vadd.f32 v6, v14  }
0x1c2: {  	v3 =	vadd.f32 v43, v3;
	v14 =	vimm.s32 $0x7;
	v27 =	vadd.f32 v27, v37  }
0x1c3: {  	v36 =	vadd.f32 v60, v35;
	v37 =	vmul.f32 v51, v29;
	v1 =	vadd.f32 v1, v34  }
0x1c4: {  	v13 =	vadd.f32 v13, v19;
	v4 =	vadd.f32 v4, v6;
	v6 =	vsel vm0, v16, v7  }
0x1c5: {  	v3 =	vadd.f32 v45, v3;
	vm0 =	vnez.u8 v49;
	v51 =	vld [tilespmem:$0x1FFD0];
	v19 =	vimm.s32 $0x6  }
0x1c6: {  	v60 =	vimm.s32 $0x8;
	v53 =	vmin.f32 v6, v11;
	v0 =	vadd.f32 v0, v27  }
0x1c7: {  	v54 =	vld [tilespmem:$0x1FFA0];
	v11 =	vimm.s32 $0x1;
	v41 =	vadd.f32 v28, v36;
	v22 =	vadd.f32 v38, v37  }
0x1c8: {  	v47 =	vld [tilespmem:$0xB00];
	v12 =	vadd.f32 v12, v13;
	v4 =	vadd.f32 v5, v4;
	v5 =	vsel vm0, v8, v48  }
0x1c9: {  	v55 =	vld [tilespmem:$0x1FF90];
	v48 =	vimm.s32 $0x9;
	v0 =	vadd.f32 v41, v0;
	v2 =	vadd.f32 v2, v22  }
0x1ca: {  	v52 =	vadd.f32 v4, v12;
	v12 =	vimm.s32 $0x3;
	vm0 =	vnez.u8 v51  }
0x1cb: {  	v56 =	vld [tilespmem:$0x1FF80];
	v51 =	vimm.s32 $0xC;
	v2 =	vadd.f32 v20, v2;
	v0 =	vadd.f32 v0, v1  }
0x1cc: {  	v1 =	vsel vm0, v9, v5;
	vm0 =	vnez.u8 v54;
	v9 =	vimm.s32 $0x0  }
0x1cd: {  	v5 =	vmin.f32 v1, v50;
	v2 =	vadd.f32 v3, v2;
	v3 =	vmul.f32 $-2.000000000e+00, v47  }
0x1ce: {  	v6 =	vsel vm0, v6, v53;
	vm0 =	vnez.u8 v55;
	v50 =	vimm.s32 $0xB  }
0x1cf: {  	v0 =	vadd.f32 v0, v62;
	v1 =	vsel vm0, v1, v5;
	v45 =	vperm.xlane v3, v9  }
0x1d0: {  	v59 =	vld [tilespmem:$0x1FF70];
	vm0 =	vnez.u8 v56;
	v46 =	vperm.xlane v3, v11;
	v39 =	vperm.xlane v3, v10  }
0x1d1: {  	v57 =	vld [tilespmem:$0xB80];
	v2 =	vadd.f32 v52, v2;
	v26 =	vperm.xlane v3, v12;
	v40 =	vperm.xlane v3, v18  }
0x1d2: {  	v0 =	vmin.f32 v6, v0;
	v29 =	vperm.xlane v3, v19;
	v22 =	vperm.xlane v3, v14  }
0x1d3: {  	v30 =	vperm.xlane v3, v60;
	v31 =	vperm.xlane v3, v48;
	v2 =	vadd.f32 v2, v62  }
0x1d4: {  	v23 =	vperm.xlane v3, v50;
	v36 =	vperm.xlane v3, v51;
	v52 =	vimm.s32 $0xD  }
0x1d5: {  	v0 =	vsel vm0, v53, v0;
	vm0 =	vnez.u8 v59;
	v1 =	vmin.f32 v1, v2  }
0x1d6: {  	v6 =	vmul.f32 $-2.000000000e+00, v57;
	v53 =	vimm.s32 $0xE;
	[tilespmem:$0xE00] =	vst v0;
	v1 =	vsel vm0, v5, v1  }
0x1d7: {  	v38 =	vperm.xlane v3, v52;
	v32 =	vperm.xlane v3, v53;
	[tilespmem:$0xE80] =	vst v1  }
0x1d8: {  	v44 =	vperm.xlane v6, v9;
	v37 =	vperm.xlane v6, v11;
	v4 =	vld [tilespmem:s1+$0x0]  }
0x1d9: {  	v49 =	vimm.s32 $0xA;
	v20 =	vperm.xlane v6, v12;
	v27 =	vperm.xlane v6, v18;
	v5 =	vld [tilespmem:s1+$0x80]  }
0x1da: {  	v56 =	vimm.s32 $0xF;
	v21 =	vperm.xlane v6, v14;
	v34 =	vperm.xlane v6, v60;
	v7 =	vld [tilespmem:s1+$0x100]  }
0x1db: {  	v0 =	vimm.s32 $0x5;
	v35 =	vperm.xlane v6, v48;
	v25 =	vperm.xlane v6, v49;
	v8 =	vld [tilespmem:s1+$0x180]  }
0x1dc: {  	v43 =	vperm.xlane v3, v0;
	v2 =	vperm.xlane v3, v56;
	v9 =	vld [tilespmem:s1+$0x200]  }
0x1dd: {  	v1 =	vperm.xlane v3, v49;
	v3 =	vperm.xlane v6, v10;
	v10 =	vld [tilespmem:s1+$0x280]  }
0x1de: {  	v24 =	vperm.xlane v6, v50;
	v41 =	vperm.xlane v6, v51;
	v11 =	vld [tilespmem:s1+$0x300]  }
0x1df: {  	v42 =	vperm.xlane v6, v52;
	v33 =	vperm.xlane v6, v53;
	v13 =	vld [tilespmem:s1+$0x400]  }
0x1e0: {  	v28 =	vperm.xlane v6, v0;
	v0 =	vperm.xlane v6, v19;
	v12 =	vld [tilespmem:s1+$0x380]  }
0x1e1: {  	v55 =	vmul.f32 v4, v45;
	v57 =	vmul.f32 v5, v46  }
0x1e2: {  	v14 =	vld [tilespmem:s1+$0x480];
	v47 =	vmul.f32 v7, v39;
	v59 =	vmul.f32 v9, v40  }
0x1e3: {  	v15 =	vld [tilespmem:s1+$0x600];
	v60 =	vmul.f32 v10, v43;
	v19 =	vmul.f32 v8, v26  }
0x1e4: {  	v16 =	vld [tilespmem:s1+$0x680];
	v52 =	vmul.f32 v11, v29;
	v50 =	vmul.f32 v13, v30  }
0x1e5: {  	v54 =	vmul.f32 v12, v22;
	v5 =	vmul.f32 v5, v37  }
0x1e6: {  	v18 =	vld [tilespmem:s1+$0x500];
	v7 =	vmul.f32 v7, v3;
	v8 =	vmul.f32 v8, v20  }
0x1e7: {  	v48 =	vld [tilespmem:s1+$0x700];
	v9 =	vmul.f32 v9, v27;
	v10 =	vmul.f32 v10, v28  }
0x1e8: {  	v51 =	vld [tilespmem:s1+$0x580];
	v17 =	vadd.f32 v57, v55;
	v49 =	vadd.f32 v60, v59;
	v57 =	vmul.f32 v14, v31  }
0x1e9: {  	v53 =	vld [tilespmem:s1+$0x780];
	v59 =	vmul.f32 v15, v36;
	v60 =	vmul.f32 v16, v38;
	v9 =	vadd.f32 v10, v9  }
0x1ea: {  	v11 =	vmul.f32 v11, v0;
	v17 =	vadd.f32 v47, v17;
	v49 =	vadd.f32 v52, v49  }
0x1eb: {  	v50 =	vadd.f32 v57, v50;
	v57 =	vmul.f32 v18, v1;
	v47 =	vadd.f32 v60, v59  }
0x1ec: {  	v59 =	vmul.f32 v48, v32;
	v9 =	vadd.f32 v11, v9;
	v17 =	vadd.f32 v19, v17  }
0x1ed: {  	v60 =	vadd.f32 v57, v50;
	v57 =	vmul.f32 v51, v23;
	v49 =	vadd.f32 v54, v49  }
0x1ee: {  	v47 =	vadd.f32 v59, v47;
	v59 =	vmul.f32 v53, v2;
	v50 =	vmul.f32 v18, v25  }
0x1ef: {  	v10 =	vld [tilespmem:s1+$0x610];
	v19 =	vadd.f32 v57, v60;
	v60 =	vmul.f32 v4, v44;
	v4 =	vperm.xlane v6, v56  }
0x1f0: {  	v54 =	vld [tilespmem:s1+$0x10];
	v55 =	vadd.f32 v59, v47;
	v17 =	vadd.f32 v49, v17;
	v56 =	vmul.f32 v13, v34  }
0x1f1: {  	v47 =	vld [tilespmem:s1+$0x90];
	v57 =	vmul.f32 v14, v35;
	v59 =	vmul.f32 v15, v41;
	v5 =	vadd.f32 v5, v60  }
0x1f2: {  	v49 =	vld [tilespmem:s1+$0x110];
	v6 =	vadd.f32 v55, v19;
	v60 =	vmul.f32 v16, v42;
	v55 =	vmul.f32 v48, v33  }
0x1f3: {  	v14 =	vld [tilespmem:s1+$0x210];
	v5 =	vadd.f32 v7, v5;
	v7 =	vadd.f32 v57, v56;
	v56 =	vmul.f32 v12, v21  }
0x1f4: {  	v16 =	vld [tilespmem:s1+$0x290];
	v52 =	vadd.f32 v60, v59;
	v57 =	vmul.f32 v51, v24;
	v59 =	vmul.f32 v53, v4  }
0x1f5: {  	v60 =	vmul.f32 v54, v45;
	v51 =	vmul.f32 v10, v36;
	v5 =	vadd.f32 v8, v5  }
0x1f6: {  	v12 =	vld [tilespmem:s1+$0x410];
	v10 =	vmul.f32 v10, v41;
	v7 =	vadd.f32 v50, v7;
	v8 =	vadd.f32 v55, v52  }
0x1f7: {  	v18 =	vld [tilespmem:s1+$0x310];
	v9 =	vadd.f32 v56, v9;
	v55 =	vmul.f32 v47, v46;
	v47 =	vmul.f32 v47, v37  }
0x1f8: {  	v19 =	vld [tilespmem:s1+$0x190];
	v7 =	vadd.f32 v57, v7;
	v8 =	vadd.f32 v59, v8;
	v57 =	vmul.f32 v49, v39  }
0x1f9: {  	v48 =	vld [tilespmem:s1+$0x490];
	v56 =	vadd.f32 v55, v60;
	v59 =	vmul.f32 v14, v40;
	v60 =	vmul.f32 v16, v43  }
0x1fa: {  	v6 =	vadd.f32 v6, v17;
	v49 =	vmul.f32 v49, v3;
	v14 =	vmul.f32 v14, v27  }
0x1fb: {  	v11 =	vld [tilespmem:s1+$0x510];
	v5 =	vadd.f32 v9, v5;
	v16 =	vmul.f32 v16, v28;
	v50 =	vmul.f32 v12, v30  }
0x1fc: {  	v15 =	vld [tilespmem:s1+$0x390];
	v12 =	vmul.f32 v12, v34;
	v7 =	vadd.f32 v8, v7;
	v13 =	vadd.f32 v57, v56  }
0x1fd: {  	v17 =	vld [tilespmem:s1+$0x710];
	v56 =	vmul.f32 v19, v26;
	v57 =	vadd.f32 v60, v59;
	v59 =	vmul.f32 v18, v29  }
0x1fe: {  	v9 =	vld [tilespmem:s1+$0x690];
	v60 =	vmul.f32 v48, v31;
	v48 =	vmul.f32 v48, v35  }
0x1ff: {  	v14 =	vadd.f32 v16, v14;
	v18 =	vmul.f32 v18, v0;
	v5 =	vadd.f32 v7, v5  }
0x200: {  	v19 =	vmul.f32 v19, v20;
	v13 =	vadd.f32 v56, v13;
	v7 =	vadd.f32 v59, v57  }
0x201: {  	v8 =	vld [tilespmem:s1+$0x590];
	v56 =	vmul.f32 v15, v22;
	v50 =	vadd.f32 v60, v50;
	v60 =	vmul.f32 v11, v1  }
0x202: {  	v59 =	vmul.f32 v17, v32;
	v12 =	vadd.f32 v48, v12;
	v11 =	vmul.f32 v11, v25  }
0x203: {  	v14 =	vadd.f32 v18, v14;
	v15 =	vmul.f32 v15, v21;
	v55 =	vmul.f32 v9, v38  }
0x204: {  	v52 =	vld [tilespmem:s1+$0x790];
	v9 =	vmul.f32 v9, v42;
	v50 =	vadd.f32 v60, v50;
	v7 =	vadd.f32 v56, v7  }
0x205: {  	v18 =	vld [tilespmem:s1+$0x2A0];
	v60 =	vmul.f32 v54, v44;
	v11 =	vadd.f32 v11, v12;
	v14 =	vadd.f32 v15, v14  }
0x206: {  	v16 =	vld [tilespmem:s1+$0xA0];
	v5 =	vadd.f32 v5, v63;
	v57 =	vmul.f32 v8, v23;
	v51 =	vadd.f32 v55, v51  }
0x207: {  	v12 =	vld [tilespmem:s1+$0x220];
	v9 =	vadd.f32 v9, v10;
	v8 =	vmul.f32 v8, v24;
	v47 =	vadd.f32 v47, v60  }
0x208: {  	v60 =	vmul.f32 v17, v33;
	v53 =	vadd.f32 v7, v13;
	v7 =	vadd.f32 v6, v63  }
0x209: {  	v48 =	vld [tilespmem:s1+$0x120];
	v51 =	vadd.f32 v59, v51;
	v59 =	vmul.f32 v52, v2;
	v50 =	vadd.f32 v57, v50  }
0x20a: {  	v15 =	vld [tilespmem:s1+$0x320];
	v52 =	vmul.f32 v52, v4;
	v8 =	vadd.f32 v8, v11;
	v63 =	vmul.f32 v18, v43  }
0x20b: {  	v17 =	vld [tilespmem:s1+$0x1A0];
	v18 =	vmul.f32 v18, v28;
	v47 =	vadd.f32 v49, v47;
	v9 =	vadd.f32 v60, v9  }
0x20c: {  	v49 =	vld [tilespmem:s1+$0x20];
	v51 =	vadd.f32 v59, v51;
	v59 =	vmul.f32 v16, v46;
	v60 =	vmul.f32 v12, v40  }
0x20d: {  	v16 =	vmul.f32 v16, v37;
	v19 =	vadd.f32 v19, v47;
	v9 =	vadd.f32 v52, v9;
	v47 =	vld [tilespmem:s1+$0x420]  }
0x20e: {  	v10 =	vld [tilespmem:s1+$0x3A0];
	v12 =	vmul.f32 v12, v27;
	v52 =	vmul.f32 v48, v39;
	v54 =	vadd.f32 v51, v50  }
0x20f: {  	v11 =	vld [tilespmem:s1+$0x620];
	v48 =	vmul.f32 v48, v3;
	v14 =	vadd.f32 v14, v19;
	v8 =	vadd.f32 v9, v8  }
0x210: {  	v50 =	vld [tilespmem:s1+$0x520];
	v51 =	vmul.f32 v17, v26;
	v17 =	vmul.f32 v17, v20;
	v12 =	vadd.f32 v18, v12  }
0x211: {  	v18 =	vld [tilespmem:s1+$0x230];
	v55 =	vadd.f32 v54, v53;
	v57 =	vmul.f32 v49, v45;
	v56 =	vadd.f32 v8, v14  }
0x212: {  	v9 =	vld [tilespmem:s1+$0x4A0];
	v53 =	vadd.f32 v63, v60;
	v49 =	vmul.f32 v49, v44;
	v54 =	vmul.f32 v47, v30  }
0x213: {  	v47 =	vmul.f32 v47, v34;
	v6 =	vadd.f32 v56, v58;
	v56 =	vmul.f32 v15, v29  }
0x214: {  	v14 =	vld [tilespmem:s1+$0x6A0];
	v8 =	vadd.f32 v55, v58;
	v58 =	vmul.f32 v10, v22;
	v15 =	vmul.f32 v15, v0  }
0x215: {  	v19 =	vadd.f32 v59, v57;
	v59 =	vmul.f32 v50, v25;
	v10 =	vmul.f32 v10, v21  }
0x216: {  	v13 =	vld [tilespmem:s1+$0x720];
	v16 =	vadd.f32 v16, v49;
	v40 =	vmul.f32 v18, v40;
	v18 =	vmul.f32 v18, v27  }
0x217: {  	v49 =	vld [tilespmem:s1+$0xB0];
	v60 =	vmul.f32 v9, v31;
	v19 =	vadd.f32 v52, v19;
	v52 =	vmul.f32 v11, v36  }
0x218: {  	v55 =	vld [tilespmem:s1+$0x5A0];
	v16 =	vadd.f32 v48, v16;
	v9 =	vmul.f32 v9, v35;
	v11 =	vmul.f32 v11, v41  }
0x219: {  	v57 =	vld [tilespmem:s1+$0x7A0];
	v53 =	vadd.f32 v56, v53;
	v12 =	vadd.f32 v15, v12;
	v63 =	vmul.f32 v14, v38  }
0x21a: {  	v48 =	vld [tilespmem:s1+$0x1B0];
	v54 =	vadd.f32 v60, v54;
	v60 =	vmul.f32 v50, v1;
	v19 =	vadd.f32 v51, v19  }
0x21b: {  	v15 =	vld [tilespmem:s1+$0x3B0];
	v14 =	vmul.f32 v14, v42;
	v9 =	vadd.f32 v9, v47;
	v16 =	vadd.f32 v17, v16  }
0x21c: {  	v50 =	vld [tilespmem:s1+$0x2B0];
	v53 =	vadd.f32 v58, v53;
	v10 =	vadd.f32 v10, v12;
	v46 =	vmul.f32 v49, v46  }
0x21d: {  	v47 =	vld [tilespmem:s1+$0x430];
	v52 =	vadd.f32 v63, v52;
	v63 =	vmul.f32 v13, v32;
	v51 =	vadd.f32 v60, v54  }
0x21e: {  	v12 =	vld [tilespmem:s1+$0x4B0];
	v60 =	vmul.f32 v55, v23;
	v11 =	vadd.f32 v14, v11;
	v13 =	vmul.f32 v13, v33  }
0x21f: {  	v17 =	vld [tilespmem:s1+$0x6B0];
	v9 =	vadd.f32 v59, v9;
	v26 =	vmul.f32 v48, v26;
	v52 =	vadd.f32 v63, v52  }
0x220: {  	v58 =	vld [tilespmem:s1+$0x7B0];
	v63 =	vmul.f32 v57, v2;
	v51 =	vadd.f32 v60, v51;
	v60 =	vmul.f32 v55, v24  }
0x221: {  	v14 =	vld [tilespmem:s1+$0x330];
	v19 =	vadd.f32 v53, v19;
	v22 =	vmul.f32 v15, v22;
	v15 =	vmul.f32 v15, v21  }
0x222: {  	v54 =	vld [tilespmem:s1+$0x530];
	v11 =	vadd.f32 v13, v11;
	v43 =	vmul.f32 v50, v43;
	v30 =	vmul.f32 v47, v30  }
0x223: {  	v53 =	vld [tilespmem:s1+$0x30];
	v52 =	vadd.f32 v63, v52;
	v63 =	vmul.f32 v57, v4;
	v31 =	vmul.f32 v12, v31  }
0x224: {  	v13 =	vld [tilespmem:s1+$0x630];
	v9 =	vadd.f32 v60, v9;
	v60 =	vmul.f32 v17, v38;
	v38 =	vmul.f32 v49, v37  }
0x225: {  	v2 =	vmul.f32 v58, v2;
	v12 =	vmul.f32 v12, v35  }
0x226: {  	v10 =	vadd.f32 v10, v16;
	v55 =	vld [tilespmem:s1+$0x730];
	v17 =	vmul.f32 v17, v42;
	v29 =	vmul.f32 v14, v29  }
0x227: {  	v56 =	vadd.f32 v43, v40;
	v1 =	vmul.f32 v54, v1;
	v0 =	vmul.f32 v14, v0  }
0x228: {  	v57 =	vld [tilespmem:s1+$0x5B0];
	v51 =	vadd.f32 v52, v51;
	v45 =	vmul.f32 v53, v45;
	v11 =	vadd.f32 v63, v11  }
0x229: {  	v52 =	vld [tilespmem:s1+$0x130];
	v30 =	vadd.f32 v31, v30;
	v63 =	vmul.f32 v53, v44;
	v59 =	vmul.f32 v13, v36  }
0x22a: {  	v13 =	vmul.f32 v13, v41;
	v46 =	vadd.f32 v46, v45;
	v9 =	vadd.f32 v11, v9  }
0x22b: {  	v32 =	vmul.f32 v55, v32;
	v19 =	vadd.f32 v51, v19;
	v1 =	vadd.f32 v1, v30  }
0x22c: {  	v44 =	vadd.f32 v38, v63;
	v45 =	vmul.f32 v50, v28;
	v13 =	vadd.f32 v17, v13  }
0x22d: {  	v23 =	vmul.f32 v57, v23;
	v9 =	vadd.f32 v9, v10;
	v10 =	vadd.f32 v29, v56  }
0x22e: {  	v29 =	vadd.f32 v60, v59;
	v18 =	vadd.f32 v45, v18;
	v39 =	vmul.f32 v52, v39  }
0x22f: {  	v1 =	vadd.f32 v23, v1;
	v3 =	vmul.f32 v52, v3;
	v10 =	vadd.f32 v22, v10  }
0x230: {  	v43 =	vadd.f32 v32, v29;
	v16 =	vadd.f32 v39, v46;
	v46 =	vmul.f32 v47, v34  }
0x231: {  	v11 =	vmul.f32 v54, v25;
	v0 =	vadd.f32 v0, v18;
	v3 =	vadd.f32 v3, v44  }
0x232: {  	v47 =	vmul.f32 v48, v20;
	v48 =	vmul.f32 v55, v33;
	v12 =	vadd.f32 v12, v46  }
0x233: {  	v4 =	vmul.f32 v58, v4;
	v2 =	vadd.f32 v2, v43;
	v0 =	vadd.f32 v15, v0  }
0x234: {  	v49 =	vmul.f32 v57, v24;
	v13 =	vadd.f32 v48, v13;
	v11 =	vadd.f32 v11, v12  }
0x235: {  	v51 =	vld [tilespmem:$0x1FF40];
	v16 =	vadd.f32 v26, v16;
	v3 =	vadd.f32 v47, v3  }
0x236: {  	v4 =	vadd.f32 v4, v13;
	v11 =	vadd.f32 v49, v11  }
0x237: {  	v52 =	vld [tilespmem:$0x1FF60];
	v1 =	vadd.f32 v2, v1;
	v10 =	vadd.f32 v10, v16  }
0x238: {  	v56 =	vld [tilespmem:$0x1FF30];
	v0 =	vadd.f32 v0, v3;
	v53 =	vadd.f32 v4, v11  }
0x239: {  	v58 =	vld [tilespmem:$0x1FF50];
	v50 =	vmin.f32 v7, v8  }
0x23a: {  	v60 =	vld [tilespmem:$0x1FF20];
	vm0 =	vnez.u8 v51;
	v1 =	vadd.f32 v1, v10;
	v0 =	vadd.f32 v53, v0  }
0x23b: {  	v57 =	vadd.f32 v9, v61;
	v55 =	vadd.f32 v19, v61;
	v61 =	vld [tilespmem:$0x1FF10];
	v7 =	vsel vm0, v7, v50  }
0x23c: {  	vm0 =	vnez.u8 v52;
	v1 =	vadd.f32 v1, v62;
	v0 =	vadd.f32 v0, v62;
	v62 =	vld [tilespmem:$0x1FF00]  }
0x23d: {  	v54 =	vmin.f32 v5, v6;
	v63 =	vld [tilespmem:$0x1FEF0];
	v2 =	vsel vm0, v8, v7;
	vm0 =	vnez.u8 v56  }
0x23e: {  	v4 =	vsel vm0, v5, v54;
	vm0 =	vnez.u8 v58  }
0x23f: {  	v59 =	vmin.f32 v2, v55;
	v3 =	vsel vm0, v6, v4;
	vm0 =	vnez.u8 v60  }
0x240: {  	v2 =	vsel vm0, v2, v59;
	v5 =	vmin.f32 v3, v57;
	vm0 =	vnez.u8 v61  }
0x241: {  	v1 =	vmin.f32 v2, v1;
	v2 =	vsel vm0, v3, v5;
	vm0 =	vnez.u8 v62  }
0x242: {  	v0 =	vmin.f32 v2, v0;
	v1 =	vsel vm0, v59, v1;
	vm0 =	vnez.u8 v63  }
0x243: {  	p0 =	sne.s32 s8, $0x1;
	v0 =	vsel vm0, v5, v0;
	[tilespmem:$0xF00] =	vst v1  }
.Ltmp0:
0x244: {  	[tilespmem:$0xF80] =	vst v0;
	(pc) =	sbr.rel @p0 .LBB2_1-.Ltmp0, $4  }
0x245: {  	[hbm4b:s7+s3] =	stream.linear.scatter [tilespmem:s10], [sflag:$0x1], $0x400, $0x38;
	[tilespmem:$0x1000] =	vst v63  }
0x246: {  	_ =	swait.ge [sflag:s5], $0x400  }
0x247: {  	[sflag:s5] =	ssyncset.done $0x0  }
0x248: {  	s8 =	sadd.s32 $0xFFFFFFFF, s8;
	[sflag:s5] =	ssyncadd.s32 $0xFFFFFC00  }
0x249: {  	_ =	sfence.sel $0x180000  }
0x24a: {  	[bflag:$0x0] =	sbarrier.arrive $0xFFFF  }
0x24b: {  	p0 =	sne.s32 s0, $0x0;
	_ =	strace $0x90000047  }
0x24c: {  	s0 =	sadd.s32 @!p0 $0x100000, s2;
	[bflag:$0x2] =	sbarrier.arrive $0xFFFF  }
0x24d: {  	[sflag:s0] =	ssyncadd.tile.s32 @!p0 $0x1;
	_ =	shalt  }
.Lfunc_end2:
_tile_overlayer_lowered:
.L_overlay_start_2:
0x24e: {  	(tag) =	ssettag $0x2  }
0x24f: {  	s0 =	rddreg [dreg:$0x0];
	s2 =	stileid.u32  }
0x250: {  	s1 =	rddreg [dreg:$0x1];
	p0 =	sne.s32 s2, $0x0  }
0x251: {  	s3 =	rddreg [dreg:$0x2];
	[bflag:$0x3] =	sbarrier.arrive $0xFFFF;
	s2 =	simm.s32 @!p0 $0x1C01  }
0x252: {  	[timem:s3], [sflag:s2] =	dma.local @!p0 [hbm:s0], s1  }
0x253: {  	s0 =	simm.s32 @!p0 $0x1  }
0x254: {  	_ =	swait.ge @!p0 [sflag:s0], s1  }
0x255: {  	s1 =	ssub.s32 @!p0 $0x0, s1;
	[sflag:s0] =	ssyncset.done @!p0 $0x0  }
0x256: {  	[sflag:s0] =	ssyncadd.s32 @!p0 s1  }
0x257: {  	[bflag:$0x3] =	sbarrier.arrive $0xFFFF  }
0x258: {  	_ =	shalt  }

</sc_bundles>
